<compile_context>
chip_gen: v7x
topology: tpu7x:2x2x1
jax: 0.10.2.dev20260603
libtpu: 0.0.44.dev20260713+nightly
codegen_flags: <defaults>
</compile_context>

<pallas_src>
import functools

import jax
import jax.numpy as jnp
from jax import lax
from jax.experimental import pallas as pl
from jax.experimental.pallas import tpu as pltpu
from jax.experimental.pallas import tpu_sc as plsc

K_NB = 128
D = 64
N_KEYS = 1_000_000
N_TILES = 32
LANES = 16
N_CHUNKS = 2

N_T = ((N_KEYS + N_TILES - 1) // N_TILES + 127) // 128 * 128
CH_T = N_T // N_CHUNKS
CH = CH_T * N_TILES
N_PAD = CH * N_CHUNKS
NV = CH_T // LANES
UN = 4

B1 = 50176
G1C = CH // B1
assert CH % B1 == 0 and CH_T % LANES == 0 and NV % UN == 0


def _dist_kernel_for(chunk):
    goff = chunk * CH

    def _dist_kernel(q_ref, k_ref, o_ref):
        qv = q_ref[...]
        kb = k_ref[...]
        kq = lax.dot_general(qv, kb, (((1,), (0,)), ((), ())))
        ksq = jnp.sum(kb * kb, axis=0, keepdims=True)
        qsq = jnp.sum(qv * qv)
        d2 = (qsq + ksq) - 2.0 * kq
        d2 = jnp.maximum(d2, 0.0)
        dist = jnp.sqrt(d2 + 1e-12)
        bits = pltpu.bitcast(dist, jnp.int32)
        i = pl.program_id(0)
        gid = goff + i * B1 + lax.broadcasted_iota(jnp.int32, (1, B1), 1)
        o_ref[...] = jnp.where(gid < N_KEYS, bits,
                               jnp.int32(0x7F800000))[None]

    return _dist_kernel


def _make_dist_call(chunk):
    return pl.pallas_call(
        _dist_kernel_for(chunk),
        grid=(G1C,),
        in_specs=[
            pl.BlockSpec((1, D), lambda i: (0, 0)),
            pl.BlockSpec((D, B1), lambda i, c=chunk: (0, i + c * G1C)),
        ],
        out_specs=pl.BlockSpec((1, 1, B1), lambda i: (i, 0, 0)),
        out_shape=jax.ShapeDtypeStruct((G1C, 1, B1), jnp.int32),
    )


_DIST_CALLS = [_make_dist_call(c) for c in range(N_CHUNKS)]


def _select_body_for(chunk):
    goff = chunk * CH

    def _select_body(dists, out_v, out_i, vals, hist, racc, ltv, lti, eqi,
                     ov, oi):
        c = lax.axis_index("c")
        s = lax.axis_index("s")
        wid = s * 2 + c
        base = wid * CH_T
        pltpu.sync_copy(dists.at[pl.ds(base, CH_T)], vals)

        lane = lax.iota(jnp.int32, LANES)
        ones = jnp.ones((LANES,), jnp.int32)
        zeros16 = jnp.zeros((LANES,), jnp.int32)

        prefix = jnp.int32(0)
        k_rem = jnp.int32(K_NB)
        for r in range(4):
            sh_d = 24 - 8 * r

            def zbody(j):
                hist[pl.ds(j * LANES, LANES)] = zeros16

            plsc.parallel_loop(0, 256, 1, unroll=8)(zbody)

            if r == 0:
                def hbody(i):
                    v = vals[pl.ds(i * LANES, LANES)]
                    byte = (v >> sh_d) & 255
                    plsc.addupdate_scatter(hist, [byte * LANES + lane], ones)
            else:
                sh_hi = 32 - 8 * r
                pref_hi = prefix >> sh_hi

                def hbody(i):
                    v = vals[pl.ds(i * LANES, LANES)]
                    byte = (v >> sh_d) & 255
                    ok = (v >> sh_hi) == pref_hi
                    plsc.addupdate_scatter(hist, [byte * LANES + lane], ones,
                                           mask=ok)

            plsc.parallel_loop(0, NV, 1, unroll=UN)(hbody)

            def cbody(jo, acc):
                for u in range(4):
                    acc = acc + hist[pl.ds((jo * 4 + u) * LANES, LANES)]
                    racc[pl.ds((jo * 4 + u) * LANES, LANES)] = acc
                return acc

            lax.fori_loop(0, 256 // 4, cbody, zeros16)

            def sbody(_, lohi):
                lo, hi = lohi
                mid = (lo + hi) // 2
                sm = jnp.sum(racc[pl.ds(mid * LANES, LANES)])
                ok = sm >= k_rem
                return jnp.where(ok, lo, mid + 1), jnp.where(ok, mid, hi)

            digit, _ = lax.fori_loop(0, 8, sbody,
                                     (jnp.int32(0), jnp.int32(255)))
            pm1 = jnp.maximum(digit - 1, 0)
            cum_before = jnp.where(
                digit > 0, jnp.sum(racc[pl.ds(pm1 * LANES, LANES)]),
                jnp.int32(0))
            k_rem = k_rem - cum_before
            prefix = prefix | (digit << sh_d)

        v_bits = prefix

        def pbody(io, ptrs):
            p_lt, p_eq = ptrs
            for u in range(UN):
                i = io * UN + u
                v = vals[pl.ds(i * LANES, LANES)]
                lt = v < v_bits
                eq = v == v_bits
                gidx = goff + base + i * LANES + lane
                plsc.store_compressed(ltv.at[pl.ds(p_lt, LANES)], v, mask=lt)
                plsc.store_compressed(lti.at[pl.ds(p_lt, LANES)], gidx,
                                      mask=lt)
                plsc.store_compressed(eqi.at[pl.ds(p_eq, LANES)], gidx,
                                      mask=eq)
                p_lt = p_lt + plsc.all_reduce_population_count(lt)[0]
                p_eq = p_eq + plsc.all_reduce_population_count(eq)[0]
            return (p_lt, p_eq)

        lax.fori_loop(0, NV // UN, pbody, (jnp.int32(0), jnp.int32(0)))

        count_lt = jnp.int32(K_NB) - k_rem
        vfull = jnp.broadcast_to(v_bits, (LANES,))
        for j in range(K_NB // LANES):
            pos = j * LANES + lane
            sel = pos < count_lt
            lv = ltv[pl.ds(j * LANES, LANES)]
            li = lti[pl.ds(j * LANES, LANES)]
            ei = plsc.load_gather(eqi, [jnp.maximum(pos - count_lt, 0)])
            ov[pl.ds(j * LANES, LANES)] = jnp.where(sel, lv, vfull)
            oi[pl.ds(j * LANES, LANES)] = jnp.where(sel, li, ei)

        pltpu.sync_copy(ov, out_v.at[wid])
        pltpu.sync_copy(oi, out_i.at[wid])

    return _select_body


@functools.lru_cache(maxsize=N_CHUNKS)
def _make_select_call(chunk):
    return pl.kernel(
        _select_body_for(chunk),
        out_type=(
            jax.ShapeDtypeStruct((N_TILES, K_NB), jnp.int32),
            jax.ShapeDtypeStruct((N_TILES, K_NB), jnp.int32),
        ),
        mesh=plsc.VectorSubcoreMesh(
            core_axis_name="c", subcore_axis_name="s",
            num_cores=2, num_subcores=16),
        compiler_params=pltpu.CompilerParams(needs_layout_passes=False),
        scratch_types=[
            pltpu.VMEM((CH_T,), jnp.int32),
            pltpu.VMEM((256 * LANES,), jnp.int32),
            pltpu.VMEM((256 * LANES,), jnp.int32),
            pltpu.VMEM((K_NB + LANES,), jnp.int32),
            pltpu.VMEM((K_NB + LANES,), jnp.int32),
            pltpu.VMEM((CH_T + LANES,), jnp.int32),
            pltpu.VMEM((K_NB,), jnp.int32),
            pltpu.VMEM((K_NB,), jnp.int32),
        ],
    )


def _merge_kernel(cv_ref, ci_ref, ov_ref, oi_ref):
    lane = lax.broadcasted_iota(jnp.int32, (1, K_NB), 1)
    cand = pltpu.bitcast(cv_ref[...], jnp.float32)

    def body(j, carry):
        vals, oval, oidx = carry
        m = jnp.min(vals)
        sel = vals == m
        i = jnp.min(jnp.where(sel, ci_ref[...], jnp.int32(2**31 - 1)))
        vals = jnp.where(sel & (ci_ref[...] == i), jnp.float32(jnp.inf), vals)
        oval = jnp.where(lane == j, m, oval)
        oidx = jnp.where(lane == j, i, oidx)
        return vals, oval, oidx

    _, oval, oidx = lax.fori_loop(
        0, K_NB, body,
        (cand, jnp.zeros((1, K_NB), jnp.float32),
         jnp.zeros((1, K_NB), jnp.int32)))
    ov_ref[...] = oval
    oi_ref[...] = oidx


_merge_call = pl.pallas_call(
    _merge_kernel,
    out_shape=(
        jax.ShapeDtypeStruct((1, K_NB), jnp.float32),
        jax.ShapeDtypeStruct((1, K_NB), jnp.int32),
    ),
)


def kernel(queries, keys):
    kt = keys.T
    cvs, cis = [], []
    for c in range(N_CHUNKS):
        dists = _DIST_CALLS[c](queries, kt).reshape(-1)
        cv, ci = _make_select_call(c)(dists)
        cvs.append(cv)
        cis.append(ci)
    return _merge_call(jnp.concatenate(cvs, axis=0),
                       jnp.concatenate(cis, axis=0))

# --- scband reference (transcript-rebuilt; emitter-appended) ---
"""Pipeline reference for scband-knnsampler-4501125726506 (READ-ONLY COPY).

The authoritative reference and input builder live on the scoring server;
editing this copy changes nothing except your own understanding.
"""

import jax, jax.numpy as jnp
import numpy as np

K_NEIGHBORS = 128

def setup_inputs(seed: int = 0) -> dict:
    key = jax.random.key(seed)
    kq, kk = jax.random.split(key)
    queries = jax.random.normal(kq, (1, 64), dtype=jnp.float32)
    keys = jax.random.normal(kk, (1000000, 64), dtype=jnp.float32)
    return {"queries": queries, "keys": keys}

def reference(queries, keys):
    # KNNSampler.step: compute distances from the single best ligand (query)
    # to all candidates, then argsort and take the k smallest.
    # Euclidean distance via ||q||^2 + ||k||^2 - 2 q k^T (avoids [Q,K,d] blowup).
    q_sq = jnp.sum(queries * queries, axis=-1, keepdims=True)          # [Q, 1]
    k_sq = jnp.sum(keys * keys, axis=-1)                               # [K]
    d2 = q_sq + k_sq[None, :] - 2.0 * (queries @ keys.T)               # [Q, K]
    d2 = jnp.maximum(d2, 0.0)
    dists = jnp.sqrt(d2 + 1e-12)
    # np.argsort(sim)[0, :k] == k smallest distances -> top_k on negated dists
    neg_vals, idx = jax.lax.top_k(-dists, K_NEIGHBORS)                 # [Q, k]
    topk_dists = -neg_vals
    return (topk_dists, idx)

if __name__ == "__main__":
    import jax
    _d = setup_inputs()
    print(jax.jit(kernel)(*tuple(_d.values())))

</pallas_src>

<mosaic_0001>
#map = affine_map<(d0, d1) -> (0)>
#map1 = affine_map<(d0, d1) -> (0, 0)>
module attributes {stable_mosaic.version = 14 : i64} {
  func.func @_select_body(%arg0: i32, %arg1: i32, %arg2: memref<501760xi32, #tpu.memory_space<hbm>>, %arg3: memref<32x128xi32, #tpu.memory_space<hbm>>, %arg4: memref<32x128xi32, #tpu.memory_space<hbm>>, %arg5: memref<15680xi32, #tpu.memory_space<vmem>>, %arg6: memref<4096xi32, #tpu.memory_space<vmem>>, %arg7: memref<4096xi32, #tpu.memory_space<vmem>>, %arg8: memref<144xi32, #tpu.memory_space<vmem>>, %arg9: memref<144xi32, #tpu.memory_space<vmem>>, %arg10: memref<15696xi32, #tpu.memory_space<vmem>>, %arg11: memref<128xi32, #tpu.memory_space<vmem>>, %arg12: memref<128xi32, #tpu.memory_space<vmem>>) attributes {dimension_semantics = [#tpu.dimension_semantics<core_parallel>, #tpu.dimension_semantics<subcore_parallel>], iteration_bounds = array<i64: 2, 16>, scalar_prefetch = 0 : i64, scratch_operands = 8 : i64, tpu.core_type = #tpu.core_type<sc_vector_subcore>, window_params = [{transform_indices = #map}, {transform_indices = #map1}, {transform_indices = #map1}]} {
    %mul3A = arith.constant 2 : i32
    %mul3A_0 = arith.muli %arg1, %mul3A : i32
    %add3A = arith.addi %mul3A_0, %arg0 : i32
    %mul3A_1 = arith.constant 15680 : i32
    %mul3A_2 = arith.muli %add3A, %mul3A_1 : i32
    "tpu.region"() ({
      %run_scoped3A = tpu.sem_alloc : memref<!tpu.dma_semaphore, #tpu.memory_space<semaphore_mem>>
      %dma_start3A = tpu.memref_slice %arg2[%mul3A_2] : memref<501760xi32, #tpu.memory_space<hbm>> -> memref<15680xi32, #tpu.memory_space<hbm>>
      %dma_start3A_339 = tpu.memref_slice %arg2[%mul3A_2] : memref<501760xi32, #tpu.memory_space<hbm>> -> memref<15680xi32, #tpu.memory_space<hbm>>
      tpu.enqueue_dma source(%dma_start3A_339 : memref<15680xi32, #tpu.memory_space<hbm>>) target(%arg5 : memref<15680xi32, #tpu.memory_space<vmem>>) target_semaphore(%run_scoped3A : memref<!tpu.dma_semaphore, #tpu.memory_space<semaphore_mem>>)
      %dma_wait3A = tpu.memref_slice %arg2[%mul3A_2] : memref<501760xi32, #tpu.memory_space<hbm>> -> memref<15680xi32, #tpu.memory_space<hbm>>
      %dma_wait3A_340 = tpu.memref_slice %arg2[%mul3A_2] : memref<501760xi32, #tpu.memory_space<hbm>> -> memref<15680xi32, #tpu.memory_space<hbm>>
      tpu.wait_dma2 semaphore(%run_scoped3A : memref<!tpu.dma_semaphore, #tpu.memory_space<semaphore_mem>>) src(%dma_wait3A_340 : memref<15680xi32, #tpu.memory_space<hbm>>) dst(%arg5 : memref<15680xi32, #tpu.memory_space<vmem>>)
      tpu.yield
    }) : () -> ()
    %iota3A = tpu.iota {dimensions = array<i32: 0>} : vector<16xi32>
    %broadcast_in_dim3A = arith.constant 1 : i32
    %broadcast_in_dim3A_3 = vector.broadcast %broadcast_in_dim3A : i32 to vector<16xi32>
    %broadcast_in_dim3A_4 = arith.constant 0 : i32
    %broadcast_in_dim3A_5 = vector.broadcast %broadcast_in_dim3A_4 : i32 to vector<16xi32>
    %parallel_loop3A = arith.constant 0 : i32
    %parallel_loop3A_6 = arith.constant 256 : i32
    %parallel_loop3A_7 = arith.constant 1 : i32
    scf.for %parallel_loop3A_339 = %parallel_loop3A to %parallel_loop3A_6 step %parallel_loop3A_7  : i32 {
      %parallel_loop3A_340 = arith.constant 16 : i32
      %parallel_loop3A_341 = arith.muli %parallel_loop3A_339, %parallel_loop3A_340 : i32
      %parallel_loop3A_342 = arith.index_cast %parallel_loop3A_341 : i32 to index
      %parallel_loop3A_343 = tpu.vector_load %arg6[%parallel_loop3A_342] {strides = array<i32>} : memref<4096xi32, #tpu.memory_space<vmem>>, vector<16xi32>,
      tpu.vector_store %arg6[%parallel_loop3A_342], %broadcast_in_dim3A_5 {strides = array<i32>} : memref<4096xi32, #tpu.memory_space<vmem>>, vector<16xi32>,
    } {sc.loop_unroll_factor = 8 : i64, sc.parallel_access}
    %parallel_loop3A_8 = arith.constant 0 : i32
    %parallel_loop3A_9 = arith.constant 980 : i32
    %parallel_loop3A_10 = arith.constant 1 : i32
    scf.for %parallel_loop3A_339 = %parallel_loop3A_8 to %parallel_loop3A_9 step %parallel_loop3A_10  : i32 {
      %parallel_loop3A_340 = arith.constant 16 : i32
      %parallel_loop3A_341 = arith.muli %parallel_loop3A_339, %parallel_loop3A_340 : i32
      %parallel_loop3A_342 = arith.index_cast %parallel_loop3A_341 : i32 to index
      %parallel_loop3A_343 = tpu.vector_load %arg5[%parallel_loop3A_342] {strides = array<i32>} : memref<15680xi32, #tpu.memory_space<vmem>>, vector<16xi32>,
      %parallel_loop3A_344 = arith.constant 24 : i32
      %parallel_loop3A_345 = vector.broadcast %parallel_loop3A_344 : i32 to vector<16xi32>
      %parallel_loop3A_346 = arith.shrsi %parallel_loop3A_343, %parallel_loop3A_345 : vector<16xi32>
      %parallel_loop3A_347 = arith.constant 255 : i32
      %parallel_loop3A_348 = vector.broadcast %parallel_loop3A_347 : i32 to vector<16xi32>
      %parallel_loop3A_349 = arith.andi %parallel_loop3A_346, %parallel_loop3A_348 : vector<16xi32>
      %parallel_loop3A_350 = arith.constant 16 : i32
      %parallel_loop3A_351 = vector.broadcast %parallel_loop3A_350 : i32 to vector<16xi32>
      %parallel_loop3A_352 = arith.muli %parallel_loop3A_349, %parallel_loop3A_351 : vector<16xi32>
      %parallel_loop3A_353 = arith.addi %parallel_loop3A_352, %iota3A : vector<16xi32>
      tpu.vector_store_idx %arg6[%parallel_loop3A_353], %broadcast_in_dim3A_3 {add = true} : memref<4096xi32, #tpu.memory_space<vmem>>[vector<16xi32>], vector<16xi32>,
    } {sc.loop_unroll_factor = 4 : i64, sc.parallel_access}
    %scan3A = arith.constant 0 : i32
    %scan3A_11 = arith.constant 64 : i32
    %scan3A_12 = arith.addi %scan3A, %scan3A_11 : i32
    %scan3A_13 = arith.constant 1 : i32
    %scan3A_14 = scf.for %scan3A_339 = %scan3A to %scan3A_12 step %scan3A_13 iter_args(%scan3A_340 = %broadcast_in_dim3A_5) -> (vector<16xi32>)  : i32 {
      %mul3A_341 = arith.constant 4 : i32
      %mul3A_342 = arith.muli %scan3A_339, %mul3A_341 : i32
      %add3A_343 = arith.constant 0 : i32
      %add3A_344 = arith.addi %mul3A_342, %add3A_343 : i32
      %mul3A_345 = arith.constant 16 : i32
      %mul3A_346 = arith.muli %add3A_344, %mul3A_345 : i32
      %get3A_347 = arith.index_cast %mul3A_346 : i32 to index
      %get3A_348 = tpu.vector_load %arg6[%get3A_347] {strides = array<i32>} : memref<4096xi32, #tpu.memory_space<vmem>>, vector<16xi32>,
      %add3A_349 = arith.addi %scan3A_340, %get3A_348 : vector<16xi32>
      %mul3A_350 = arith.constant 4 : i32
      %mul3A_351 = arith.muli %scan3A_339, %mul3A_350 : i32
      %add3A_352 = arith.constant 0 : i32
      %add3A_353 = arith.addi %mul3A_351, %add3A_352 : i32
      %mul3A_354 = arith.constant 16 : i32
      %mul3A_355 = arith.muli %add3A_353, %mul3A_354 : i32
      %swap3A_356 = arith.index_cast %mul3A_355 : i32 to index
      %swap3A_357 = tpu.vector_load %arg7[%swap3A_356] {strides = array<i32>} : memref<4096xi32, #tpu.memory_space<vmem>>, vector<16xi32>,
      tpu.vector_store %arg7[%swap3A_356], %add3A_349 {strides = array<i32>} : memref<4096xi32, #tpu.memory_space<vmem>>, vector<16xi32>,
      %mul3A_358 = arith.constant 4 : i32
      %mul3A_359 = arith.muli %scan3A_339, %mul3A_358 : i32
      %add3A_360 = arith.constant 1 : i32
      %add3A_361 = arith.addi %mul3A_359, %add3A_360 : i32
      %mul3A_362 = arith.constant 16 : i32
      %mul3A_363 = arith.muli %add3A_361, %mul3A_362 : i32
      %get3A_364 = arith.index_cast %mul3A_363 : i32 to index
      %get3A_365 = tpu.vector_load %arg6[%get3A_364] {strides = array<i32>} : memref<4096xi32, #tpu.memory_space<vmem>>, vector<16xi32>,
      %add3A_366 = arith.addi %add3A_349, %get3A_365 : vector<16xi32>
      %mul3A_367 = arith.constant 4 : i32
      %mul3A_368 = arith.muli %scan3A_339, %mul3A_367 : i32
      %add3A_369 = arith.constant 1 : i32
      %add3A_370 = arith.addi %mul3A_368, %add3A_369 : i32
      %mul3A_371 = arith.constant 16 : i32
      %mul3A_372 = arith.muli %add3A_370, %mul3A_371 : i32
      %swap3A_373 = arith.index_cast %mul3A_372 : i32 to index
      %swap3A_374 = tpu.vector_load %arg7[%swap3A_373] {strides = array<i32>} : memref<4096xi32, #tpu.memory_space<vmem>>, vector<16xi32>,
      tpu.vector_store %arg7[%swap3A_373], %add3A_366 {strides = array<i32>} : memref<4096xi32, #tpu.memory_space<vmem>>, vector<16xi32>,
      %mul3A_375 = arith.constant 4 : i32
      %mul3A_376 = arith.muli %scan3A_339, %mul3A_375 : i32
      %add3A_377 = arith.constant 2 : i32
      %add3A_378 = arith.addi %mul3A_376, %add3A_377 : i32
      %mul3A_379 = arith.constant 16 : i32
      %mul3A_380 = arith.muli %add3A_378, %mul3A_379 : i32
      %get3A_381 = arith.index_cast %mul3A_380 : i32 to index
      %get3A_382 = tpu.vector_load %arg6[%get3A_381] {strides = array<i32>} : memref<4096xi32, #tpu.memory_space<vmem>>, vector<16xi32>,
      %add3A_383 = arith.addi %add3A_366, %get3A_382 : vector<16xi32>
      %mul3A_384 = arith.constant 4 : i32
      %mul3A_385 = arith.muli %scan3A_339, %mul3A_384 : i32
      %add3A_386 = arith.constant 2 : i32
      %add3A_387 = arith.addi %mul3A_385, %add3A_386 : i32
      %mul3A_388 = arith.constant 16 : i32
      %mul3A_389 = arith.muli %add3A_387, %mul3A_388 : i32
      %swap3A_390 = arith.index_cast %mul3A_389 : i32 to index
      %swap3A_391 = tpu.vector_load %arg7[%swap3A_390] {strides = array<i32>} : memref<4096xi32, #tpu.memory_space<vmem>>, vector<16xi32>,
      tpu.vector_store %arg7[%swap3A_390], %add3A_383 {strides = array<i32>} : memref<4096xi32, #tpu.memory_space<vmem>>, vector<16xi32>,
      %mul3A_392 = arith.constant 4 : i32
      %mul3A_393 = arith.muli %scan3A_339, %mul3A_392 : i32
      %add3A_394 = arith.constant 3 : i32
      %add3A_395 = arith.addi %mul3A_393, %add3A_394 : i32
      %mul3A_396 = arith.constant 16 : i32
      %mul3A_397 = arith.muli %add3A_395, %mul3A_396 : i32
      %get3A_398 = arith.index_cast %mul3A_397 : i32 to index
      %get3A_399 = tpu.vector_load %arg6[%get3A_398] {strides = array<i32>} : memref<4096xi32, #tpu.memory_space<vmem>>, vector<16xi32>,
      %add3A_400 = arith.addi %add3A_383, %get3A_399 : vector<16xi32>
      %mul3A_401 = arith.constant 4 : i32
      %mul3A_402 = arith.muli %scan3A_339, %mul3A_401 : i32
      %add3A_403 = arith.constant 3 : i32
      %add3A_404 = arith.addi %mul3A_402, %add3A_403 : i32
      %mul3A_405 = arith.constant 16 : i32
      %mul3A_406 = arith.muli %add3A_404, %mul3A_405 : i32
      %swap3A_407 = arith.index_cast %mul3A_406 : i32 to index
      %swap3A_408 = tpu.vector_load %arg7[%swap3A_407] {strides = array<i32>} : memref<4096xi32, #tpu.memory_space<vmem>>, vector<16xi32>,
      tpu.vector_store %arg7[%swap3A_407], %add3A_400 {strides = array<i32>} : memref<4096xi32, #tpu.memory_space<vmem>>, vector<16xi32>,
      scf.yield %add3A_400 : vector<16xi32>
    }
    %scan3A_15 = arith.constant 64 : i32
    %scan3A_16 = arith.constant 128 : i32
    %scan3A_17 = arith.constant 0 : i32
    %scan3A_18 = arith.constant 255 : i32
    %scan3A_19 = arith.constant 0 : i32
    %scan3A_20 = arith.constant 8 : i32
    %scan3A_21 = arith.addi %scan3A_19, %scan3A_20 : i32
    %scan3A_22 = arith.constant 1 : i32
    %scan3A_23:2 = scf.for %scan3A_339 = %scan3A_19 to %scan3A_21 step %scan3A_22 iter_args(%scan3A_340 = %scan3A_17, %scan3A_341 = %scan3A_18) -> (i32, i32)  : i32 {
      %add3A_342 = arith.addi %scan3A_340, %scan3A_341 : i32
      %jit3A_343 = arith.constant 2 : i32
      %div3A = arith.divsi %add3A_342, %jit3A_343 : i32
      %sign3A = arith.constant 0 : i32
      %sign3A_344 = arith.cmpi sgt, %add3A_342, %sign3A : i32
      %sign3A_345 = arith.extui %sign3A_344 : i1 to i32
      %sign3A_346 = arith.constant 0 : i32
      %sign3A_347 = arith.cmpi slt, %add3A_342, %sign3A_346 : i32
      %sign3A_348 = arith.extui %sign3A_347 : i1 to i32
      %sign3A_349 = arith.subi %sign3A_345, %sign3A_348 : i32
      %sign3A_350 = arith.constant 0 : i32
      %sign3A_351 = arith.cmpi sgt, %jit3A_343, %sign3A_350 : i32
      %sign3A_352 = arith.extui %sign3A_351 : i1 to i32
      %sign3A_353 = arith.constant 0 : i32
      %sign3A_354 = arith.cmpi slt, %jit3A_343, %sign3A_353 : i32
      %sign3A_355 = arith.extui %sign3A_354 : i1 to i32
      %sign3A_356 = arith.subi %sign3A_352, %sign3A_355 : i32
      %ne3A = arith.cmpi ne, %sign3A_349, %sign3A_356 : i32
      %rem3A = arith.remsi %add3A_342, %jit3A_343 : i32
      %ne3A_357 = arith.constant 0 : i32
      %ne3A_358 = arith.cmpi ne, %rem3A, %ne3A_357 : i32
      %and3A = arith.andi %ne3A, %ne3A_358 : i1
      %sub3A_359 = arith.constant 1 : i32
      %sub3A_360 = arith.subi %div3A, %sub3A_359 : i32
      %select_n3A_361 = arith.select %and3A, %sub3A_360, %div3A : i32
      %mul3A_362 = arith.constant 16 : i32
      %mul3A_363 = arith.muli %select_n3A_361, %mul3A_362 : i32
      %get3A_364 = arith.index_cast %mul3A_363 : i32 to index
      %get3A_365 = tpu.vector_load %arg7[%get3A_364] {strides = array<i32>} : memref<4096xi32, #tpu.memory_space<vmem>>, vector<16xi32>,
      %reduce_sum3A_366 = arith.constant true
      %reduce_sum3A_367 = vector.broadcast %reduce_sum3A_366 : i1 to vector<16xi1>
      %reduce_sum3A_368 = tpu.scan <sum>, %get3A_365 masked %reduce_sum3A_367 : vector<16xi32>, vector<16xi1> -> vector<16xi32>
      %reduce_sum3A_369 = vector.extract %reduce_sum3A_368[15] : i32 from vector<16xi32>
      %ge3A = arith.cmpi sge, %reduce_sum3A_369, %scan3A_16 : i32
      %add3A_370 = arith.constant 1 : i32
      %add3A_371 = arith.addi %select_n3A_361, %add3A_370 : i32
      %select_n3A_372 = arith.select %ge3A, %scan3A_340, %add3A_371 : i32
      %select_n3A_373 = arith.select %ge3A, %select_n3A_361, %scan3A_341 : i32
      scf.yield %select_n3A_372, %select_n3A_373 : i32, i32
    }
    %scan3A_24 = arith.constant 8 : i32
    %sub3A = arith.constant 1 : i32
    %sub3A_25 = arith.subi %scan3A_23#0, %sub3A : i32
    %max3A = arith.constant 0 : i32
    %max3A_26 = arith.maxsi %sub3A_25, %max3A : i32
    %gt3A = arith.constant 0 : i32
    %gt3A_27 = arith.cmpi sgt, %scan3A_23#0, %gt3A : i32
    %mul3A_28 = arith.constant 16 : i32
    %mul3A_29 = arith.muli %max3A_26, %mul3A_28 : i32
    %get3A = arith.index_cast %mul3A_29 : i32 to index
    %get3A_30 = tpu.vector_load %arg7[%get3A] {strides = array<i32>} : memref<4096xi32, #tpu.memory_space<vmem>>, vector<16xi32>,
    %reduce_sum3A = arith.constant true
    %reduce_sum3A_31 = vector.broadcast %reduce_sum3A : i1 to vector<16xi1>
    %reduce_sum3A_32 = tpu.scan <sum>, %get3A_30 masked %reduce_sum3A_31 : vector<16xi32>, vector<16xi1> -> vector<16xi32>
    %reduce_sum3A_33 = vector.extract %reduce_sum3A_32[15] : i32 from vector<16xi32>
    %jit3A = arith.constant 0 : i32
    %select_n3A = arith.select %gt3A_27, %reduce_sum3A_33, %jit3A : i32
    %sub3A_34 = arith.constant 128 : i32
    %sub3A_35 = arith.subi %sub3A_34, %select_n3A : i32
    %shift_left3A = arith.constant 24 : i32
    %shift_left3A_36 = arith.shli %scan3A_23#0, %shift_left3A : i32
    %or3A = arith.constant 0 : i32
    %or3A_37 = arith.ori %or3A, %shift_left3A_36 : i32
    %parallel_loop3A_38 = arith.constant 0 : i32
    %parallel_loop3A_39 = arith.constant 256 : i32
    %parallel_loop3A_40 = arith.constant 1 : i32
    scf.for %parallel_loop3A_339 = %parallel_loop3A_38 to %parallel_loop3A_39 step %parallel_loop3A_40  : i32 {
      %parallel_loop3A_340 = arith.constant 16 : i32
      %parallel_loop3A_341 = arith.muli %parallel_loop3A_339, %parallel_loop3A_340 : i32
      %parallel_loop3A_342 = arith.index_cast %parallel_loop3A_341 : i32 to index
      %parallel_loop3A_343 = tpu.vector_load %arg6[%parallel_loop3A_342] {strides = array<i32>} : memref<4096xi32, #tpu.memory_space<vmem>>, vector<16xi32>,
      tpu.vector_store %arg6[%parallel_loop3A_342], %broadcast_in_dim3A_5 {strides = array<i32>} : memref<4096xi32, #tpu.memory_space<vmem>>, vector<16xi32>,
    } {sc.loop_unroll_factor = 8 : i64, sc.parallel_access}
    %shift_right_arithmetic3A = arith.constant 24 : i32
    %shift_right_arithmetic3A_41 = arith.shrsi %or3A_37, %shift_right_arithmetic3A : i32
    %parallel_loop3A_42 = arith.constant 0 : i32
    %parallel_loop3A_43 = arith.constant 980 : i32
    %parallel_loop3A_44 = arith.constant 1 : i32
    scf.for %parallel_loop3A_339 = %parallel_loop3A_42 to %parallel_loop3A_43 step %parallel_loop3A_44  : i32 {
      %parallel_loop3A_340 = arith.constant 16 : i32
      %parallel_loop3A_341 = arith.muli %parallel_loop3A_339, %parallel_loop3A_340 : i32
      %parallel_loop3A_342 = arith.index_cast %parallel_loop3A_341 : i32 to index
      %parallel_loop3A_343 = tpu.vector_load %arg5[%parallel_loop3A_342] {strides = array<i32>} : memref<15680xi32, #tpu.memory_space<vmem>>, vector<16xi32>,
      %parallel_loop3A_344 = arith.constant 16 : i32
      %parallel_loop3A_345 = vector.broadcast %parallel_loop3A_344 : i32 to vector<16xi32>
      %parallel_loop3A_346 = arith.shrsi %parallel_loop3A_343, %parallel_loop3A_345 : vector<16xi32>
      %parallel_loop3A_347 = arith.constant 255 : i32
      %parallel_loop3A_348 = vector.broadcast %parallel_loop3A_347 : i32 to vector<16xi32>
      %parallel_loop3A_349 = arith.andi %parallel_loop3A_346, %parallel_loop3A_348 : vector<16xi32>
      %parallel_loop3A_350 = arith.constant 24 : i32
      %parallel_loop3A_351 = vector.broadcast %parallel_loop3A_350 : i32 to vector<16xi32>
      %parallel_loop3A_352 = arith.shrsi %parallel_loop3A_343, %parallel_loop3A_351 : vector<16xi32>
      %parallel_loop3A_353 = vector.broadcast %shift_right_arithmetic3A_41 : i32 to vector<16xi32>
      %parallel_loop3A_354 = arith.cmpi eq, %parallel_loop3A_352, %parallel_loop3A_353 : vector<16xi32>
      %parallel_loop3A_355 = arith.constant 16 : i32
      %parallel_loop3A_356 = vector.broadcast %parallel_loop3A_355 : i32 to vector<16xi32>
      %parallel_loop3A_357 = arith.muli %parallel_loop3A_349, %parallel_loop3A_356 : vector<16xi32>
      %parallel_loop3A_358 = arith.addi %parallel_loop3A_357, %iota3A : vector<16xi32>
      tpu.vector_store_idx %arg6[%parallel_loop3A_358], %broadcast_in_dim3A_3 masked %parallel_loop3A_354 {add = true} : memref<4096xi32, #tpu.memory_space<vmem>>[vector<16xi32>], vector<16xi32>, vector<16xi1>
    } {sc.loop_unroll_factor = 4 : i64, sc.parallel_access}
    %scan3A_45 = arith.constant 0 : i32
    %scan3A_46 = arith.constant 64 : i32
    %scan3A_47 = arith.addi %scan3A_45, %scan3A_46 : i32
    %scan3A_48 = arith.constant 1 : i32
    %scan3A_49 = scf.for %scan3A_339 = %scan3A_45 to %scan3A_47 step %scan3A_48 iter_args(%scan3A_340 = %broadcast_in_dim3A_5) -> (vector<16xi32>)  : i32 {
      %mul3A_341 = arith.constant 4 : i32
      %mul3A_342 = arith.muli %scan3A_339, %mul3A_341 : i32
      %add3A_343 = arith.constant 0 : i32
      %add3A_344 = arith.addi %mul3A_342, %add3A_343 : i32
      %mul3A_345 = arith.constant 16 : i32
      %mul3A_346 = arith.muli %add3A_344, %mul3A_345 : i32
      %get3A_347 = arith.index_cast %mul3A_346 : i32 to index
      %get3A_348 = tpu.vector_load %arg6[%get3A_347] {strides = array<i32>} : memref<4096xi32, #tpu.memory_space<vmem>>, vector<16xi32>,
      %add3A_349 = arith.addi %scan3A_340, %get3A_348 : vector<16xi32>
      %mul3A_350 = arith.constant 4 : i32
      %mul3A_351 = arith.muli %scan3A_339, %mul3A_350 : i32
      %add3A_352 = arith.constant 0 : i32
      %add3A_353 = arith.addi %mul3A_351, %add3A_352 : i32
      %mul3A_354 = arith.constant 16 : i32
      %mul3A_355 = arith.muli %add3A_353, %mul3A_354 : i32
      %swap3A_356 = arith.index_cast %mul3A_355 : i32 to index
      %swap3A_357 = tpu.vector_load %arg7[%swap3A_356] {strides = array<i32>} : memref<4096xi32, #tpu.memory_space<vmem>>, vector<16xi32>,
      tpu.vector_store %arg7[%swap3A_356], %add3A_349 {strides = array<i32>} : memref<4096xi32, #tpu.memory_space<vmem>>, vector<16xi32>,
      %mul3A_358 = arith.constant 4 : i32
      %mul3A_359 = arith.muli %scan3A_339, %mul3A_358 : i32
      %add3A_360 = arith.constant 1 : i32
      %add3A_361 = arith.addi %mul3A_359, %add3A_360 : i32
      %mul3A_362 = arith.constant 16 : i32
      %mul3A_363 = arith.muli %add3A_361, %mul3A_362 : i32
      %get3A_364 = arith.index_cast %mul3A_363 : i32 to index
      %get3A_365 = tpu.vector_load %arg6[%get3A_364] {strides = array<i32>} : memref<4096xi32, #tpu.memory_space<vmem>>, vector<16xi32>,
      %add3A_366 = arith.addi %add3A_349, %get3A_365 : vector<16xi32>
      %mul3A_367 = arith.constant 4 : i32
      %mul3A_368 = arith.muli %scan3A_339, %mul3A_367 : i32
      %add3A_369 = arith.constant 1 : i32
      %add3A_370 = arith.addi %mul3A_368, %add3A_369 : i32
      %mul3A_371 = arith.constant 16 : i32
      %mul3A_372 = arith.muli %add3A_370, %mul3A_371 : i32
      %swap3A_373 = arith.index_cast %mul3A_372 : i32 to index
      %swap3A_374 = tpu.vector_load %arg7[%swap3A_373] {strides = array<i32>} : memref<4096xi32, #tpu.memory_space<vmem>>, vector<16xi32>,
      tpu.vector_store %arg7[%swap3A_373], %add3A_366 {strides = array<i32>} : memref<4096xi32, #tpu.memory_space<vmem>>, vector<16xi32>,
      %mul3A_375 = arith.constant 4 : i32
      %mul3A_376 = arith.muli %scan3A_339, %mul3A_375 : i32
      %add3A_377 = arith.constant 2 : i32
      %add3A_378 = arith.addi %mul3A_376, %add3A_377 : i32
      %mul3A_379 = arith.constant 16 : i32
      %mul3A_380 = arith.muli %add3A_378, %mul3A_379 : i32
      %get3A_381 = arith.index_cast %mul3A_380 : i32 to index
      %get3A_382 = tpu.vector_load %arg6[%get3A_381] {strides = array<i32>} : memref<4096xi32, #tpu.memory_space<vmem>>, vector<16xi32>,
      %add3A_383 = arith.addi %add3A_366, %get3A_382 : vector<16xi32>
      %mul3A_384 = arith.constant 4 : i32
      %mul3A_385 = arith.muli %scan3A_339, %mul3A_384 : i32
      %add3A_386 = arith.constant 2 : i32
      %add3A_387 = arith.addi %mul3A_385, %add3A_386 : i32
      %mul3A_388 = arith.constant 16 : i32
      %mul3A_389 = arith.muli %add3A_387, %mul3A_388 : i32
      %swap3A_390 = arith.index_cast %mul3A_389 : i32 to index
      %swap3A_391 = tpu.vector_load %arg7[%swap3A_390] {strides = array<i32>} : memref<4096xi32, #tpu.memory_space<vmem>>, vector<16xi32>,
      tpu.vector_store %arg7[%swap3A_390], %add3A_383 {strides = array<i32>} : memref<4096xi32, #tpu.memory_space<vmem>>, vector<16xi32>,
      %mul3A_392 = arith.constant 4 : i32
      %mul3A_393 = arith.muli %scan3A_339, %mul3A_392 : i32
      %add3A_394 = arith.constant 3 : i32
      %add3A_395 = arith.addi %mul3A_393, %add3A_394 : i32
      %mul3A_396 = arith.constant 16 : i32
      %mul3A_397 = arith.muli %add3A_395, %mul3A_396 : i32
      %get3A_398 = arith.index_cast %mul3A_397 : i32 to index
      %get3A_399 = tpu.vector_load %arg6[%get3A_398] {strides = array<i32>} : memref<4096xi32, #tpu.memory_space<vmem>>, vector<16xi32>,
      %add3A_400 = arith.addi %add3A_383, %get3A_399 : vector<16xi32>
      %mul3A_401 = arith.constant 4 : i32
      %mul3A_402 = arith.muli %scan3A_339, %mul3A_401 : i32
      %add3A_403 = arith.constant 3 : i32
      %add3A_404 = arith.addi %mul3A_402, %add3A_403 : i32
      %mul3A_405 = arith.constant 16 : i32
      %mul3A_406 = arith.muli %add3A_404, %mul3A_405 : i32
      %swap3A_407 = arith.index_cast %mul3A_406 : i32 to index
      %swap3A_408 = tpu.vector_load %arg7[%swap3A_407] {strides = array<i32>} : memref<4096xi32, #tpu.memory_space<vmem>>, vector<16xi32>,
      tpu.vector_store %arg7[%swap3A_407], %add3A_400 {strides = array<i32>} : memref<4096xi32, #tpu.memory_space<vmem>>, vector<16xi32>,
      scf.yield %add3A_400 : vector<16xi32>
    }
    %scan3A_50 = arith.constant 64 : i32
    %scan3A_51 = arith.constant 0 : i32
    %scan3A_52 = arith.constant 255 : i32
    %scan3A_53 = arith.constant 0 : i32
    %scan3A_54 = arith.constant 8 : i32
    %scan3A_55 = arith.addi %scan3A_53, %scan3A_54 : i32
    %scan3A_56 = arith.constant 1 : i32
    %scan3A_57:2 = scf.for %scan3A_339 = %scan3A_53 to %scan3A_55 step %scan3A_56 iter_args(%scan3A_340 = %scan3A_51, %scan3A_341 = %scan3A_52) -> (i32, i32)  : i32 {
      %add3A_342 = arith.addi %scan3A_340, %scan3A_341 : i32
      %jit3A_343 = arith.constant 2 : i32
      %div3A = arith.divsi %add3A_342, %jit3A_343 : i32
      %sign3A = arith.constant 0 : i32
      %sign3A_344 = arith.cmpi sgt, %add3A_342, %sign3A : i32
      %sign3A_345 = arith.extui %sign3A_344 : i1 to i32
      %sign3A_346 = arith.constant 0 : i32
      %sign3A_347 = arith.cmpi slt, %add3A_342, %sign3A_346 : i32
      %sign3A_348 = arith.extui %sign3A_347 : i1 to i32
      %sign3A_349 = arith.subi %sign3A_345, %sign3A_348 : i32
      %sign3A_350 = arith.constant 0 : i32
      %sign3A_351 = arith.cmpi sgt, %jit3A_343, %sign3A_350 : i32
      %sign3A_352 = arith.extui %sign3A_351 : i1 to i32
      %sign3A_353 = arith.constant 0 : i32
      %sign3A_354 = arith.cmpi slt, %jit3A_343, %sign3A_353 : i32
      %sign3A_355 = arith.extui %sign3A_354 : i1 to i32
      %sign3A_356 = arith.subi %sign3A_352, %sign3A_355 : i32
      %ne3A = arith.cmpi ne, %sign3A_349, %sign3A_356 : i32
      %rem3A = arith.remsi %add3A_342, %jit3A_343 : i32
      %ne3A_357 = arith.constant 0 : i32
      %ne3A_358 = arith.cmpi ne, %rem3A, %ne3A_357 : i32
      %and3A = arith.andi %ne3A, %ne3A_358 : i1
      %sub3A_359 = arith.constant 1 : i32
      %sub3A_360 = arith.subi %div3A, %sub3A_359 : i32
      %select_n3A_361 = arith.select %and3A, %sub3A_360, %div3A : i32
      %mul3A_362 = arith.constant 16 : i32
      %mul3A_363 = arith.muli %select_n3A_361, %mul3A_362 : i32
      %get3A_364 = arith.index_cast %mul3A_363 : i32 to index
      %get3A_365 = tpu.vector_load %arg7[%get3A_364] {strides = array<i32>} : memref<4096xi32, #tpu.memory_space<vmem>>, vector<16xi32>,
      %reduce_sum3A_366 = arith.constant true
      %reduce_sum3A_367 = vector.broadcast %reduce_sum3A_366 : i1 to vector<16xi1>
      %reduce_sum3A_368 = tpu.scan <sum>, %get3A_365 masked %reduce_sum3A_367 : vector<16xi32>, vector<16xi1> -> vector<16xi32>
      %reduce_sum3A_369 = vector.extract %reduce_sum3A_368[15] : i32 from vector<16xi32>
      %ge3A = arith.cmpi sge, %reduce_sum3A_369, %sub3A_35 : i32
      %add3A_370 = arith.constant 1 : i32
      %add3A_371 = arith.addi %select_n3A_361, %add3A_370 : i32
      %select_n3A_372 = arith.select %ge3A, %scan3A_340, %add3A_371 : i32
      %select_n3A_373 = arith.select %ge3A, %select_n3A_361, %scan3A_341 : i32
      scf.yield %select_n3A_372, %select_n3A_373 : i32, i32
    }
    %scan3A_58 = arith.constant 8 : i32
    %sub3A_59 = arith.constant 1 : i32
    %sub3A_60 = arith.subi %scan3A_57#0, %sub3A_59 : i32
    %max3A_61 = arith.constant 0 : i32
    %max3A_62 = arith.maxsi %sub3A_60, %max3A_61 : i32
    %gt3A_63 = arith.constant 0 : i32
    %gt3A_64 = arith.cmpi sgt, %scan3A_57#0, %gt3A_63 : i32
    %mul3A_65 = arith.constant 16 : i32
    %mul3A_66 = arith.muli %max3A_62, %mul3A_65 : i32
    %get3A_67 = arith.index_cast %mul3A_66 : i32 to index
    %get3A_68 = tpu.vector_load %arg7[%get3A_67] {strides = array<i32>} : memref<4096xi32, #tpu.memory_space<vmem>>, vector<16xi32>,
    %reduce_sum3A_69 = arith.constant true
    %reduce_sum3A_70 = vector.broadcast %reduce_sum3A_69 : i1 to vector<16xi1>
    %reduce_sum3A_71 = tpu.scan <sum>, %get3A_68 masked %reduce_sum3A_70 : vector<16xi32>, vector<16xi1> -> vector<16xi32>
    %reduce_sum3A_72 = vector.extract %reduce_sum3A_71[15] : i32 from vector<16xi32>
    %jit3A_73 = arith.constant 0 : i32
    %select_n3A_74 = arith.select %gt3A_64, %reduce_sum3A_72, %jit3A_73 : i32
    %sub3A_75 = arith.subi %sub3A_35, %select_n3A_74 : i32
    %shift_left3A_76 = arith.constant 16 : i32
    %shift_left3A_77 = arith.shli %scan3A_57#0, %shift_left3A_76 : i32
    %or3A_78 = arith.ori %or3A_37, %shift_left3A_77 : i32
    %parallel_loop3A_79 = arith.constant 0 : i32
    %parallel_loop3A_80 = arith.constant 256 : i32
    %parallel_loop3A_81 = arith.constant 1 : i32
    scf.for %parallel_loop3A_339 = %parallel_loop3A_79 to %parallel_loop3A_80 step %parallel_loop3A_81  : i32 {
      %parallel_loop3A_340 = arith.constant 16 : i32
      %parallel_loop3A_341 = arith.muli %parallel_loop3A_339, %parallel_loop3A_340 : i32
      %parallel_loop3A_342 = arith.index_cast %parallel_loop3A_341 : i32 to index
      %parallel_loop3A_343 = tpu.vector_load %arg6[%parallel_loop3A_342] {strides = array<i32>} : memref<4096xi32, #tpu.memory_space<vmem>>, vector<16xi32>,
      tpu.vector_store %arg6[%parallel_loop3A_342], %broadcast_in_dim3A_5 {strides = array<i32>} : memref<4096xi32, #tpu.memory_space<vmem>>, vector<16xi32>,
    } {sc.loop_unroll_factor = 8 : i64, sc.parallel_access}
    %shift_right_arithmetic3A_82 = arith.constant 16 : i32
    %shift_right_arithmetic3A_83 = arith.shrsi %or3A_78, %shift_right_arithmetic3A_82 : i32
    %parallel_loop3A_84 = arith.constant 0 : i32
    %parallel_loop3A_85 = arith.constant 980 : i32
    %parallel_loop3A_86 = arith.constant 1 : i32
    scf.for %parallel_loop3A_339 = %parallel_loop3A_84 to %parallel_loop3A_85 step %parallel_loop3A_86  : i32 {
      %parallel_loop3A_340 = arith.constant 16 : i32
      %parallel_loop3A_341 = arith.muli %parallel_loop3A_339, %parallel_loop3A_340 : i32
      %parallel_loop3A_342 = arith.index_cast %parallel_loop3A_341 : i32 to index
      %parallel_loop3A_343 = tpu.vector_load %arg5[%parallel_loop3A_342] {strides = array<i32>} : memref<15680xi32, #tpu.memory_space<vmem>>, vector<16xi32>,
      %parallel_loop3A_344 = arith.constant 8 : i32
      %parallel_loop3A_345 = vector.broadcast %parallel_loop3A_344 : i32 to vector<16xi32>
      %parallel_loop3A_346 = arith.shrsi %parallel_loop3A_343, %parallel_loop3A_345 : vector<16xi32>
      %parallel_loop3A_347 = arith.constant 255 : i32
      %parallel_loop3A_348 = vector.broadcast %parallel_loop3A_347 : i32 to vector<16xi32>
      %parallel_loop3A_349 = arith.andi %parallel_loop3A_346, %parallel_loop3A_348 : vector<16xi32>
      %parallel_loop3A_350 = arith.constant 16 : i32
      %parallel_loop3A_351 = vector.broadcast %parallel_loop3A_350 : i32 to vector<16xi32>
      %parallel_loop3A_352 = arith.shrsi %parallel_loop3A_343, %parallel_loop3A_351 : vector<16xi32>
      %parallel_loop3A_353 = vector.broadcast %shift_right_arithmetic3A_83 : i32 to vector<16xi32>
      %parallel_loop3A_354 = arith.cmpi eq, %parallel_loop3A_352, %parallel_loop3A_353 : vector<16xi32>
      %parallel_loop3A_355 = arith.constant 16 : i32
      %parallel_loop3A_356 = vector.broadcast %parallel_loop3A_355 : i32 to vector<16xi32>
      %parallel_loop3A_357 = arith.muli %parallel_loop3A_349, %parallel_loop3A_356 : vector<16xi32>
      %parallel_loop3A_358 = arith.addi %parallel_loop3A_357, %iota3A : vector<16xi32>
      tpu.vector_store_idx %arg6[%parallel_loop3A_358], %broadcast_in_dim3A_3 masked %parallel_loop3A_354 {add = true} : memref<4096xi32, #tpu.memory_space<vmem>>[vector<16xi32>], vector<16xi32>, vector<16xi1>
    } {sc.loop_unroll_factor = 4 : i64, sc.parallel_access}
    %scan3A_87 = arith.constant 0 : i32
    %scan3A_88 = arith.constant 64 : i32
    %scan3A_89 = arith.addi %scan3A_87, %scan3A_88 : i32
    %scan3A_90 = arith.constant 1 : i32
    %scan3A_91 = scf.for %scan3A_339 = %scan3A_87 to %scan3A_89 step %scan3A_90 iter_args(%scan3A_340 = %broadcast_in_dim3A_5) -> (vector<16xi32>)  : i32 {
      %mul3A_341 = arith.constant 4 : i32
      %mul3A_342 = arith.muli %scan3A_339, %mul3A_341 : i32
      %add3A_343 = arith.constant 0 : i32
      %add3A_344 = arith.addi %mul3A_342, %add3A_343 : i32
      %mul3A_345 = arith.constant 16 : i32
      %mul3A_346 = arith.muli %add3A_344, %mul3A_345 : i32
      %get3A_347 = arith.index_cast %mul3A_346 : i32 to index
      %get3A_348 = tpu.vector_load %arg6[%get3A_347] {strides = array<i32>} : memref<4096xi32, #tpu.memory_space<vmem>>, vector<16xi32>,
      %add3A_349 = arith.addi %scan3A_340, %get3A_348 : vector<16xi32>
      %mul3A_350 = arith.constant 4 : i32
      %mul3A_351 = arith.muli %scan3A_339, %mul3A_350 : i32
      %add3A_352 = arith.constant 0 : i32
      %add3A_353 = arith.addi %mul3A_351, %add3A_352 : i32
      %mul3A_354 = arith.constant 16 : i32
      %mul3A_355 = arith.muli %add3A_353, %mul3A_354 : i32
      %swap3A_356 = arith.index_cast %mul3A_355 : i32 to index
      %swap3A_357 = tpu.vector_load %arg7[%swap3A_356] {strides = array<i32>} : memref<4096xi32, #tpu.memory_space<vmem>>, vector<16xi32>,
      tpu.vector_store %arg7[%swap3A_356], %add3A_349 {strides = array<i32>} : memref<4096xi32, #tpu.memory_space<vmem>>, vector<16xi32>,
      %mul3A_358 = arith.constant 4 : i32
      %mul3A_359 = arith.muli %scan3A_339, %mul3A_358 : i32
      %add3A_360 = arith.constant 1 : i32
      %add3A_361 = arith.addi %mul3A_359, %add3A_360 : i32
      %mul3A_362 = arith.constant 16 : i32
      %mul3A_363 = arith.muli %add3A_361, %mul3A_362 : i32
      %get3A_364 = arith.index_cast %mul3A_363 : i32 to index
      %get3A_365 = tpu.vector_load %arg6[%get3A_364] {strides = array<i32>} : memref<4096xi32, #tpu.memory_space<vmem>>, vector<16xi32>,
      %add3A_366 = arith.addi %add3A_349, %get3A_365 : vector<16xi32>
      %mul3A_367 = arith.constant 4 : i32
      %mul3A_368 = arith.muli %scan3A_339, %mul3A_367 : i32
      %add3A_369 = arith.constant 1 : i32
      %add3A_370 = arith.addi %mul3A_368, %add3A_369 : i32
      %mul3A_371 = arith.constant 16 : i32
      %mul3A_372 = arith.muli %add3A_370, %mul3A_371 : i32
      %swap3A_373 = arith.index_cast %mul3A_372 : i32 to index
      %swap3A_374 = tpu.vector_load %arg7[%swap3A_373] {strides = array<i32>} : memref<4096xi32, #tpu.memory_space<vmem>>, vector<16xi32>,
      tpu.vector_store %arg7[%swap3A_373], %add3A_366 {strides = array<i32>} : memref<4096xi32, #tpu.memory_space<vmem>>, vector<16xi32>,
      %mul3A_375 = arith.constant 4 : i32
      %mul3A_376 = arith.muli %scan3A_339, %mul3A_375 : i32
      %add3A_377 = arith.constant 2 : i32
      %add3A_378 = arith.addi %mul3A_376, %add3A_377 : i32
      %mul3A_379 = arith.constant 16 : i32
      %mul3A_380 = arith.muli %add3A_378, %mul3A_379 : i32
      %get3A_381 = arith.index_cast %mul3A_380 : i32 to index
      %get3A_382 = tpu.vector_load %arg6[%get3A_381] {strides = array<i32>} : memref<4096xi32, #tpu.memory_space<vmem>>, vector<16xi32>,
      %add3A_383 = arith.addi %add3A_366, %get3A_382 : vector<16xi32>
      %mul3A_384 = arith.constant 4 : i32
      %mul3A_385 = arith.muli %scan3A_339, %mul3A_384 : i32
      %add3A_386 = arith.constant 2 : i32
      %add3A_387 = arith.addi %mul3A_385, %add3A_386 : i32
      %mul3A_388 = arith.constant 16 : i32
      %mul3A_389 = arith.muli %add3A_387, %mul3A_388 : i32
      %swap3A_390 = arith.index_cast %mul3A_389 : i32 to index
      %swap3A_391 = tpu.vector_load %arg7[%swap3A_390] {strides = array<i32>} : memref<4096xi32, #tpu.memory_space<vmem>>, vector<16xi32>,
      tpu.vector_store %arg7[%swap3A_390], %add3A_383 {strides = array<i32>} : memref<4096xi32, #tpu.memory_space<vmem>>, vector<16xi32>,
      %mul3A_392 = arith.constant 4 : i32
      %mul3A_393 = arith.muli %scan3A_339, %mul3A_392 : i32
      %add3A_394 = arith.constant 3 : i32
      %add3A_395 = arith.addi %mul3A_393, %add3A_394 : i32
      %mul3A_396 = arith.constant 16 : i32
      %mul3A_397 = arith.muli %add3A_395, %mul3A_396 : i32
      %get3A_398 = arith.index_cast %mul3A_397 : i32 to index
      %get3A_399 = tpu.vector_load %arg6[%get3A_398] {strides = array<i32>} : memref<4096xi32, #tpu.memory_space<vmem>>, vector<16xi32>,
      %add3A_400 = arith.addi %add3A_383, %get3A_399 : vector<16xi32>
      %mul3A_401 = arith.constant 4 : i32
      %mul3A_402 = arith.muli %scan3A_339, %mul3A_401 : i32
      %add3A_403 = arith.constant 3 : i32
      %add3A_404 = arith.addi %mul3A_402, %add3A_403 : i32
      %mul3A_405 = arith.constant 16 : i32
      %mul3A_406 = arith.muli %add3A_404, %mul3A_405 : i32
      %swap3A_407 = arith.index_cast %mul3A_406 : i32 to index
      %swap3A_408 = tpu.vector_load %arg7[%swap3A_407] {strides = array<i32>} : memref<4096xi32, #tpu.memory_space<vmem>>, vector<16xi32>,
      tpu.vector_store %arg7[%swap3A_407], %add3A_400 {strides = array<i32>} : memref<4096xi32, #tpu.memory_space<vmem>>, vector<16xi32>,
      scf.yield %add3A_400 : vector<16xi32>
    }
    %scan3A_92 = arith.constant 64 : i32
    %scan3A_93 = arith.constant 0 : i32
    %scan3A_94 = arith.constant 255 : i32
    %scan3A_95 = arith.constant 0 : i32
    %scan3A_96 = arith.constant 8 : i32
    %scan3A_97 = arith.addi %scan3A_95, %scan3A_96 : i32
    %scan3A_98 = arith.constant 1 : i32
    %scan3A_99:2 = scf.for %scan3A_339 = %scan3A_95 to %scan3A_97 step %scan3A_98 iter_args(%scan3A_340 = %scan3A_93, %scan3A_341 = %scan3A_94) -> (i32, i32)  : i32 {
      %add3A_342 = arith.addi %scan3A_340, %scan3A_341 : i32
      %jit3A_343 = arith.constant 2 : i32
      %div3A = arith.divsi %add3A_342, %jit3A_343 : i32
      %sign3A = arith.constant 0 : i32
      %sign3A_344 = arith.cmpi sgt, %add3A_342, %sign3A : i32
      %sign3A_345 = arith.extui %sign3A_344 : i1 to i32
      %sign3A_346 = arith.constant 0 : i32
      %sign3A_347 = arith.cmpi slt, %add3A_342, %sign3A_346 : i32
      %sign3A_348 = arith.extui %sign3A_347 : i1 to i32
      %sign3A_349 = arith.subi %sign3A_345, %sign3A_348 : i32
      %sign3A_350 = arith.constant 0 : i32
      %sign3A_351 = arith.cmpi sgt, %jit3A_343, %sign3A_350 : i32
      %sign3A_352 = arith.extui %sign3A_351 : i1 to i32
      %sign3A_353 = arith.constant 0 : i32
      %sign3A_354 = arith.cmpi slt, %jit3A_343, %sign3A_353 : i32
      %sign3A_355 = arith.extui %sign3A_354 : i1 to i32
      %sign3A_356 = arith.subi %sign3A_352, %sign3A_355 : i32
      %ne3A = arith.cmpi ne, %sign3A_349, %sign3A_356 : i32
      %rem3A = arith.remsi %add3A_342, %jit3A_343 : i32
      %ne3A_357 = arith.constant 0 : i32
      %ne3A_358 = arith.cmpi ne, %rem3A, %ne3A_357 : i32
      %and3A = arith.andi %ne3A, %ne3A_358 : i1
      %sub3A_359 = arith.constant 1 : i32
      %sub3A_360 = arith.subi %div3A, %sub3A_359 : i32
      %select_n3A_361 = arith.select %and3A, %sub3A_360, %div3A : i32
      %mul3A_362 = arith.constant 16 : i32
      %mul3A_363 = arith.muli %select_n3A_361, %mul3A_362 : i32
      %get3A_364 = arith.index_cast %mul3A_363 : i32 to index
      %get3A_365 = tpu.vector_load %arg7[%get3A_364] {strides = array<i32>} : memref<4096xi32, #tpu.memory_space<vmem>>, vector<16xi32>,
      %reduce_sum3A_366 = arith.constant true
      %reduce_sum3A_367 = vector.broadcast %reduce_sum3A_366 : i1 to vector<16xi1>
      %reduce_sum3A_368 = tpu.scan <sum>, %get3A_365 masked %reduce_sum3A_367 : vector<16xi32>, vector<16xi1> -> vector<16xi32>
      %reduce_sum3A_369 = vector.extract %reduce_sum3A_368[15] : i32 from vector<16xi32>
      %ge3A = arith.cmpi sge, %reduce_sum3A_369, %sub3A_75 : i32
      %add3A_370 = arith.constant 1 : i32
      %add3A_371 = arith.addi %select_n3A_361, %add3A_370 : i32
      %select_n3A_372 = arith.select %ge3A, %scan3A_340, %add3A_371 : i32
      %select_n3A_373 = arith.select %ge3A, %select_n3A_361, %scan3A_341 : i32
      scf.yield %select_n3A_372, %select_n3A_373 : i32, i32
    }
    %scan3A_100 = arith.constant 8 : i32
    %sub3A_101 = arith.constant 1 : i32
    %sub3A_102 = arith.subi %scan3A_99#0, %sub3A_101 : i32
    %max3A_103 = arith.constant 0 : i32
    %max3A_104 = arith.maxsi %sub3A_102, %max3A_103 : i32
    %gt3A_105 = arith.constant 0 : i32
    %gt3A_106 = arith.cmpi sgt, %scan3A_99#0, %gt3A_105 : i32
    %mul3A_107 = arith.constant 16 : i32
    %mul3A_108 = arith.muli %max3A_104, %mul3A_107 : i32
    %get3A_109 = arith.index_cast %mul3A_108 : i32 to index
    %get3A_110 = tpu.vector_load %arg7[%get3A_109] {strides = array<i32>} : memref<4096xi32, #tpu.memory_space<vmem>>, vector<16xi32>,
    %reduce_sum3A_111 = arith.constant true
    %reduce_sum3A_112 = vector.broadcast %reduce_sum3A_111 : i1 to vector<16xi1>
    %reduce_sum3A_113 = tpu.scan <sum>, %get3A_110 masked %reduce_sum3A_112 : vector<16xi32>, vector<16xi1> -> vector<16xi32>
    %reduce_sum3A_114 = vector.extract %reduce_sum3A_113[15] : i32 from vector<16xi32>
    %jit3A_115 = arith.constant 0 : i32
    %select_n3A_116 = arith.select %gt3A_106, %reduce_sum3A_114, %jit3A_115 : i32
    %sub3A_117 = arith.subi %sub3A_75, %select_n3A_116 : i32
    %shift_left3A_118 = arith.constant 8 : i32
    %shift_left3A_119 = arith.shli %scan3A_99#0, %shift_left3A_118 : i32
    %or3A_120 = arith.ori %or3A_78, %shift_left3A_119 : i32
    %parallel_loop3A_121 = arith.constant 0 : i32
    %parallel_loop3A_122 = arith.constant 256 : i32
    %parallel_loop3A_123 = arith.constant 1 : i32
    scf.for %parallel_loop3A_339 = %parallel_loop3A_121 to %parallel_loop3A_122 step %parallel_loop3A_123  : i32 {
      %parallel_loop3A_340 = arith.constant 16 : i32
      %parallel_loop3A_341 = arith.muli %parallel_loop3A_339, %parallel_loop3A_340 : i32
      %parallel_loop3A_342 = arith.index_cast %parallel_loop3A_341 : i32 to index
      %parallel_loop3A_343 = tpu.vector_load %arg6[%parallel_loop3A_342] {strides = array<i32>} : memref<4096xi32, #tpu.memory_space<vmem>>, vector<16xi32>,
      tpu.vector_store %arg6[%parallel_loop3A_342], %broadcast_in_dim3A_5 {strides = array<i32>} : memref<4096xi32, #tpu.memory_space<vmem>>, vector<16xi32>,
    } {sc.loop_unroll_factor = 8 : i64, sc.parallel_access}
    %shift_right_arithmetic3A_124 = arith.constant 8 : i32
    %shift_right_arithmetic3A_125 = arith.shrsi %or3A_120, %shift_right_arithmetic3A_124 : i32
    %parallel_loop3A_126 = arith.constant 0 : i32
    %parallel_loop3A_127 = arith.constant 980 : i32
    %parallel_loop3A_128 = arith.constant 1 : i32
    scf.for %parallel_loop3A_339 = %parallel_loop3A_126 to %parallel_loop3A_127 step %parallel_loop3A_128  : i32 {
      %parallel_loop3A_340 = arith.constant 16 : i32
      %parallel_loop3A_341 = arith.muli %parallel_loop3A_339, %parallel_loop3A_340 : i32
      %parallel_loop3A_342 = arith.index_cast %parallel_loop3A_341 : i32 to index
      %parallel_loop3A_343 = tpu.vector_load %arg5[%parallel_loop3A_342] {strides = array<i32>} : memref<15680xi32, #tpu.memory_space<vmem>>, vector<16xi32>,
      %parallel_loop3A_344 = arith.constant 0 : i32
      %parallel_loop3A_345 = vector.broadcast %parallel_loop3A_344 : i32 to vector<16xi32>
      %parallel_loop3A_346 = arith.shrsi %parallel_loop3A_343, %parallel_loop3A_345 : vector<16xi32>
      %parallel_loop3A_347 = arith.constant 255 : i32
      %parallel_loop3A_348 = vector.broadcast %parallel_loop3A_347 : i32 to vector<16xi32>
      %parallel_loop3A_349 = arith.andi %parallel_loop3A_346, %parallel_loop3A_348 : vector<16xi32>
      %parallel_loop3A_350 = arith.constant 8 : i32
      %parallel_loop3A_351 = vector.broadcast %parallel_loop3A_350 : i32 to vector<16xi32>
      %parallel_loop3A_352 = arith.shrsi %parallel_loop3A_343, %parallel_loop3A_351 : vector<16xi32>
      %parallel_loop3A_353 = vector.broadcast %shift_right_arithmetic3A_125 : i32 to vector<16xi32>
      %parallel_loop3A_354 = arith.cmpi eq, %parallel_loop3A_352, %parallel_loop3A_353 : vector<16xi32>
      %parallel_loop3A_355 = arith.constant 16 : i32
      %parallel_loop3A_356 = vector.broadcast %parallel_loop3A_355 : i32 to vector<16xi32>
      %parallel_loop3A_357 = arith.muli %parallel_loop3A_349, %parallel_loop3A_356 : vector<16xi32>
      %parallel_loop3A_358 = arith.addi %parallel_loop3A_357, %iota3A : vector<16xi32>
      tpu.vector_store_idx %arg6[%parallel_loop3A_358], %broadcast_in_dim3A_3 masked %parallel_loop3A_354 {add = true} : memref<4096xi32, #tpu.memory_space<vmem>>[vector<16xi32>], vector<16xi32>, vector<16xi1>
    } {sc.loop_unroll_factor = 4 : i64, sc.parallel_access}
    %scan3A_129 = arith.constant 0 : i32
    %scan3A_130 = arith.constant 64 : i32
    %scan3A_131 = arith.addi %scan3A_129, %scan3A_130 : i32
    %scan3A_132 = arith.constant 1 : i32
    %scan3A_133 = scf.for %scan3A_339 = %scan3A_129 to %scan3A_131 step %scan3A_132 iter_args(%scan3A_340 = %broadcast_in_dim3A_5) -> (vector<16xi32>)  : i32 {
      %mul3A_341 = arith.constant 4 : i32
      %mul3A_342 = arith.muli %scan3A_339, %mul3A_341 : i32
      %add3A_343 = arith.constant 0 : i32
      %add3A_344 = arith.addi %mul3A_342, %add3A_343 : i32
      %mul3A_345 = arith.constant 16 : i32
      %mul3A_346 = arith.muli %add3A_344, %mul3A_345 : i32
      %get3A_347 = arith.index_cast %mul3A_346 : i32 to index
      %get3A_348 = tpu.vector_load %arg6[%get3A_347] {strides = array<i32>} : memref<4096xi32, #tpu.memory_space<vmem>>, vector<16xi32>,
      %add3A_349 = arith.addi %scan3A_340, %get3A_348 : vector<16xi32>
      %mul3A_350 = arith.constant 4 : i32
      %mul3A_351 = arith.muli %scan3A_339, %mul3A_350 : i32
      %add3A_352 = arith.constant 0 : i32
      %add3A_353 = arith.addi %mul3A_351, %add3A_352 : i32
      %mul3A_354 = arith.constant 16 : i32
      %mul3A_355 = arith.muli %add3A_353, %mul3A_354 : i32
      %swap3A_356 = arith.index_cast %mul3A_355 : i32 to index
      %swap3A_357 = tpu.vector_load %arg7[%swap3A_356] {strides = array<i32>} : memref<4096xi32, #tpu.memory_space<vmem>>, vector<16xi32>,
      tpu.vector_store %arg7[%swap3A_356], %add3A_349 {strides = array<i32>} : memref<4096xi32, #tpu.memory_space<vmem>>, vector<16xi32>,
      %mul3A_358 = arith.constant 4 : i32
      %mul3A_359 = arith.muli %scan3A_339, %mul3A_358 : i32
      %add3A_360 = arith.constant 1 : i32
      %add3A_361 = arith.addi %mul3A_359, %add3A_360 : i32
      %mul3A_362 = arith.constant 16 : i32
      %mul3A_363 = arith.muli %add3A_361, %mul3A_362 : i32
      %get3A_364 = arith.index_cast %mul3A_363 : i32 to index
      %get3A_365 = tpu.vector_load %arg6[%get3A_364] {strides = array<i32>} : memref<4096xi32, #tpu.memory_space<vmem>>, vector<16xi32>,
      %add3A_366 = arith.addi %add3A_349, %get3A_365 : vector<16xi32>
      %mul3A_367 = arith.constant 4 : i32
      %mul3A_368 = arith.muli %scan3A_339, %mul3A_367 : i32
      %add3A_369 = arith.constant 1 : i32
      %add3A_370 = arith.addi %mul3A_368, %add3A_369 : i32
      %mul3A_371 = arith.constant 16 : i32
      %mul3A_372 = arith.muli %add3A_370, %mul3A_371 : i32
      %swap3A_373 = arith.index_cast %mul3A_372 : i32 to index
      %swap3A_374 = tpu.vector_load %arg7[%swap3A_373] {strides = array<i32>} : memref<4096xi32, #tpu.memory_space<vmem>>, vector<16xi32>,
      tpu.vector_store %arg7[%swap3A_373], %add3A_366 {strides = array<i32>} : memref<4096xi32, #tpu.memory_space<vmem>>, vector<16xi32>,
      %mul3A_375 = arith.constant 4 : i32
      %mul3A_376 = arith.muli %scan3A_339, %mul3A_375 : i32
      %add3A_377 = arith.constant 2 : i32
      %add3A_378 = arith.addi %mul3A_376, %add3A_377 : i32
      %mul3A_379 = arith.constant 16 : i32
      %mul3A_380 = arith.muli %add3A_378, %mul3A_379 : i32
      %get3A_381 = arith.index_cast %mul3A_380 : i32 to index
      %get3A_382 = tpu.vector_load %arg6[%get3A_381] {strides = array<i32>} : memref<4096xi32, #tpu.memory_space<vmem>>, vector<16xi32>,
      %add3A_383 = arith.addi %add3A_366, %get3A_382 : vector<16xi32>
      %mul3A_384 = arith.constant 4 : i32
      %mul3A_385 = arith.muli %scan3A_339, %mul3A_384 : i32
      %add3A_386 = arith.constant 2 : i32
      %add3A_387 = arith.addi %mul3A_385, %add3A_386 : i32
      %mul3A_388 = arith.constant 16 : i32
      %mul3A_389 = arith.muli %add3A_387, %mul3A_388 : i32
      %swap3A_390 = arith.index_cast %mul3A_389 : i32 to index
      %swap3A_391 = tpu.vector_load %arg7[%swap3A_390] {strides = array<i32>} : memref<4096xi32, #tpu.memory_space<vmem>>, vector<16xi32>,
      tpu.vector_store %arg7[%swap3A_390], %add3A_383 {strides = array<i32>} : memref<4096xi32, #tpu.memory_space<vmem>>, vector<16xi32>,
      %mul3A_392 = arith.constant 4 : i32
      %mul3A_393 = arith.muli %scan3A_339, %mul3A_392 : i32
      %add3A_394 = arith.constant 3 : i32
      %add3A_395 = arith.addi %mul3A_393, %add3A_394 : i32
      %mul3A_396 = arith.constant 16 : i32
      %mul3A_397 = arith.muli %add3A_395, %mul3A_396 : i32
      %get3A_398 = arith.index_cast %mul3A_397 : i32 to index
      %get3A_399 = tpu.vector_load %arg6[%get3A_398] {strides = array<i32>} : memref<4096xi32, #tpu.memory_space<vmem>>, vector<16xi32>,
      %add3A_400 = arith.addi %add3A_383, %get3A_399 : vector<16xi32>
      %mul3A_401 = arith.constant 4 : i32
      %mul3A_402 = arith.muli %scan3A_339, %mul3A_401 : i32
      %add3A_403 = arith.constant 3 : i32
      %add3A_404 = arith.addi %mul3A_402, %add3A_403 : i32
      %mul3A_405 = arith.constant 16 : i32
      %mul3A_406 = arith.muli %add3A_404, %mul3A_405 : i32
      %swap3A_407 = arith.index_cast %mul3A_406 : i32 to index
      %swap3A_408 = tpu.vector_load %arg7[%swap3A_407] {strides = array<i32>} : memref<4096xi32, #tpu.memory_space<vmem>>, vector<16xi32>,
      tpu.vector_store %arg7[%swap3A_407], %add3A_400 {strides = array<i32>} : memref<4096xi32, #tpu.memory_space<vmem>>, vector<16xi32>,
      scf.yield %add3A_400 : vector<16xi32>
    }
    %scan3A_134 = arith.constant 64 : i32
    %scan3A_135 = arith.constant 0 : i32
    %scan3A_136 = arith.constant 255 : i32
    %scan3A_137 = arith.constant 0 : i32
    %scan3A_138 = arith.constant 8 : i32
    %scan3A_139 = arith.addi %scan3A_137, %scan3A_138 : i32
    %scan3A_140 = arith.constant 1 : i32
    %scan3A_141:2 = scf.for %scan3A_339 = %scan3A_137 to %scan3A_139 step %scan3A_140 iter_args(%scan3A_340 = %scan3A_135, %scan3A_341 = %scan3A_136) -> (i32, i32)  : i32 {
      %add3A_342 = arith.addi %scan3A_340, %scan3A_341 : i32
      %jit3A_343 = arith.constant 2 : i32
      %div3A = arith.divsi %add3A_342, %jit3A_343 : i32
      %sign3A = arith.constant 0 : i32
      %sign3A_344 = arith.cmpi sgt, %add3A_342, %sign3A : i32
      %sign3A_345 = arith.extui %sign3A_344 : i1 to i32
      %sign3A_346 = arith.constant 0 : i32
      %sign3A_347 = arith.cmpi slt, %add3A_342, %sign3A_346 : i32
      %sign3A_348 = arith.extui %sign3A_347 : i1 to i32
      %sign3A_349 = arith.subi %sign3A_345, %sign3A_348 : i32
      %sign3A_350 = arith.constant 0 : i32
      %sign3A_351 = arith.cmpi sgt, %jit3A_343, %sign3A_350 : i32
      %sign3A_352 = arith.extui %sign3A_351 : i1 to i32
      %sign3A_353 = arith.constant 0 : i32
      %sign3A_354 = arith.cmpi slt, %jit3A_343, %sign3A_353 : i32
      %sign3A_355 = arith.extui %sign3A_354 : i1 to i32
      %sign3A_356 = arith.subi %sign3A_352, %sign3A_355 : i32
      %ne3A = arith.cmpi ne, %sign3A_349, %sign3A_356 : i32
      %rem3A = arith.remsi %add3A_342, %jit3A_343 : i32
      %ne3A_357 = arith.constant 0 : i32
      %ne3A_358 = arith.cmpi ne, %rem3A, %ne3A_357 : i32
      %and3A = arith.andi %ne3A, %ne3A_358 : i1
      %sub3A_359 = arith.constant 1 : i32
      %sub3A_360 = arith.subi %div3A, %sub3A_359 : i32
      %select_n3A_361 = arith.select %and3A, %sub3A_360, %div3A : i32
      %mul3A_362 = arith.constant 16 : i32
      %mul3A_363 = arith.muli %select_n3A_361, %mul3A_362 : i32
      %get3A_364 = arith.index_cast %mul3A_363 : i32 to index
      %get3A_365 = tpu.vector_load %arg7[%get3A_364] {strides = array<i32>} : memref<4096xi32, #tpu.memory_space<vmem>>, vector<16xi32>,
      %reduce_sum3A_366 = arith.constant true
      %reduce_sum3A_367 = vector.broadcast %reduce_sum3A_366 : i1 to vector<16xi1>
      %reduce_sum3A_368 = tpu.scan <sum>, %get3A_365 masked %reduce_sum3A_367 : vector<16xi32>, vector<16xi1> -> vector<16xi32>
      %reduce_sum3A_369 = vector.extract %reduce_sum3A_368[15] : i32 from vector<16xi32>
      %ge3A = arith.cmpi sge, %reduce_sum3A_369, %sub3A_117 : i32
      %add3A_370 = arith.constant 1 : i32
      %add3A_371 = arith.addi %select_n3A_361, %add3A_370 : i32
      %select_n3A_372 = arith.select %ge3A, %scan3A_340, %add3A_371 : i32
      %select_n3A_373 = arith.select %ge3A, %select_n3A_361, %scan3A_341 : i32
      scf.yield %select_n3A_372, %select_n3A_373 : i32, i32
    }
    %scan3A_142 = arith.constant 8 : i32
    %sub3A_143 = arith.constant 1 : i32
    %sub3A_144 = arith.subi %scan3A_141#0, %sub3A_143 : i32
    %max3A_145 = arith.constant 0 : i32
    %max3A_146 = arith.maxsi %sub3A_144, %max3A_145 : i32
    %gt3A_147 = arith.constant 0 : i32
    %gt3A_148 = arith.cmpi sgt, %scan3A_141#0, %gt3A_147 : i32
    %mul3A_149 = arith.constant 16 : i32
    %mul3A_150 = arith.muli %max3A_146, %mul3A_149 : i32
    %get3A_151 = arith.index_cast %mul3A_150 : i32 to index
    %get3A_152 = tpu.vector_load %arg7[%get3A_151] {strides = array<i32>} : memref<4096xi32, #tpu.memory_space<vmem>>, vector<16xi32>,
    %reduce_sum3A_153 = arith.constant true
    %reduce_sum3A_154 = vector.broadcast %reduce_sum3A_153 : i1 to vector<16xi1>
    %reduce_sum3A_155 = tpu.scan <sum>, %get3A_152 masked %reduce_sum3A_154 : vector<16xi32>, vector<16xi1> -> vector<16xi32>
    %reduce_sum3A_156 = vector.extract %reduce_sum3A_155[15] : i32 from vector<16xi32>
    %jit3A_157 = arith.constant 0 : i32
    %select_n3A_158 = arith.select %gt3A_148, %reduce_sum3A_156, %jit3A_157 : i32
    %sub3A_159 = arith.subi %sub3A_117, %select_n3A_158 : i32
    %shift_left3A_160 = arith.constant 0 : i32
    %shift_left3A_161 = arith.shli %scan3A_141#0, %shift_left3A_160 : i32
    %or3A_162 = arith.ori %or3A_120, %shift_left3A_161 : i32
    %scan3A_163 = arith.constant 0 : i32
    %scan3A_164 = arith.constant 0 : i32
    %scan3A_165 = arith.constant 0 : i32
    %scan3A_166 = arith.constant 245 : i32
    %scan3A_167 = arith.addi %scan3A_165, %scan3A_166 : i32
    %scan3A_168 = arith.constant 1 : i32
    %scan3A_169:2 = scf.for %scan3A_339 = %scan3A_165 to %scan3A_167 step %scan3A_168 iter_args(%scan3A_340 = %scan3A_163, %scan3A_341 = %scan3A_164) -> (i32, i32)  : i32 {
      %mul3A_342 = arith.constant 4 : i32
      %mul3A_343 = arith.muli %scan3A_339, %mul3A_342 : i32
      %add3A_344 = arith.constant 0 : i32
      %add3A_345 = arith.addi %mul3A_343, %add3A_344 : i32
      %mul3A_346 = arith.constant 16 : i32
      %mul3A_347 = arith.muli %add3A_345, %mul3A_346 : i32
      %get3A_348 = arith.index_cast %mul3A_347 : i32 to index
      %get3A_349 = tpu.vector_load %arg5[%get3A_348] {strides = array<i32>} : memref<15680xi32, #tpu.memory_space<vmem>>, vector<16xi32>,
      %lt3A_350 = vector.broadcast %or3A_162 : i32 to vector<16xi32>
      %lt3A_351 = arith.cmpi slt, %get3A_349, %lt3A_350 : vector<16xi32>
      %eq3A = vector.broadcast %or3A_162 : i32 to vector<16xi32>
      %eq3A_352 = arith.cmpi eq, %get3A_349, %eq3A : vector<16xi32>
      %add3A_353 = arith.constant 501760 : i32
      %add3A_354 = arith.addi %add3A_353, %mul3A_2 : i32
      %mul3A_355 = arith.constant 16 : i32
      %mul3A_356 = arith.muli %add3A_345, %mul3A_355 : i32
      %add3A_357 = arith.addi %add3A_354, %mul3A_356 : i32
      %add3A_358 = vector.broadcast %add3A_357 : i32 to vector<16xi32>
      %add3A_359 = arith.addi %add3A_358, %iota3A : vector<16xi32>
      %swap3A_360 = arith.index_cast %scan3A_340 : i32 to index
      %swap3A_361 = tpu.vector_load %arg8[%swap3A_360] masked %lt3A_351 {strides = array<i32>} : memref<144xi32, #tpu.memory_space<vmem>>, vector<16xi32>, vector<16xi1>
      tpu.vector_store %arg8[%swap3A_360], %get3A_349 masked %lt3A_351 {strides = array<i32>} : memref<144xi32, #tpu.memory_space<vmem>>, vector<16xi32>, vector<16xi1>
      %swap3A_362 = arith.index_cast %scan3A_340 : i32 to index
      %swap3A_363 = tpu.vector_load %arg9[%swap3A_362] masked %lt3A_351 {strides = array<i32>} : memref<144xi32, #tpu.memory_space<vmem>>, vector<16xi32>, vector<16xi1>
      tpu.vector_store %arg9[%swap3A_362], %add3A_359 masked %lt3A_351 {strides = array<i32>} : memref<144xi32, #tpu.memory_space<vmem>>, vector<16xi32>, vector<16xi1>
      %swap3A_364 = arith.index_cast %scan3A_341 : i32 to index
      %swap3A_365 = tpu.vector_load %arg10[%swap3A_364] masked %eq3A_352 {strides = array<i32>} : memref<15696xi32, #tpu.memory_space<vmem>>, vector<16xi32>, vector<16xi1>
      tpu.vector_store %arg10[%swap3A_364], %add3A_359 masked %eq3A_352 {strides = array<i32>} : memref<15696xi32, #tpu.memory_space<vmem>>, vector<16xi32>, vector<16xi1>
      %all_reduce_population_count3A = tpu.all_reduce %lt3A_351 {dim = 0 : i64, kind = #tpu.reduction_kind<sum>} : vector<16xi1> -> vector<16xi32>
      %slice3A = vector.extract_strided_slice %all_reduce_population_count3A {offsets = [0], sizes = [1], strides = [1]} : vector<16xi32> to vector<1xi32>
      %squeeze3A = vector.extract %slice3A[0] : i32 from vector<1xi32>
      %add3A_366 = arith.addi %scan3A_340, %squeeze3A : i32
      %all_reduce_population_count3A_367 = tpu.all_reduce %eq3A_352 {dim = 0 : i64, kind = #tpu.reduction_kind<sum>} : vector<16xi1> -> vector<16xi32>
      %slice3A_368 = vector.extract_strided_slice %all_reduce_population_count3A_367 {offsets = [0], sizes = [1], strides = [1]} : vector<16xi32> to vector<1xi32>
      %squeeze3A_369 = vector.extract %slice3A_368[0] : i32 from vector<1xi32>
      %add3A_370 = arith.addi %scan3A_341, %squeeze3A_369 : i32
      %mul3A_371 = arith.constant 4 : i32
      %mul3A_372 = arith.muli %scan3A_339, %mul3A_371 : i32
      %add3A_373 = arith.constant 1 : i32
      %add3A_374 = arith.addi %mul3A_372, %add3A_373 : i32
      %mul3A_375 = arith.constant 16 : i32
      %mul3A_376 = arith.muli %add3A_374, %mul3A_375 : i32
      %get3A_377 = arith.index_cast %mul3A_376 : i32 to index
      %get3A_378 = tpu.vector_load %arg5[%get3A_377] {strides = array<i32>} : memref<15680xi32, #tpu.memory_space<vmem>>, vector<16xi32>,
      %lt3A_379 = vector.broadcast %or3A_162 : i32 to vector<16xi32>
      %lt3A_380 = arith.cmpi slt, %get3A_378, %lt3A_379 : vector<16xi32>
      %eq3A_381 = vector.broadcast %or3A_162 : i32 to vector<16xi32>
      %eq3A_382 = arith.cmpi eq, %get3A_378, %eq3A_381 : vector<16xi32>
      %add3A_383 = arith.constant 501760 : i32
      %add3A_384 = arith.addi %add3A_383, %mul3A_2 : i32
      %mul3A_385 = arith.constant 16 : i32
      %mul3A_386 = arith.muli %add3A_374, %mul3A_385 : i32
      %add3A_387 = arith.addi %add3A_384, %mul3A_386 : i32
      %add3A_388 = vector.broadcast %add3A_387 : i32 to vector<16xi32>
      %add3A_389 = arith.addi %add3A_388, %iota3A : vector<16xi32>
      %swap3A_390 = arith.index_cast %add3A_366 : i32 to index
      %swap3A_391 = tpu.vector_load %arg8[%swap3A_390] masked %lt3A_380 {strides = array<i32>} : memref<144xi32, #tpu.memory_space<vmem>>, vector<16xi32>, vector<16xi1>
      tpu.vector_store %arg8[%swap3A_390], %get3A_378 masked %lt3A_380 {strides = array<i32>} : memref<144xi32, #tpu.memory_space<vmem>>, vector<16xi32>, vector<16xi1>
      %swap3A_392 = arith.index_cast %add3A_366 : i32 to index
      %swap3A_393 = tpu.vector_load %arg9[%swap3A_392] masked %lt3A_380 {strides = array<i32>} : memref<144xi32, #tpu.memory_space<vmem>>, vector<16xi32>, vector<16xi1>
      tpu.vector_store %arg9[%swap3A_392], %add3A_389 masked %lt3A_380 {strides = array<i32>} : memref<144xi32, #tpu.memory_space<vmem>>, vector<16xi32>, vector<16xi1>
      %swap3A_394 = arith.index_cast %add3A_370 : i32 to index
      %swap3A_395 = tpu.vector_load %arg10[%swap3A_394] masked %eq3A_382 {strides = array<i32>} : memref<15696xi32, #tpu.memory_space<vmem>>, vector<16xi32>, vector<16xi1>
      tpu.vector_store %arg10[%swap3A_394], %add3A_389 masked %eq3A_382 {strides = array<i32>} : memref<15696xi32, #tpu.memory_space<vmem>>, vector<16xi32>, vector<16xi1>
      %all_reduce_population_count3A_396 = tpu.all_reduce %lt3A_380 {dim = 0 : i64, kind = #tpu.reduction_kind<sum>} : vector<16xi1> -> vector<16xi32>
      %slice3A_397 = vector.extract_strided_slice %all_reduce_population_count3A_396 {offsets = [0], sizes = [1], strides = [1]} : vector<16xi32> to vector<1xi32>
      %squeeze3A_398 = vector.extract %slice3A_397[0] : i32 from vector<1xi32>
      %add3A_399 = arith.addi %add3A_366, %squeeze3A_398 : i32
      %all_reduce_population_count3A_400 = tpu.all_reduce %eq3A_382 {dim = 0 : i64, kind = #tpu.reduction_kind<sum>} : vector<16xi1> -> vector<16xi32>
      %slice3A_401 = vector.extract_strided_slice %all_reduce_population_count3A_400 {offsets = [0], sizes = [1], strides = [1]} : vector<16xi32> to vector<1xi32>
      %squeeze3A_402 = vector.extract %slice3A_401[0] : i32 from vector<1xi32>
      %add3A_403 = arith.addi %add3A_370, %squeeze3A_402 : i32
      %mul3A_404 = arith.constant 4 : i32
      %mul3A_405 = arith.muli %scan3A_339, %mul3A_404 : i32
      %add3A_406 = arith.constant 2 : i32
      %add3A_407 = arith.addi %mul3A_405, %add3A_406 : i32
      %mul3A_408 = arith.constant 16 : i32
      %mul3A_409 = arith.muli %add3A_407, %mul3A_408 : i32
      %get3A_410 = arith.index_cast %mul3A_409 : i32 to index
      %get3A_411 = tpu.vector_load %arg5[%get3A_410] {strides = array<i32>} : memref<15680xi32, #tpu.memory_space<vmem>>, vector<16xi32>,
      %lt3A_412 = vector.broadcast %or3A_162 : i32 to vector<16xi32>
      %lt3A_413 = arith.cmpi slt, %get3A_411, %lt3A_412 : vector<16xi32>
      %eq3A_414 = vector.broadcast %or3A_162 : i32 to vector<16xi32>
      %eq3A_415 = arith.cmpi eq, %get3A_411, %eq3A_414 : vector<16xi32>
      %add3A_416 = arith.constant 501760 : i32
      %add3A_417 = arith.addi %add3A_416, %mul3A_2 : i32
      %mul3A_418 = arith.constant 16 : i32
      %mul3A_419 = arith.muli %add3A_407, %mul3A_418 : i32
      %add3A_420 = arith.addi %add3A_417, %mul3A_419 : i32
      %add3A_421 = vector.broadcast %add3A_420 : i32 to vector<16xi32>
      %add3A_422 = arith.addi %add3A_421, %iota3A : vector<16xi32>
      %swap3A_423 = arith.index_cast %add3A_399 : i32 to index
      %swap3A_424 = tpu.vector_load %arg8[%swap3A_423] masked %lt3A_413 {strides = array<i32>} : memref<144xi32, #tpu.memory_space<vmem>>, vector<16xi32>, vector<16xi1>
      tpu.vector_store %arg8[%swap3A_423], %get3A_411 masked %lt3A_413 {strides = array<i32>} : memref<144xi32, #tpu.memory_space<vmem>>, vector<16xi32>, vector<16xi1>
      %swap3A_425 = arith.index_cast %add3A_399 : i32 to index
      %swap3A_426 = tpu.vector_load %arg9[%swap3A_425] masked %lt3A_413 {strides = array<i32>} : memref<144xi32, #tpu.memory_space<vmem>>, vector<16xi32>, vector<16xi1>
      tpu.vector_store %arg9[%swap3A_425], %add3A_422 masked %lt3A_413 {strides = array<i32>} : memref<144xi32, #tpu.memory_space<vmem>>, vector<16xi32>, vector<16xi1>
      %swap3A_427 = arith.index_cast %add3A_403 : i32 to index
      %swap3A_428 = tpu.vector_load %arg10[%swap3A_427] masked %eq3A_415 {strides = array<i32>} : memref<15696xi32, #tpu.memory_space<vmem>>, vector<16xi32>, vector<16xi1>
      tpu.vector_store %arg10[%swap3A_427], %add3A_422 masked %eq3A_415 {strides = array<i32>} : memref<15696xi32, #tpu.memory_space<vmem>>, vector<16xi32>, vector<16xi1>
      %all_reduce_population_count3A_429 = tpu.all_reduce %lt3A_413 {dim = 0 : i64, kind = #tpu.reduction_kind<sum>} : vector<16xi1> -> vector<16xi32>
      %slice3A_430 = vector.extract_strided_slice %all_reduce_population_count3A_429 {offsets = [0], sizes = [1], strides = [1]} : vector<16xi32> to vector<1xi32>
      %squeeze3A_431 = vector.extract %slice3A_430[0] : i32 from vector<1xi32>
      %add3A_432 = arith.addi %add3A_399, %squeeze3A_431 : i32
      %all_reduce_population_count3A_433 = tpu.all_reduce %eq3A_415 {dim = 0 : i64, kind = #tpu.reduction_kind<sum>} : vector<16xi1> -> vector<16xi32>
      %slice3A_434 = vector.extract_strided_slice %all_reduce_population_count3A_433 {offsets = [0], sizes = [1], strides = [1]} : vector<16xi32> to vector<1xi32>
      %squeeze3A_435 = vector.extract %slice3A_434[0] : i32 from vector<1xi32>
      %add3A_436 = arith.addi %add3A_403, %squeeze3A_435 : i32
      %mul3A_437 = arith.constant 4 : i32
      %mul3A_438 = arith.muli %scan3A_339, %mul3A_437 : i32
      %add3A_439 = arith.constant 3 : i32
      %add3A_440 = arith.addi %mul3A_438, %add3A_439 : i32
      %mul3A_441 = arith.constant 16 : i32
      %mul3A_442 = arith.muli %add3A_440, %mul3A_441 : i32
      %get3A_443 = arith.index_cast %mul3A_442 : i32 to index
      %get3A_444 = tpu.vector_load %arg5[%get3A_443] {strides = array<i32>} : memref<15680xi32, #tpu.memory_space<vmem>>, vector<16xi32>,
      %lt3A_445 = vector.broadcast %or3A_162 : i32 to vector<16xi32>
      %lt3A_446 = arith.cmpi slt, %get3A_444, %lt3A_445 : vector<16xi32>
      %eq3A_447 = vector.broadcast %or3A_162 : i32 to vector<16xi32>
      %eq3A_448 = arith.cmpi eq, %get3A_444, %eq3A_447 : vector<16xi32>
      %add3A_449 = arith.constant 501760 : i32
      %add3A_450 = arith.addi %add3A_449, %mul3A_2 : i32
      %mul3A_451 = arith.constant 16 : i32
      %mul3A_452 = arith.muli %add3A_440, %mul3A_451 : i32
      %add3A_453 = arith.addi %add3A_450, %mul3A_452 : i32
      %add3A_454 = vector.broadcast %add3A_453 : i32 to vector<16xi32>
      %add3A_455 = arith.addi %add3A_454, %iota3A : vector<16xi32>
      %swap3A_456 = arith.index_cast %add3A_432 : i32 to index
      %swap3A_457 = tpu.vector_load %arg8[%swap3A_456] masked %lt3A_446 {strides = array<i32>} : memref<144xi32, #tpu.memory_space<vmem>>, vector<16xi32>, vector<16xi1>
      tpu.vector_store %arg8[%swap3A_456], %get3A_444 masked %lt3A_446 {strides = array<i32>} : memref<144xi32, #tpu.memory_space<vmem>>, vector<16xi32>, vector<16xi1>
      %swap3A_458 = arith.index_cast %add3A_432 : i32 to index
      %swap3A_459 = tpu.vector_load %arg9[%swap3A_458] masked %lt3A_446 {strides = array<i32>} : memref<144xi32, #tpu.memory_space<vmem>>, vector<16xi32>, vector<16xi1>
      tpu.vector_store %arg9[%swap3A_458], %add3A_455 masked %lt3A_446 {strides = array<i32>} : memref<144xi32, #tpu.memory_space<vmem>>, vector<16xi32>, vector<16xi1>
      %swap3A_460 = arith.index_cast %add3A_436 : i32 to index
      %swap3A_461 = tpu.vector_load %arg10[%swap3A_460] masked %eq3A_448 {strides = array<i32>} : memref<15696xi32, #tpu.memory_space<vmem>>, vector<16xi32>, vector<16xi1>
      tpu.vector_store %arg10[%swap3A_460], %add3A_455 masked %eq3A_448 {strides = array<i32>} : memref<15696xi32, #tpu.memory_space<vmem>>, vector<16xi32>, vector<16xi1>
      %all_reduce_population_count3A_462 = tpu.all_reduce %lt3A_446 {dim = 0 : i64, kind = #tpu.reduction_kind<sum>} : vector<16xi1> -> vector<16xi32>
      %slice3A_463 = vector.extract_strided_slice %all_reduce_population_count3A_462 {offsets = [0], sizes = [1], strides = [1]} : vector<16xi32> to vector<1xi32>
      %squeeze3A_464 = vector.extract %slice3A_463[0] : i32 from vector<1xi32>
      %add3A_465 = arith.addi %add3A_432, %squeeze3A_464 : i32
      %all_reduce_population_count3A_466 = tpu.all_reduce %eq3A_448 {dim = 0 : i64, kind = #tpu.reduction_kind<sum>} : vector<16xi1> -> vector<16xi32>
      %slice3A_467 = vector.extract_strided_slice %all_reduce_population_count3A_466 {offsets = [0], sizes = [1], strides = [1]} : vector<16xi32> to vector<1xi32>
      %squeeze3A_468 = vector.extract %slice3A_467[0] : i32 from vector<1xi32>
      %add3A_469 = arith.addi %add3A_436, %squeeze3A_468 : i32
      scf.yield %add3A_465, %add3A_469 : i32, i32
    }
    %scan3A_170 = arith.constant 245 : i32
    %sub3A_171 = arith.constant 128 : i32
    %sub3A_172 = arith.subi %sub3A_171, %sub3A_159 : i32
    %broadcast_in_dim3A_173 = vector.broadcast %or3A_162 : i32 to vector<16xi32>
    %add3A_174 = arith.constant 0 : i32
    %add3A_175 = vector.broadcast %add3A_174 : i32 to vector<16xi32>
    %add3A_176 = arith.addi %add3A_175, %iota3A : vector<16xi32>
    %lt3A = vector.broadcast %sub3A_172 : i32 to vector<16xi32>
    %lt3A_177 = arith.cmpi slt, %add3A_176, %lt3A : vector<16xi32>
    %get3A_178 = arith.constant 0 : index
    %get3A_179 = tpu.vector_load %arg8[%get3A_178] {strides = array<i32>} : memref<144xi32, #tpu.memory_space<vmem>>, vector<16xi32>,
    %get3A_180 = arith.constant 0 : index
    %get3A_181 = tpu.vector_load %arg9[%get3A_180] {strides = array<i32>} : memref<144xi32, #tpu.memory_space<vmem>>, vector<16xi32>,
    %sub3A_182 = vector.broadcast %sub3A_172 : i32 to vector<16xi32>
    %sub3A_183 = arith.subi %add3A_176, %sub3A_182 : vector<16xi32>
    %max3A_184 = arith.constant 0 : i32
    %max3A_185 = vector.broadcast %max3A_184 : i32 to vector<16xi32>
    %max3A_186 = arith.maxsi %sub3A_183, %max3A_185 : vector<16xi32>
    %gather3A = tpu.vector_load_idx %arg10[%max3A_186] : memref<15696xi32, #tpu.memory_space<vmem>>[vector<16xi32>], vector<16xi32>,
    %select_n3A_187 = arith.select %lt3A_177, %get3A_179, %broadcast_in_dim3A_173 : vector<16xi1>, vector<16xi32>
    %swap3A = arith.constant 0 : index
    %swap3A_188 = tpu.vector_load %arg11[%swap3A] {strides = array<i32>} : memref<128xi32, #tpu.memory_space<vmem>>, vector<16xi32>,
    tpu.vector_store %arg11[%swap3A], %select_n3A_187 {strides = array<i32>} : memref<128xi32, #tpu.memory_space<vmem>>, vector<16xi32>,
    %select_n3A_189 = arith.select %lt3A_177, %get3A_181, %gather3A : vector<16xi1>, vector<16xi32>
    %swap3A_190 = arith.constant 0 : index
    %swap3A_191 = tpu.vector_load %arg12[%swap3A_190] {strides = array<i32>} : memref<128xi32, #tpu.memory_space<vmem>>, vector<16xi32>,
    tpu.vector_store %arg12[%swap3A_190], %select_n3A_189 {strides = array<i32>} : memref<128xi32, #tpu.memory_space<vmem>>, vector<16xi32>,
    %add3A_192 = arith.constant 16 : i32
    %add3A_193 = vector.broadcast %add3A_192 : i32 to vector<16xi32>
    %add3A_194 = arith.addi %add3A_193, %iota3A : vector<16xi32>
    %lt3A_195 = vector.broadcast %sub3A_172 : i32 to vector<16xi32>
    %lt3A_196 = arith.cmpi slt, %add3A_194, %lt3A_195 : vector<16xi32>
    %get3A_197 = arith.constant 16 : index
    %get3A_198 = tpu.vector_load %arg8[%get3A_197] {strides = array<i32>} : memref<144xi32, #tpu.memory_space<vmem>>, vector<16xi32>,
    %get3A_199 = arith.constant 16 : index
    %get3A_200 = tpu.vector_load %arg9[%get3A_199] {strides = array<i32>} : memref<144xi32, #tpu.memory_space<vmem>>, vector<16xi32>,
    %sub3A_201 = vector.broadcast %sub3A_172 : i32 to vector<16xi32>
    %sub3A_202 = arith.subi %add3A_194, %sub3A_201 : vector<16xi32>
    %max3A_203 = arith.constant 0 : i32
    %max3A_204 = vector.broadcast %max3A_203 : i32 to vector<16xi32>
    %max3A_205 = arith.maxsi %sub3A_202, %max3A_204 : vector<16xi32>
    %gather3A_206 = tpu.vector_load_idx %arg10[%max3A_205] : memref<15696xi32, #tpu.memory_space<vmem>>[vector<16xi32>], vector<16xi32>,
    %select_n3A_207 = arith.select %lt3A_196, %get3A_198, %broadcast_in_dim3A_173 : vector<16xi1>, vector<16xi32>
    %swap3A_208 = arith.constant 16 : index
    %swap3A_209 = tpu.vector_load %arg11[%swap3A_208] {strides = array<i32>} : memref<128xi32, #tpu.memory_space<vmem>>, vector<16xi32>,
    tpu.vector_store %arg11[%swap3A_208], %select_n3A_207 {strides = array<i32>} : memref<128xi32, #tpu.memory_space<vmem>>, vector<16xi32>,
    %select_n3A_210 = arith.select %lt3A_196, %get3A_200, %gather3A_206 : vector<16xi1>, vector<16xi32>
    %swap3A_211 = arith.constant 16 : index
    %swap3A_212 = tpu.vector_load %arg12[%swap3A_211] {strides = array<i32>} : memref<128xi32, #tpu.memory_space<vmem>>, vector<16xi32>,
    tpu.vector_store %arg12[%swap3A_211], %select_n3A_210 {strides = array<i32>} : memref<128xi32, #tpu.memory_space<vmem>>, vector<16xi32>,
    %add3A_213 = arith.constant 32 : i32
    %add3A_214 = vector.broadcast %add3A_213 : i32 to vector<16xi32>
    %add3A_215 = arith.addi %add3A_214, %iota3A : vector<16xi32>
    %lt3A_216 = vector.broadcast %sub3A_172 : i32 to vector<16xi32>
    %lt3A_217 = arith.cmpi slt, %add3A_215, %lt3A_216 : vector<16xi32>
    %get3A_218 = arith.constant 32 : index
    %get3A_219 = tpu.vector_load %arg8[%get3A_218] {strides = array<i32>} : memref<144xi32, #tpu.memory_space<vmem>>, vector<16xi32>,
    %get3A_220 = arith.constant 32 : index
    %get3A_221 = tpu.vector_load %arg9[%get3A_220] {strides = array<i32>} : memref<144xi32, #tpu.memory_space<vmem>>, vector<16xi32>,
    %sub3A_222 = vector.broadcast %sub3A_172 : i32 to vector<16xi32>
    %sub3A_223 = arith.subi %add3A_215, %sub3A_222 : vector<16xi32>
    %max3A_224 = arith.constant 0 : i32
    %max3A_225 = vector.broadcast %max3A_224 : i32 to vector<16xi32>
    %max3A_226 = arith.maxsi %sub3A_223, %max3A_225 : vector<16xi32>
    %gather3A_227 = tpu.vector_load_idx %arg10[%max3A_226] : memref<15696xi32, #tpu.memory_space<vmem>>[vector<16xi32>], vector<16xi32>,
    %select_n3A_228 = arith.select %lt3A_217, %get3A_219, %broadcast_in_dim3A_173 : vector<16xi1>, vector<16xi32>
    %swap3A_229 = arith.constant 32 : index
    %swap3A_230 = tpu.vector_load %arg11[%swap3A_229] {strides = array<i32>} : memref<128xi32, #tpu.memory_space<vmem>>, vector<16xi32>,
    tpu.vector_store %arg11[%swap3A_229], %select_n3A_228 {strides = array<i32>} : memref<128xi32, #tpu.memory_space<vmem>>, vector<16xi32>,
    %select_n3A_231 = arith.select %lt3A_217, %get3A_221, %gather3A_227 : vector<16xi1>, vector<16xi32>
    %swap3A_232 = arith.constant 32 : index
    %swap3A_233 = tpu.vector_load %arg12[%swap3A_232] {strides = array<i32>} : memref<128xi32, #tpu.memory_space<vmem>>, vector<16xi32>,
    tpu.vector_store %arg12[%swap3A_232], %select_n3A_231 {strides = array<i32>} : memref<128xi32, #tpu.memory_space<vmem>>, vector<16xi32>,
    %add3A_234 = arith.constant 48 : i32
    %add3A_235 = vector.broadcast %add3A_234 : i32 to vector<16xi32>
    %add3A_236 = arith.addi %add3A_235, %iota3A : vector<16xi32>
    %lt3A_237 = vector.broadcast %sub3A_172 : i32 to vector<16xi32>
    %lt3A_238 = arith.cmpi slt, %add3A_236, %lt3A_237 : vector<16xi32>
    %get3A_239 = arith.constant 48 : index
    %get3A_240 = tpu.vector_load %arg8[%get3A_239] {strides = array<i32>} : memref<144xi32, #tpu.memory_space<vmem>>, vector<16xi32>,
    %get3A_241 = arith.constant 48 : index
    %get3A_242 = tpu.vector_load %arg9[%get3A_241] {strides = array<i32>} : memref<144xi32, #tpu.memory_space<vmem>>, vector<16xi32>,
    %sub3A_243 = vector.broadcast %sub3A_172 : i32 to vector<16xi32>
    %sub3A_244 = arith.subi %add3A_236, %sub3A_243 : vector<16xi32>
    %max3A_245 = arith.constant 0 : i32
    %max3A_246 = vector.broadcast %max3A_245 : i32 to vector<16xi32>
    %max3A_247 = arith.maxsi %sub3A_244, %max3A_246 : vector<16xi32>
    %gather3A_248 = tpu.vector_load_idx %arg10[%max3A_247] : memref<15696xi32, #tpu.memory_space<vmem>>[vector<16xi32>], vector<16xi32>,
    %select_n3A_249 = arith.select %lt3A_238, %get3A_240, %broadcast_in_dim3A_173 : vector<16xi1>, vector<16xi32>
    %swap3A_250 = arith.constant 48 : index
    %swap3A_251 = tpu.vector_load %arg11[%swap3A_250] {strides = array<i32>} : memref<128xi32, #tpu.memory_space<vmem>>, vector<16xi32>,
    tpu.vector_store %arg11[%swap3A_250], %select_n3A_249 {strides = array<i32>} : memref<128xi32, #tpu.memory_space<vmem>>, vector<16xi32>,
    %select_n3A_252 = arith.select %lt3A_238, %get3A_242, %gather3A_248 : vector<16xi1>, vector<16xi32>
    %swap3A_253 = arith.constant 48 : index
    %swap3A_254 = tpu.vector_load %arg12[%swap3A_253] {strides = array<i32>} : memref<128xi32, #tpu.memory_space<vmem>>, vector<16xi32>,
    tpu.vector_store %arg12[%swap3A_253], %select_n3A_252 {strides = array<i32>} : memref<128xi32, #tpu.memory_space<vmem>>, vector<16xi32>,
    %add3A_255 = arith.constant 64 : i32
    %add3A_256 = vector.broadcast %add3A_255 : i32 to vector<16xi32>
    %add3A_257 = arith.addi %add3A_256, %iota3A : vector<16xi32>
    %lt3A_258 = vector.broadcast %sub3A_172 : i32 to vector<16xi32>
    %lt3A_259 = arith.cmpi slt, %add3A_257, %lt3A_258 : vector<16xi32>
    %get3A_260 = arith.constant 64 : index
    %get3A_261 = tpu.vector_load %arg8[%get3A_260] {strides = array<i32>} : memref<144xi32, #tpu.memory_space<vmem>>, vector<16xi32>,
    %get3A_262 = arith.constant 64 : index
    %get3A_263 = tpu.vector_load %arg9[%get3A_262] {strides = array<i32>} : memref<144xi32, #tpu.memory_space<vmem>>, vector<16xi32>,
    %sub3A_264 = vector.broadcast %sub3A_172 : i32 to vector<16xi32>
    %sub3A_265 = arith.subi %add3A_257, %sub3A_264 : vector<16xi32>
    %max3A_266 = arith.constant 0 : i32
    %max3A_267 = vector.broadcast %max3A_266 : i32 to vector<16xi32>
    %max3A_268 = arith.maxsi %sub3A_265, %max3A_267 : vector<16xi32>
    %gather3A_269 = tpu.vector_load_idx %arg10[%max3A_268] : memref<15696xi32, #tpu.memory_space<vmem>>[vector<16xi32>], vector<16xi32>,
    %select_n3A_270 = arith.select %lt3A_259, %get3A_261, %broadcast_in_dim3A_173 : vector<16xi1>, vector<16xi32>
    %swap3A_271 = arith.constant 64 : index
    %swap3A_272 = tpu.vector_load %arg11[%swap3A_271] {strides = array<i32>} : memref<128xi32, #tpu.memory_space<vmem>>, vector<16xi32>,
    tpu.vector_store %arg11[%swap3A_271], %select_n3A_270 {strides = array<i32>} : memref<128xi32, #tpu.memory_space<vmem>>, vector<16xi32>,
    %select_n3A_273 = arith.select %lt3A_259, %get3A_263, %gather3A_269 : vector<16xi1>, vector<16xi32>
    %swap3A_274 = arith.constant 64 : index
    %swap3A_275 = tpu.vector_load %arg12[%swap3A_274] {strides = array<i32>} : memref<128xi32, #tpu.memory_space<vmem>>, vector<16xi32>,
    tpu.vector_store %arg12[%swap3A_274], %select_n3A_273 {strides = array<i32>} : memref<128xi32, #tpu.memory_space<vmem>>, vector<16xi32>,
    %add3A_276 = arith.constant 80 : i32
    %add3A_277 = vector.broadcast %add3A_276 : i32 to vector<16xi32>
    %add3A_278 = arith.addi %add3A_277, %iota3A : vector<16xi32>
    %lt3A_279 = vector.broadcast %sub3A_172 : i32 to vector<16xi32>
    %lt3A_280 = arith.cmpi slt, %add3A_278, %lt3A_279 : vector<16xi32>
    %get3A_281 = arith.constant 80 : index
    %get3A_282 = tpu.vector_load %arg8[%get3A_281] {strides = array<i32>} : memref<144xi32, #tpu.memory_space<vmem>>, vector<16xi32>,
    %get3A_283 = arith.constant 80 : index
    %get3A_284 = tpu.vector_load %arg9[%get3A_283] {strides = array<i32>} : memref<144xi32, #tpu.memory_space<vmem>>, vector<16xi32>,
    %sub3A_285 = vector.broadcast %sub3A_172 : i32 to vector<16xi32>
    %sub3A_286 = arith.subi %add3A_278, %sub3A_285 : vector<16xi32>
    %max3A_287 = arith.constant 0 : i32
    %max3A_288 = vector.broadcast %max3A_287 : i32 to vector<16xi32>
    %max3A_289 = arith.maxsi %sub3A_286, %max3A_288 : vector<16xi32>
    %gather3A_290 = tpu.vector_load_idx %arg10[%max3A_289] : memref<15696xi32, #tpu.memory_space<vmem>>[vector<16xi32>], vector<16xi32>,
    %select_n3A_291 = arith.select %lt3A_280, %get3A_282, %broadcast_in_dim3A_173 : vector<16xi1>, vector<16xi32>
    %swap3A_292 = arith.constant 80 : index
    %swap3A_293 = tpu.vector_load %arg11[%swap3A_292] {strides = array<i32>} : memref<128xi32, #tpu.memory_space<vmem>>, vector<16xi32>,
    tpu.vector_store %arg11[%swap3A_292], %select_n3A_291 {strides = array<i32>} : memref<128xi32, #tpu.memory_space<vmem>>, vector<16xi32>,
    %select_n3A_294 = arith.select %lt3A_280, %get3A_284, %gather3A_290 : vector<16xi1>, vector<16xi32>
    %swap3A_295 = arith.constant 80 : index
    %swap3A_296 = tpu.vector_load %arg12[%swap3A_295] {strides = array<i32>} : memref<128xi32, #tpu.memory_space<vmem>>, vector<16xi32>,
    tpu.vector_store %arg12[%swap3A_295], %select_n3A_294 {strides = array<i32>} : memref<128xi32, #tpu.memory_space<vmem>>, vector<16xi32>,
    %add3A_297 = arith.constant 96 : i32
    %add3A_298 = vector.broadcast %add3A_297 : i32 to vector<16xi32>
    %add3A_299 = arith.addi %add3A_298, %iota3A : vector<16xi32>
    %lt3A_300 = vector.broadcast %sub3A_172 : i32 to vector<16xi32>
    %lt3A_301 = arith.cmpi slt, %add3A_299, %lt3A_300 : vector<16xi32>
    %get3A_302 = arith.constant 96 : index
    %get3A_303 = tpu.vector_load %arg8[%get3A_302] {strides = array<i32>} : memref<144xi32, #tpu.memory_space<vmem>>, vector<16xi32>,
    %get3A_304 = arith.constant 96 : index
    %get3A_305 = tpu.vector_load %arg9[%get3A_304] {strides = array<i32>} : memref<144xi32, #tpu.memory_space<vmem>>, vector<16xi32>,
    %sub3A_306 = vector.broadcast %sub3A_172 : i32 to vector<16xi32>
    %sub3A_307 = arith.subi %add3A_299, %sub3A_306 : vector<16xi32>
    %max3A_308 = arith.constant 0 : i32
    %max3A_309 = vector.broadcast %max3A_308 : i32 to vector<16xi32>
    %max3A_310 = arith.maxsi %sub3A_307, %max3A_309 : vector<16xi32>
    %gather3A_311 = tpu.vector_load_idx %arg10[%max3A_310] : memref<15696xi32, #tpu.memory_space<vmem>>[vector<16xi32>], vector<16xi32>,
    %select_n3A_312 = arith.select %lt3A_301, %get3A_303, %broadcast_in_dim3A_173 : vector<16xi1>, vector<16xi32>
    %swap3A_313 = arith.constant 96 : index
    %swap3A_314 = tpu.vector_load %arg11[%swap3A_313] {strides = array<i32>} : memref<128xi32, #tpu.memory_space<vmem>>, vector<16xi32>,
    tpu.vector_store %arg11[%swap3A_313], %select_n3A_312 {strides = array<i32>} : memref<128xi32, #tpu.memory_space<vmem>>, vector<16xi32>,
    %select_n3A_315 = arith.select %lt3A_301, %get3A_305, %gather3A_311 : vector<16xi1>, vector<16xi32>
    %swap3A_316 = arith.constant 96 : index
    %swap3A_317 = tpu.vector_load %arg12[%swap3A_316] {strides = array<i32>} : memref<128xi32, #tpu.memory_space<vmem>>, vector<16xi32>,
    tpu.vector_store %arg12[%swap3A_316], %select_n3A_315 {strides = array<i32>} : memref<128xi32, #tpu.memory_space<vmem>>, vector<16xi32>,
    %add3A_318 = arith.constant 112 : i32
    %add3A_319 = vector.broadcast %add3A_318 : i32 to vector<16xi32>
    %add3A_320 = arith.addi %add3A_319, %iota3A : vector<16xi32>
    %lt3A_321 = vector.broadcast %sub3A_172 : i32 to vector<16xi32>
    %lt3A_322 = arith.cmpi slt, %add3A_320, %lt3A_321 : vector<16xi32>
    %get3A_323 = arith.constant 112 : index
    %get3A_324 = tpu.vector_load %arg8[%get3A_323] {strides = array<i32>} : memref<144xi32, #tpu.memory_space<vmem>>, vector<16xi32>,
    %get3A_325 = arith.constant 112 : index
    %get3A_326 = tpu.vector_load %arg9[%get3A_325] {strides = array<i32>} : memref<144xi32, #tpu.memory_space<vmem>>, vector<16xi32>,
    %sub3A_327 = vector.broadcast %sub3A_172 : i32 to vector<16xi32>
    %sub3A_328 = arith.subi %add3A_320, %sub3A_327 : vector<16xi32>
    %max3A_329 = arith.constant 0 : i32
    %max3A_330 = vector.broadcast %max3A_329 : i32 to vector<16xi32>
    %max3A_331 = arith.maxsi %sub3A_328, %max3A_330 : vector<16xi32>
    %gather3A_332 = tpu.vector_load_idx %arg10[%max3A_331] : memref<15696xi32, #tpu.memory_space<vmem>>[vector<16xi32>], vector<16xi32>,
    %select_n3A_333 = arith.select %lt3A_322, %get3A_324, %broadcast_in_dim3A_173 : vector<16xi1>, vector<16xi32>
    %swap3A_334 = arith.constant 112 : index
    %swap3A_335 = tpu.vector_load %arg11[%swap3A_334] {strides = array<i32>} : memref<128xi32, #tpu.memory_space<vmem>>, vector<16xi32>,
    tpu.vector_store %arg11[%swap3A_334], %select_n3A_333 {strides = array<i32>} : memref<128xi32, #tpu.memory_space<vmem>>, vector<16xi32>,
    %select_n3A_336 = arith.select %lt3A_322, %get3A_326, %gather3A_332 : vector<16xi1>, vector<16xi32>
    %swap3A_337 = arith.constant 112 : index
    %swap3A_338 = tpu.vector_load %arg12[%swap3A_337] {strides = array<i32>} : memref<128xi32, #tpu.memory_space<vmem>>, vector<16xi32>,
    tpu.vector_store %arg12[%swap3A_337], %select_n3A_336 {strides = array<i32>} : memref<128xi32, #tpu.memory_space<vmem>>, vector<16xi32>,
    "tpu.region"() ({
      %run_scoped3A = tpu.sem_alloc : memref<!tpu.dma_semaphore, #tpu.memory_space<semaphore_mem>>
      %dma_start3A = arith.constant 0 : i32
      %dma_start3A_339 = tpu.memref_slice %arg3[%add3A, %dma_start3A] : memref<32x128xi32, #tpu.memory_space<hbm>> -> memref<1x128xi32, #tpu.memory_space<hbm>>
      %dma_start3A_340 = tpu.memref_squeeze %dma_start3A_339 : memref<1x128xi32, #tpu.memory_space<hbm>> -> memref<128xi32, #tpu.memory_space<hbm>>
      %dma_start3A_341 = arith.constant 0 : i32
      %dma_start3A_342 = tpu.memref_slice %arg3[%add3A, %dma_start3A_341] : memref<32x128xi32, #tpu.memory_space<hbm>> -> memref<1x128xi32, #tpu.memory_space<hbm>>
      %dma_start3A_343 = tpu.memref_squeeze %dma_start3A_342 : memref<1x128xi32, #tpu.memory_space<hbm>> -> memref<128xi32, #tpu.memory_space<hbm>>
      tpu.enqueue_dma source(%arg11 : memref<128xi32, #tpu.memory_space<vmem>>) target(%dma_start3A_343 : memref<128xi32, #tpu.memory_space<hbm>>) target_semaphore(%run_scoped3A : memref<!tpu.dma_semaphore, #tpu.memory_space<semaphore_mem>>)
      %dma_wait3A = arith.constant 0 : i32
      %dma_wait3A_344 = tpu.memref_slice %arg3[%add3A, %dma_wait3A] : memref<32x128xi32, #tpu.memory_space<hbm>> -> memref<1x128xi32, #tpu.memory_space<hbm>>
      %dma_wait3A_345 = tpu.memref_squeeze %dma_wait3A_344 : memref<1x128xi32, #tpu.memory_space<hbm>> -> memref<128xi32, #tpu.memory_space<hbm>>
      %dma_wait3A_346 = arith.constant 0 : i32
      %dma_wait3A_347 = tpu.memref_slice %arg3[%add3A, %dma_wait3A_346] : memref<32x128xi32, #tpu.memory_space<hbm>> -> memref<1x128xi32, #tpu.memory_space<hbm>>
      %dma_wait3A_348 = tpu.memref_squeeze %dma_wait3A_347 : memref<1x128xi32, #tpu.memory_space<hbm>> -> memref<128xi32, #tpu.memory_space<hbm>>
      tpu.wait_dma2 semaphore(%run_scoped3A : memref<!tpu.dma_semaphore, #tpu.memory_space<semaphore_mem>>) src(%arg11 : memref<128xi32, #tpu.memory_space<vmem>>) dst(%dma_wait3A_348 : memref<128xi32, #tpu.memory_space<hbm>>)
      tpu.yield
    }) : () -> ()
    "tpu.region"() ({
      %run_scoped3A = tpu.sem_alloc : memref<!tpu.dma_semaphore, #tpu.memory_space<semaphore_mem>>
      %dma_start3A = arith.constant 0 : i32
      %dma_start3A_339 = tpu.memref_slice %arg4[%add3A, %dma_start3A] : memref<32x128xi32, #tpu.memory_space<hbm>> -> memref<1x128xi32, #tpu.memory_space<hbm>>
      %dma_start3A_340 = tpu.memref_squeeze %dma_start3A_339 : memref<1x128xi32, #tpu.memory_space<hbm>> -> memref<128xi32, #tpu.memory_space<hbm>>
      %dma_start3A_341 = arith.constant 0 : i32
      %dma_start3A_342 = tpu.memref_slice %arg4[%add3A, %dma_start3A_341] : memref<32x128xi32, #tpu.memory_space<hbm>> -> memref<1x128xi32, #tpu.memory_space<hbm>>
      %dma_start3A_343 = tpu.memref_squeeze %dma_start3A_342 : memref<1x128xi32, #tpu.memory_space<hbm>> -> memref<128xi32, #tpu.memory_space<hbm>>
      tpu.enqueue_dma source(%arg12 : memref<128xi32, #tpu.memory_space<vmem>>) target(%dma_start3A_343 : memref<128xi32, #tpu.memory_space<hbm>>) target_semaphore(%run_scoped3A : memref<!tpu.dma_semaphore, #tpu.memory_space<semaphore_mem>>)
      %dma_wait3A = arith.constant 0 : i32
      %dma_wait3A_344 = tpu.memref_slice %arg4[%add3A, %dma_wait3A] : memref<32x128xi32, #tpu.memory_space<hbm>> -> memref<1x128xi32, #tpu.memory_space<hbm>>
      %dma_wait3A_345 = tpu.memref_squeeze %dma_wait3A_344 : memref<1x128xi32, #tpu.memory_space<hbm>> -> memref<128xi32, #tpu.memory_space<hbm>>
      %dma_wait3A_346 = arith.constant 0 : i32
      %dma_wait3A_347 = tpu.memref_slice %arg4[%add3A, %dma_wait3A_346] : memref<32x128xi32, #tpu.memory_space<hbm>> -> memref<1x128xi32, #tpu.memory_space<hbm>>
      %dma_wait3A_348 = tpu.memref_squeeze %dma_wait3A_347 : memref<1x128xi32, #tpu.memory_space<hbm>> -> memref<128xi32, #tpu.memory_space<hbm>>
      tpu.wait_dma2 semaphore(%run_scoped3A : memref<!tpu.dma_semaphore, #tpu.memory_space<semaphore_mem>>) src(%arg12 : memref<128xi32, #tpu.memory_space<vmem>>) dst(%dma_wait3A_348 : memref<128xi32, #tpu.memory_space<hbm>>)
      tpu.yield
    }) : () -> ()
    return
  }
}

#map = affine_map<(d0, d1) -> (0)>
#map1 = affine_map<(d0, d1) -> (0, 0)>
module attributes {stable_mosaic.version = 14 : i64} {
  func.func @_select_body(%arg0: i32, %arg1: i32, %arg2: memref<501760xi32, #tpu.memory_space<hbm>>, %arg3: memref<32x128xi32, #tpu.memory_space<hbm>>, %arg4: memref<32x128xi32, #tpu.memory_space<hbm>>, %arg5: memref<15680xi32, #tpu.memory_space<vmem>>, %arg6: memref<4096xi32, #tpu.memory_space<vmem>>, %arg7: memref<4096xi32, #tpu.memory_space<vmem>>, %arg8: memref<144xi32, #tpu.memory_space<vmem>>, %arg9: memref<144xi32, #tpu.memory_space<vmem>>, %arg10: memref<15696xi32, #tpu.memory_space<vmem>>, %arg11: memref<128xi32, #tpu.memory_space<vmem>>, %arg12: memref<128xi32, #tpu.memory_space<vmem>>) attributes {dimension_semantics = [#tpu.dimension_semantics<core_parallel>, #tpu.dimension_semantics<subcore_parallel>], iteration_bounds = array<i64: 2, 16>, scalar_prefetch = 0 : i64, scratch_operands = 8 : i64, tpu.core_type = #tpu.core_type<sc_vector_subcore>, window_params = [{transform_indices = #map}, {transform_indices = #map1}, {transform_indices = #map1}]} {
    %mul3A = arith.constant 2 : i32
    %mul3A_0 = arith.muli %arg1, %mul3A : i32
    %add3A = arith.addi %mul3A_0, %arg0 : i32
    %mul3A_1 = arith.constant 15680 : i32
    %mul3A_2 = arith.muli %add3A, %mul3A_1 : i32
    "tpu.region"() ({
      %run_scoped3A = tpu.sem_alloc : memref<!tpu.dma_semaphore, #tpu.memory_space<semaphore_mem>>
      %dma_start3A = tpu.memref_slice %arg2[%mul3A_2] : memref<501760xi32, #tpu.memory_space<hbm>> -> memref<15680xi32, #tpu.memory_space<hbm>>
      %dma_start3A_339 = tpu.memref_slice %arg2[%mul3A_2] : memref<501760xi32, #tpu.memory_space<hbm>> -> memref<15680xi32, #tpu.memory_space<hbm>>
      tpu.enqueue_dma source(%dma_start3A_339 : memref<15680xi32, #tpu.memory_space<hbm>>) target(%arg5 : memref<15680xi32, #tpu.memory_space<vmem>>) target_semaphore(%run_scoped3A : memref<!tpu.dma_semaphore, #tpu.memory_space<semaphore_mem>>)
      %dma_wait3A = tpu.memref_slice %arg2[%mul3A_2] : memref<501760xi32, #tpu.memory_space<hbm>> -> memref<15680xi32, #tpu.memory_space<hbm>>
      %dma_wait3A_340 = tpu.memref_slice %arg2[%mul3A_2] : memref<501760xi32, #tpu.memory_space<hbm>> -> memref<15680xi32, #tpu.memory_space<hbm>>
      tpu.wait_dma2 semaphore(%run_scoped3A : memref<!tpu.dma_semaphore, #tpu.memory_space<semaphore_mem>>) src(%dma_wait3A_340 : memref<15680xi32, #tpu.memory_space<hbm>>) dst(%arg5 : memref<15680xi32, #tpu.memory_space<vmem>>)
      tpu.yield
    }) : () -> ()
    %iota3A = tpu.iota {dimensions = array<i32: 0>} : vector<16xi32>
    %broadcast_in_dim3A = arith.constant 1 : i32
    %broadcast_in_dim3A_3 = vector.broadcast %broadcast_in_dim3A : i32 to vector<16xi32>
    %broadcast_in_dim3A_4 = arith.constant 0 : i32
    %broadcast_in_dim3A_5 = vector.broadcast %broadcast_in_dim3A_4 : i32 to vector<16xi32>
    %parallel_loop3A = arith.constant 0 : i32
    %parallel_loop3A_6 = arith.constant 256 : i32
    %parallel_loop3A_7 = arith.constant 1 : i32
    scf.for %parallel_loop3A_339 = %parallel_loop3A to %parallel_loop3A_6 step %parallel_loop3A_7  : i32 {
      %parallel_loop3A_340 = arith.constant 16 : i32
      %parallel_loop3A_341 = arith.muli %parallel_loop3A_339, %parallel_loop3A_340 : i32
      %parallel_loop3A_342 = arith.index_cast %parallel_loop3A_341 : i32 to index
      %parallel_loop3A_343 = tpu.vector_load %arg6[%parallel_loop3A_342] {strides = array<i32>} : memref<4096xi32, #tpu.memory_space<vmem>>, vector<16xi32>,
      tpu.vector_store %arg6[%parallel_loop3A_342], %broadcast_in_dim3A_5 {strides = array<i32>} : memref<4096xi32, #tpu.memory_space<vmem>>, vector<16xi32>,
    } {sc.loop_unroll_factor = 8 : i64, sc.parallel_access}
    %parallel_loop3A_8 = arith.constant 0 : i32
    %parallel_loop3A_9 = arith.constant 980 : i32
    %parallel_loop3A_10 = arith.constant 1 : i32
    scf.for %parallel_loop3A_339 = %parallel_loop3A_8 to %parallel_loop3A_9 step %parallel_loop3A_10  : i32 {
      %parallel_loop3A_340 = arith.constant 16 : i32
      %parallel_loop3A_341 = arith.muli %parallel_loop3A_339, %parallel_loop3A_340 : i32
      %parallel_loop3A_342 = arith.index_cast %parallel_loop3A_341 : i32 to index
      %parallel_loop3A_343 = tpu.vector_load %arg5[%parallel_loop3A_342] {strides = array<i32>} : memref<15680xi32, #tpu.memory_space<vmem>>, vector<16xi32>,
      %parallel_loop3A_344 = arith.constant 24 : i32
      %parallel_loop3A_345 = vector.broadcast %parallel_loop3A_344 : i32 to vector<16xi32>
      %parallel_loop3A_346 = arith.shrsi %parallel_loop3A_343, %parallel_loop3A_345 : vector<16xi32>
      %parallel_loop3A_347 = arith.constant 255 : i32
      %parallel_loop3A_348 = vector.broadcast %parallel_loop3A_347 : i32 to vector<16xi32>
      %parallel_loop3A_349 = arith.andi %parallel_loop3A_346, %parallel_loop3A_348 : vector<16xi32>
      %parallel_loop3A_350 = arith.constant 16 : i32
      %parallel_loop3A_351 = vector.broadcast %parallel_loop3A_350 : i32 to vector<16xi32>
      %parallel_loop3A_352 = arith.muli %parallel_loop3A_349, %parallel_loop3A_351 : vector<16xi32>
      %parallel_loop3A_353 = arith.addi %parallel_loop3A_352, %iota3A : vector<16xi32>
      tpu.vector_store_idx %arg6[%parallel_loop3A_353], %broadcast_in_dim3A_3 {add = true} : memref<4096xi32, #tpu.memory_space<vmem>>[vector<16xi32>], vector<16xi32>,
    } {sc.loop_unroll_factor = 4 : i64, sc.parallel_access}
    %scan3A = arith.constant 0 : i32
    %scan3A_11 = arith.constant 64 : i32
    %scan3A_12 = arith.addi %scan3A, %scan3A_11 : i32
    %scan3A_13 = arith.constant 1 : i32
    %scan3A_14 = scf.for %scan3A_339 = %scan3A to %scan3A_12 step %scan3A_13 iter_args(%scan3A_340 = %broadcast_in_dim3A_5) -> (vector<16xi32>)  : i32 {
      %mul3A_341 = arith.constant 4 : i32
      %mul3A_342 = arith.muli %scan3A_339, %mul3A_341 : i32
      %add3A_343 = arith.constant 0 : i32
      %add3A_344 = arith.addi %mul3A_342, %add3A_343 : i32
      %mul3A_345 = arith.constant 16 : i32
      %mul3A_346 = arith.muli %add3A_344, %mul3A_345 : i32
      %get3A_347 = arith.index_cast %mul3A_346 : i32 to index
      %get3A_348 = tpu.vector_load %arg6[%get3A_347] {strides = array<i32>} : memref<4096xi32, #tpu.memory_space<vmem>>, vector<16xi32>,
      %add3A_349 = arith.addi %scan3A_340, %get3A_348 : vector<16xi32>
      %mul3A_350 = arith.constant 4 : i32
      %mul3A_351 = arith.muli %scan3A_339, %mul3A_350 : i32
      %add3A_352 = arith.constant 0 : i32
      %add3A_353 = arith.addi %mul3A_351, %add3A_352 : i32
      %mul3A_354 = arith.constant 16 : i32
      %mul3A_355 = arith.muli %add3A_353, %mul3A_354 : i32
      %swap3A_356 = arith.index_cast %mul3A_355 : i32 to index
      %swap3A_357 = tpu.vector_load %arg7[%swap3A_356] {strides = array<i32>} : memref<4096xi32, #tpu.memory_space<vmem>>, vector<16xi32>,
      tpu.vector_store %arg7[%swap3A_356], %add3A_349 {strides = array<i32>} : memref<4096xi32, #tpu.memory_space<vmem>>, vector<16xi32>,
      %mul3A_358 = arith.constant 4 : i32
      %mul3A_359 = arith.muli %scan3A_339, %mul3A_358 : i32
      %add3A_360 = arith.constant 1 : i32
      %add3A_361 = arith.addi %mul3A_359, %add3A_360 : i32
      %mul3A_362 = arith.constant 16 : i32
      %mul3A_363 = arith.muli %add3A_361, %mul3A_362 : i32
      %get3A_364 = arith.index_cast %mul3A_363 : i32 to index
      %get3A_365 = tpu.vector_load %arg6[%get3A_364] {strides = array<i32>} : memref<4096xi32, #tpu.memory_space<vmem>>, vector<16xi32>,
      %add3A_366 = arith.addi %add3A_349, %get3A_365 : vector<16xi32>
      %mul3A_367 = arith.constant 4 : i32
      %mul3A_368 = arith.muli %scan3A_339, %mul3A_367 : i32
      %add3A_369 = arith.constant 1 : i32
      %add3A_370 = arith.addi %mul3A_368, %add3A_369 : i32
      %mul3A_371 = arith.constant 16 : i32
      %mul3A_372 = arith.muli %add3A_370, %mul3A_371 : i32
      %swap3A_373 = arith.index_cast %mul3A_372 : i32 to index
      %swap3A_374 = tpu.vector_load %arg7[%swap3A_373] {strides = array<i32>} : memref<4096xi32, #tpu.memory_space<vmem>>, vector<16xi32>,
      tpu.vector_store %arg7[%swap3A_373], %add3A_366 {strides = array<i32>} : memref<4096xi32, #tpu.memory_space<vmem>>, vector<16xi32>,
      %mul3A_375 = arith.constant 4 : i32
      %mul3A_376 = arith.muli %scan3A_339, %mul3A_375 : i32
      %add3A_377 = arith.constant 2 : i32
      %add3A_378 = arith.addi %mul3A_376, %add3A_377 : i32
      %mul3A_379 = arith.constant 16 : i32
      %mul3A_380 = arith.muli %add3A_378, %mul3A_379 : i32
      %get3A_381 = arith.index_cast %mul3A_380 : i32 to index
      %get3A_382 = tpu.vector_load %arg6[%get3A_381] {strides = array<i32>} : memref<4096xi32, #tpu.memory_space<vmem>>, vector<16xi32>,
      %add3A_383 = arith.addi %add3A_366, %get3A_382 : vector<16xi32>
      %mul3A_384 = arith.constant 4 : i32
      %mul3A_385 = arith.muli %scan3A_339, %mul3A_384 : i32
      %add3A_386 = arith.constant 2 : i32
      %add3A_387 = arith.addi %mul3A_385, %add3A_386 : i32
      %mul3A_388 = arith.constant 16 : i32
      %mul3A_389 = arith.muli %add3A_387, %mul3A_388 : i32
      %swap3A_390 = arith.index_cast %mul3A_389 : i32 to index
      %swap3A_391 = tpu.vector_load %arg7[%swap3A_390] {strides = array<i32>} : memref<4096xi32, #tpu.memory_space<vmem>>, vector<16xi32>,
      tpu.vector_store %arg7[%swap3A_390], %add3A_383 {strides = array<i32>} : memref<4096xi32, #tpu.memory_space<vmem>>, vector<16xi32>,
      %mul3A_392 = arith.constant 4 : i32
      %mul3A_393 = arith.muli %scan3A_339, %mul3A_392 : i32
      %add3A_394 = arith.constant 3 : i32
      %add3A_395 = arith.addi %mul3A_393, %add3A_394 : i32
      %mul3A_396 = arith.constant 16 : i32
      %mul3A_397 = arith.muli %add3A_395, %mul3A_396 : i32
      %get3A_398 = arith.index_cast %mul3A_397 : i32 to index
      %get3A_399 = tpu.vector_load %arg6[%get3A_398] {strides = array<i32>} : memref<4096xi32, #tpu.memory_space<vmem>>, vector<16xi32>,
      %add3A_400 = arith.addi %add3A_383, %get3A_399 : vector<16xi32>
      %mul3A_401 = arith.constant 4 : i32
      %mul3A_402 = arith.muli %scan3A_339, %mul3A_401 : i32
      %add3A_403 = arith.constant 3 : i32
      %add3A_404 = arith.addi %mul3A_402, %add3A_403 : i32
      %mul3A_405 = arith.constant 16 : i32
      %mul3A_406 = arith.muli %add3A_404, %mul3A_405 : i32
      %swap3A_407 = arith.index_cast %mul3A_406 : i32 to index
      %swap3A_408 = tpu.vector_load %arg7[%swap3A_407] {strides = array<i32>} : memref<4096xi32, #tpu.memory_space<vmem>>, vector<16xi32>,
      tpu.vector_store %arg7[%swap3A_407], %add3A_400 {strides = array<i32>} : memref<4096xi32, #tpu.memory_space<vmem>>, vector<16xi32>,
      scf.yield %add3A_400 : vector<16xi32>
    }
    %scan3A_15 = arith.constant 64 : i32
    %scan3A_16 = arith.constant 128 : i32
    %scan3A_17 = arith.constant 0 : i32
    %scan3A_18 = arith.constant 255 : i32
    %scan3A_19 = arith.constant 0 : i32
    %scan3A_20 = arith.constant 8 : i32
    %scan3A_21 = arith.addi %scan3A_19, %scan3A_20 : i32
    %scan3A_22 = arith.constant 1 : i32
    %scan3A_23:2 = scf.for %scan3A_339 = %scan3A_19 to %scan3A_21 step %scan3A_22 iter_args(%scan3A_340 = %scan3A_17, %scan3A_341 = %scan3A_18) -> (i32, i32)  : i32 {
      %add3A_342 = arith.addi %scan3A_340, %scan3A_341 : i32
      %jit3A_343 = arith.constant 2 : i32
      %div3A = arith.divsi %add3A_342, %jit3A_343 : i32
      %sign3A = arith.constant 0 : i32
      %sign3A_344 = arith.cmpi sgt, %add3A_342, %sign3A : i32
      %sign3A_345 = arith.extui %sign3A_344 : i1 to i32
      %sign3A_346 = arith.constant 0 : i32
      %sign3A_347 = arith.cmpi slt, %add3A_342, %sign3A_346 : i32
      %sign3A_348 = arith.extui %sign3A_347 : i1 to i32
      %sign3A_349 = arith.subi %sign3A_345, %sign3A_348 : i32
      %sign3A_350 = arith.constant 0 : i32
      %sign3A_351 = arith.cmpi sgt, %jit3A_343, %sign3A_350 : i32
      %sign3A_352 = arith.extui %sign3A_351 : i1 to i32
      %sign3A_353 = arith.constant 0 : i32
      %sign3A_354 = arith.cmpi slt, %jit3A_343, %sign3A_353 : i32
      %sign3A_355 = arith.extui %sign3A_354 : i1 to i32
      %sign3A_356 = arith.subi %sign3A_352, %sign3A_355 : i32
      %ne3A = arith.cmpi ne, %sign3A_349, %sign3A_356 : i32
      %rem3A = arith.remsi %add3A_342, %jit3A_343 : i32
      %ne3A_357 = arith.constant 0 : i32
      %ne3A_358 = arith.cmpi ne, %rem3A, %ne3A_357 : i32
      %and3A = arith.andi %ne3A, %ne3A_358 : i1
      %sub3A_359 = arith.constant 1 : i32
      %sub3A_360 = arith.subi %div3A, %sub3A_359 : i32
      %select_n3A_361 = arith.select %and3A, %sub3A_360, %div3A : i32
      %mul3A_362 = arith.constant 16 : i32
      %mul3A_363 = arith.muli %select_n3A_361, %mul3A_362 : i32
      %get3A_364 = arith.index_cast %mul3A_363 : i32 to index
      %get3A_365 = tpu.vector_load %arg7[%get3A_364] {strides = array<i32>} : memref<4096xi32, #tpu.memory_space<vmem>>, vector<16xi32>,
      %reduce_sum3A_366 = arith.constant true
      %reduce_sum3A_367 = vector.broadcast %reduce_sum3A_366 : i1 to vector<16xi1>
      %reduce_sum3A_368 = tpu.scan <sum>, %get3A_365 masked %reduce_sum3A_367 : vector<16xi32>, vector<16xi1> -> vector<16xi32>
      %reduce_sum3A_369 = vector.extract %reduce_sum3A_368[15] : i32 from vector<16xi32>
      %ge3A = arith.cmpi sge, %reduce_sum3A_369, %scan3A_16 : i32
      %add3A_370 = arith.constant 1 : i32
      %add3A_371 = arith.addi %select_n3A_361, %add3A_370 : i32
      %select_n3A_372 = arith.select %ge3A, %scan3A_340, %add3A_371 : i32
      %select_n3A_373 = arith.select %ge3A, %select_n3A_361, %scan3A_341 : i32
      scf.yield %select_n3A_372, %select_n3A_373 : i32, i32
    }
    %scan3A_24 = arith.constant 8 : i32
    %sub3A = arith.constant 1 : i32
    %sub3A_25 = arith.subi %scan3A_23#0, %sub3A : i32
    %max3A = arith.constant 0 : i32
    %max3A_26 = arith.maxsi %sub3A_25, %max3A : i32
    %gt3A = arith.constant 0 : i32
    %gt3A_27 = arith.cmpi sgt, %scan3A_23#0, %gt3A : i32
    %mul3A_28 = arith.constant 16 : i32
    %mul3A_29 = arith.muli %max3A_26, %mul3A_28 : i32
    %get3A = arith.index_cast %mul3A_29 : i32 to index
    %get3A_30 = tpu.vector_load %arg7[%get3A] {strides = array<i32>} : memref<4096xi32, #tpu.memory_space<vmem>>, vector<16xi32>,
    %reduce_sum3A = arith.constant true
    %reduce_sum3A_31 = vector.broadcast %reduce_sum3A : i1 to vector<16xi1>
    %reduce_sum3A_32 = tpu.scan <sum>, %get3A_30 masked %reduce_sum3A_31 : vector<16xi32>, vector<16xi1> -> vector<16xi32>
    %reduce_sum3A_33 = vector.extract %reduce_sum3A_32[15] : i32 from vector<16xi32>
    %jit3A = arith.constant 0 : i32
    %select_n3A = arith.select %gt3A_27, %reduce_sum3A_33, %jit3A : i32
    %sub3A_34 = arith.constant 128 : i32
    %sub3A_35 = arith.subi %sub3A_34, %select_n3A : i32
    %shift_left3A = arith.constant 24 : i32
    %shift_left3A_36 = arith.shli %scan3A_23#0, %shift_left3A : i32
    %or3A = arith.constant 0 : i32
    %or3A_37 = arith.ori %or3A, %shift_left3A_36 : i32
    %parallel_loop3A_38 = arith.constant 0 : i32
    %parallel_loop3A_39 = arith.constant 256 : i32
    %parallel_loop3A_40 = arith.constant 1 : i32
    scf.for %parallel_loop3A_339 = %parallel_loop3A_38 to %parallel_loop3A_39 step %parallel_loop3A_40  : i32 {
      %parallel_loop3A_340 = arith.constant 16 : i32
      %parallel_loop3A_341 = arith.muli %parallel_loop3A_339, %parallel_loop3A_340 : i32
      %parallel_loop3A_342 = arith.index_cast %parallel_loop3A_341 : i32 to index
      %parallel_loop3A_343 = tpu.vector_load %arg6[%parallel_loop3A_342] {strides = array<i32>} : memref<4096xi32, #tpu.memory_space<vmem>>, vector<16xi32>,
      tpu.vector_store %arg6[%parallel_loop3A_342], %broadcast_in_dim3A_5 {strides = array<i32>} : memref<4096xi32, #tpu.memory_space<vmem>>, vector<16xi32>,
    } {sc.loop_unroll_factor = 8 : i64, sc.parallel_access}
    %shift_right_arithmetic3A = arith.constant 24 : i32
    %shift_right_arithmetic3A_41 = arith.shrsi %or3A_37, %shift_right_arithmetic3A : i32
    %parallel_loop3A_42 = arith.constant 0 : i32
    %parallel_loop3A_43 = arith.constant 980 : i32
    %parallel_loop3A_44 = arith.constant 1 : i32
    scf.for %parallel_loop3A_339 = %parallel_loop3A_42 to %parallel_loop3A_43 step %parallel_loop3A_44  : i32 {
      %parallel_loop3A_340 = arith.constant 16 : i32
      %parallel_loop3A_341 = arith.muli %parallel_loop3A_339, %parallel_loop3A_340 : i32
      %parallel_loop3A_342 = arith.index_cast %parallel_loop3A_341 : i32 to index
      %parallel_loop3A_343 = tpu.vector_load %arg5[%parallel_loop3A_342] {strides = array<i32>} : memref<15680xi32, #tpu.memory_space<vmem>>, vector<16xi32>,
      %parallel_loop3A_344 = arith.constant 16 : i32
      %parallel_loop3A_345 = vector.broadcast %parallel_loop3A_344 : i32 to vector<16xi32>
      %parallel_loop3A_346 = arith.shrsi %parallel_loop3A_343, %parallel_loop3A_345 : vector<16xi32>
      %parallel_loop3A_347 = arith.constant 255 : i32
      %parallel_loop3A_348 = vector.broadcast %parallel_loop3A_347 : i32 to vector<16xi32>
      %parallel_loop3A_349 = arith.andi %parallel_loop3A_346, %parallel_loop3A_348 : vector<16xi32>
      %parallel_loop3A_350 = arith.constant 24 : i32
      %parallel_loop3A_351 = vector.broadcast %parallel_loop3A_350 : i32 to vector<16xi32>
      %parallel_loop3A_352 = arith.shrsi %parallel_loop3A_343, %parallel_loop3A_351 : vector<16xi32>
      %parallel_loop3A_353 = vector.broadcast %shift_right_arithmetic3A_41 : i32 to vector<16xi32>
      %parallel_loop3A_354 = arith.cmpi eq, %parallel_loop3A_352, %parallel_loop3A_353 : vector<16xi32>
      %parallel_loop3A_355 = arith.constant 16 : i32
      %parallel_loop3A_356 = vector.broadcast %parallel_loop3A_355 : i32 to vector<16xi32>
      %parallel_loop3A_357 = arith.muli %parallel_loop3A_349, %parallel_loop3A_356 : vector<16xi32>
      %parallel_loop3A_358 = arith.addi %parallel_loop3A_357, %iota3A : vector<16xi32>
      tpu.vector_store_idx %arg6[%parallel_loop3A_358], %broadcast_in_dim3A_3 masked %parallel_loop3A_354 {add = true} : memref<4096xi32, #tpu.memory_space<vmem>>[vector<16xi32>], vector<16xi32>, vector<16xi1>
    } {sc.loop_unroll_factor = 4 : i64, sc.parallel_access}
    %scan3A_45 = arith.constant 0 : i32
    %scan3A_46 = arith.constant 64 : i32
    %scan3A_47 = arith.addi %scan3A_45, %scan3A_46 : i32
    %scan3A_48 = arith.constant 1 : i32
    %scan3A_49 = scf.for %scan3A_339 = %scan3A_45 to %scan3A_47 step %scan3A_48 iter_args(%scan3A_340 = %broadcast_in_dim3A_5) -> (vector<16xi32>)  : i32 {
      %mul3A_341 = arith.constant 4 : i32
      %mul3A_342 = arith.muli %scan3A_339, %mul3A_341 : i32
      %add3A_343 = arith.constant 0 : i32
      %add3A_344 = arith.addi %mul3A_342, %add3A_343 : i32
      %mul3A_345 = arith.constant 16 : i32
      %mul3A_346 = arith.muli %add3A_344, %mul3A_345 : i32
      %get3A_347 = arith.index_cast %mul3A_346 : i32 to index
      %get3A_348 = tpu.vector_load %arg6[%get3A_347] {strides = array<i32>} : memref<4096xi32, #tpu.memory_space<vmem>>, vector<16xi32>,
      %add3A_349 = arith.addi %scan3A_340, %get3A_348 : vector<16xi32>
      %mul3A_350 = arith.constant 4 : i32
      %mul3A_351 = arith.muli %scan3A_339, %mul3A_350 : i32
      %add3A_352 = arith.constant 0 : i32
      %add3A_353 = arith.addi %mul3A_351, %add3A_352 : i32
      %mul3A_354 = arith.constant 16 : i32
      %mul3A_355 = arith.muli %add3A_353, %mul3A_354 : i32
      %swap3A_356 = arith.index_cast %mul3A_355 : i32 to index
      %swap3A_357 = tpu.vector_load %arg7[%swap3A_356] {strides = array<i32>} : memref<4096xi32, #tpu.memory_space<vmem>>, vector<16xi32>,
      tpu.vector_store %arg7[%swap3A_356], %add3A_349 {strides = array<i32>} : memref<4096xi32, #tpu.memory_space<vmem>>, vector<16xi32>,
      %mul3A_358 = arith.constant 4 : i32
      %mul3A_359 = arith.muli %scan3A_339, %mul3A_358 : i32
      %add3A_360 = arith.constant 1 : i32
      %add3A_361 = arith.addi %mul3A_359, %add3A_360 : i32
      %mul3A_362 = arith.constant 16 : i32
      %mul3A_363 = arith.muli %add3A_361, %mul3A_362 : i32
      %get3A_364 = arith.index_cast %mul3A_363 : i32 to index
      %get3A_365 = tpu.vector_load %arg6[%get3A_364] {strides = array<i32>} : memref<4096xi32, #tpu.memory_space<vmem>>, vector<16xi32>,
      %add3A_366 = arith.addi %add3A_349, %get3A_365 : vector<16xi32>
      %mul3A_367 = arith.constant 4 : i32
      %mul3A_368 = arith.muli %scan3A_339, %mul3A_367 : i32
      %add3A_369 = arith.constant 1 : i32
      %add3A_370 = arith.addi %mul3A_368, %add3A_369 : i32
      %mul3A_371 = arith.constant 16 : i32
      %mul3A_372 = arith.muli %add3A_370, %mul3A_371 : i32
      %swap3A_373 = arith.index_cast %mul3A_372 : i32 to index
      %swap3A_374 = tpu.vector_load %arg7[%swap3A_373] {strides = array<i32>} : memref<4096xi32, #tpu.memory_space<vmem>>, vector<16xi32>,
      tpu.vector_store %arg7[%swap3A_373], %add3A_366 {strides = array<i32>} : memref<4096xi32, #tpu.memory_space<vmem>>, vector<16xi32>,
      %mul3A_375 = arith.constant 4 : i32
      %mul3A_376 = arith.muli %scan3A_339, %mul3A_375 : i32
      %add3A_377 = arith.constant 2 : i32
      %add3A_378 = arith.addi %mul3A_376, %add3A_377 : i32
      %mul3A_379 = arith.constant 16 : i32
      %mul3A_380 = arith.muli %add3A_378, %mul3A_379 : i32
      %get3A_381 = arith.index_cast %mul3A_380 : i32 to index
      %get3A_382 = tpu.vector_load %arg6[%get3A_381] {strides = array<i32>} : memref<4096xi32, #tpu.memory_space<vmem>>, vector<16xi32>,
      %add3A_383 = arith.addi %add3A_366, %get3A_382 : vector<16xi32>
      %mul3A_384 = arith.constant 4 : i32
      %mul3A_385 = arith.muli %scan3A_339, %mul3A_384 : i32
      %add3A_386 = arith.constant 2 : i32
      %add3A_387 = arith.addi %mul3A_385, %add3A_386 : i32
      %mul3A_388 = arith.constant 16 : i32
      %mul3A_389 = arith.muli %add3A_387, %mul3A_388 : i32
      %swap3A_390 = arith.index_cast %mul3A_389 : i32 to index
      %swap3A_391 = tpu.vector_load %arg7[%swap3A_390] {strides = array<i32>} : memref<4096xi32, #tpu.memory_space<vmem>>, vector<16xi32>,
      tpu.vector_store %arg7[%swap3A_390], %add3A_383 {strides = array<i32>} : memref<4096xi32, #tpu.memory_space<vmem>>, vector<16xi32>,
      %mul3A_392 = arith.constant 4 : i32
      %mul3A_393 = arith.muli %scan3A_339, %mul3A_392 : i32
      %add3A_394 = arith.constant 3 : i32
      %add3A_395 = arith.addi %mul3A_393, %add3A_394 : i32
      %mul3A_396 = arith.constant 16 : i32
      %mul3A_397 = arith.muli %add3A_395, %mul3A_396 : i32
      %get3A_398 = arith.index_cast %mul3A_397 : i32 to index
      %get3A_399 = tpu.vector_load %arg6[%get3A_398] {strides = array<i32>} : memref<4096xi32, #tpu.memory_space<vmem>>, vector<16xi32>,
      %add3A_400 = arith.addi %add3A_383, %get3A_399 : vector<16xi32>
      %mul3A_401 = arith.constant 4 : i32
      %mul3A_402 = arith.muli %scan3A_339, %mul3A_401 : i32
      %add3A_403 = arith.constant 3 : i32
      %add3A_404 = arith.addi %mul3A_402, %add3A_403 : i32
      %mul3A_405 = arith.constant 16 : i32
      %mul3A_406 = arith.muli %add3A_404, %mul3A_405 : i32
      %swap3A_407 = arith.index_cast %mul3A_406 : i32 to index
      %swap3A_408 = tpu.vector_load %arg7[%swap3A_407] {strides = array<i32>} : memref<4096xi32, #tpu.memory_space<vmem>>, vector<16xi32>,
      tpu.vector_store %arg7[%swap3A_407], %add3A_400 {strides = array<i32>} : memref<4096xi32, #tpu.memory_space<vmem>>, vector<16xi32>,
      scf.yield %add3A_400 : vector<16xi32>
    }
    %scan3A_50 = arith.constant 64 : i32
    %scan3A_51 = arith.constant 0 : i32
    %scan3A_52 = arith.constant 255 : i32
    %scan3A_53 = arith.constant 0 : i32
    %scan3A_54 = arith.constant 8 : i32
    %scan3A_55 = arith.addi %scan3A_53, %scan3A_54 : i32
    %scan3A_56 = arith.constant 1 : i32
    %scan3A_57:2 = scf.for %scan3A_339 = %scan3A_53 to %scan3A_55 step %scan3A_56 iter_args(%scan3A_340 = %scan3A_51, %scan3A_341 = %scan3A_52) -> (i32, i32)  : i32 {
      %add3A_342 = arith.addi %scan3A_340, %scan3A_341 : i32
      %jit3A_343 = arith.constant 2 : i32
      %div3A = arith.divsi %add3A_342, %jit3A_343 : i32
      %sign3A = arith.constant 0 : i32
      %sign3A_344 = arith.cmpi sgt, %add3A_342, %sign3A : i32
      %sign3A_345 = arith.extui %sign3A_344 : i1 to i32
      %sign3A_346 = arith.constant 0 : i32
      %sign3A_347 = arith.cmpi slt, %add3A_342, %sign3A_346 : i32
      %sign3A_348 = arith.extui %sign3A_347 : i1 to i32
      %sign3A_349 = arith.subi %sign3A_345, %sign3A_348 : i32
      %sign3A_350 = arith.constant 0 : i32
      %sign3A_351 = arith.cmpi sgt, %jit3A_343, %sign3A_350 : i32
      %sign3A_352 = arith.extui %sign3A_351 : i1 to i32
      %sign3A_353 = arith.constant 0 : i32
      %sign3A_354 = arith.cmpi slt, %jit3A_343, %sign3A_353 : i32
      %sign3A_355 = arith.extui %sign3A_354 : i1 to i32
      %sign3A_356 = arith.subi %sign3A_352, %sign3A_355 : i32
      %ne3A = arith.cmpi ne, %sign3A_349, %sign3A_356 : i32
      %rem3A = arith.remsi %add3A_342, %jit3A_343 : i32
      %ne3A_357 = arith.constant 0 : i32
      %ne3A_358 = arith.cmpi ne, %rem3A, %ne3A_357 : i32
      %and3A = arith.andi %ne3A, %ne3A_358 : i1
      %sub3A_359 = arith.constant 1 : i32
      %sub3A_360 = arith.subi %div3A, %sub3A_359 : i32
      %select_n3A_361 = arith.select %and3A, %sub3A_360, %div3A : i32
      %mul3A_362 = arith.constant 16 : i32
      %mul3A_363 = arith.muli %select_n3A_361, %mul3A_362 : i32
      %get3A_364 = arith.index_cast %mul3A_363 : i32 to index
      %get3A_365 = tpu.vector_load %arg7[%get3A_364] {strides = array<i32>} : memref<4096xi32, #tpu.memory_space<vmem>>, vector<16xi32>,
      %reduce_sum3A_366 = arith.constant true
      %reduce_sum3A_367 = vector.broadcast %reduce_sum3A_366 : i1 to vector<16xi1>
      %reduce_sum3A_368 = tpu.scan <sum>, %get3A_365 masked %reduce_sum3A_367 : vector<16xi32>, vector<16xi1> -> vector<16xi32>
      %reduce_sum3A_369 = vector.extract %reduce_sum3A_368[15] : i32 from vector<16xi32>
      %ge3A = arith.cmpi sge, %reduce_sum3A_369, %sub3A_35 : i32
      %add3A_370 = arith.constant 1 : i32
      %add3A_371 = arith.addi %select_n3A_361, %add3A_370 : i32
      %select_n3A_372 = arith.select %ge3A, %scan3A_340, %add3A_371 : i32
      %select_n3A_373 = arith.select %ge3A, %select_n3A_361, %scan3A_341 : i32
      scf.yield %select_n3A_372, %select_n3A_373 : i32, i32
    }
    %scan3A_58 = arith.constant 8 : i32
    %sub3A_59 = arith.constant 1 : i32
    %sub3A_60 = arith.subi %scan3A_57#0, %sub3A_59 : i32
    %max3A_61 = arith.constant 0 : i32
    %max3A_62 = arith.maxsi %sub3A_60, %max3A_61 : i32
    %gt3A_63 = arith.constant 0 : i32
    %gt3A_64 = arith.cmpi sgt, %scan3A_57#0, %gt3A_63 : i32
    %mul3A_65 = arith.constant 16 : i32
    %mul3A_66 = arith.muli %max3A_62, %mul3A_65 : i32
    %get3A_67 = arith.index_cast %mul3A_66 : i32 to index
    %get3A_68 = tpu.vector_load %arg7[%get3A_67] {strides = array<i32>} : memref<4096xi32, #tpu.memory_space<vmem>>, vector<16xi32>,
    %reduce_sum3A_69 = arith.constant true
    %reduce_sum3A_70 = vector.broadcast %reduce_sum3A_69 : i1 to vector<16xi1>
    %reduce_sum3A_71 = tpu.scan <sum>, %get3A_68 masked %reduce_sum3A_70 : vector<16xi32>, vector<16xi1> -> vector<16xi32>
    %reduce_sum3A_72 = vector.extract %reduce_sum3A_71[15] : i32 from vector<16xi32>
    %jit3A_73 = arith.constant 0 : i32
    %select_n3A_74 = arith.select %gt3A_64, %reduce_sum3A_72, %jit3A_73 : i32
    %sub3A_75 = arith.subi %sub3A_35, %select_n3A_74 : i32
    %shift_left3A_76 = arith.constant 16 : i32
    %shift_left3A_77 = arith.shli %scan3A_57#0, %shift_left3A_76 : i32
    %or3A_78 = arith.ori %or3A_37, %shift_left3A_77 : i32
    %parallel_loop3A_79 = arith.constant 0 : i32
    %parallel_loop3A_80 = arith.constant 256 : i32
    %parallel_loop3A_81 = arith.constant 1 : i32
    scf.for %parallel_loop3A_339 = %parallel_loop3A_79 to %parallel_loop3A_80 step %parallel_loop3A_81  : i32 {
      %parallel_loop3A_340 = arith.constant 16 : i32
      %parallel_loop3A_341 = arith.muli %parallel_loop3A_339, %parallel_loop3A_340 : i32
      %parallel_loop3A_342 = arith.index_cast %parallel_loop3A_341 : i32 to index
      %parallel_loop3A_343 = tpu.vector_load %arg6[%parallel_loop3A_342] {strides = array<i32>} : memref<4096xi32, #tpu.memory_space<vmem>>, vector<16xi32>,
      tpu.vector_store %arg6[%parallel_loop3A_342], %broadcast_in_dim3A_5 {strides = array<i32>} : memref<4096xi32, #tpu.memory_space<vmem>>, vector<16xi32>,
    } {sc.loop_unroll_factor = 8 : i64, sc.parallel_access}
    %shift_right_arithmetic3A_82 = arith.constant 16 : i32
    %shift_right_arithmetic3A_83 = arith.shrsi %or3A_78, %shift_right_arithmetic3A_82 : i32
    %parallel_loop3A_84 = arith.constant 0 : i32
    %parallel_loop3A_85 = arith.constant 980 : i32
    %parallel_loop3A_86 = arith.constant 1 : i32
    scf.for %parallel_loop3A_339 = %parallel_loop3A_84 to %parallel_loop3A_85 step %parallel_loop3A_86  : i32 {
      %parallel_loop3A_340 = arith.constant 16 : i32
      %parallel_loop3A_341 = arith.muli %parallel_loop3A_339, %parallel_loop3A_340 : i32
      %parallel_loop3A_342 = arith.index_cast %parallel_loop3A_341 : i32 to index
      %parallel_loop3A_343 = tpu.vector_load %arg5[%parallel_loop3A_342] {strides = array<i32>} : memref<15680xi32, #tpu.memory_space<vmem>>, vector<16xi32>,
      %parallel_loop3A_344 = arith.constant 8 : i32
      %parallel_loop3A_345 = vector.broadcast %parallel_loop3A_344 : i32 to vector<16xi32>
      %parallel_loop3A_346 = arith.shrsi %parallel_loop3A_343, %parallel_loop3A_345 : vector<16xi32>
      %parallel_loop3A_347 = arith.constant 255 : i32
      %parallel_loop3A_348 = vector.broadcast %parallel_loop3A_347 : i32 to vector<16xi32>
      %parallel_loop3A_349 = arith.andi %parallel_loop3A_346, %parallel_loop3A_348 : vector<16xi32>
      %parallel_loop3A_350 = arith.constant 16 : i32
      %parallel_loop3A_351 = vector.broadcast %parallel_loop3A_350 : i32 to vector<16xi32>
      %parallel_loop3A_352 = arith.shrsi %parallel_loop3A_343, %parallel_loop3A_351 : vector<16xi32>
      %parallel_loop3A_353 = vector.broadcast %shift_right_arithmetic3A_83 : i32 to vector<16xi32>
      %parallel_loop3A_354 = arith.cmpi eq, %parallel_loop3A_352, %parallel_loop3A_353 : vector<16xi32>
      %parallel_loop3A_355 = arith.constant 16 : i32
      %parallel_loop3A_356 = vector.broadcast %parallel_loop3A_355 : i32 to vector<16xi32>
      %parallel_loop3A_357 = arith.muli %parallel_loop3A_349, %parallel_loop3A_356 : vector<16xi32>
      %parallel_loop3A_358 = arith.addi %parallel_loop3A_357, %iota3A : vector<16xi32>
      tpu.vector_store_idx %arg6[%parallel_loop3A_358], %broadcast_in_dim3A_3 masked %parallel_loop3A_354 {add = true} : memref<4096xi32, #tpu.memory_space<vmem>>[vector<16xi32>], vector<16xi32>, vector<16xi1>
    } {sc.loop_unroll_factor = 4 : i64, sc.parallel_access}
    %scan3A_87 = arith.constant 0 : i32
    %scan3A_88 = arith.constant 64 : i32
    %scan3A_89 = arith.addi %scan3A_87, %scan3A_88 : i32
    %scan3A_90 = arith.constant 1 : i32
    %scan3A_91 = scf.for %scan3A_339 = %scan3A_87 to %scan3A_89 step %scan3A_90 iter_args(%scan3A_340 = %broadcast_in_dim3A_5) -> (vector<16xi32>)  : i32 {
      %mul3A_341 = arith.constant 4 : i32
      %mul3A_342 = arith.muli %scan3A_339, %mul3A_341 : i32
      %add3A_343 = arith.constant 0 : i32
      %add3A_344 = arith.addi %mul3A_342, %add3A_343 : i32
      %mul3A_345 = arith.constant 16 : i32
      %mul3A_346 = arith.muli %add3A_344, %mul3A_345 : i32
      %get3A_347 = arith.index_cast %mul3A_346 : i32 to index
      %get3A_348 = tpu.vector_load %arg6[%get3A_347] {strides = array<i32>} : memref<4096xi32, #tpu.memory_space<vmem>>, vector<16xi32>,
      %add3A_349 = arith.addi %scan3A_340, %get3A_348 : vector<16xi32>
      %mul3A_350 = arith.constant 4 : i32
      %mul3A_351 = arith.muli %scan3A_339, %mul3A_350 : i32
      %add3A_352 = arith.constant 0 : i32
      %add3A_353 = arith.addi %mul3A_351, %add3A_352 : i32
      %mul3A_354 = arith.constant 16 : i32
      %mul3A_355 = arith.muli %add3A_353, %mul3A_354 : i32
      %swap3A_356 = arith.index_cast %mul3A_355 : i32 to index
      %swap3A_357 = tpu.vector_load %arg7[%swap3A_356] {strides = array<i32>} : memref<4096xi32, #tpu.memory_space<vmem>>, vector<16xi32>,
      tpu.vector_store %arg7[%swap3A_356], %add3A_349 {strides = array<i32>} : memref<4096xi32, #tpu.memory_space<vmem>>, vector<16xi32>,
      %mul3A_358 = arith.constant 4 : i32
      %mul3A_359 = arith.muli %scan3A_339, %mul3A_358 : i32
      %add3A_360 = arith.constant 1 : i32
      %add3A_361 = arith.addi %mul3A_359, %add3A_360 : i32
      %mul3A_362 = arith.constant 16 : i32
      %mul3A_363 = arith.muli %add3A_361, %mul3A_362 : i32
      %get3A_364 = arith.index_cast %mul3A_363 : i32 to index
      %get3A_365 = tpu.vector_load %arg6[%get3A_364] {strides = array<i32>} : memref<4096xi32, #tpu.memory_space<vmem>>, vector<16xi32>,
      %add3A_366 = arith.addi %add3A_349, %get3A_365 : vector<16xi32>
      %mul3A_367 = arith.constant 4 : i32
      %mul3A_368 = arith.muli %scan3A_339, %mul3A_367 : i32
      %add3A_369 = arith.constant 1 : i32
      %add3A_370 = arith.addi %mul3A_368, %add3A_369 : i32
      %mul3A_371 = arith.constant 16 : i32
      %mul3A_372 = arith.muli %add3A_370, %mul3A_371 : i32
      %swap3A_373 = arith.index_cast %mul3A_372 : i32 to index
      %swap3A_374 = tpu.vector_load %arg7[%swap3A_373] {strides = array<i32>} : memref<4096xi32, #tpu.memory_space<vmem>>, vector<16xi32>,
      tpu.vector_store %arg7[%swap3A_373], %add3A_366 {strides = array<i32>} : memref<4096xi32, #tpu.memory_space<vmem>>, vector<16xi32>,
      %mul3A_375 = arith.constant 4 : i32
      %mul3A_376 = arith.muli %scan3A_339, %mul3A_375 : i32
      %add3A_377 = arith.constant 2 : i32
      %add3A_378 = arith.addi %mul3A_376, %add3A_377 : i32
      %mul3A_379 = arith.constant 16 : i32
      %mul3A_380 = arith.muli %add3A_378, %mul3A_379 : i32
      %get3A_381 = arith.index_cast %mul3A_380 : i32 to index
      %get3A_382 = tpu.vector_load %arg6[%get3A_381] {strides = array<i32>} : memref<4096xi32, #tpu.memory_space<vmem>>, vector<16xi32>,
      %add3A_383 = arith.addi %add3A_366, %get3A_382 : vector<16xi32>
      %mul3A_384 = arith.constant 4 : i32
      %mul3A_385 = arith.muli %scan3A_339, %mul3A_384 : i32
      %add3A_386 = arith.constant 2 : i32
      %add3A_387 = arith.addi %mul3A_385, %add3A_386 : i32
      %mul3A_388 = arith.constant 16 : i32
      %mul3A_389 = arith.muli %add3A_387, %mul3A_388 : i32
      %swap3A_390 = arith.index_cast %mul3A_389 : i32 to index
      %swap3A_391 = tpu.vector_load %arg7[%swap3A_390] {strides = array<i32>} : memref<4096xi32, #tpu.memory_space<vmem>>, vector<16xi32>,
      tpu.vector_store %arg7[%swap3A_390], %add3A_383 {strides = array<i32>} : memref<4096xi32, #tpu.memory_space<vmem>>, vector<16xi32>,
      %mul3A_392 = arith.constant 4 : i32
      %mul3A_393 = arith.muli %scan3A_339, %mul3A_392 : i32
      %add3A_394 = arith.constant 3 : i32
      %add3A_395 = arith.addi %mul3A_393, %add3A_394 : i32
      %mul3A_396 = arith.constant 16 : i32
      %mul3A_397 = arith.muli %add3A_395, %mul3A_396 : i32
      %get3A_398 = arith.index_cast %mul3A_397 : i32 to index
      %get3A_399 = tpu.vector_load %arg6[%get3A_398] {strides = array<i32>} : memref<4096xi32, #tpu.memory_space<vmem>>, vector<16xi32>,
      %add3A_400 = arith.addi %add3A_383, %get3A_399 : vector<16xi32>
      %mul3A_401 = arith.constant 4 : i32
      %mul3A_402 = arith.muli %scan3A_339, %mul3A_401 : i32
      %add3A_403 = arith.constant 3 : i32
      %add3A_404 = arith.addi %mul3A_402, %add3A_403 : i32
      %mul3A_405 = arith.constant 16 : i32
      %mul3A_406 = arith.muli %add3A_404, %mul3A_405 : i32
      %swap3A_407 = arith.index_cast %mul3A_406 : i32 to index
      %swap3A_408 = tpu.vector_load %arg7[%swap3A_407] {strides = array<i32>} : memref<4096xi32, #tpu.memory_space<vmem>>, vector<16xi32>,
      tpu.vector_store %arg7[%swap3A_407], %add3A_400 {strides = array<i32>} : memref<4096xi32, #tpu.memory_space<vmem>>, vector<16xi32>,
      scf.yield %add3A_400 : vector<16xi32>
    }
    %scan3A_92 = arith.constant 64 : i32
    %scan3A_93 = arith.constant 0 : i32
    %scan3A_94 = arith.constant 255 : i32
    %scan3A_95 = arith.constant 0 : i32
    %scan3A_96 = arith.constant 8 : i32
    %scan3A_97 = arith.addi %scan3A_95, %scan3A_96 : i32
    %scan3A_98 = arith.constant 1 : i32
    %scan3A_99:2 = scf.for %scan3A_339 = %scan3A_95 to %scan3A_97 step %scan3A_98 iter_args(%scan3A_340 = %scan3A_93, %scan3A_341 = %scan3A_94) -> (i32, i32)  : i32 {
      %add3A_342 = arith.addi %scan3A_340, %scan3A_341 : i32
      %jit3A_343 = arith.constant 2 : i32
      %div3A = arith.divsi %add3A_342, %jit3A_343 : i32
      %sign3A = arith.constant 0 : i32
      %sign3A_344 = arith.cmpi sgt, %add3A_342, %sign3A : i32
      %sign3A_345 = arith.extui %sign3A_344 : i1 to i32
      %sign3A_346 = arith.constant 0 : i32
      %sign3A_347 = arith.cmpi slt, %add3A_342, %sign3A_346 : i32
      %sign3A_348 = arith.extui %sign3A_347 : i1 to i32
      %sign3A_349 = arith.subi %sign3A_345, %sign3A_348 : i32
      %sign3A_350 = arith.constant 0 : i32
      %sign3A_351 = arith.cmpi sgt, %jit3A_343, %sign3A_350 : i32
      %sign3A_352 = arith.extui %sign3A_351 : i1 to i32
      %sign3A_353 = arith.constant 0 : i32
      %sign3A_354 = arith.cmpi slt, %jit3A_343, %sign3A_353 : i32
      %sign3A_355 = arith.extui %sign3A_354 : i1 to i32
      %sign3A_356 = arith.subi %sign3A_352, %sign3A_355 : i32
      %ne3A = arith.cmpi ne, %sign3A_349, %sign3A_356 : i32
      %rem3A = arith.remsi %add3A_342, %jit3A_343 : i32
      %ne3A_357 = arith.constant 0 : i32
      %ne3A_358 = arith.cmpi ne, %rem3A, %ne3A_357 : i32
      %and3A = arith.andi %ne3A, %ne3A_358 : i1
      %sub3A_359 = arith.constant 1 : i32
      %sub3A_360 = arith.subi %div3A, %sub3A_359 : i32
      %select_n3A_361 = arith.select %and3A, %sub3A_360, %div3A : i32
      %mul3A_362 = arith.constant 16 : i32
      %mul3A_363 = arith.muli %select_n3A_361, %mul3A_362 : i32
      %get3A_364 = arith.index_cast %mul3A_363 : i32 to index
      %get3A_365 = tpu.vector_load %arg7[%get3A_364] {strides = array<i32>} : memref<4096xi32, #tpu.memory_space<vmem>>, vector<16xi32>,
      %reduce_sum3A_366 = arith.constant true
      %reduce_sum3A_367 = vector.broadcast %reduce_sum3A_366 : i1 to vector<16xi1>
      %reduce_sum3A_368 = tpu.scan <sum>, %get3A_365 masked %reduce_sum3A_367 : vector<16xi32>, vector<16xi1> -> vector<16xi32>
      %reduce_sum3A_369 = vector.extract %reduce_sum3A_368[15] : i32 from vector<16xi32>
      %ge3A = arith.cmpi sge, %reduce_sum3A_369, %sub3A_75 : i32
      %add3A_370 = arith.constant 1 : i32
      %add3A_371 = arith.addi %select_n3A_361, %add3A_370 : i32
      %select_n3A_372 = arith.select %ge3A, %scan3A_340, %add3A_371 : i32
      %select_n3A_373 = arith.select %ge3A, %select_n3A_361, %scan3A_341 : i32
      scf.yield %select_n3A_372, %select_n3A_373 : i32, i32
    }
    %scan3A_100 = arith.constant 8 : i32
    %sub3A_101 = arith.constant 1 : i32
    %sub3A_102 = arith.subi %scan3A_99#0, %sub3A_101 : i32
    %max3A_103 = arith.constant 0 : i32
    %max3A_104 = arith.maxsi %sub3A_102, %max3A_103 : i32
    %gt3A_105 = arith.constant 0 : i32
    %gt3A_106 = arith.cmpi sgt, %scan3A_99#0, %gt3A_105 : i32
    %mul3A_107 = arith.constant 16 : i32
    %mul3A_108 = arith.muli %max3A_104, %mul3A_107 : i32
    %get3A_109 = arith.index_cast %mul3A_108 : i32 to index
    %get3A_110 = tpu.vector_load %arg7[%get3A_109] {strides = array<i32>} : memref<4096xi32, #tpu.memory_space<vmem>>, vector<16xi32>,
    %reduce_sum3A_111 = arith.constant true
    %reduce_sum3A_112 = vector.broadcast %reduce_sum3A_111 : i1 to vector<16xi1>
    %reduce_sum3A_113 = tpu.scan <sum>, %get3A_110 masked %reduce_sum3A_112 : vector<16xi32>, vector<16xi1> -> vector<16xi32>
    %reduce_sum3A_114 = vector.extract %reduce_sum3A_113[15] : i32 from vector<16xi32>
    %jit3A_115 = arith.constant 0 : i32
    %select_n3A_116 = arith.select %gt3A_106, %reduce_sum3A_114, %jit3A_115 : i32
    %sub3A_117 = arith.subi %sub3A_75, %select_n3A_116 : i32
    %shift_left3A_118 = arith.constant 8 : i32
    %shift_left3A_119 = arith.shli %scan3A_99#0, %shift_left3A_118 : i32
    %or3A_120 = arith.ori %or3A_78, %shift_left3A_119 : i32
    %parallel_loop3A_121 = arith.constant 0 : i32
    %parallel_loop3A_122 = arith.constant 256 : i32
    %parallel_loop3A_123 = arith.constant 1 : i32
    scf.for %parallel_loop3A_339 = %parallel_loop3A_121 to %parallel_loop3A_122 step %parallel_loop3A_123  : i32 {
      %parallel_loop3A_340 = arith.constant 16 : i32
      %parallel_loop3A_341 = arith.muli %parallel_loop3A_339, %parallel_loop3A_340 : i32
      %parallel_loop3A_342 = arith.index_cast %parallel_loop3A_341 : i32 to index
      %parallel_loop3A_343 = tpu.vector_load %arg6[%parallel_loop3A_342] {strides = array<i32>} : memref<4096xi32, #tpu.memory_space<vmem>>, vector<16xi32>,
      tpu.vector_store %arg6[%parallel_loop3A_342], %broadcast_in_dim3A_5 {strides = array<i32>} : memref<4096xi32, #tpu.memory_space<vmem>>, vector<16xi32>,
    } {sc.loop_unroll_factor = 8 : i64, sc.parallel_access}
    %shift_right_arithmetic3A_124 = arith.constant 8 : i32
    %shift_right_arithmetic3A_125 = arith.shrsi %or3A_120, %shift_right_arithmetic3A_124 : i32
    %parallel_loop3A_126 = arith.constant 0 : i32
    %parallel_loop3A_127 = arith.constant 980 : i32
    %parallel_loop3A_128 = arith.constant 1 : i32
    scf.for %parallel_loop3A_339 = %parallel_loop3A_126 to %parallel_loop3A_127 step %parallel_loop3A_128  : i32 {
      %parallel_loop3A_340 = arith.constant 16 : i32
      %parallel_loop3A_341 = arith.muli %parallel_loop3A_339, %parallel_loop3A_340 : i32
      %parallel_loop3A_342 = arith.index_cast %parallel_loop3A_341 : i32 to index
      %parallel_loop3A_343 = tpu.vector_load %arg5[%parallel_loop3A_342] {strides = array<i32>} : memref<15680xi32, #tpu.memory_space<vmem>>, vector<16xi32>,
      %parallel_loop3A_344 = arith.constant 0 : i32
      %parallel_loop3A_345 = vector.broadcast %parallel_loop3A_344 : i32 to vector<16xi32>
      %parallel_loop3A_346 = arith.shrsi %parallel_loop3A_343, %parallel_loop3A_345 : vector<16xi32>
      %parallel_loop3A_347 = arith.constant 255 : i32
      %parallel_loop3A_348 = vector.broadcast %parallel_loop3A_347 : i32 to vector<16xi32>
      %parallel_loop3A_349 = arith.andi %parallel_loop3A_346, %parallel_loop3A_348 : vector<16xi32>
      %parallel_loop3A_350 = arith.constant 8 : i32
      %parallel_loop3A_351 = vector.broadcast %parallel_loop3A_350 : i32 to vector<16xi32>
      %parallel_loop3A_352 = arith.shrsi %parallel_loop3A_343, %parallel_loop3A_351 : vector<16xi32>
      %parallel_loop3A_353 = vector.broadcast %shift_right_arithmetic3A_125 : i32 to vector<16xi32>
      %parallel_loop3A_354 = arith.cmpi eq, %parallel_loop3A_352, %parallel_loop3A_353 : vector<16xi32>
      %parallel_loop3A_355 = arith.constant 16 : i32
      %parallel_loop3A_356 = vector.broadcast %parallel_loop3A_355 : i32 to vector<16xi32>
      %parallel_loop3A_357 = arith.muli %parallel_loop3A_349, %parallel_loop3A_356 : vector<16xi32>
      %parallel_loop3A_358 = arith.addi %parallel_loop3A_357, %iota3A : vector<16xi32>
      tpu.vector_store_idx %arg6[%parallel_loop3A_358], %broadcast_in_dim3A_3 masked %parallel_loop3A_354 {add = true} : memref<4096xi32, #tpu.memory_space<vmem>>[vector<16xi32>], vector<16xi32>, vector<16xi1>
    } {sc.loop_unroll_factor = 4 : i64, sc.parallel_access}
    %scan3A_129 = arith.constant 0 : i32
    %scan3A_130 = arith.constant 64 : i32
    %scan3A_131 = arith.addi %scan3A_129, %scan3A_130 : i32
    %scan3A_132 = arith.constant 1 : i32
    %scan3A_133 = scf.for %scan3A_339 = %scan3A_129 to %scan3A_131 step %scan3A_132 iter_args(%scan3A_340 = %broadcast_in_dim3A_5) -> (vector<16xi32>)  : i32 {
      %mul3A_341 = arith.constant 4 : i32
      %mul3A_342 = arith.muli %scan3A_339, %mul3A_341 : i32
      %add3A_343 = arith.constant 0 : i32
      %add3A_344 = arith.addi %mul3A_342, %add3A_343 : i32
      %mul3A_345 = arith.constant 16 : i32
      %mul3A_346 = arith.muli %add3A_344, %mul3A_345 : i32
      %get3A_347 = arith.index_cast %mul3A_346 : i32 to index
      %get3A_348 = tpu.vector_load %arg6[%get3A_347] {strides = array<i32>} : memref<4096xi32, #tpu.memory_space<vmem>>, vector<16xi32>,
      %add3A_349 = arith.addi %scan3A_340, %get3A_348 : vector<16xi32>
      %mul3A_350 = arith.constant 4 : i32
      %mul3A_351 = arith.muli %scan3A_339, %mul3A_350 : i32
      %add3A_352 = arith.constant 0 : i32
      %add3A_353 = arith.addi %mul3A_351, %add3A_352 : i32
      %mul3A_354 = arith.constant 16 : i32
      %mul3A_355 = arith.muli %add3A_353, %mul3A_354 : i32
      %swap3A_356 = arith.index_cast %mul3A_355 : i32 to index
      %swap3A_357 = tpu.vector_load %arg7[%swap3A_356] {strides = array<i32>} : memref<4096xi32, #tpu.memory_space<vmem>>, vector<16xi32>,
      tpu.vector_store %arg7[%swap3A_356], %add3A_349 {strides = array<i32>} : memref<4096xi32, #tpu.memory_space<vmem>>, vector<16xi32>,
      %mul3A_358 = arith.constant 4 : i32
      %mul3A_359 = arith.muli %scan3A_339, %mul3A_358 : i32
      %add3A_360 = arith.constant 1 : i32
      %add3A_361 = arith.addi %mul3A_359, %add3A_360 : i32
      %mul3A_362 = arith.constant 16 : i32
      %mul3A_363 = arith.muli %add3A_361, %mul3A_362 : i32
      %get3A_364 = arith.index_cast %mul3A_363 : i32 to index
      %get3A_365 = tpu.vector_load %arg6[%get3A_364] {strides = array<i32>} : memref<4096xi32, #tpu.memory_space<vmem>>, vector<16xi32>,
      %add3A_366 = arith.addi %add3A_349, %get3A_365 : vector<16xi32>
      %mul3A_367 = arith.constant 4 : i32
      %mul3A_368 = arith.muli %scan3A_339, %mul3A_367 : i32
      %add3A_369 = arith.constant 1 : i32
      %add3A_370 = arith.addi %mul3A_368, %add3A_369 : i32
      %mul3A_371 = arith.constant 16 : i32
      %mul3A_372 = arith.muli %add3A_370, %mul3A_371 : i32
      %swap3A_373 = arith.index_cast %mul3A_372 : i32 to index
      %swap3A_374 = tpu.vector_load %arg7[%swap3A_373] {strides = array<i32>} : memref<4096xi32, #tpu.memory_space<vmem>>, vector<16xi32>,
      tpu.vector_store %arg7[%swap3A_373], %add3A_366 {strides = array<i32>} : memref<4096xi32, #tpu.memory_space<vmem>>, vector<16xi32>,
      %mul3A_375 = arith.constant 4 : i32
      %mul3A_376 = arith.muli %scan3A_339, %mul3A_375 : i32
      %add3A_377 = arith.constant 2 : i32
      %add3A_378 = arith.addi %mul3A_376, %add3A_377 : i32
      %mul3A_379 = arith.constant 16 : i32
      %mul3A_380 = arith.muli %add3A_378, %mul3A_379 : i32
      %get3A_381 = arith.index_cast %mul3A_380 : i32 to index
      %get3A_382 = tpu.vector_load %arg6[%get3A_381] {strides = array<i32>} : memref<4096xi32, #tpu.memory_space<vmem>>, vector<16xi32>,
      %add3A_383 = arith.addi %add3A_366, %get3A_382 : vector<16xi32>
      %mul3A_384 = arith.constant 4 : i32
      %mul3A_385 = arith.muli %scan3A_339, %mul3A_384 : i32
      %add3A_386 = arith.constant 2 : i32
      %add3A_387 = arith.addi %mul3A_385, %add3A_386 : i32
      %mul3A_388 = arith.constant 16 : i32
      %mul3A_389 = arith.muli %add3A_387, %mul3A_388 : i32
      %swap3A_390 = arith.index_cast %mul3A_389 : i32 to index
      %swap3A_391 = tpu.vector_load %arg7[%swap3A_390] {strides = array<i32>} : memref<4096xi32, #tpu.memory_space<vmem>>, vector<16xi32>,
      tpu.vector_store %arg7[%swap3A_390], %add3A_383 {strides = array<i32>} : memref<4096xi32, #tpu.memory_space<vmem>>, vector<16xi32>,
      %mul3A_392 = arith.constant 4 : i32
      %mul3A_393 = arith.muli %scan3A_339, %mul3A_392 : i32
      %add3A_394 = arith.constant 3 : i32
      %add3A_395 = arith.addi %mul3A_393, %add3A_394 : i32
      %mul3A_396 = arith.constant 16 : i32
      %mul3A_397 = arith.muli %add3A_395, %mul3A_396 : i32
      %get3A_398 = arith.index_cast %mul3A_397 : i32 to index
      %get3A_399 = tpu.vector_load %arg6[%get3A_398] {strides = array<i32>} : memref<4096xi32, #tpu.memory_space<vmem>>, vector<16xi32>,
      %add3A_400 = arith.addi %add3A_383, %get3A_399 : vector<16xi32>
      %mul3A_401 = arith.constant 4 : i32
      %mul3A_402 = arith.muli %scan3A_339, %mul3A_401 : i32
      %add3A_403 = arith.constant 3 : i32
      %add3A_404 = arith.addi %mul3A_402, %add3A_403 : i32
      %mul3A_405 = arith.constant 16 : i32
      %mul3A_406 = arith.muli %add3A_404, %mul3A_405 : i32
      %swap3A_407 = arith.index_cast %mul3A_406 : i32 to index
      %swap3A_408 = tpu.vector_load %arg7[%swap3A_407] {strides = array<i32>} : memref<4096xi32, #tpu.memory_space<vmem>>, vector<16xi32>,
      tpu.vector_store %arg7[%swap3A_407], %add3A_400 {strides = array<i32>} : memref<4096xi32, #tpu.memory_space<vmem>>, vector<16xi32>,
      scf.yield %add3A_400 : vector<16xi32>
    }
    %scan3A_134 = arith.constant 64 : i32
    %scan3A_135 = arith.constant 0 : i32
    %scan3A_136 = arith.constant 255 : i32
    %scan3A_137 = arith.constant 0 : i32
    %scan3A_138 = arith.constant 8 : i32
    %scan3A_139 = arith.addi %scan3A_137, %scan3A_138 : i32
    %scan3A_140 = arith.constant 1 : i32
    %scan3A_141:2 = scf.for %scan3A_339 = %scan3A_137 to %scan3A_139 step %scan3A_140 iter_args(%scan3A_340 = %scan3A_135, %scan3A_341 = %scan3A_136) -> (i32, i32)  : i32 {
      %add3A_342 = arith.addi %scan3A_340, %scan3A_341 : i32
      %jit3A_343 = arith.constant 2 : i32
      %div3A = arith.divsi %add3A_342, %jit3A_343 : i32
      %sign3A = arith.constant 0 : i32
      %sign3A_344 = arith.cmpi sgt, %add3A_342, %sign3A : i32
      %sign3A_345 = arith.extui %sign3A_344 : i1 to i32
      %sign3A_346 = arith.constant 0 : i32
      %sign3A_347 = arith.cmpi slt, %add3A_342, %sign3A_346 : i32
      %sign3A_348 = arith.extui %sign3A_347 : i1 to i32
      %sign3A_349 = arith.subi %sign3A_345, %sign3A_348 : i32
      %sign3A_350 = arith.constant 0 : i32
      %sign3A_351 = arith.cmpi sgt, %jit3A_343, %sign3A_350 : i32
      %sign3A_352 = arith.extui %sign3A_351 : i1 to i32
      %sign3A_353 = arith.constant 0 : i32
      %sign3A_354 = arith.cmpi slt, %jit3A_343, %sign3A_353 : i32
      %sign3A_355 = arith.extui %sign3A_354 : i1 to i32
      %sign3A_356 = arith.subi %sign3A_352, %sign3A_355 : i32
      %ne3A = arith.cmpi ne, %sign3A_349, %sign3A_356 : i32
      %rem3A = arith.remsi %add3A_342, %jit3A_343 : i32
      %ne3A_357 = arith.constant 0 : i32
      %ne3A_358 = arith.cmpi ne, %rem3A, %ne3A_357 : i32
      %and3A = arith.andi %ne3A, %ne3A_358 : i1
      %sub3A_359 = arith.constant 1 : i32
      %sub3A_360 = arith.subi %div3A, %sub3A_359 : i32
      %select_n3A_361 = arith.select %and3A, %sub3A_360, %div3A : i32
      %mul3A_362 = arith.constant 16 : i32
      %mul3A_363 = arith.muli %select_n3A_361, %mul3A_362 : i32
      %get3A_364 = arith.index_cast %mul3A_363 : i32 to index
      %get3A_365 = tpu.vector_load %arg7[%get3A_364] {strides = array<i32>} : memref<4096xi32, #tpu.memory_space<vmem>>, vector<16xi32>,
      %reduce_sum3A_366 = arith.constant true
      %reduce_sum3A_367 = vector.broadcast %reduce_sum3A_366 : i1 to vector<16xi1>
      %reduce_sum3A_368 = tpu.scan <sum>, %get3A_365 masked %reduce_sum3A_367 : vector<16xi32>, vector<16xi1> -> vector<16xi32>
      %reduce_sum3A_369 = vector.extract %reduce_sum3A_368[15] : i32 from vector<16xi32>
      %ge3A = arith.cmpi sge, %reduce_sum3A_369, %sub3A_117 : i32
      %add3A_370 = arith.constant 1 : i32
      %add3A_371 = arith.addi %select_n3A_361, %add3A_370 : i32
      %select_n3A_372 = arith.select %ge3A, %scan3A_340, %add3A_371 : i32
      %select_n3A_373 = arith.select %ge3A, %select_n3A_361, %scan3A_341 : i32
      scf.yield %select_n3A_372, %select_n3A_373 : i32, i32
    }
    %scan3A_142 = arith.constant 8 : i32
    %sub3A_143 = arith.constant 1 : i32
    %sub3A_144 = arith.subi %scan3A_141#0, %sub3A_143 : i32
    %max3A_145 = arith.constant 0 : i32
    %max3A_146 = arith.maxsi %sub3A_144, %max3A_145 : i32
    %gt3A_147 = arith.constant 0 : i32
    %gt3A_148 = arith.cmpi sgt, %scan3A_141#0, %gt3A_147 : i32
    %mul3A_149 = arith.constant 16 : i32
    %mul3A_150 = arith.muli %max3A_146, %mul3A_149 : i32
    %get3A_151 = arith.index_cast %mul3A_150 : i32 to index
    %get3A_152 = tpu.vector_load %arg7[%get3A_151] {strides = array<i32>} : memref<4096xi32, #tpu.memory_space<vmem>>, vector<16xi32>,
    %reduce_sum3A_153 = arith.constant true
    %reduce_sum3A_154 = vector.broadcast %reduce_sum3A_153 : i1 to vector<16xi1>
    %reduce_sum3A_155 = tpu.scan <sum>, %get3A_152 masked %reduce_sum3A_154 : vector<16xi32>, vector<16xi1> -> vector<16xi32>
    %reduce_sum3A_156 = vector.extract %reduce_sum3A_155[15] : i32 from vector<16xi32>
    %jit3A_157 = arith.constant 0 : i32
    %select_n3A_158 = arith.select %gt3A_148, %reduce_sum3A_156, %jit3A_157 : i32
    %sub3A_159 = arith.subi %sub3A_117, %select_n3A_158 : i32
    %shift_left3A_160 = arith.constant 0 : i32
    %shift_left3A_161 = arith.shli %scan3A_141#0, %shift_left3A_160 : i32
    %or3A_162 = arith.ori %or3A_120, %shift_left3A_161 : i32
    %scan3A_163 = arith.constant 0 : i32
    %scan3A_164 = arith.constant 0 : i32
    %scan3A_165 = arith.constant 0 : i32
    %scan3A_166 = arith.constant 245 : i32
    %scan3A_167 = arith.addi %scan3A_165, %scan3A_166 : i32
    %scan3A_168 = arith.constant 1 : i32
    %scan3A_169:2 = scf.for %scan3A_339 = %scan3A_165 to %scan3A_167 step %scan3A_168 iter_args(%scan3A_340 = %scan3A_163, %scan3A_341 = %scan3A_164) -> (i32, i32)  : i32 {
      %mul3A_342 = arith.constant 4 : i32
      %mul3A_343 = arith.muli %scan3A_339, %mul3A_342 : i32
      %add3A_344 = arith.constant 0 : i32
      %add3A_345 = arith.addi %mul3A_343, %add3A_344 : i32
      %mul3A_346 = arith.constant 16 : i32
      %mul3A_347 = arith.muli %add3A_345, %mul3A_346 : i32
      %get3A_348 = arith.index_cast %mul3A_347 : i32 to index
      %get3A_349 = tpu.vector_load %arg5[%get3A_348] {strides = array<i32>} : memref<15680xi32, #tpu.memory_space<vmem>>, vector<16xi32>,
      %lt3A_350 = vector.broadcast %or3A_162 : i32 to vector<16xi32>
      %lt3A_351 = arith.cmpi slt, %get3A_349, %lt3A_350 : vector<16xi32>
      %eq3A = vector.broadcast %or3A_162 : i32 to vector<16xi32>
      %eq3A_352 = arith.cmpi eq, %get3A_349, %eq3A : vector<16xi32>
      %add3A_353 = arith.constant 0 : i32
      %add3A_354 = arith.addi %add3A_353, %mul3A_2 : i32
      %mul3A_355 = arith.constant 16 : i32
      %mul3A_356 = arith.muli %add3A_345, %mul3A_355 : i32
      %add3A_357 = arith.addi %add3A_354, %mul3A_356 : i32
      %add3A_358 = vector.broadcast %add3A_357 : i32 to vector<16xi32>
      %add3A_359 = arith.addi %add3A_358, %iota3A : vector<16xi32>
      %swap3A_360 = arith.index_cast %scan3A_340 : i32 to index
      %swap3A_361 = tpu.vector_load %arg8[%swap3A_360] masked %lt3A_351 {strides = array<i32>} : memref<144xi32, #tpu.memory_space<vmem>>, vector<16xi32>, vector<16xi1>
      tpu.vector_store %arg8[%swap3A_360], %get3A_349 masked %lt3A_351 {strides = array<i32>} : memref<144xi32, #tpu.memory_space<vmem>>, vector<16xi32>, vector<16xi1>
      %swap3A_362 = arith.index_cast %scan3A_340 : i32 to index
      %swap3A_363 = tpu.vector_load %arg9[%swap3A_362] masked %lt3A_351 {strides = array<i32>} : memref<144xi32, #tpu.memory_space<vmem>>, vector<16xi32>, vector<16xi1>
      tpu.vector_store %arg9[%swap3A_362], %add3A_359 masked %lt3A_351 {strides = array<i32>} : memref<144xi32, #tpu.memory_space<vmem>>, vector<16xi32>, vector<16xi1>
      %swap3A_364 = arith.index_cast %scan3A_341 : i32 to index
      %swap3A_365 = tpu.vector_load %arg10[%swap3A_364] masked %eq3A_352 {strides = array<i32>} : memref<15696xi32, #tpu.memory_space<vmem>>, vector<16xi32>, vector<16xi1>
      tpu.vector_store %arg10[%swap3A_364], %add3A_359 masked %eq3A_352 {strides = array<i32>} : memref<15696xi32, #tpu.memory_space<vmem>>, vector<16xi32>, vector<16xi1>
      %all_reduce_population_count3A = tpu.all_reduce %lt3A_351 {dim = 0 : i64, kind = #tpu.reduction_kind<sum>} : vector<16xi1> -> vector<16xi32>
      %slice3A = vector.extract_strided_slice %all_reduce_population_count3A {offsets = [0], sizes = [1], strides = [1]} : vector<16xi32> to vector<1xi32>
      %squeeze3A = vector.extract %slice3A[0] : i32 from vector<1xi32>
      %add3A_366 = arith.addi %scan3A_340, %squeeze3A : i32
      %all_reduce_population_count3A_367 = tpu.all_reduce %eq3A_352 {dim = 0 : i64, kind = #tpu.reduction_kind<sum>} : vector<16xi1> -> vector<16xi32>
      %slice3A_368 = vector.extract_strided_slice %all_reduce_population_count3A_367 {offsets = [0], sizes = [1], strides = [1]} : vector<16xi32> to vector<1xi32>
      %squeeze3A_369 = vector.extract %slice3A_368[0] : i32 from vector<1xi32>
      %add3A_370 = arith.addi %scan3A_341, %squeeze3A_369 : i32
      %mul3A_371 = arith.constant 4 : i32
      %mul3A_372 = arith.muli %scan3A_339, %mul3A_371 : i32
      %add3A_373 = arith.constant 1 : i32
      %add3A_374 = arith.addi %mul3A_372, %add3A_373 : i32
      %mul3A_375 = arith.constant 16 : i32
      %mul3A_376 = arith.muli %add3A_374, %mul3A_375 : i32
      %get3A_377 = arith.index_cast %mul3A_376 : i32 to index
      %get3A_378 = tpu.vector_load %arg5[%get3A_377] {strides = array<i32>} : memref<15680xi32, #tpu.memory_space<vmem>>, vector<16xi32>,
      %lt3A_379 = vector.broadcast %or3A_162 : i32 to vector<16xi32>
      %lt3A_380 = arith.cmpi slt, %get3A_378, %lt3A_379 : vector<16xi32>
      %eq3A_381 = vector.broadcast %or3A_162 : i32 to vector<16xi32>
      %eq3A_382 = arith.cmpi eq, %get3A_378, %eq3A_381 : vector<16xi32>
      %add3A_383 = arith.constant 0 : i32
      %add3A_384 = arith.addi %add3A_383, %mul3A_2 : i32
      %mul3A_385 = arith.constant 16 : i32
      %mul3A_386 = arith.muli %add3A_374, %mul3A_385 : i32
      %add3A_387 = arith.addi %add3A_384, %mul3A_386 : i32
      %add3A_388 = vector.broadcast %add3A_387 : i32 to vector<16xi32>
      %add3A_389 = arith.addi %add3A_388, %iota3A : vector<16xi32>
      %swap3A_390 = arith.index_cast %add3A_366 : i32 to index
      %swap3A_391 = tpu.vector_load %arg8[%swap3A_390] masked %lt3A_380 {strides = array<i32>} : memref<144xi32, #tpu.memory_space<vmem>>, vector<16xi32>, vector<16xi1>
      tpu.vector_store %arg8[%swap3A_390], %get3A_378 masked %lt3A_380 {strides = array<i32>} : memref<144xi32, #tpu.memory_space<vmem>>, vector<16xi32>, vector<16xi1>
      %swap3A_392 = arith.index_cast %add3A_366 : i32 to index
      %swap3A_393 = tpu.vector_load %arg9[%swap3A_392] masked %lt3A_380 {strides = array<i32>} : memref<144xi32, #tpu.memory_space<vmem>>, vector<16xi32>, vector<16xi1>
      tpu.vector_store %arg9[%swap3A_392], %add3A_389 masked %lt3A_380 {strides = array<i32>} : memref<144xi32, #tpu.memory_space<vmem>>, vector<16xi32>, vector<16xi1>
      %swap3A_394 = arith.index_cast %add3A_370 : i32 to index
      %swap3A_395 = tpu.vector_load %arg10[%swap3A_394] masked %eq3A_382 {strides = array<i32>} : memref<15696xi32, #tpu.memory_space<vmem>>, vector<16xi32>, vector<16xi1>
      tpu.vector_store %arg10[%swap3A_394], %add3A_389 masked %eq3A_382 {strides = array<i32>} : memref<15696xi32, #tpu.memory_space<vmem>>, vector<16xi32>, vector<16xi1>
      %all_reduce_population_count3A_396 = tpu.all_reduce %lt3A_380 {dim = 0 : i64, kind = #tpu.reduction_kind<sum>} : vector<16xi1> -> vector<16xi32>
      %slice3A_397 = vector.extract_strided_slice %all_reduce_population_count3A_396 {offsets = [0], sizes = [1], strides = [1]} : vector<16xi32> to vector<1xi32>
      %squeeze3A_398 = vector.extract %slice3A_397[0] : i32 from vector<1xi32>
      %add3A_399 = arith.addi %add3A_366, %squeeze3A_398 : i32
      %all_reduce_population_count3A_400 = tpu.all_reduce %eq3A_382 {dim = 0 : i64, kind = #tpu.reduction_kind<sum>} : vector<16xi1> -> vector<16xi32>
      %slice3A_401 = vector.extract_strided_slice %all_reduce_population_count3A_400 {offsets = [0], sizes = [1], strides = [1]} : vector<16xi32> to vector<1xi32>
      %squeeze3A_402 = vector.extract %slice3A_401[0] : i32 from vector<1xi32>
      %add3A_403 = arith.addi %add3A_370, %squeeze3A_402 : i32
      %mul3A_404 = arith.constant 4 : i32
      %mul3A_405 = arith.muli %scan3A_339, %mul3A_404 : i32
      %add3A_406 = arith.constant 2 : i32
      %add3A_407 = arith.addi %mul3A_405, %add3A_406 : i32
      %mul3A_408 = arith.constant 16 : i32
      %mul3A_409 = arith.muli %add3A_407, %mul3A_408 : i32
      %get3A_410 = arith.index_cast %mul3A_409 : i32 to index
      %get3A_411 = tpu.vector_load %arg5[%get3A_410] {strides = array<i32>} : memref<15680xi32, #tpu.memory_space<vmem>>, vector<16xi32>,
      %lt3A_412 = vector.broadcast %or3A_162 : i32 to vector<16xi32>
      %lt3A_413 = arith.cmpi slt, %get3A_411, %lt3A_412 : vector<16xi32>
      %eq3A_414 = vector.broadcast %or3A_162 : i32 to vector<16xi32>
      %eq3A_415 = arith.cmpi eq, %get3A_411, %eq3A_414 : vector<16xi32>
      %add3A_416 = arith.constant 0 : i32
      %add3A_417 = arith.addi %add3A_416, %mul3A_2 : i32
      %mul3A_418 = arith.constant 16 : i32
      %mul3A_419 = arith.muli %add3A_407, %mul3A_418 : i32
      %add3A_420 = arith.addi %add3A_417, %mul3A_419 : i32
      %add3A_421 = vector.broadcast %add3A_420 : i32 to vector<16xi32>
      %add3A_422 = arith.addi %add3A_421, %iota3A : vector<16xi32>
      %swap3A_423 = arith.index_cast %add3A_399 : i32 to index
      %swap3A_424 = tpu.vector_load %arg8[%swap3A_423] masked %lt3A_413 {strides = array<i32>} : memref<144xi32, #tpu.memory_space<vmem>>, vector<16xi32>, vector<16xi1>
      tpu.vector_store %arg8[%swap3A_423], %get3A_411 masked %lt3A_413 {strides = array<i32>} : memref<144xi32, #tpu.memory_space<vmem>>, vector<16xi32>, vector<16xi1>
      %swap3A_425 = arith.index_cast %add3A_399 : i32 to index
      %swap3A_426 = tpu.vector_load %arg9[%swap3A_425] masked %lt3A_413 {strides = array<i32>} : memref<144xi32, #tpu.memory_space<vmem>>, vector<16xi32>, vector<16xi1>
      tpu.vector_store %arg9[%swap3A_425], %add3A_422 masked %lt3A_413 {strides = array<i32>} : memref<144xi32, #tpu.memory_space<vmem>>, vector<16xi32>, vector<16xi1>
      %swap3A_427 = arith.index_cast %add3A_403 : i32 to index
      %swap3A_428 = tpu.vector_load %arg10[%swap3A_427] masked %eq3A_415 {strides = array<i32>} : memref<15696xi32, #tpu.memory_space<vmem>>, vector<16xi32>, vector<16xi1>
      tpu.vector_store %arg10[%swap3A_427], %add3A_422 masked %eq3A_415 {strides = array<i32>} : memref<15696xi32, #tpu.memory_space<vmem>>, vector<16xi32>, vector<16xi1>
      %all_reduce_population_count3A_429 = tpu.all_reduce %lt3A_413 {dim = 0 : i64, kind = #tpu.reduction_kind<sum>} : vector<16xi1> -> vector<16xi32>
      %slice3A_430 = vector.extract_strided_slice %all_reduce_population_count3A_429 {offsets = [0], sizes = [1], strides = [1]} : vector<16xi32> to vector<1xi32>
      %squeeze3A_431 = vector.extract %slice3A_430[0] : i32 from vector<1xi32>
      %add3A_432 = arith.addi %add3A_399, %squeeze3A_431 : i32
      %all_reduce_population_count3A_433 = tpu.all_reduce %eq3A_415 {dim = 0 : i64, kind = #tpu.reduction_kind<sum>} : vector<16xi1> -> vector<16xi32>
      %slice3A_434 = vector.extract_strided_slice %all_reduce_population_count3A_433 {offsets = [0], sizes = [1], strides = [1]} : vector<16xi32> to vector<1xi32>
      %squeeze3A_435 = vector.extract %slice3A_434[0] : i32 from vector<1xi32>
      %add3A_436 = arith.addi %add3A_403, %squeeze3A_435 : i32
      %mul3A_437 = arith.constant 4 : i32
      %mul3A_438 = arith.muli %scan3A_339, %mul3A_437 : i32
      %add3A_439 = arith.constant 3 : i32
      %add3A_440 = arith.addi %mul3A_438, %add3A_439 : i32
      %mul3A_441 = arith.constant 16 : i32
      %mul3A_442 = arith.muli %add3A_440, %mul3A_441 : i32
      %get3A_443 = arith.index_cast %mul3A_442 : i32 to index
      %get3A_444 = tpu.vector_load %arg5[%get3A_443] {strides = array<i32>} : memref<15680xi32, #tpu.memory_space<vmem>>, vector<16xi32>,
      %lt3A_445 = vector.broadcast %or3A_162 : i32 to vector<16xi32>
      %lt3A_446 = arith.cmpi slt, %get3A_444, %lt3A_445 : vector<16xi32>
      %eq3A_447 = vector.broadcast %or3A_162 : i32 to vector<16xi32>
      %eq3A_448 = arith.cmpi eq, %get3A_444, %eq3A_447 : vector<16xi32>
      %add3A_449 = arith.constant 0 : i32
      %add3A_450 = arith.addi %add3A_449, %mul3A_2 : i32
      %mul3A_451 = arith.constant 16 : i32
      %mul3A_452 = arith.muli %add3A_440, %mul3A_451 : i32
      %add3A_453 = arith.addi %add3A_450, %mul3A_452 : i32
      %add3A_454 = vector.broadcast %add3A_453 : i32 to vector<16xi32>
      %add3A_455 = arith.addi %add3A_454, %iota3A : vector<16xi32>
      %swap3A_456 = arith.index_cast %add3A_432 : i32 to index
      %swap3A_457 = tpu.vector_load %arg8[%swap3A_456] masked %lt3A_446 {strides = array<i32>} : memref<144xi32, #tpu.memory_space<vmem>>, vector<16xi32>, vector<16xi1>
      tpu.vector_store %arg8[%swap3A_456], %get3A_444 masked %lt3A_446 {strides = array<i32>} : memref<144xi32, #tpu.memory_space<vmem>>, vector<16xi32>, vector<16xi1>
      %swap3A_458 = arith.index_cast %add3A_432 : i32 to index
      %swap3A_459 = tpu.vector_load %arg9[%swap3A_458] masked %lt3A_446 {strides = array<i32>} : memref<144xi32, #tpu.memory_space<vmem>>, vector<16xi32>, vector<16xi1>
      tpu.vector_store %arg9[%swap3A_458], %add3A_455 masked %lt3A_446 {strides = array<i32>} : memref<144xi32, #tpu.memory_space<vmem>>, vector<16xi32>, vector<16xi1>
      %swap3A_460 = arith.index_cast %add3A_436 : i32 to index
      %swap3A_461 = tpu.vector_load %arg10[%swap3A_460] masked %eq3A_448 {strides = array<i32>} : memref<15696xi32, #tpu.memory_space<vmem>>, vector<16xi32>, vector<16xi1>
      tpu.vector_store %arg10[%swap3A_460], %add3A_455 masked %eq3A_448 {strides = array<i32>} : memref<15696xi32, #tpu.memory_space<vmem>>, vector<16xi32>, vector<16xi1>
      %all_reduce_population_count3A_462 = tpu.all_reduce %lt3A_446 {dim = 0 : i64, kind = #tpu.reduction_kind<sum>} : vector<16xi1> -> vector<16xi32>
      %slice3A_463 = vector.extract_strided_slice %all_reduce_population_count3A_462 {offsets = [0], sizes = [1], strides = [1]} : vector<16xi32> to vector<1xi32>
      %squeeze3A_464 = vector.extract %slice3A_463[0] : i32 from vector<1xi32>
      %add3A_465 = arith.addi %add3A_432, %squeeze3A_464 : i32
      %all_reduce_population_count3A_466 = tpu.all_reduce %eq3A_448 {dim = 0 : i64, kind = #tpu.reduction_kind<sum>} : vector<16xi1> -> vector<16xi32>
      %slice3A_467 = vector.extract_strided_slice %all_reduce_population_count3A_466 {offsets = [0], sizes = [1], strides = [1]} : vector<16xi32> to vector<1xi32>
      %squeeze3A_468 = vector.extract %slice3A_467[0] : i32 from vector<1xi32>
      %add3A_469 = arith.addi %add3A_436, %squeeze3A_468 : i32
      scf.yield %add3A_465, %add3A_469 : i32, i32
    }
    %scan3A_170 = arith.constant 245 : i32
    %sub3A_171 = arith.constant 128 : i32
    %sub3A_172 = arith.subi %sub3A_171, %sub3A_159 : i32
    %broadcast_in_dim3A_173 = vector.broadcast %or3A_162 : i32 to vector<16xi32>
    %add3A_174 = arith.constant 0 : i32
    %add3A_175 = vector.broadcast %add3A_174 : i32 to vector<16xi32>
    %add3A_176 = arith.addi %add3A_175, %iota3A : vector<16xi32>
    %lt3A = vector.broadcast %sub3A_172 : i32 to vector<16xi32>
    %lt3A_177 = arith.cmpi slt, %add3A_176, %lt3A : vector<16xi32>
    %get3A_178 = arith.constant 0 : index
    %get3A_179 = tpu.vector_load %arg8[%get3A_178] {strides = array<i32>} : memref<144xi32, #tpu.memory_space<vmem>>, vector<16xi32>,
    %get3A_180 = arith.constant 0 : index
    %get3A_181 = tpu.vector_load %arg9[%get3A_180] {strides = array<i32>} : memref<144xi32, #tpu.memory_space<vmem>>, vector<16xi32>,
    %sub3A_182 = vector.broadcast %sub3A_172 : i32 to vector<16xi32>
    %sub3A_183 = arith.subi %add3A_176, %sub3A_182 : vector<16xi32>
    %max3A_184 = arith.constant 0 : i32
    %max3A_185 = vector.broadcast %max3A_184 : i32 to vector<16xi32>
    %max3A_186 = arith.maxsi %sub3A_183, %max3A_185 : vector<16xi32>
    %gather3A = tpu.vector_load_idx %arg10[%max3A_186] : memref<15696xi32, #tpu.memory_space<vmem>>[vector<16xi32>], vector<16xi32>,
    %select_n3A_187 = arith.select %lt3A_177, %get3A_179, %broadcast_in_dim3A_173 : vector<16xi1>, vector<16xi32>
    %swap3A = arith.constant 0 : index
    %swap3A_188 = tpu.vector_load %arg11[%swap3A] {strides = array<i32>} : memref<128xi32, #tpu.memory_space<vmem>>, vector<16xi32>,
    tpu.vector_store %arg11[%swap3A], %select_n3A_187 {strides = array<i32>} : memref<128xi32, #tpu.memory_space<vmem>>, vector<16xi32>,
    %select_n3A_189 = arith.select %lt3A_177, %get3A_181, %gather3A : vector<16xi1>, vector<16xi32>
    %swap3A_190 = arith.constant 0 : index
    %swap3A_191 = tpu.vector_load %arg12[%swap3A_190] {strides = array<i32>} : memref<128xi32, #tpu.memory_space<vmem>>, vector<16xi32>,
    tpu.vector_store %arg12[%swap3A_190], %select_n3A_189 {strides = array<i32>} : memref<128xi32, #tpu.memory_space<vmem>>, vector<16xi32>,
    %add3A_192 = arith.constant 16 : i32
    %add3A_193 = vector.broadcast %add3A_192 : i32 to vector<16xi32>
    %add3A_194 = arith.addi %add3A_193, %iota3A : vector<16xi32>
    %lt3A_195 = vector.broadcast %sub3A_172 : i32 to vector<16xi32>
    %lt3A_196 = arith.cmpi slt, %add3A_194, %lt3A_195 : vector<16xi32>
    %get3A_197 = arith.constant 16 : index
    %get3A_198 = tpu.vector_load %arg8[%get3A_197] {strides = array<i32>} : memref<144xi32, #tpu.memory_space<vmem>>, vector<16xi32>,
    %get3A_199 = arith.constant 16 : index
    %get3A_200 = tpu.vector_load %arg9[%get3A_199] {strides = array<i32>} : memref<144xi32, #tpu.memory_space<vmem>>, vector<16xi32>,
    %sub3A_201 = vector.broadcast %sub3A_172 : i32 to vector<16xi32>
    %sub3A_202 = arith.subi %add3A_194, %sub3A_201 : vector<16xi32>
    %max3A_203 = arith.constant 0 : i32
    %max3A_204 = vector.broadcast %max3A_203 : i32 to vector<16xi32>
    %max3A_205 = arith.maxsi %sub3A_202, %max3A_204 : vector<16xi32>
    %gather3A_206 = tpu.vector_load_idx %arg10[%max3A_205] : memref<15696xi32, #tpu.memory_space<vmem>>[vector<16xi32>], vector<16xi32>,
    %select_n3A_207 = arith.select %lt3A_196, %get3A_198, %broadcast_in_dim3A_173 : vector<16xi1>, vector<16xi32>
    %swap3A_208 = arith.constant 16 : index
    %swap3A_209 = tpu.vector_load %arg11[%swap3A_208] {strides = array<i32>} : memref<128xi32, #tpu.memory_space<vmem>>, vector<16xi32>,
    tpu.vector_store %arg11[%swap3A_208], %select_n3A_207 {strides = array<i32>} : memref<128xi32, #tpu.memory_space<vmem>>, vector<16xi32>,
    %select_n3A_210 = arith.select %lt3A_196, %get3A_200, %gather3A_206 : vector<16xi1>, vector<16xi32>
    %swap3A_211 = arith.constant 16 : index
    %swap3A_212 = tpu.vector_load %arg12[%swap3A_211] {strides = array<i32>} : memref<128xi32, #tpu.memory_space<vmem>>, vector<16xi32>,
    tpu.vector_store %arg12[%swap3A_211], %select_n3A_210 {strides = array<i32>} : memref<128xi32, #tpu.memory_space<vmem>>, vector<16xi32>,
    %add3A_213 = arith.constant 32 : i32
    %add3A_214 = vector.broadcast %add3A_213 : i32 to vector<16xi32>
    %add3A_215 = arith.addi %add3A_214, %iota3A : vector<16xi32>
    %lt3A_216 = vector.broadcast %sub3A_172 : i32 to vector<16xi32>
    %lt3A_217 = arith.cmpi slt, %add3A_215, %lt3A_216 : vector<16xi32>
    %get3A_218 = arith.constant 32 : index
    %get3A_219 = tpu.vector_load %arg8[%get3A_218] {strides = array<i32>} : memref<144xi32, #tpu.memory_space<vmem>>, vector<16xi32>,
    %get3A_220 = arith.constant 32 : index
    %get3A_221 = tpu.vector_load %arg9[%get3A_220] {strides = array<i32>} : memref<144xi32, #tpu.memory_space<vmem>>, vector<16xi32>,
    %sub3A_222 = vector.broadcast %sub3A_172 : i32 to vector<16xi32>
    %sub3A_223 = arith.subi %add3A_215, %sub3A_222 : vector<16xi32>
    %max3A_224 = arith.constant 0 : i32
    %max3A_225 = vector.broadcast %max3A_224 : i32 to vector<16xi32>
    %max3A_226 = arith.maxsi %sub3A_223, %max3A_225 : vector<16xi32>
    %gather3A_227 = tpu.vector_load_idx %arg10[%max3A_226] : memref<15696xi32, #tpu.memory_space<vmem>>[vector<16xi32>], vector<16xi32>,
    %select_n3A_228 = arith.select %lt3A_217, %get3A_219, %broadcast_in_dim3A_173 : vector<16xi1>, vector<16xi32>
    %swap3A_229 = arith.constant 32 : index
    %swap3A_230 = tpu.vector_load %arg11[%swap3A_229] {strides = array<i32>} : memref<128xi32, #tpu.memory_space<vmem>>, vector<16xi32>,
    tpu.vector_store %arg11[%swap3A_229], %select_n3A_228 {strides = array<i32>} : memref<128xi32, #tpu.memory_space<vmem>>, vector<16xi32>,
    %select_n3A_231 = arith.select %lt3A_217, %get3A_221, %gather3A_227 : vector<16xi1>, vector<16xi32>
    %swap3A_232 = arith.constant 32 : index
    %swap3A_233 = tpu.vector_load %arg12[%swap3A_232] {strides = array<i32>} : memref<128xi32, #tpu.memory_space<vmem>>, vector<16xi32>,
    tpu.vector_store %arg12[%swap3A_232], %select_n3A_231 {strides = array<i32>} : memref<128xi32, #tpu.memory_space<vmem>>, vector<16xi32>,
    %add3A_234 = arith.constant 48 : i32
    %add3A_235 = vector.broadcast %add3A_234 : i32 to vector<16xi32>
    %add3A_236 = arith.addi %add3A_235, %iota3A : vector<16xi32>
    %lt3A_237 = vector.broadcast %sub3A_172 : i32 to vector<16xi32>
    %lt3A_238 = arith.cmpi slt, %add3A_236, %lt3A_237 : vector<16xi32>
    %get3A_239 = arith.constant 48 : index
    %get3A_240 = tpu.vector_load %arg8[%get3A_239] {strides = array<i32>} : memref<144xi32, #tpu.memory_space<vmem>>, vector<16xi32>,
    %get3A_241 = arith.constant 48 : index
    %get3A_242 = tpu.vector_load %arg9[%get3A_241] {strides = array<i32>} : memref<144xi32, #tpu.memory_space<vmem>>, vector<16xi32>,
    %sub3A_243 = vector.broadcast %sub3A_172 : i32 to vector<16xi32>
    %sub3A_244 = arith.subi %add3A_236, %sub3A_243 : vector<16xi32>
    %max3A_245 = arith.constant 0 : i32
    %max3A_246 = vector.broadcast %max3A_245 : i32 to vector<16xi32>
    %max3A_247 = arith.maxsi %sub3A_244, %max3A_246 : vector<16xi32>
    %gather3A_248 = tpu.vector_load_idx %arg10[%max3A_247] : memref<15696xi32, #tpu.memory_space<vmem>>[vector<16xi32>], vector<16xi32>,
    %select_n3A_249 = arith.select %lt3A_238, %get3A_240, %broadcast_in_dim3A_173 : vector<16xi1>, vector<16xi32>
    %swap3A_250 = arith.constant 48 : index
    %swap3A_251 = tpu.vector_load %arg11[%swap3A_250] {strides = array<i32>} : memref<128xi32, #tpu.memory_space<vmem>>, vector<16xi32>,
    tpu.vector_store %arg11[%swap3A_250], %select_n3A_249 {strides = array<i32>} : memref<128xi32, #tpu.memory_space<vmem>>, vector<16xi32>,
    %select_n3A_252 = arith.select %lt3A_238, %get3A_242, %gather3A_248 : vector<16xi1>, vector<16xi32>
    %swap3A_253 = arith.constant 48 : index
    %swap3A_254 = tpu.vector_load %arg12[%swap3A_253] {strides = array<i32>} : memref<128xi32, #tpu.memory_space<vmem>>, vector<16xi32>,
    tpu.vector_store %arg12[%swap3A_253], %select_n3A_252 {strides = array<i32>} : memref<128xi32, #tpu.memory_space<vmem>>, vector<16xi32>,
    %add3A_255 = arith.constant 64 : i32
    %add3A_256 = vector.broadcast %add3A_255 : i32 to vector<16xi32>
    %add3A_257 = arith.addi %add3A_256, %iota3A : vector<16xi32>
    %lt3A_258 = vector.broadcast %sub3A_172 : i32 to vector<16xi32>
    %lt3A_259 = arith.cmpi slt, %add3A_257, %lt3A_258 : vector<16xi32>
    %get3A_260 = arith.constant 64 : index
    %get3A_261 = tpu.vector_load %arg8[%get3A_260] {strides = array<i32>} : memref<144xi32, #tpu.memory_space<vmem>>, vector<16xi32>,
    %get3A_262 = arith.constant 64 : index
    %get3A_263 = tpu.vector_load %arg9[%get3A_262] {strides = array<i32>} : memref<144xi32, #tpu.memory_space<vmem>>, vector<16xi32>,
    %sub3A_264 = vector.broadcast %sub3A_172 : i32 to vector<16xi32>
    %sub3A_265 = arith.subi %add3A_257, %sub3A_264 : vector<16xi32>
    %max3A_266 = arith.constant 0 : i32
    %max3A_267 = vector.broadcast %max3A_266 : i32 to vector<16xi32>
    %max3A_268 = arith.maxsi %sub3A_265, %max3A_267 : vector<16xi32>
    %gather3A_269 = tpu.vector_load_idx %arg10[%max3A_268] : memref<15696xi32, #tpu.memory_space<vmem>>[vector<16xi32>], vector<16xi32>,
    %select_n3A_270 = arith.select %lt3A_259, %get3A_261, %broadcast_in_dim3A_173 : vector<16xi1>, vector<16xi32>
    %swap3A_271 = arith.constant 64 : index
    %swap3A_272 = tpu.vector_load %arg11[%swap3A_271] {strides = array<i32>} : memref<128xi32, #tpu.memory_space<vmem>>, vector<16xi32>,
    tpu.vector_store %arg11[%swap3A_271], %select_n3A_270 {strides = array<i32>} : memref<128xi32, #tpu.memory_space<vmem>>, vector<16xi32>,
    %select_n3A_273 = arith.select %lt3A_259, %get3A_263, %gather3A_269 : vector<16xi1>, vector<16xi32>
    %swap3A_274 = arith.constant 64 : index
    %swap3A_275 = tpu.vector_load %arg12[%swap3A_274] {strides = array<i32>} : memref<128xi32, #tpu.memory_space<vmem>>, vector<16xi32>,
    tpu.vector_store %arg12[%swap3A_274], %select_n3A_273 {strides = array<i32>} : memref<128xi32, #tpu.memory_space<vmem>>, vector<16xi32>,
    %add3A_276 = arith.constant 80 : i32
    %add3A_277 = vector.broadcast %add3A_276 : i32 to vector<16xi32>
    %add3A_278 = arith.addi %add3A_277, %iota3A : vector<16xi32>
    %lt3A_279 = vector.broadcast %sub3A_172 : i32 to vector<16xi32>
    %lt3A_280 = arith.cmpi slt, %add3A_278, %lt3A_279 : vector<16xi32>
    %get3A_281 = arith.constant 80 : index
    %get3A_282 = tpu.vector_load %arg8[%get3A_281] {strides = array<i32>} : memref<144xi32, #tpu.memory_space<vmem>>, vector<16xi32>,
    %get3A_283 = arith.constant 80 : index
    %get3A_284 = tpu.vector_load %arg9[%get3A_283] {strides = array<i32>} : memref<144xi32, #tpu.memory_space<vmem>>, vector<16xi32>,
    %sub3A_285 = vector.broadcast %sub3A_172 : i32 to vector<16xi32>
    %sub3A_286 = arith.subi %add3A_278, %sub3A_285 : vector<16xi32>
    %max3A_287 = arith.constant 0 : i32
    %max3A_288 = vector.broadcast %max3A_287 : i32 to vector<16xi32>
    %max3A_289 = arith.maxsi %sub3A_286, %max3A_288 : vector<16xi32>
    %gather3A_290 = tpu.vector_load_idx %arg10[%max3A_289] : memref<15696xi32, #tpu.memory_space<vmem>>[vector<16xi32>], vector<16xi32>,
    %select_n3A_291 = arith.select %lt3A_280, %get3A_282, %broadcast_in_dim3A_173 : vector<16xi1>, vector<16xi32>
    %swap3A_292 = arith.constant 80 : index
    %swap3A_293 = tpu.vector_load %arg11[%swap3A_292] {strides = array<i32>} : memref<128xi32, #tpu.memory_space<vmem>>, vector<16xi32>,
    tpu.vector_store %arg11[%swap3A_292], %select_n3A_291 {strides = array<i32>} : memref<128xi32, #tpu.memory_space<vmem>>, vector<16xi32>,
    %select_n3A_294 = arith.select %lt3A_280, %get3A_284, %gather3A_290 : vector<16xi1>, vector<16xi32>
    %swap3A_295 = arith.constant 80 : index
    %swap3A_296 = tpu.vector_load %arg12[%swap3A_295] {strides = array<i32>} : memref<128xi32, #tpu.memory_space<vmem>>, vector<16xi32>,
    tpu.vector_store %arg12[%swap3A_295], %select_n3A_294 {strides = array<i32>} : memref<128xi32, #tpu.memory_space<vmem>>, vector<16xi32>,
    %add3A_297 = arith.constant 96 : i32
    %add3A_298 = vector.broadcast %add3A_297 : i32 to vector<16xi32>
    %add3A_299 = arith.addi %add3A_298, %iota3A : vector<16xi32>
    %lt3A_300 = vector.broadcast %sub3A_172 : i32 to vector<16xi32>
    %lt3A_301 = arith.cmpi slt, %add3A_299, %lt3A_300 : vector<16xi32>
    %get3A_302 = arith.constant 96 : index
    %get3A_303 = tpu.vector_load %arg8[%get3A_302] {strides = array<i32>} : memref<144xi32, #tpu.memory_space<vmem>>, vector<16xi32>,
    %get3A_304 = arith.constant 96 : index
    %get3A_305 = tpu.vector_load %arg9[%get3A_304] {strides = array<i32>} : memref<144xi32, #tpu.memory_space<vmem>>, vector<16xi32>,
    %sub3A_306 = vector.broadcast %sub3A_172 : i32 to vector<16xi32>
    %sub3A_307 = arith.subi %add3A_299, %sub3A_306 : vector<16xi32>
    %max3A_308 = arith.constant 0 : i32
    %max3A_309 = vector.broadcast %max3A_308 : i32 to vector<16xi32>
    %max3A_310 = arith.maxsi %sub3A_307, %max3A_309 : vector<16xi32>
    %gather3A_311 = tpu.vector_load_idx %arg10[%max3A_310] : memref<15696xi32, #tpu.memory_space<vmem>>[vector<16xi32>], vector<16xi32>,
    %select_n3A_312 = arith.select %lt3A_301, %get3A_303, %broadcast_in_dim3A_173 : vector<16xi1>, vector<16xi32>
    %swap3A_313 = arith.constant 96 : index
    %swap3A_314 = tpu.vector_load %arg11[%swap3A_313] {strides = array<i32>} : memref<128xi32, #tpu.memory_space<vmem>>, vector<16xi32>,
    tpu.vector_store %arg11[%swap3A_313], %select_n3A_312 {strides = array<i32>} : memref<128xi32, #tpu.memory_space<vmem>>, vector<16xi32>,
    %select_n3A_315 = arith.select %lt3A_301, %get3A_305, %gather3A_311 : vector<16xi1>, vector<16xi32>
    %swap3A_316 = arith.constant 96 : index
    %swap3A_317 = tpu.vector_load %arg12[%swap3A_316] {strides = array<i32>} : memref<128xi32, #tpu.memory_space<vmem>>, vector<16xi32>,
    tpu.vector_store %arg12[%swap3A_316], %select_n3A_315 {strides = array<i32>} : memref<128xi32, #tpu.memory_space<vmem>>, vector<16xi32>,
    %add3A_318 = arith.constant 112 : i32
    %add3A_319 = vector.broadcast %add3A_318 : i32 to vector<16xi32>
    %add3A_320 = arith.addi %add3A_319, %iota3A : vector<16xi32>
    %lt3A_321 = vector.broadcast %sub3A_172 : i32 to vector<16xi32>
    %lt3A_322 = arith.cmpi slt, %add3A_320, %lt3A_321 : vector<16xi32>
    %get3A_323 = arith.constant 112 : index
    %get3A_324 = tpu.vector_load %arg8[%get3A_323] {strides = array<i32>} : memref<144xi32, #tpu.memory_space<vmem>>, vector<16xi32>,
    %get3A_325 = arith.constant 112 : index
    %get3A_326 = tpu.vector_load %arg9[%get3A_325] {strides = array<i32>} : memref<144xi32, #tpu.memory_space<vmem>>, vector<16xi32>,
    %sub3A_327 = vector.broadcast %sub3A_172 : i32 to vector<16xi32>
    %sub3A_328 = arith.subi %add3A_320, %sub3A_327 : vector<16xi32>
    %max3A_329 = arith.constant 0 : i32
    %max3A_330 = vector.broadcast %max3A_329 : i32 to vector<16xi32>
    %max3A_331 = arith.maxsi %sub3A_328, %max3A_330 : vector<16xi32>
    %gather3A_332 = tpu.vector_load_idx %arg10[%max3A_331] : memref<15696xi32, #tpu.memory_space<vmem>>[vector<16xi32>], vector<16xi32>,
    %select_n3A_333 = arith.select %lt3A_322, %get3A_324, %broadcast_in_dim3A_173 : vector<16xi1>, vector<16xi32>
    %swap3A_334 = arith.constant 112 : index
    %swap3A_335 = tpu.vector_load %arg11[%swap3A_334] {strides = array<i32>} : memref<128xi32, #tpu.memory_space<vmem>>, vector<16xi32>,
    tpu.vector_store %arg11[%swap3A_334], %select_n3A_333 {strides = array<i32>} : memref<128xi32, #tpu.memory_space<vmem>>, vector<16xi32>,
    %select_n3A_336 = arith.select %lt3A_322, %get3A_326, %gather3A_332 : vector<16xi1>, vector<16xi32>
    %swap3A_337 = arith.constant 112 : index
    %swap3A_338 = tpu.vector_load %arg12[%swap3A_337] {strides = array<i32>} : memref<128xi32, #tpu.memory_space<vmem>>, vector<16xi32>,
    tpu.vector_store %arg12[%swap3A_337], %select_n3A_336 {strides = array<i32>} : memref<128xi32, #tpu.memory_space<vmem>>, vector<16xi32>,
    "tpu.region"() ({
      %run_scoped3A = tpu.sem_alloc : memref<!tpu.dma_semaphore, #tpu.memory_space<semaphore_mem>>
      %dma_start3A = arith.constant 0 : i32
      %dma_start3A_339 = tpu.memref_slice %arg3[%add3A, %dma_start3A] : memref<32x128xi32, #tpu.memory_space<hbm>> -> memref<1x128xi32, #tpu.memory_space<hbm>>
      %dma_start3A_340 = tpu.memref_squeeze %dma_start3A_339 : memref<1x128xi32, #tpu.memory_space<hbm>> -> memref<128xi32, #tpu.memory_space<hbm>>
      %dma_start3A_341 = arith.constant 0 : i32
      %dma_start3A_342 = tpu.memref_slice %arg3[%add3A, %dma_start3A_341] : memref<32x128xi32, #tpu.memory_space<hbm>> -> memref<1x128xi32, #tpu.memory_space<hbm>>
      %dma_start3A_343 = tpu.memref_squeeze %dma_start3A_342 : memref<1x128xi32, #tpu.memory_space<hbm>> -> memref<128xi32, #tpu.memory_space<hbm>>
      tpu.enqueue_dma source(%arg11 : memref<128xi32, #tpu.memory_space<vmem>>) target(%dma_start3A_343 : memref<128xi32, #tpu.memory_space<hbm>>) target_semaphore(%run_scoped3A : memref<!tpu.dma_semaphore, #tpu.memory_space<semaphore_mem>>)
      %dma_wait3A = arith.constant 0 : i32
      %dma_wait3A_344 = tpu.memref_slice %arg3[%add3A, %dma_wait3A] : memref<32x128xi32, #tpu.memory_space<hbm>> -> memref<1x128xi32, #tpu.memory_space<hbm>>
      %dma_wait3A_345 = tpu.memref_squeeze %dma_wait3A_344 : memref<1x128xi32, #tpu.memory_space<hbm>> -> memref<128xi32, #tpu.memory_space<hbm>>
      %dma_wait3A_346 = arith.constant 0 : i32
      %dma_wait3A_347 = tpu.memref_slice %arg3[%add3A, %dma_wait3A_346] : memref<32x128xi32, #tpu.memory_space<hbm>> -> memref<1x128xi32, #tpu.memory_space<hbm>>
      %dma_wait3A_348 = tpu.memref_squeeze %dma_wait3A_347 : memref<1x128xi32, #tpu.memory_space<hbm>> -> memref<128xi32, #tpu.memory_space<hbm>>
      tpu.wait_dma2 semaphore(%run_scoped3A : memref<!tpu.dma_semaphore, #tpu.memory_space<semaphore_mem>>) src(%arg11 : memref<128xi32, #tpu.memory_space<vmem>>) dst(%dma_wait3A_348 : memref<128xi32, #tpu.memory_space<hbm>>)
      tpu.yield
    }) : () -> ()
    "tpu.region"() ({
      %run_scoped3A = tpu.sem_alloc : memref<!tpu.dma_semaphore, #tpu.memory_space<semaphore_mem>>
      %dma_start3A = arith.constant 0 : i32
      %dma_start3A_339 = tpu.memref_slice %arg4[%add3A, %dma_start3A] : memref<32x128xi32, #tpu.memory_space<hbm>> -> memref<1x128xi32, #tpu.memory_space<hbm>>
      %dma_start3A_340 = tpu.memref_squeeze %dma_start3A_339 : memref<1x128xi32, #tpu.memory_space<hbm>> -> memref<128xi32, #tpu.memory_space<hbm>>
      %dma_start3A_341 = arith.constant 0 : i32
      %dma_start3A_342 = tpu.memref_slice %arg4[%add3A, %dma_start3A_341] : memref<32x128xi32, #tpu.memory_space<hbm>> -> memref<1x128xi32, #tpu.memory_space<hbm>>
      %dma_start3A_343 = tpu.memref_squeeze %dma_start3A_342 : memref<1x128xi32, #tpu.memory_space<hbm>> -> memref<128xi32, #tpu.memory_space<hbm>>
      tpu.enqueue_dma source(%arg12 : memref<128xi32, #tpu.memory_space<vmem>>) target(%dma_start3A_343 : memref<128xi32, #tpu.memory_space<hbm>>) target_semaphore(%run_scoped3A : memref<!tpu.dma_semaphore, #tpu.memory_space<semaphore_mem>>)
      %dma_wait3A = arith.constant 0 : i32
      %dma_wait3A_344 = tpu.memref_slice %arg4[%add3A, %dma_wait3A] : memref<32x128xi32, #tpu.memory_space<hbm>> -> memref<1x128xi32, #tpu.memory_space<hbm>>
      %dma_wait3A_345 = tpu.memref_squeeze %dma_wait3A_344 : memref<1x128xi32, #tpu.memory_space<hbm>> -> memref<128xi32, #tpu.memory_space<hbm>>
      %dma_wait3A_346 = arith.constant 0 : i32
      %dma_wait3A_347 = tpu.memref_slice %arg4[%add3A, %dma_wait3A_346] : memref<32x128xi32, #tpu.memory_space<hbm>> -> memref<1x128xi32, #tpu.memory_space<hbm>>
      %dma_wait3A_348 = tpu.memref_squeeze %dma_wait3A_347 : memref<1x128xi32, #tpu.memory_space<hbm>> -> memref<128xi32, #tpu.memory_space<hbm>>
      tpu.wait_dma2 semaphore(%run_scoped3A : memref<!tpu.dma_semaphore, #tpu.memory_space<semaphore_mem>>) src(%arg12 : memref<128xi32, #tpu.memory_space<vmem>>) dst(%dma_wait3A_348 : memref<128xi32, #tpu.memory_space<hbm>>)
      tpu.yield
    }) : () -> ()
    return
  }
}

module attributes {stable_mosaic.version = 14 : i64} {
  func.func @_merge_kernel(%arg0: memref<64x128xi32, #tpu.memory_space<vmem>>, %arg1: memref<64x128xi32, #tpu.memory_space<vmem>>, %arg2: memref<1x128xf32, #tpu.memory_space<vmem>>, %arg3: memref<1x128xi32, #tpu.memory_space<vmem>>) attributes {dimension_semantics = [], scalar_prefetch = 0 : i64, scratch_operands = 0 : i64, tpu.core_type = #tpu.core_type<tc>} {
    %iota3A = tpu.iota {dimensions = array<i32: 1>} : vector<1x128xi32>
    %get3A = arith.constant 0 : index
    %get3A_0 = arith.constant 0 : index
    %get3A_1 = vector.load %arg0[%get3A, %get3A_0] : memref<64x128xi32, #tpu.memory_space<vmem>>, vector<64x128xi32>
    %bitcast3A = tpu.bitcast %get3A_1 : vector<64x128xi32> -> vector<64x128xf32>
    %broadcast_in_dim3A = arith.constant 0.000000e+00 : f32
    %broadcast_in_dim3A_2 = vector.broadcast %broadcast_in_dim3A : f32 to vector<1x128xf32>
    %broadcast_in_dim3A_3 = arith.constant 0 : i32
    %broadcast_in_dim3A_4 = vector.broadcast %broadcast_in_dim3A_3 : i32 to vector<1x128xi32>
    %scan3A = arith.constant 0 : i32
    %scan3A_5 = arith.constant 128 : i32
    %scan3A_6 = arith.addi %scan3A, %scan3A_5 : i32
    %scan3A_7 = arith.constant 1 : i32
    %scan3A_8:3 = scf.for %scan3A_15 = %scan3A to %scan3A_6 step %scan3A_7 iter_args(%scan3A_16 = %bitcast3A, %scan3A_17 = %broadcast_in_dim3A_2, %scan3A_18 = %broadcast_in_dim3A_4) -> (vector<64x128xf32>, vector<1x128xf32>, vector<1x128xi32>)  : i32 {
      %reduce_min3A = vector.shape_cast %scan3A_16 : vector<64x128xf32> to vector<1x64x128xf32>
      %reduce_min3A_19 = arith.constant dense<0x7F800000> : vector<1xf32>
      %reduce_min3A_20 = vector.multi_reduction <minimumf>, %reduce_min3A, %reduce_min3A_19 [1, 2] : vector<1x64x128xf32> to vector<1xf32>
      %reduce_min3A_21 = vector.shape_cast %reduce_min3A_20 : vector<1xf32> to vector<1x1x1xf32>
      %reduce_min3A_22 = vector.extract %reduce_min3A_21[0, 0, 0] : f32 from vector<1x1x1xf32>
      %eq3A = vector.broadcast %reduce_min3A_22 : f32 to vector<64x128xf32>
      %eq3A_23 = arith.cmpf oeq, %scan3A_16, %eq3A : vector<64x128xf32>
      %get3A_24 = arith.constant 0 : index
      %get3A_25 = arith.constant 0 : index
      %get3A_26 = vector.load %arg1[%get3A_24, %get3A_25] : memref<64x128xi32, #tpu.memory_space<vmem>>, vector<64x128xi32>
      %jit3A = arith.constant 2147483647 : i32
      %broadcast_in_dim3A_27 = vector.broadcast %jit3A : i32 to vector<64x128xi32>
      %select_n3A = arith.select %eq3A_23, %get3A_26, %broadcast_in_dim3A_27 : vector<64x128xi1>, vector<64x128xi32>
      %reduce_min3A_28 = vector.shape_cast %select_n3A : vector<64x128xi32> to vector<1x64x128xi32>
      %reduce_min3A_29 = arith.constant dense<2147483647> : vector<1xi32>
      %reduce_min3A_30 = vector.multi_reduction <minsi>, %reduce_min3A_28, %reduce_min3A_29 [1, 2] : vector<1x64x128xi32> to vector<1xi32>
      %reduce_min3A_31 = vector.shape_cast %reduce_min3A_30 : vector<1xi32> to vector<1x1x1xi32>
      %reduce_min3A_32 = vector.extract %reduce_min3A_31[0, 0, 0] : i32 from vector<1x1x1xi32>
      %get3A_33 = arith.constant 0 : index
      %get3A_34 = arith.constant 0 : index
      %get3A_35 = vector.load %arg1[%get3A_33, %get3A_34] : memref<64x128xi32, #tpu.memory_space<vmem>>, vector<64x128xi32>
      %eq3A_36 = vector.broadcast %reduce_min3A_32 : i32 to vector<64x128xi32>
      %eq3A_37 = arith.cmpi eq, %get3A_35, %eq3A_36 : vector<64x128xi32>
      %and3A = arith.andi %eq3A_23, %eq3A_37 : vector<64x128xi1>
      %jit3A_38 = arith.constant 0x7F800000 : f32
      %broadcast_in_dim3A_39 = vector.broadcast %jit3A_38 : f32 to vector<64x128xf32>
      %select_n3A_40 = arith.select %and3A, %broadcast_in_dim3A_39, %scan3A_16 : vector<64x128xi1>, vector<64x128xf32>
      %eq3A_41 = vector.broadcast %scan3A_15 : i32 to vector<1x128xi32>
      %eq3A_42 = arith.cmpi eq, %iota3A, %eq3A_41 : vector<1x128xi32>
      %broadcast_in_dim3A_43 = vector.broadcast %reduce_min3A_22 : f32 to vector<1x128xf32>
      %select_n3A_44 = arith.select %eq3A_42, %broadcast_in_dim3A_43, %scan3A_17 : vector<1x128xi1>, vector<1x128xf32>
      %eq3A_45 = vector.broadcast %scan3A_15 : i32 to vector<1x128xi32>
      %eq3A_46 = arith.cmpi eq, %iota3A, %eq3A_45 : vector<1x128xi32>
      %broadcast_in_dim3A_47 = vector.broadcast %reduce_min3A_32 : i32 to vector<1x128xi32>
      %select_n3A_48 = arith.select %eq3A_46, %broadcast_in_dim3A_47, %scan3A_18 : vector<1x128xi1>, vector<1x128xi32>
      scf.yield %select_n3A_40, %select_n3A_44, %select_n3A_48 : vector<64x128xf32>, vector<1x128xf32>, vector<1x128xi32>
    }
    %scan3A_9 = arith.constant 128 : i32
    %swap3A = arith.constant 0 : index
    %swap3A_10 = arith.constant 0 : index
    %swap3A_11 = vector.load %arg2[%swap3A, %swap3A_10] : memref<1x128xf32, #tpu.memory_space<vmem>>, vector<1x128xf32>
    tpu.vector_store %arg2[%swap3A, %swap3A_10], %scan3A_8#1 {strides = array<i32>} : memref<1x128xf32, #tpu.memory_space<vmem>>, vector<1x128xf32>,
    %swap3A_12 = arith.constant 0 : index
    %swap3A_13 = arith.constant 0 : index
    %swap3A_14 = vector.load %arg3[%swap3A_12, %swap3A_13] : memref<1x128xi32, #tpu.memory_space<vmem>>, vector<1x128xi32>
    tpu.vector_store %arg3[%swap3A_12, %swap3A_13], %scan3A_8#2 {strides = array<i32>} : memref<1x128xi32, #tpu.memory_space<vmem>>, vector<1x128xi32>,
    return
  }
}

module attributes {stable_mosaic.version = 14 : i64} {
  func.func @_dist_kernel(%arg0: i32, %arg1: memref<1x64xf32, #tpu.memory_space<vmem>>, %arg2: memref<64x50176xf32, #tpu.memory_space<vmem>>, %arg3: memref<1x1x50176xi32, #tpu.memory_space<vmem>>) attributes {dimension_semantics = [#tpu.dimension_semantics<arbitrary>], iteration_bounds = array<i64: 10>, scalar_prefetch = 0 : i64, scratch_operands = 0 : i64, tpu.core_type = #tpu.core_type<tc>, window_params = [{pipeline_mode = #tpu.pipeline_mode<synchronous>, transform_indices = @transform_0, window_bounds = array<i64: 1, 64>}, {transform_indices = @transform_1, window_bounds = array<i64: 64, 50176>}, {transform_indices = @transform_2, window_bounds = array<i64: 1, 1, 50176>}]} {
    %get3A = arith.constant 0 : index
    %get3A_0 = arith.constant 0 : index
    %get3A_1 = vector.load %arg1[%get3A, %get3A_0] : memref<1x64xf32, #tpu.memory_space<vmem>>, vector<1x64xf32>
    %get3A_2 = arith.constant 0 : index
    %get3A_3 = arith.constant 0 : index
    %get3A_4 = vector.load %arg2[%get3A_2, %get3A_3] : memref<64x50176xf32, #tpu.memory_space<vmem>>, vector<64x50176xf32>
    %dot_general3A = arith.constant dense<0.000000e+00> : vector<1x50176xf32>
    %dot_general3A_5 = tpu.matmul %get3A_1, %get3A_4, %dot_general3A {dimension_numbers = #tpu.dot_dimension_numbers<[1], [0], [0], [1], [0, 0, 1, 1], [], []>, transpose_lhs_hint = false} : vector<1x64xf32>, vector<64x50176xf32>, vector<1x50176xf32> -> vector<1x50176xf32>
    %mul3A = arith.mulf %get3A_4, %get3A_4 : vector<64x50176xf32>
    %reduce_sum3A = arith.constant dense<0.000000e+00> : vector<50176xf32>
    %reduce_sum3A_6 = vector.multi_reduction <add>, %mul3A, %reduce_sum3A [0] : vector<64x50176xf32> to vector<50176xf32>
    %broadcast_in_dim3A = vector.shape_cast %reduce_sum3A_6 : vector<50176xf32> to vector<1x50176xf32>
    %mul3A_7 = arith.mulf %get3A_1, %get3A_1 : vector<1x64xf32>
    %reduce_sum3A_8 = vector.shape_cast %mul3A_7 : vector<1x64xf32> to vector<1x1x64xf32>
    %reduce_sum3A_9 = arith.constant dense<0.000000e+00> : vector<1xf32>
    %reduce_sum3A_10 = vector.multi_reduction <add>, %reduce_sum3A_8, %reduce_sum3A_9 [1, 2] : vector<1x1x64xf32> to vector<1xf32>
    %reduce_sum3A_11 = vector.shape_cast %reduce_sum3A_10 : vector<1xf32> to vector<1x1x1xf32>
    %reduce_sum3A_12 = vector.extract %reduce_sum3A_11[0, 0, 0] : f32 from vector<1x1x1xf32>
    %add3A = vector.broadcast %reduce_sum3A_12 : f32 to vector<1x50176xf32>
    %add3A_13 = arith.addf %add3A, %broadcast_in_dim3A : vector<1x50176xf32>
    %mul3A_14 = arith.constant 2.000000e+00 : f32
    %mul3A_15 = vector.broadcast %mul3A_14 : f32 to vector<1x50176xf32>
    %mul3A_16 = arith.mulf %mul3A_15, %dot_general3A_5 : vector<1x50176xf32>
    %sub3A = arith.subf %add3A_13, %mul3A_16 : vector<1x50176xf32>
    %max3A = arith.constant 0.000000e+00 : f32
    %max3A_17 = vector.broadcast %max3A : f32 to vector<1x50176xf32>
    %max3A_18 = arith.maximumf %sub3A, %max3A_17 : vector<1x50176xf32>
    %add3A_19 = arith.constant 9.99999996E-13 : f32
    %add3A_20 = vector.broadcast %add3A_19 : f32 to vector<1x50176xf32>
    %add3A_21 = arith.addf %max3A_18, %add3A_20 : vector<1x50176xf32>
    %sqrt3A = math.sqrt %add3A_21 : vector<1x50176xf32>
    %bitcast3A = tpu.bitcast %sqrt3A : vector<1x50176xf32> -> vector<1x50176xi32>
    %mul3A_22 = arith.constant 50176 : i32
    %mul3A_23 = arith.muli %arg0, %mul3A_22 : i32
    %add3A_24 = arith.constant 501760 : i32
    %add3A_25 = arith.addi %add3A_24, %mul3A_23 : i32
    %iota3A = tpu.iota {dimensions = array<i32: 1>} : vector<1x50176xi32>
    %add3A_26 = vector.broadcast %add3A_25 : i32 to vector<1x50176xi32>
    %add3A_27 = arith.addi %add3A_26, %iota3A : vector<1x50176xi32>
    %lt3A = arith.constant 1000000 : i32
    %lt3A_28 = vector.broadcast %lt3A : i32 to vector<1x50176xi32>
    %lt3A_29 = arith.cmpi slt, %add3A_27, %lt3A_28 : vector<1x50176xi32>
    %jit3A = arith.constant 2139095040 : i32
    %broadcast_in_dim3A_30 = vector.broadcast %jit3A : i32 to vector<1x50176xi32>
    %select_n3A = arith.select %lt3A_29, %bitcast3A, %broadcast_in_dim3A_30 : vector<1x50176xi1>, vector<1x50176xi32>
    %broadcast_in_dim3A_31 = vector.shape_cast %select_n3A : vector<1x50176xi32> to vector<1x1x50176xi32>
    %swap3A = arith.constant 0 : index
    %swap3A_32 = arith.constant 0 : index
    %swap3A_33 = arith.constant 0 : index
    %swap3A_34 = vector.load %arg3[%swap3A, %swap3A_32, %swap3A_33] : memref<1x1x50176xi32, #tpu.memory_space<vmem>>, vector<1x1x50176xi32>
    tpu.vector_store %arg3[%swap3A, %swap3A_32, %swap3A_33], %broadcast_in_dim3A_31 {strides = array<i32>} : memref<1x1x50176xi32, #tpu.memory_space<vmem>>, vector<1x1x50176xi32>,
    return
  }
  func.func @transform_0(%arg0: i32) -> (i32, i32) {
    %c0_i32 = arith.constant 0 : i32
    %c0_i32_0 = arith.constant 0 : i32
    %c0_i32_1 = arith.constant 0 : i32
    return %c0_i32, %c0_i32_0 : i32, i32
  }
  func.func @transform_1(%arg0: i32) -> (i32, i32) {
    %add3A = arith.constant 10 : i32
    %add3A_0 = arith.addi %arg0, %add3A : i32
    %c0_i32 = arith.constant 0 : i32
    %c0_i32_1 = arith.constant 0 : i32
    return %c0_i32, %add3A_0 : i32, i32
  }
  func.func @transform_2(%arg0: i32) -> (i32, i32, i32) {
    %c0_i32 = arith.constant 0 : i32
    %c0_i32_0 = arith.constant 0 : i32
    %c0_i32_1 = arith.constant 0 : i32
    return %arg0, %c0_i32, %c0_i32_0 : i32, i32, i32
  }
}

module attributes {stable_mosaic.version = 14 : i64} {
  func.func @_dist_kernel(%arg0: i32, %arg1: memref<1x64xf32, #tpu.memory_space<vmem>>, %arg2: memref<64x50176xf32, #tpu.memory_space<vmem>>, %arg3: memref<1x1x50176xi32, #tpu.memory_space<vmem>>) attributes {dimension_semantics = [#tpu.dimension_semantics<arbitrary>], iteration_bounds = array<i64: 10>, scalar_prefetch = 0 : i64, scratch_operands = 0 : i64, tpu.core_type = #tpu.core_type<tc>, window_params = [{pipeline_mode = #tpu.pipeline_mode<synchronous>, transform_indices = @transform_0, window_bounds = array<i64: 1, 64>}, {transform_indices = @transform_1, window_bounds = array<i64: 64, 50176>}, {transform_indices = @transform_2, window_bounds = array<i64: 1, 1, 50176>}]} {
    %get3A = arith.constant 0 : index
    %get3A_0 = arith.constant 0 : index
    %get3A_1 = vector.load %arg1[%get3A, %get3A_0] : memref<1x64xf32, #tpu.memory_space<vmem>>, vector<1x64xf32>
    %get3A_2 = arith.constant 0 : index
    %get3A_3 = arith.constant 0 : index
    %get3A_4 = vector.load %arg2[%get3A_2, %get3A_3] : memref<64x50176xf32, #tpu.memory_space<vmem>>, vector<64x50176xf32>
    %dot_general3A = arith.constant dense<0.000000e+00> : vector<1x50176xf32>
    %dot_general3A_5 = tpu.matmul %get3A_1, %get3A_4, %dot_general3A {dimension_numbers = #tpu.dot_dimension_numbers<[1], [0], [0], [1], [0, 0, 1, 1], [], []>, transpose_lhs_hint = false} : vector<1x64xf32>, vector<64x50176xf32>, vector<1x50176xf32> -> vector<1x50176xf32>
    %mul3A = arith.mulf %get3A_4, %get3A_4 : vector<64x50176xf32>
    %reduce_sum3A = arith.constant dense<0.000000e+00> : vector<50176xf32>
    %reduce_sum3A_6 = vector.multi_reduction <add>, %mul3A, %reduce_sum3A [0] : vector<64x50176xf32> to vector<50176xf32>
    %broadcast_in_dim3A = vector.shape_cast %reduce_sum3A_6 : vector<50176xf32> to vector<1x50176xf32>
    %mul3A_7 = arith.mulf %get3A_1, %get3A_1 : vector<1x64xf32>
    %reduce_sum3A_8 = vector.shape_cast %mul3A_7 : vector<1x64xf32> to vector<1x1x64xf32>
    %reduce_sum3A_9 = arith.constant dense<0.000000e+00> : vector<1xf32>
    %reduce_sum3A_10 = vector.multi_reduction <add>, %reduce_sum3A_8, %reduce_sum3A_9 [1, 2] : vector<1x1x64xf32> to vector<1xf32>
    %reduce_sum3A_11 = vector.shape_cast %reduce_sum3A_10 : vector<1xf32> to vector<1x1x1xf32>
    %reduce_sum3A_12 = vector.extract %reduce_sum3A_11[0, 0, 0] : f32 from vector<1x1x1xf32>
    %add3A = vector.broadcast %reduce_sum3A_12 : f32 to vector<1x50176xf32>
    %add3A_13 = arith.addf %add3A, %broadcast_in_dim3A : vector<1x50176xf32>
    %mul3A_14 = arith.constant 2.000000e+00 : f32
    %mul3A_15 = vector.broadcast %mul3A_14 : f32 to vector<1x50176xf32>
    %mul3A_16 = arith.mulf %mul3A_15, %dot_general3A_5 : vector<1x50176xf32>
    %sub3A = arith.subf %add3A_13, %mul3A_16 : vector<1x50176xf32>
    %max3A = arith.constant 0.000000e+00 : f32
    %max3A_17 = vector.broadcast %max3A : f32 to vector<1x50176xf32>
    %max3A_18 = arith.maximumf %sub3A, %max3A_17 : vector<1x50176xf32>
    %add3A_19 = arith.constant 9.99999996E-13 : f32
    %add3A_20 = vector.broadcast %add3A_19 : f32 to vector<1x50176xf32>
    %add3A_21 = arith.addf %max3A_18, %add3A_20 : vector<1x50176xf32>
    %sqrt3A = math.sqrt %add3A_21 : vector<1x50176xf32>
    %bitcast3A = tpu.bitcast %sqrt3A : vector<1x50176xf32> -> vector<1x50176xi32>
    %mul3A_22 = arith.constant 50176 : i32
    %mul3A_23 = arith.muli %arg0, %mul3A_22 : i32
    %add3A_24 = arith.constant 0 : i32
    %add3A_25 = arith.addi %add3A_24, %mul3A_23 : i32
    %iota3A = tpu.iota {dimensions = array<i32: 1>} : vector<1x50176xi32>
    %add3A_26 = vector.broadcast %add3A_25 : i32 to vector<1x50176xi32>
    %add3A_27 = arith.addi %add3A_26, %iota3A : vector<1x50176xi32>
    %lt3A = arith.constant 1000000 : i32
    %lt3A_28 = vector.broadcast %lt3A : i32 to vector<1x50176xi32>
    %lt3A_29 = arith.cmpi slt, %add3A_27, %lt3A_28 : vector<1x50176xi32>
    %jit3A = arith.constant 2139095040 : i32
    %broadcast_in_dim3A_30 = vector.broadcast %jit3A : i32 to vector<1x50176xi32>
    %select_n3A = arith.select %lt3A_29, %bitcast3A, %broadcast_in_dim3A_30 : vector<1x50176xi1>, vector<1x50176xi32>
    %broadcast_in_dim3A_31 = vector.shape_cast %select_n3A : vector<1x50176xi32> to vector<1x1x50176xi32>
    %swap3A = arith.constant 0 : index
    %swap3A_32 = arith.constant 0 : index
    %swap3A_33 = arith.constant 0 : index
    %swap3A_34 = vector.load %arg3[%swap3A, %swap3A_32, %swap3A_33] : memref<1x1x50176xi32, #tpu.memory_space<vmem>>, vector<1x1x50176xi32>
    tpu.vector_store %arg3[%swap3A, %swap3A_32, %swap3A_33], %broadcast_in_dim3A_31 {strides = array<i32>} : memref<1x1x50176xi32, #tpu.memory_space<vmem>>, vector<1x1x50176xi32>,
    return
  }
  func.func @transform_0(%arg0: i32) -> (i32, i32) {
    %c0_i32 = arith.constant 0 : i32
    %c0_i32_0 = arith.constant 0 : i32
    %c0_i32_1 = arith.constant 0 : i32
    return %c0_i32, %c0_i32_0 : i32, i32
  }
  func.func @transform_1(%arg0: i32) -> (i32, i32) {
    %add3A = arith.constant 0 : i32
    %add3A_0 = arith.addi %arg0, %add3A : i32
    %c0_i32 = arith.constant 0 : i32
    %c0_i32_1 = arith.constant 0 : i32
    return %c0_i32, %add3A_0 : i32, i32
  }
  func.func @transform_2(%arg0: i32) -> (i32, i32, i32) {
    %c0_i32 = arith.constant 0 : i32
    %c0_i32_0 = arith.constant 0 : i32
    %c0_i32_1 = arith.constant 0 : i32
    return %arg0, %c0_i32, %c0_i32_0 : i32, i32, i32
  }
}

</mosaic_0001>

<sc_bundles>
// kernel: kernel.10.cloned.1.call-start
scs
__scs_entry_jumppad:
0x0: {  	(pc) =	sbr.rel $0x88, $3  }
0x1: {  	(tag) =	ssettag $0x0;
	lr =	simm.s32 $0x1  }
0x2: {  	[smem:$0x3F9F] =	sst lr;
	_ =	strace $0xD0000000  }
0x3: {  	_ = 	snop  }
0x4: {  	_ = 	snop  }
0x5: {  	_ = 	snop  }
0x6: {  	_ = 	snop  }
0x7: {  	_ = 	snop  }
__scs_overlays_trampoline_lowered:
0x8: {  	[smem:$0x3FAE] =	sst s0  }
0x9: {  	[smem:$0x3FAF] =	sst s1  }
0xa: {  	[smem:$0x3FB0] =	sst s2  }
0xb: {  	[smem:$0x3FB1] =	sst s3  }
0xc: {  	[smem:$0x3FB2] =	sst s4  }
0xd: {  	[smem:$0x3FB3] =	sst s5  }
0xe: {  	[smem:$0x3FB4] =	sst s6  }
0xf: {  	[smem:$0x3FB5] =	sst s7  }
0x10: {  	[smem:$0x3FB6] =	sst s8  }
0x11: {  	[smem:$0x3FB7] =	sst s9;
	s0 =	simm.s32 @!p0 $0x0  }
0x12: {  	s1 =	sld [smem:$0x3F9D];
	s0 =	simm.s32 @p0 $0x1  }
0x13: {  	[smem:$0x3FB8] =	sst s0;
	s0 =	simm.s32 @!p1 $0x0  }
0x14: {  	s2 =	sld [smem:$0x3F9C];
	s0 =	simm.s32 @p1 $0x1  }
0x15: {  	[smem:$0x3FB9] =	sst s0;
	s0 =	simm.s32 @!p2 $0x0  }
0x16: {  	s3 =	sld [smem:$0x3FDB];
	s0 =	simm.s32 @p2 $0x1  }
0x17: {  	s4 =	simm.s32 $0x1BF5;
	[smem:$0x3FBB] =	sst s0  }
0x18: {  	s0 =	sld [smem:$0x3F9E];
	_ =	swait.ge [sflag:s4], $0x0  }
0x19: {  	s7 =	sld [smem:$0x3F9F]  }
0x1a: {  	s8 =	sadd.s32 $0xFFFFE003, lr  }
0x1b: {  	s9 =	sadd.s32 $0xFFFFFEF7, lr;
	s5 =	simm.s32 $0xFFFFFFFF;
	p2 =	slt.u32 s8, $0xFFFFF086  }
0x1c: {  	p1 =	slt.u32 s9, $0xF7A;
	s5 =	simm.s32 @!p2 $0x0  }
0x1d: {  	s5 =	simm.s32 @p1 $0x1;
	p0 =	seq.s32 s7, s2  }
0x1e: {  	s7 =	smul.u32 @!p0 $0xF7A, s2;
	p2 =	seq.s32 @!p0 s5, $0x0  }
0x1f: {  	s9 =	smul.u32 $0xF7A, s1;
	s8 =	simm.s32 @!p0 $0x1BF5;
	p2 =	por !p2, p0  }
0x20: {  	[sflag:s8] =	ssyncset.s32 @!p0 $0xFFFFF086;
	s6 =	sadd.s32 @!p0 s3, s7;
	s7 =	simm.s32 @!p0 $0x108  }
0x21: {  	s3 =	sadd.s32 s3, s9;
	s6 =	sadd.s32 @!p0 $0x88, s6;
	s7 =	simm.s32 @p2 $0x1082  }
0x22: {  	[simem:s7], [sflag:s8] =	dma.local @!p0 [hbm:s6], $0xF7A  }
0x23: {  	s9 =	sor.u32 $0xD0000000, s2;
	s6 =	simm.s32 $0x108;
	_ =	swait.ge @!p0 [sflag:s8], $0x0  }
0x24: {  	s3 =	sadd.s32 $0x88, s3;
	s6 =	simm.s32 @!p1 $0x1082;
	[sflag:s4] =	ssyncset.s32 $0xFFFFF086  }
0x25: {  	[simem:s6], [sflag:s4] =	dma.local [hbm:s3], $0xF7A  }
0x26: {  	[smem:$0x3F9F] =	sst s1;
	(tag) =	ssettag s2;
	_ =	strace s9  }
0x27: {  	s1 =	sld [smem:$0x3FAF]  }
0x28: {  	s2 =	sld [smem:$0x3FB0]  }
0x29: {  	s4 =	sld [smem:$0x3FB2]  }
0x2a: {  	p0 =	seq.s32 s5, $0x0;
	s5 =	sld [smem:$0x3FB3]  }
0x2b: {  	s6 =	sld [smem:$0x3FB4]  }
0x2c: {  	s7 =	sld [smem:$0x3FB5]  }
0x2d: {  	s3 =	simm.s32 $0x108;
	s8 =	sld [smem:$0x3FB6]  }
0x2e: {  	s3 =	simm.s32 @!p0 $0x1082;
	s9 =	sld [smem:$0x3FB7]  }
0x2f: {  	lr =	sadd.s32 s0, s3;
	s0 =	sld [smem:$0x3FAE]  }
0x30: {  	s3 =	sld [smem:$0x3FB1]  }
0x31: {  	[smem:$0x3FBA] =	sst s10  }
0x32: {  	s10 =	sld [smem:$0x3FB8];
	_ =	sdelay $0x3  }
0x33: {  	p0 =	seq.s32 s10, $0x1;
	s10 =	sld [smem:$0x3FBA];
	_ =	sdelay $0x3  }
0x34: {  	[smem:$0x3FBA] =	sst s10  }
0x35: {  	s10 =	sld [smem:$0x3FB9];
	_ =	sdelay $0x3  }
0x36: {  	p1 =	seq.s32 s10, $0x1;
	s10 =	sld [smem:$0x3FBA];
	_ =	sdelay $0x3  }
0x37: {  	[smem:$0x3FBA] =	sst s10  }
0x38: {  	s10 =	sld [smem:$0x3FBB]  }
0x39: {  	_ = 	snop;
	(pc) =	sbr.ind lr, $3  }
0x3a: {  	_ = 	snop  }
0x3b: {  	_ = 	snop  }
0x3c: {  	p2 =	seq.s32 s10, $0x1;
	s10 =	sld [smem:$0x3FBA]  }
0x3d: {  	_ =	shalt  }
0x3e: {  	_ =	shalt  }
0x3f: {  	_ =	shalt  }
0x40: {  	_ =	shalt  }
0x41: {  	_ =	shalt  }
0x42: {  	_ =	shalt  }
0x43: {  	_ =	shalt  }
0x44: {  	_ =	shalt  }
0x45: {  	_ =	shalt  }
0x46: {  	_ =	shalt  }
0x47: {  	_ =	shalt  }
0x48: {  	_ =	shalt  }
0x49: {  	_ =	shalt  }
0x4a: {  	_ =	shalt  }
0x4b: {  	_ =	shalt  }
0x4c: {  	_ =	shalt  }
0x4d: {  	_ =	shalt  }
0x4e: {  	_ =	shalt  }
0x4f: {  	_ =	shalt  }
0x50: {  	_ =	shalt  }
0x51: {  	_ =	shalt  }
0x52: {  	_ =	shalt  }
0x53: {  	_ =	shalt  }
0x54: {  	_ =	shalt  }
0x55: {  	_ =	shalt  }
0x56: {  	_ =	shalt  }
0x57: {  	_ =	shalt  }
0x58: {  	_ =	shalt  }
0x59: {  	_ =	shalt  }
0x5a: {  	_ =	shalt  }
0x5b: {  	_ =	shalt  }
0x5c: {  	_ =	shalt  }
0x5d: {  	_ =	shalt  }
0x5e: {  	_ =	shalt  }
0x5f: {  	_ =	shalt  }
0x60: {  	_ =	shalt  }
0x61: {  	_ =	shalt  }
0x62: {  	_ =	shalt  }
0x63: {  	_ =	shalt  }
0x64: {  	_ =	shalt  }
0x65: {  	_ =	shalt  }
0x66: {  	_ =	shalt  }
0x67: {  	_ =	shalt  }
0x68: {  	_ =	shalt  }
0x69: {  	_ =	shalt  }
0x6a: {  	_ =	shalt  }
0x6b: {  	_ =	shalt  }
0x6c: {  	_ =	shalt  }
0x6d: {  	_ =	shalt  }
0x6e: {  	_ =	shalt  }
0x6f: {  	_ =	shalt  }
0x70: {  	_ =	shalt  }
0x71: {  	_ =	shalt  }
0x72: {  	_ =	shalt  }
0x73: {  	_ =	shalt  }
0x74: {  	_ =	shalt  }
0x75: {  	_ =	shalt  }
0x76: {  	_ =	shalt  }
0x77: {  	_ =	shalt  }
0x78: {  	_ =	shalt  }
0x79: {  	_ =	shalt  }
0x7a: {  	_ =	shalt  }
0x7b: {  	_ =	shalt  }
0x7c: {  	_ =	shalt  }
0x7d: {  	_ =	shalt  }
0x7e: {  	_ =	shalt  }
0x7f: {  	_ =	shalt  }
0x80: {  	_ =	shalt  }
0x81: {  	_ =	shalt  }
0x82: {  	_ =	shalt  }
0x83: {  	_ =	shalt  }
0x84: {  	_ =	shalt  }
0x85: {  	_ =	shalt  }
0x86: {  	_ =	shalt  }
0x87: {  	_ =	shalt  }
.Lfunc_end0:
.L_simem_size_0:
called_computation.1_lowered:
.L_overlay_start_0:
0x88: {  	s2 =	sld [smem:$0x3FD9]  }
0x89: {  	s3 =	sld [smem:$0x3FFE];
	_ =	sdelay $0x1  }
0x8a: {  	s1 =	srdreg.scid  }
0x8b: {  	s0 =	sand.u32 $0x1, s1  }
0x8c: {  	s16 =	sshll.u32 s0, $0xA;
	s2 =	sadd.s32 s3, s2  }
0x8d: {  	s2 =	sadd.s32 s2, s16  }
0x8e: {  	[smem:$0x3FC6] =	sst s2  }
0x8f: {  	_ = 	snop  }
0x90: {  	(tm) =	ssettm $0x1  }
0x91: {  	s17 =	sld [smem:$0x3FFB];
	_ =	sdelay $0x3  }
0x92: {  	_ =	strace s17  }
0x93: {  	s2 =	sld [smem:$0x3FFC];
	_ =	sdelay $0x3  }
0x94: {  	_ =	strace s2  }
0x95: {  	s2 =	sld [smem:$0x3FFD];
	_ =	sdelay $0x3  }
0x96: {  	_ =	strace s2  }
0x97: {  	_ =	strace $0x8FFFFFFF  }
0x98: {  	s18 =	sld [smem:$0x3FDB];
	_ =	sdelay $0x1  }
0x99: {  	s19 =	simm.s32 $_scs_section_size  }
0x9a: {  	s4 =	simm.s32 $_size__tile_overlayer_lowered;
	s5 =	simm.s32 $_tile_overlayer_lowered  }
0x9b: {  	s22 =	simm.s32 $0x1BFF;
	s21 =	sshll.u32 s5, $0x1;
	s2 =	sadd.s32 s19, s18  }
0x9c: {  	s6 =	simm.s32 $0x0;
	s20 =	sshll.u32 s4, $0x1;
	s4 =	sadd.s32 s21, s2  }
0x9d: {  	[timem:s6], [sflag:s22] =	dma.local [hbm:s4], s20  }
0x9e: {  	_ =	swait.ge [sflag:s22], s20  }
0x9f: {  	s3 =	ssub.s32 $0x0, s20;
	[sflag:s22] =	ssyncset.done $0x0  }
0xa0: {  	[sflag:s22] =	ssyncadd.s32 s3;
	_ =	sdelay $0x1  }
0xa1: {  	s23 =	simm.s32 $0x1B8B  }
0xa2: {  	_ =	swait.ge [sflag:s23], $0x1  }
0xa3: {  	[sflag:s23] =	ssyncset.done $0x0  }
0xa4: {  	s25 =	simm.s32 $0x1B8E;
	s24 =	sld [smem:$0x3FFE];
	[sflag:s23] =	ssyncadd.s32 $0xFFFFFFFF  }
0xa5: {  	s26 =	simm.s32 $execute0_lowered;
	[smem:$0x3FD2] =	sst s25  }
0xa6: {  	s4 =	sshll.u32 s26, $0x1;
	_ =	strace $0x80000046;
	[dreg:$0x1] =	wrdreg $0xFFFFFFFF  }
0xa7: {  	s28 =	simm.s32 $_size_execute0_lowered;
	s2 =	sadd.s32 s2, s4;
	[dreg:$0x0] =	wrdreg $0x0  }
0xa8: {  	s4 =	sshll.u32 s28, $0x1;
	[dreg:$0x2] =	wrdreg s2  }
0xa9: {  	[dreg:$0x3] =	wrdreg s4  }
0xaa: {  	[dreg:$0x4] =	wrdreg $0xC0  }
0xab: {  	_ =	task [dreg:s6], $0x5FFFF  }
0xac: {  	[dreg:$0x1] =	wrdreg $0xFFFFFFFF  }
0xad: {  	[dreg:$0x0] =	wrdreg $0x60  }
0xae: {  	[dreg:$0x2] =	wrdreg s24  }
0xaf: {  	[dreg:$0x3] =	wrdreg $0xA  }
0xb0: {  	_ =	task.clear_ibuf [dreg:s6], $0x4FFFF;
	_ =	strace $0x90000046  }
0xb1: {  	s29 =	simm.s32 $0xA;
	_ =	strace $0x80000048  }
0xb2: {  	_ =	swait.ge [sflag:s29], $0x1  }
0xb3: {  	[sflag:s29] =	ssyncadd.s32 $0xFFFFFFFF  }
0xb4: {  	_ =	strace $0x90000048  }
0xb5: {  	_ =	sfence  }
0xb6: {  	s30 =	sld [smem:$0x0];
	_ =	sdelay $0x2  }
0xb7: {  	s31 =	sshll.u32 s1, $0xD;
	s1 =	sshrl.u32 s1, $0x2  }
0xb8: {  	s3 =	sand.u32 $0x4000, s31;
	s1 =	sadd.s32 s1, s30  }
0xb9: {  	s0 =	sor.u32 s3, s0;
	s1 =	sshll.u32 s1, $0x11  }
0xba: {  	s0 =	sor.u32 s1, s0  }
0xbb: {  	s0 =	sadd.s32 $0x8F2B, s0  }
0xbc: {  	[sflag:s0] =	ssyncadd.remote.s32 $0x1  }
0xbd: {  	_ =	sfence.sel $0xFFFF  }
0xbe: {  	[dreg:$0x0] =	wrdreg $0xFFFFFFFF;
	(pc) =	sbr.abs _section_cstart, $3  }
0xbf: {  	[dreg:$0x1] =	wrdreg $0xFFFFFFFF  }
0xc0: {  	_ =	task.clear_ibuf [dreg:s6], $0x2FFFF;
	_ =	strace $0x9FFFFFFF  }
0xc1: {  	(tm) =	ssettm $0x7FFFFFFF  }
tec
execute0_lowered:
.L_overlay_start_1:
0x0: {  	(tag) =	ssettag $0x1  }
0x1: {  	s1 =	srdreg.scid  }
0x2: {  	s0 =	stileid.u32;
	s5 =	rddreg [dreg:$0x0];
	s2 =	simm.s32 $0x0  }
0x3: {  	s10 =	simm.s32 $0x5F80;
	s3 =	sand.u32 $0x1, s1;
	s30 =	sshll.u32 s0, $0x1  }
0x4: {  	s11 =	simm.s32 $0x9D00;
	s12 =	simm.s32 $0x9D80;
	s4 =	sor.u32 s3, s30  }
0x5: {  	s13 =	simm.s32 $0x0;
	[smem:$0x7FF] =	sst s2;
	s6 =	smul.u32 $0x3D40, s4  }
0x6: {  	s1 =	rddreg [dreg:$0x1];
	s8 =	smul.u32 $0x7A80, s0;
	_ =	strace $0x80000047  }
0x7: {  	s7 =	ssub.s32 $0x2, s3;
	s9 =	smul.u32 $0x3D40, s3;
	s6 =	sshrl.u32 s6, $0x3  }
0x8: {  	v0 =	vlaneseq.u32;
	s4 =	sshll.u32 s4, $0x4;
	s31 =	sshrl.u32 s7, $0x1;
	s6 =	sadd.s32 s6, s5  }
0x9: {  	v1 =	vimm.s32 $0x0;
	v2 =	vimm.s32 $0x1;
	v3 =	vor.u32 $0x10, v0;
	s7 =	ssub.s32 s7, s31;
	s5 =	sadd.s32 s4, s5;
	s3 =	sadd.s32 $0x1800, s6  }
0xa: {  	v4 =	vor.u32 $0x20, v0;
	v5 =	vor.u32 $0x30, v0;
	v6 =	vor.u32 $0x40, v0;
	s4 =	sadd.s32 $0x10E00, s5;
	s5 =	sadd.s32 $0x11000, s5;
	s6 =	smax.u32 s7, $0x1  }
0xb: {  	v7 =	vor.u32 $0x50, v0;
	v8 =	vor.u32 $0x60, v0;
	v9 =	vor.u32 $0x70, v0;
	s7 =	sadd.s32 s9, s8;
	s8 =	simm.s32 $0x1;
	s9 =	simm.s32 $0x3D80  }
.LBB2_1:
0xc: {  	[tilespmem:s2], [sflag:$0x1] =	stream.linear.gather [hbm4b:s3+s2], $0x3D40, $0x38;
	[tilespmem:$0x9E00] =	vst v63  }
0xd: {  	_ =	swait.ge [sflag:s8], $0x3D40  }
0xe: {  	[sflag:s8] =	ssyncset.done $0x0  }
0xf: {  	s14 =	simm.s32 $0x3DC0;
	[sflag:s8] =	ssyncadd.s32 $0xFFFFC2C0  }
0x10: {  	[tilespmem:s14+$0xFFFFFFC0] =	vst v1  }
0x11: {  	[tilespmem:s14+$0x30] =	vst v1  }
0x12: {  	[tilespmem:s14+$0x20] =	vst v1  }
0x13: {  	[tilespmem:s14+$0x10] =	vst v1  }
0x14: {  	[tilespmem:s14+$0x0] =	vst v1  }
0x15: {  	[tilespmem:s14+$0xFFFFFFF0] =	vst v1  }
0x16: {  	s16 =	simm.s32 $0x0;
	s15 =	simm.s32 $0x20;
	[tilespmem:s14+$0xFFFFFFE0] =	vst v1  }
.LBB2_2:
0x17: {  	s16 =	sadd.s32 $0x8, s16;
	[tilespmem:s14+$0xFFFFFFD0] =	vst v1;
	s14 =	sadd.s32 $0x80, s14  }
0x18: {  	[tilespmem:s14+$0xFFFFFFC0] =	vst v1;
	p0 =	slt.u32 s16, $0xF8  }
0x19: {  	[tilespmem:s14+$0x30] =	vst v1  }
.Ltmp0:
0x1a: {  	[tilespmem:s14+$0x20] =	vst v1;
	(pc) =	sbr.rel @p0 .LBB2_2-.Ltmp0, $4  }
0x1b: {  	[tilespmem:s14+$0x10] =	vst v1  }
0x1c: {  	[tilespmem:s14+$0x0] =	vst v1  }
0x1d: {  	[tilespmem:s14+$0xFFFFFFF0] =	vst v1  }
0x1e: {  	[tilespmem:s14+$0xFFFFFFE0] =	vst v1  }
0x1f: {  	[tilespmem:s14+$0xFFFFFFD0] =	vst v1  }
0x20: {  	v11 =	vld [tilespmem:s15+$0xFFFFFFF0];
	_ =	sdelay $0x1  }
0x21: {  	v10 =	vld [tilespmem:s15+$0x10];
	_ =	sdelay $0x1  }
0x22: {  	v13 =	vld [tilespmem:s15+$0x0]  }
0x23: {  	v12 =	vshrl.u32 v11, $0x14;
	v11 =	vld [tilespmem:s15+$0xFFFFFFE0];
	_ =	sdelay $0x1  }
0x24: {  	v10 =	vshrl.u32 v10, $0x14  }
0x25: {  	v10 =	vand.u32 $0xFF0, v10  }
0x26: {  	s14 =	simm.s32 $0x0;
	v13 =	vshrl.u32 v13, $0x14;
	s15 =	simm.s32 $0x60;
	v12 =	vand.u32 $0xFF0, v12;
	v10 =	vor.u32 v0, v10  }
.LBB2_4:
0x27: {  	v14 =	vld [tilespmem:s15+$0x10];
	s14 =	sadd.s32 $0x4, s14;
	v11 =	vshrl.u32 v11, $0x14;
	v12 =	vor.u32 v0, v12;
	v13 =	vand.u32 $0xFF0, v13  }
0x28: {  	v15 =	vld [tilespmem:s15+$0xFFFFFFF0];
	p0 =	slt.u32 s14, $0x3D0;
	v11 =	vand.u32 $0xFF0, v11;
	v13 =	vor.u32 v0, v13  }
0x29: {  	v16 =	vld [tilespmem:s15+$0x0];
	v17 =	vor.u32 v0, v11  }
.Ltmp1:
0x2a: {  	v11 =	vld [tilespmem:s15+$0xFFFFFFE0];
	(pc) =	sbr.rel @p0 .LBB2_4-.Ltmp1, $4  }
0x2b: {  	[tilespmem:v10+s9+$0x0] =	vst.idx.add.s32.msk $0xffff, v2  }
0x2c: {  	v10 =	vshrl.u32 v14, $0x14;
	[tilespmem:v12+s9+$0x0] =	vst.idx.add.s32.msk $0xffff, v2  }
0x2d: {  	v12 =	vshrl.u32 v15, $0x14;
	v10 =	vand.u32 $0xFF0, v10;
	[tilespmem:v13+s9+$0x0] =	vst.idx.add.s32.msk $0xffff, v2  }
0x2e: {  	s15 =	sadd.s32 $0x40, s15;
	v12 =	vand.u32 $0xFF0, v12;
	v13 =	vshrl.u32 v16, $0x14;
	v10 =	vor.u32 v0, v10;
	[tilespmem:v17+s9+$0x0] =	vst.idx.add.s32.msk $0xffff, v2  }
0x2f: {  	v11 =	vshrl.u32 v11, $0x14;
	v12 =	vor.u32 v0, v12;
	v13 =	vand.u32 $0xFF0, v13  }
0x30: {  	v11 =	vand.u32 $0xFF0, v11;
	v13 =	vor.u32 v0, v13  }
0x31: {  	v11 =	vor.u32 v0, v11;
	_ =	sdelay $0x1  }
0x32: {  	[tilespmem:v10+s9+$0x0] =	vst.idx.add.s32.msk $0xffff, v2  }
0x33: {  	[tilespmem:v12+s9+$0x0] =	vst.idx.add.s32.msk $0xffff, v2  }
0x34: {  	[tilespmem:v13+s9+$0x0] =	vst.idx.add.s32.msk $0xffff, v2  }
0x35: {  	s14 =	simm.s32 $0x0;
	[tilespmem:v11+s9+$0x0] =	vst.idx.add.s32.msk $0xffff, v2  }
0x36: {  	v12 =	vld [tilespmem:s14+$0x3D80]  }
0x37: {  	v11 =	vld [tilespmem:s14+$0x3D90]  }
0x38: {  	v10 =	vld [tilespmem:s14+$0x3DA0]  }
0x39: {  	v14 =	vimm.s32 $0x0;
	s15 =	simm.s32 $0x0;
	s16 =	simm.s32 $0x100;
	v13 =	vld [tilespmem:s14+$0x3DB0]  }
.LBB2_6:
0x3a: {  	p0 =	sne.s32 s16, $0x3F00  }
.Ltmp2:
0x3b: {  	s17 =	sshra.s32 s16, $0x2;
	s16 =	sadd.s32 $0x100, s16;
	v14 =	vadd.s32 v14, v12;
	(pc) =	sbr.rel @p0 .LBB2_6-.Ltmp2, $4  }
0x3c: {  	v12 =	vld [tilespmem:s17+$0x3D80];
	[tilespmem:s14+$0x4D80] =	vst v14;
	v14 =	vadd.s32 v14, v11  }
0x3d: {  	v11 =	vld [tilespmem:s17+$0x3D90];
	[tilespmem:s14+$0x4D90] =	vst v14;
	v14 =	vadd.s32 v14, v10  }
0x3e: {  	v10 =	vld [tilespmem:s17+$0x3DA0];
	[tilespmem:s14+$0x4DA0] =	vst v14;
	v14 =	vadd.s32 v14, v13  }
0x3f: {  	v13 =	vld [tilespmem:s17+$0x3DB0];
	[tilespmem:s14+$0x4DB0] =	vst v14;
	s14 =	smov.u32 s17  }
0x40: {  	_ = 	snop  }
0x41: {  	v12 =	vadd.s32 v14, v12  }
0x42: {  	[tilespmem:s14+$0x4D80] =	vst v12;
	v11 =	vadd.s32 v12, v11  }
0x43: {  	[tilespmem:s14+$0x4D90] =	vst v11;
	v10 =	vadd.s32 v11, v10  }
0x44: {  	[tilespmem:s14+$0x4DA0] =	vst v10;
	v10 =	vadd.s32 v10, v13  }
0x45: {  	s17 =	simm.s32 $0xFF;
	s16 =	simm.s32 $0x7;
	[tilespmem:s14+$0x4DB0] =	vst v10;
	s14 =	simm.s32 $0xFF  }
.LBB2_8:
0x46: {  	s18 =	smov.u32 s15  }
0x47: {  	p0 =	sne.s32 s16, $0x1;
	s15 =	sand.u32 $0x1, s17  }
0x48: {  	p1 =	slt.s32 s17, $0x1;
	p2 =	seq.s32 s15, $0x1  }
0x49: {  	s15 =	sshrl.u32 s17, $0x1F;
	p1 =	por !p1, !p2  }
0x4a: {  	s15 =	sadd.s32 s15, s17;
	s17 =	simm.s32 $0x1;
	p1 =	por !p1, !p1  }
0x4b: {  	s15 =	sshra.s32 s15, $0x1;
	s17 =	simm.s32 @!p1 $0x0  }
0x4c: {  	s17 =	ssub.s32 s15, s17  }
0x4d: {  	s15 =	sshll.u32 s17, $0x6  }
0x4e: {  	s15 =	sshra.s32 s15, $0x2  }
0x4f: {  	v10 =	vld [tilespmem:s15+$0x4D80];
	_ =	sdelay $0x4  }
0x50: {  	(xrf0) =	vadd.scan.msk.s32 $0xffff, v10;
	_ =	sdelay $0x5  }
0x51: {  	v10, _, _ =	vpop (xrf0)  }
0x52: {  	(v2sf) =	vpush v10, $0xF;
	_ =	sdelay $0xd  }
.Ltmp3:
0x53: {  	(pc) =	sbr.rel @p0 .LBB2_8-.Ltmp3, $4  }
0x54: {  	s15 =	spop (v2sf)  }
0x55: {  	p1 =	sgt.s32 s15, $0x7F;
	s15 =	sadd.s32 $0x1, s17  }
0x56: {  	s15 =	smov.u32 @p1 s18;
	s14 =	smov.u32 @p1 s17  }
0x57: {  	s16 =	sadd.s32 $0xFFFFFFFF, s16;
	s17 =	sadd.s32 s15, s14  }
0x58: {  	s14 =	sand.u32 $0x1, s17  }
0x59: {  	p0 =	slt.s32 s17, $0x1;
	p1 =	seq.s32 s14, $0x1  }
0x5a: {  	s30 =	sshrl.u32 s17, $0x1F;
	p0 =	por !p0, !p1  }
0x5b: {  	s16 =	simm.s32 $0x1;
	s14 =	sadd.s32 s30, s17;
	p0 =	por !p0, !p0  }
0x5c: {  	s14 =	sshra.s32 s14, $0x1;
	s16 =	simm.s32 @!p0 $0x0  }
0x5d: {  	s14 =	ssub.s32 s14, s16  }
0x5e: {  	s16 =	sshll.u32 s14, $0x6  }
0x5f: {  	s16 =	sshra.s32 s16, $0x2  }
0x60: {  	v10 =	vld [tilespmem:s16+$0x4D80];
	_ =	sdelay $0x4  }
0x61: {  	(xrf0) =	vadd.scan.msk.s32 $0xffff, v10;
	_ =	sdelay $0x5  }
0x62: {  	v10, _, _ =	vpop (xrf0)  }
0x63: {  	(v2sf) =	vpush v10, $0xF;
	_ =	sdelay $0xe  }
0x64: {  	s31 =	spop (v2sf)  }
0x65: {  	s16 =	sadd.s32 $0x1, s14;
	p0 =	sgt.s32 s31, $0x7F  }
0x66: {  	s16 =	smov.u32 @p0 s15  }
0x67: {  	p0 =	sgt.s32 s16, $0x1;
	s14 =	smov.u32 s16  }
0x68: {  	s14 =	simm.s32 @!p0 $0x1  }
0x69: {  	s14 =	sshll.u32 s14, $0x6  }
0x6a: {  	s14 =	sshra.s32 s14, $0x2  }
0x6b: {  	v10 =	vld [tilespmem:s14+$0x4D70];
	s14 =	simm.s32 $0x3DC0  }
0x6c: {  	[tilespmem:s14+$0xFFFFFFC0] =	vst v1  }
0x6d: {  	[tilespmem:s14+$0x30] =	vst v1  }
0x6e: {  	[tilespmem:s14+$0x20] =	vst v1  }
0x6f: {  	[tilespmem:s14+$0x10] =	vst v1  }
0x70: {  	[tilespmem:s14+$0x0] =	vst v1  }
0x71: {  	[tilespmem:s14+$0xFFFFFFF0] =	vst v1  }
0x72: {  	s15 =	simm.s32 $0x0;
	[tilespmem:s14+$0xFFFFFFE0] =	vst v1  }
.LBB2_10:
0x73: {  	s15 =	sadd.s32 $0x8, s15;
	[tilespmem:s14+$0xFFFFFFD0] =	vst v1;
	s14 =	sadd.s32 $0x80, s14  }
0x74: {  	[tilespmem:s14+$0xFFFFFFC0] =	vst v1;
	p0 =	slt.u32 s15, $0xF8  }
0x75: {  	[tilespmem:s14+$0x30] =	vst v1  }
.Ltmp4:
0x76: {  	[tilespmem:s14+$0x20] =	vst v1;
	(pc) =	sbr.rel @p0 .LBB2_10-.Ltmp4, $4  }
0x77: {  	[tilespmem:s14+$0x10] =	vst v1  }
0x78: {  	[tilespmem:s14+$0x0] =	vst v1  }
0x79: {  	[tilespmem:s14+$0xFFFFFFF0] =	vst v1  }
0x7a: {  	[tilespmem:s14+$0xFFFFFFE0] =	vst v1  }
0x7b: {  	[tilespmem:s14+$0xFFFFFFD0] =	vst v1;
	s30 =	simm.s32 $0x20  }
0x7c: {  	v12 =	vld [tilespmem:s30+$0x10];
	_ =	sdelay $0x2  }
0x7d: {  	s15 =	sshll.u32 s16, $0x18  }
0x7e: {  	v13 =	vld [tilespmem:s30+$0xFFFFFFF0];
	s31 =	sshra.s32 s15, $0x18  }
0x7f: {  	v15 =	vld [tilespmem:s30+$0xFFFFFFE0];
	v11 =	vmov s31;
	v16 =	vshra.s32 v12, $0x18;
	v12 =	vshrl.u32 v12, $0xC  }
0x80: {  	v14 =	vld [tilespmem:s30+$0x0];
	vm1 =	veq.s32 v16, v11;
	v12 =	vand.u32 $0xFF0, v12  }
0x81: {  	v18 =	vor.u32 v0, v12  }
0x82: {  	s17 =	simm.s32 $0x60  }
0x83: {  	v19 =	vld [tilespmem:s17+$0x10]  }
0x84: {  	v21 =	vld [tilespmem:s17+$0xFFFFFFF0];
	v17 =	vshrl.u32 v13, $0xC;
	v12 =	vshra.s32 v15, $0x18;
	v15 =	vshrl.u32 v15, $0xC  }
0x85: {  	v13 =	vshra.s32 v13, $0x18;
	v16 =	vshrl.u32 v14, $0xC;
	v20 =	vand.u32 $0xFF0, v15;
	v15 =	vld [tilespmem:s17+$0x0]  }
0x86: {  	v17 =	vand.u32 $0xFF0, v17;
	v14 =	vshra.s32 v14, $0x18;
	vm2 =	veq.s32 v13, v11;
	[tilespmem:v18+s9+$0x0] =	vst.idx.add.s32.msk vm1, v2  }
0x87: {  	v16 =	vand.u32 $0xFF0, v16;
	v13 =	vor.u32 v0, v17;
	vm3 =	veq.s32 v14, v11;
	v18 =	vld [tilespmem:s17+$0xFFFFFFE0]  }
0x88: {  	v17 =	vshrl.u32 v19, $0xC;
	vm0 =	veq.s32 v12, v11;
	v14 =	vor.u32 v0, v16  }
0x89: {  	v16 =	vshra.s32 v19, $0x18;
	v12 =	vor.u32 v0, v20;
	vm0 =	vmmov vm0  }
0x8a: {  	v20 =	vshrl.u32 v21, $0xC;
	vm1 =	veq.s32 v16, v11;
	v16 =	vand.u32 $0xFF0, v17  }
0x8b: {  	s14 =	simm.s32 $0x4;
	v17 =	vshra.s32 v21, $0x18;
	s17 =	simm.s32 $0xA0;
	v19 =	vshrl.u32 v15, $0xC;
	v16 =	vor.u32 v0, v16  }
.LBB2_12:
0x8c: {  	v22 =	vshra.s32 v18, $0x18;
	v18 =	vshrl.u32 v18, $0xC  }
0x8d: {  	v21 =	vld [tilespmem:s17+$0x10];
	s14 =	sadd.s32 $0x4, s14;
	v20 =	vand.u32 $0xFF0, v20;
	vm5 =	vmmov vm2;
	vm4 =	vmmov vm3  }
0x8e: {  	v24 =	vshra.s32 v15, $0x18;
	v19 =	vand.u32 $0xFF0, v19;
	v23 =	vld [tilespmem:s17+$0xFFFFFFF0];
	p0 =	slt.u32 s14, $0x3D0;
	v18 =	vand.u32 $0xFF0, v18  }
0x8f: {  	vm2 =	veq.s32 v17, v11;
	vm6 =	veq.s32 v22, v11;
	v15 =	vld [tilespmem:s17+$0x0];
	v22 =	vor.u32 v0, v18  }
.Ltmp5:
0x90: {  	v17 =	vor.u32 v0, v20;
	vm3 =	veq.s32 v24, v11;
	v24 =	vor.u32 v0, v19;
	v18 =	vld [tilespmem:s17+$0xFFFFFFE0];
	(pc) =	sbr.rel @p0 .LBB2_12-.Ltmp5, $4  }
0x91: {  	[tilespmem:v16+s9+$0x0] =	vst.idx.add.s32.msk vm1, v2  }
0x92: {  	v16 =	vshra.s32 v21, $0x18;
	v19 =	vshrl.u32 v21, $0xC;
	[tilespmem:v12+s9+$0x0] =	vst.idx.add.s32.msk vm0, v2;
	v12 =	vmovc v22;
	vm0 =	vmmov vm6  }
0x93: {  	v20 =	vshrl.u32 v23, $0xC;
	vm1 =	veq.s32 v16, v11;
	v16 =	vand.u32 $0xFF0, v19;
	[tilespmem:v13+s9+$0x0] =	vst.idx.add.s32.msk vm5, v2;
	v13 =	vmovc v17  }
0x94: {  	s17 =	sadd.s32 $0x40, s17;
	v17 =	vshra.s32 v23, $0x18;
	v19 =	vshrl.u32 v15, $0xC;
	v16 =	vor.u32 v0, v16;
	[tilespmem:v14+s9+$0x0] =	vst.idx.add.s32.msk vm4, v2;
	v14 =	vmovc v24  }
0x95: {  	_ = 	snop  }
0x96: {  	v21 =	vshra.s32 v18, $0x18;
	v63 =	vshrl.u32 v18, $0xC;
	vm2 =	vmmov vm2  }
0x97: {  	v20 =	vand.u32 $0xFF0, v20;
	vm3 =	vmmov vm3;
	vm5 =	veq.s32 v17, v11  }
0x98: {  	v15 =	vshra.s32 v15, $0x18;
	vm4 =	veq.s32 v21, v11;
	vm5 =	vmmov vm5  }
0x99: {  	vm6 =	veq.s32 v15, v11;
	v11 =	vand.u32 $0xFF0, v19;
	v15 =	vor.u32 v0, v20  }
0x9a: {  	[tilespmem:v16+s9+$0x0] =	vst.idx.add.s32.msk vm1, v2;
	v18 =	vand.u32 $0xFF0, v63;
	vm4 =	vmmov vm4;
	v11 =	vor.u32 v0, v11  }
0x9b: {  	[tilespmem:v12+s9+$0x0] =	vst.idx.add.s32.msk vm0, v2;
	v17 =	vor.u32 v0, v18  }
0x9c: {  	[tilespmem:v13+s9+$0x0] =	vst.idx.add.s32.msk vm2, v2  }
0x9d: {  	[tilespmem:v14+s9+$0x0] =	vst.idx.add.s32.msk vm3, v2  }
0x9e: {  	[tilespmem:v15+s9+$0x0] =	vst.idx.add.s32.msk vm5, v2  }
0x9f: {  	p0 =	por $0x1, $0x1;
	[tilespmem:v11+s9+$0x0] =	vst.idx.add.s32.msk vm6, v2  }
.Ltmp6:
0xa0: {  	s17 =	simm.s32 $0x0;
	[tilespmem:v17+s9+$0x0] =	vst.idx.add.s32.msk vm4, v2;
	(pc) =	sbr.rel @!p0 .LBB2_15-.Ltmp6, $4  }
0xa1: {  	v14 =	vld [tilespmem:s17+$0x3D80]  }
0xa2: {  	v13 =	vld [tilespmem:s17+$0x3D90]  }
0xa3: {  	v11 =	vld [tilespmem:s17+$0x3DA0]  }
0xa4: {  	s14 =	simm.s32 $0x0;
	s18 =	simm.s32 $0x100;
	vm15 =	vmmov vm6;
	v15 =	vimm.s32 $0x0;
	v12 =	vld [tilespmem:s17+$0x3DB0]  }
.LBB2_14:
0xa5: {  	p0 =	sne.s32 s18, $0x3F00  }
.Ltmp7:
0xa6: {  	s19 =	sshra.s32 s18, $0x2;
	s18 =	sadd.s32 $0x100, s18;
	v15 =	vadd.s32 v15, v14;
	(pc) =	sbr.rel @p0 .LBB2_14-.Ltmp7, $4  }
0xa7: {  	v14 =	vld [tilespmem:s19+$0x3D80];
	[tilespmem:s17+$0x4D80] =	vst v15;
	v15 =	vadd.s32 v15, v13  }
0xa8: {  	v13 =	vld [tilespmem:s19+$0x3D90];
	[tilespmem:s17+$0x4D90] =	vst v15;
	v15 =	vadd.s32 v15, v11  }
0xa9: {  	v11 =	vld [tilespmem:s19+$0x3DA0];
	[tilespmem:s17+$0x4DA0] =	vst v15;
	v15 =	vadd.s32 v15, v12  }
0xaa: {  	v12 =	vld [tilespmem:s19+$0x3DB0];
	[tilespmem:s17+$0x4DB0] =	vst v15;
	s17 =	smov.u32 s19  }
.LBB2_15:
0xab: {  	(xrf0) =	vadd.scan.msk.s32 $0xffff, v10;
	_ =	sdelay $0x5  }
0xac: {  	v10, _, _ =	vpop (xrf0)  }
0xad: {  	(v2sf) =	vpush v10, $0xF;
	_ =	sdelay $0xc  }
0xae: {  	v10 =	vadd.s32 v15, v14  }
0xaf: {  	[tilespmem:s17+$0x4D80] =	vst v10;
	v10 =	vadd.s32 v10, v13  }
0xb0: {  	[tilespmem:s17+$0x4D90] =	vst v10;
	v10 =	vadd.s32 v10, v11;
	s18 =	spop (v2sf)  }
0xb1: {  	p0 =	sgt.s32 s16, $0x0;
	s19 =	simm.s32 $0xFF;
	[tilespmem:s17+$0x4DA0] =	vst v10;
	v10 =	vadd.s32 v10, v12;
	s16 =	ssub.s32 $0x80, s18  }
0xb2: {  	[tilespmem:s17+$0x4DB0] =	vst v10;
	s17 =	simm.s32 $0x7;
	s18 =	simm.s32 $0xFF;
	s16 =	simm.s32 @!p0 $0x80  }
.LBB2_16:
0xb3: {  	s20 =	smov.u32 s18  }
0xb4: {  	p0 =	sne.s32 s17, $0x1;
	s18 =	sand.u32 $0x1, s19  }
0xb5: {  	p1 =	slt.s32 s19, $0x1;
	p2 =	seq.s32 s18, $0x1  }
0xb6: {  	s18 =	sshrl.u32 s19, $0x1F;
	p1 =	por !p1, !p2  }
0xb7: {  	s18 =	sadd.s32 s18, s19;
	s19 =	simm.s32 $0x1;
	p1 =	por !p1, !p1  }
0xb8: {  	s18 =	sshra.s32 s18, $0x1;
	s19 =	simm.s32 @!p1 $0x0  }
0xb9: {  	s18 =	ssub.s32 s18, s19  }
0xba: {  	s19 =	sshll.u32 s18, $0x6  }
0xbb: {  	s19 =	sshra.s32 s19, $0x2  }
0xbc: {  	v10 =	vld [tilespmem:s19+$0x4D80];
	_ =	sdelay $0x4  }
0xbd: {  	(xrf0) =	vadd.scan.msk.s32 $0xffff, v10;
	_ =	sdelay $0x5  }
0xbe: {  	v10, _, _ =	vpop (xrf0)  }
0xbf: {  	(v2sf) =	vpush v10, $0xF;
	_ =	sdelay $0xd  }
.Ltmp8:
0xc0: {  	(pc) =	sbr.rel @p0 .LBB2_16-.Ltmp8, $4  }
0xc1: {  	s19 =	spop (v2sf)  }
0xc2: {  	p1 =	slt.s32 s19, s16;
	s19 =	sadd.s32 $0x1, s18  }
0xc3: {  	s14 =	smov.u32 @p1 s19;
	s18 =	smov.u32 @p1 s20  }
0xc4: {  	s17 =	sadd.s32 $0xFFFFFFFF, s17;
	s19 =	sadd.s32 s14, s18  }
0xc5: {  	s17 =	sand.u32 $0x1, s19  }
0xc6: {  	p0 =	slt.s32 s19, $0x1;
	p1 =	seq.s32 s17, $0x1  }
0xc7: {  	s30 =	sshrl.u32 s19, $0x1F;
	p0 =	por !p0, !p1  }
0xc8: {  	s18 =	simm.s32 $0x1;
	s17 =	sadd.s32 s30, s19;
	p0 =	por !p0, !p0  }
0xc9: {  	s17 =	sshra.s32 s17, $0x1;
	s18 =	simm.s32 @!p0 $0x0  }
0xca: {  	s17 =	ssub.s32 s17, s18  }
0xcb: {  	s18 =	sshll.u32 s17, $0x6  }
0xcc: {  	s18 =	sshra.s32 s18, $0x2  }
0xcd: {  	v10 =	vld [tilespmem:s18+$0x4D80];
	_ =	sdelay $0x4  }
0xce: {  	(xrf0) =	vadd.scan.msk.s32 $0xffff, v10;
	_ =	sdelay $0x5  }
0xcf: {  	v10, _, _ =	vpop (xrf0)  }
0xd0: {  	(v2sf) =	vpush v10, $0xF;
	_ =	sdelay $0xe  }
0xd1: {  	s31 =	spop (v2sf)  }
0xd2: {  	s17 =	sadd.s32 $0x1, s17;
	p0 =	slt.s32 s31, s16  }
0xd3: {  	s14 =	smov.u32 @p0 s17  }
0xd4: {  	p0 =	sgt.s32 s14, $0x1;
	s17 =	smov.u32 s14  }
0xd5: {  	s17 =	simm.s32 @!p0 $0x1  }
0xd6: {  	s17 =	sshll.u32 s17, $0x6  }
0xd7: {  	s17 =	sshra.s32 s17, $0x2  }
0xd8: {  	v10 =	vld [tilespmem:s17+$0x4D70];
	s17 =	simm.s32 $0x3DC0  }
0xd9: {  	[tilespmem:s17+$0xFFFFFFC0] =	vst v1  }
0xda: {  	[tilespmem:s17+$0x30] =	vst v1  }
0xdb: {  	[tilespmem:s17+$0x20] =	vst v1  }
0xdc: {  	[tilespmem:s17+$0x10] =	vst v1  }
0xdd: {  	[tilespmem:s17+$0x0] =	vst v1  }
0xde: {  	[tilespmem:s17+$0xFFFFFFF0] =	vst v1  }
0xdf: {  	s18 =	simm.s32 $0x0;
	[tilespmem:s17+$0xFFFFFFE0] =	vst v1  }
.LBB2_18:
0xe0: {  	s18 =	sadd.s32 $0x8, s18;
	[tilespmem:s17+$0xFFFFFFD0] =	vst v1;
	s17 =	sadd.s32 $0x80, s17  }
0xe1: {  	[tilespmem:s17+$0xFFFFFFC0] =	vst v1;
	p0 =	slt.u32 s18, $0xF8  }
0xe2: {  	[tilespmem:s17+$0x30] =	vst v1  }
.Ltmp9:
0xe3: {  	[tilespmem:s17+$0x20] =	vst v1;
	(pc) =	sbr.rel @p0 .LBB2_18-.Ltmp9, $4  }
0xe4: {  	[tilespmem:s17+$0x10] =	vst v1  }
0xe5: {  	[tilespmem:s17+$0x0] =	vst v1  }
0xe6: {  	[tilespmem:s17+$0xFFFFFFF0] =	vst v1  }
0xe7: {  	[tilespmem:s17+$0xFFFFFFE0] =	vst v1  }
0xe8: {  	[tilespmem:s17+$0xFFFFFFD0] =	vst v1;
	s18 =	simm.s32 $0x20  }
0xe9: {  	v12 =	vld [tilespmem:s18+$0x10];
	_ =	sdelay $0x1  }
0xea: {  	s30 =	sshll.u32 s14, $0x10  }
0xeb: {  	s17 =	sor.u32 s15, s30  }
0xec: {  	v13 =	vld [tilespmem:s18+$0xFFFFFFF0];
	s15 =	sshra.s32 s17, $0x10  }
0xed: {  	v15 =	vld [tilespmem:s18+$0xFFFFFFE0];
	v11 =	vmov s15;
	v16 =	vshra.s32 v12, $0x10;
	v12 =	vshrl.u32 v12, $0x4  }
0xee: {  	v14 =	vld [tilespmem:s18+$0x0];
	vm1 =	veq.s32 v16, v11;
	v12 =	vand.u32 $0xFF0, v12  }
0xef: {  	v18 =	vor.u32 v0, v12  }
0xf0: {  	s31 =	simm.s32 $0x60  }
0xf1: {  	v19 =	vld [tilespmem:s31+$0x10]  }
0xf2: {  	v21 =	vld [tilespmem:s31+$0xFFFFFFF0];
	v17 =	vshrl.u32 v13, $0x4;
	v12 =	vshra.s32 v15, $0x10;
	v15 =	vshrl.u32 v15, $0x4  }
0xf3: {  	v13 =	vshra.s32 v13, $0x10;
	v16 =	vshrl.u32 v14, $0x4;
	v20 =	vand.u32 $0xFF0, v15;
	v15 =	vld [tilespmem:s31+$0x0]  }
0xf4: {  	v17 =	vand.u32 $0xFF0, v17;
	v14 =	vshra.s32 v14, $0x10;
	vm2 =	veq.s32 v13, v11;
	[tilespmem:v18+s9+$0x0] =	vst.idx.add.s32.msk vm1, v2  }
0xf5: {  	v16 =	vand.u32 $0xFF0, v16;
	v13 =	vor.u32 v0, v17;
	vm3 =	veq.s32 v14, v11;
	v18 =	vld [tilespmem:s31+$0xFFFFFFE0]  }
0xf6: {  	v17 =	vshrl.u32 v19, $0x4;
	vm0 =	veq.s32 v12, v11;
	v14 =	vor.u32 v0, v16  }
0xf7: {  	v16 =	vshra.s32 v19, $0x10;
	v12 =	vor.u32 v0, v20;
	vm0 =	vmmov vm0  }
0xf8: {  	v20 =	vshrl.u32 v21, $0x4;
	vm1 =	veq.s32 v16, v11;
	v16 =	vand.u32 $0xFF0, v17  }
0xf9: {  	s18 =	simm.s32 $0xA0;
	s15 =	simm.s32 $0x4;
	v17 =	vshra.s32 v21, $0x10;
	v19 =	vshrl.u32 v15, $0x4;
	v16 =	vor.u32 v0, v16  }
.LBB2_20:
0xfa: {  	v22 =	vshra.s32 v18, $0x10;
	v18 =	vshrl.u32 v18, $0x4  }
0xfb: {  	v21 =	vld [tilespmem:s18+$0x10];
	s15 =	sadd.s32 $0x4, s15;
	v20 =	vand.u32 $0xFF0, v20;
	vm5 =	vmmov vm2;
	vm4 =	vmmov vm3  }
0xfc: {  	v24 =	vshra.s32 v15, $0x10;
	v19 =	vand.u32 $0xFF0, v19;
	v23 =	vld [tilespmem:s18+$0xFFFFFFF0];
	p0 =	slt.u32 s15, $0x3D0;
	v18 =	vand.u32 $0xFF0, v18  }
0xfd: {  	vm2 =	veq.s32 v17, v11;
	vm6 =	veq.s32 v22, v11;
	v15 =	vld [tilespmem:s18+$0x0];
	v22 =	vor.u32 v0, v18  }
.Ltmp10:
0xfe: {  	v17 =	vor.u32 v0, v20;
	vm3 =	veq.s32 v24, v11;
	v24 =	vor.u32 v0, v19;
	v18 =	vld [tilespmem:s18+$0xFFFFFFE0];
	(pc) =	sbr.rel @p0 .LBB2_20-.Ltmp10, $4  }
0xff: {  	[tilespmem:v16+s9+$0x0] =	vst.idx.add.s32.msk vm1, v2  }
0x100: {  	v16 =	vshra.s32 v21, $0x10;
	v19 =	vshrl.u32 v21, $0x4;
	[tilespmem:v12+s9+$0x0] =	vst.idx.add.s32.msk vm0, v2;
	v12 =	vmovc v22;
	vm0 =	vmmov vm6  }
0x101: {  	v20 =	vshrl.u32 v23, $0x4;
	vm1 =	veq.s32 v16, v11;
	v16 =	vand.u32 $0xFF0, v19;
	[tilespmem:v13+s9+$0x0] =	vst.idx.add.s32.msk vm5, v2;
	v13 =	vmovc v17  }
0x102: {  	s18 =	sadd.s32 $0x40, s18;
	v17 =	vshra.s32 v23, $0x10;
	v19 =	vshrl.u32 v15, $0x4;
	v16 =	vor.u32 v0, v16;
	[tilespmem:v14+s9+$0x0] =	vst.idx.add.s32.msk vm4, v2;
	v14 =	vmovc v24  }
0x103: {  	_ = 	snop  }
0x104: {  	v21 =	vshra.s32 v18, $0x10;
	v63 =	vshrl.u32 v18, $0x4;
	vm2 =	vmmov vm2  }
0x105: {  	v20 =	vand.u32 $0xFF0, v20;
	vm3 =	vmmov vm3;
	vm5 =	veq.s32 v17, v11  }
0x106: {  	v15 =	vshra.s32 v15, $0x10;
	vm4 =	veq.s32 v21, v11;
	vm5 =	vmmov vm5  }
0x107: {  	vm6 =	veq.s32 v15, v11;
	v11 =	vand.u32 $0xFF0, v19;
	v15 =	vor.u32 v0, v20  }
0x108: {  	[tilespmem:v16+s9+$0x0] =	vst.idx.add.s32.msk vm1, v2;
	v18 =	vand.u32 $0xFF0, v63;
	vm4 =	vmmov vm4;
	v11 =	vor.u32 v0, v11  }
0x109: {  	[tilespmem:v12+s9+$0x0] =	vst.idx.add.s32.msk vm0, v2;
	v17 =	vor.u32 v0, v18  }
0x10a: {  	[tilespmem:v13+s9+$0x0] =	vst.idx.add.s32.msk vm2, v2  }
0x10b: {  	[tilespmem:v14+s9+$0x0] =	vst.idx.add.s32.msk vm3, v2  }
0x10c: {  	[tilespmem:v15+s9+$0x0] =	vst.idx.add.s32.msk vm5, v2  }
0x10d: {  	p0 =	por $0x1, $0x1;
	[tilespmem:v11+s9+$0x0] =	vst.idx.add.s32.msk vm6, v2  }
.Ltmp11:
0x10e: {  	s18 =	simm.s32 $0x0;
	[tilespmem:v17+s9+$0x0] =	vst.idx.add.s32.msk vm4, v2;
	(pc) =	sbr.rel @!p0 .LBB2_23-.Ltmp11, $4  }
0x10f: {  	v14 =	vld [tilespmem:s18+$0x3D80]  }
0x110: {  	v13 =	vld [tilespmem:s18+$0x3D90]  }
0x111: {  	v11 =	vld [tilespmem:s18+$0x3DA0]  }
0x112: {  	s15 =	simm.s32 $0x0;
	s19 =	simm.s32 $0x100;
	vm15 =	vmmov vm6;
	v15 =	vimm.s32 $0x0;
	v12 =	vld [tilespmem:s18+$0x3DB0]  }
.LBB2_22:
0x113: {  	p0 =	sne.s32 s19, $0x3F00  }
.Ltmp12:
0x114: {  	s20 =	sshra.s32 s19, $0x2;
	s19 =	sadd.s32 $0x100, s19;
	v15 =	vadd.s32 v15, v14;
	(pc) =	sbr.rel @p0 .LBB2_22-.Ltmp12, $4  }
0x115: {  	v14 =	vld [tilespmem:s20+$0x3D80];
	[tilespmem:s18+$0x4D80] =	vst v15;
	v15 =	vadd.s32 v15, v13  }
0x116: {  	v13 =	vld [tilespmem:s20+$0x3D90];
	[tilespmem:s18+$0x4D90] =	vst v15;
	v15 =	vadd.s32 v15, v11  }
0x117: {  	v11 =	vld [tilespmem:s20+$0x3DA0];
	[tilespmem:s18+$0x4DA0] =	vst v15;
	v15 =	vadd.s32 v15, v12  }
0x118: {  	v12 =	vld [tilespmem:s20+$0x3DB0];
	[tilespmem:s18+$0x4DB0] =	vst v15;
	s18 =	smov.u32 s20  }
.LBB2_23:
0x119: {  	(xrf0) =	vadd.scan.msk.s32 $0xffff, v10;
	_ =	sdelay $0x5  }
0x11a: {  	v10, _, _ =	vpop (xrf0)  }
0x11b: {  	(v2sf) =	vpush v10, $0xF;
	_ =	sdelay $0xc  }
0x11c: {  	v10 =	vadd.s32 v15, v14  }
0x11d: {  	[tilespmem:s18+$0x4D80] =	vst v10;
	v10 =	vadd.s32 v10, v13  }
0x11e: {  	p0 =	sgt.s32 s14, $0x0;
	[tilespmem:s18+$0x4D90] =	vst v10;
	v10 =	vadd.s32 v10, v11;
	s14 =	spop (v2sf)  }
0x11f: {  	s19 =	simm.s32 $0xFF;
	[tilespmem:s18+$0x4DA0] =	vst v10;
	v10 =	vadd.s32 v10, v12;
	s14 =	simm.s32 @!p0 $0x0  }
0x120: {  	[tilespmem:s18+$0x4DB0] =	vst v10;
	s18 =	simm.s32 $0xFF;
	s16 =	ssub.s32 s16, s14;
	s14 =	simm.s32 $0x7  }
.LBB2_24:
0x121: {  	s20 =	smov.u32 s18  }
0x122: {  	p0 =	sne.s32 s14, $0x1;
	s18 =	sand.u32 $0x1, s19  }
0x123: {  	p1 =	slt.s32 s19, $0x1;
	p2 =	seq.s32 s18, $0x1  }
0x124: {  	s18 =	sshrl.u32 s19, $0x1F;
	p1 =	por !p1, !p2  }
0x125: {  	s18 =	sadd.s32 s18, s19;
	s19 =	simm.s32 $0x1;
	p1 =	por !p1, !p1  }
0x126: {  	s18 =	sshra.s32 s18, $0x1;
	s19 =	simm.s32 @!p1 $0x0  }
0x127: {  	s18 =	ssub.s32 s18, s19  }
0x128: {  	s19 =	sshll.u32 s18, $0x6  }
0x129: {  	s19 =	sshra.s32 s19, $0x2  }
0x12a: {  	v10 =	vld [tilespmem:s19+$0x4D80];
	_ =	sdelay $0x4  }
0x12b: {  	(xrf0) =	vadd.scan.msk.s32 $0xffff, v10;
	_ =	sdelay $0x5  }
0x12c: {  	v10, _, _ =	vpop (xrf0)  }
0x12d: {  	(v2sf) =	vpush v10, $0xF;
	_ =	sdelay $0xd  }
.Ltmp13:
0x12e: {  	(pc) =	sbr.rel @p0 .LBB2_24-.Ltmp13, $4  }
0x12f: {  	s19 =	spop (v2sf)  }
0x130: {  	p1 =	slt.s32 s19, s16;
	s19 =	sadd.s32 $0x1, s18  }
0x131: {  	s15 =	smov.u32 @p1 s19;
	s18 =	smov.u32 @p1 s20  }
0x132: {  	s14 =	sadd.s32 $0xFFFFFFFF, s14;
	s19 =	sadd.s32 s15, s18  }
0x133: {  	s14 =	sand.u32 $0x1, s19  }
0x134: {  	p0 =	slt.s32 s19, $0x1;
	p1 =	seq.s32 s14, $0x1  }
0x135: {  	s30 =	sshrl.u32 s19, $0x1F;
	p0 =	por !p0, !p1  }
0x136: {  	s18 =	simm.s32 $0x1;
	s14 =	sadd.s32 s30, s19;
	p0 =	por !p0, !p0  }
0x137: {  	s14 =	sshra.s32 s14, $0x1;
	s18 =	simm.s32 @!p0 $0x0  }
0x138: {  	s14 =	ssub.s32 s14, s18  }
0x139: {  	s18 =	sshll.u32 s14, $0x6  }
0x13a: {  	s18 =	sshra.s32 s18, $0x2  }
0x13b: {  	v10 =	vld [tilespmem:s18+$0x4D80];
	_ =	sdelay $0x4  }
0x13c: {  	(xrf0) =	vadd.scan.msk.s32 $0xffff, v10;
	_ =	sdelay $0x5  }
0x13d: {  	v10, _, _ =	vpop (xrf0)  }
0x13e: {  	(v2sf) =	vpush v10, $0xF;
	_ =	sdelay $0xe  }
0x13f: {  	s31 =	spop (v2sf)  }
0x140: {  	s14 =	sadd.s32 $0x1, s14;
	p0 =	slt.s32 s31, s16  }
0x141: {  	s15 =	smov.u32 @p0 s14  }
0x142: {  	p0 =	sgt.s32 s15, $0x1;
	s14 =	smov.u32 s15  }
0x143: {  	s14 =	simm.s32 @!p0 $0x1  }
0x144: {  	s14 =	sshll.u32 s14, $0x6  }
0x145: {  	s14 =	sshra.s32 s14, $0x2  }
0x146: {  	v10 =	vld [tilespmem:s14+$0x4D70];
	s14 =	simm.s32 $0x3DC0  }
0x147: {  	[tilespmem:s14+$0xFFFFFFC0] =	vst v1  }
0x148: {  	[tilespmem:s14+$0x30] =	vst v1  }
0x149: {  	[tilespmem:s14+$0x20] =	vst v1  }
0x14a: {  	[tilespmem:s14+$0x10] =	vst v1  }
0x14b: {  	[tilespmem:s14+$0x0] =	vst v1  }
0x14c: {  	[tilespmem:s14+$0xFFFFFFF0] =	vst v1  }
0x14d: {  	s18 =	simm.s32 $0x0;
	[tilespmem:s14+$0xFFFFFFE0] =	vst v1  }
.LBB2_26:
0x14e: {  	s18 =	sadd.s32 $0x8, s18;
	[tilespmem:s14+$0xFFFFFFD0] =	vst v1;
	s14 =	sadd.s32 $0x80, s14  }
0x14f: {  	[tilespmem:s14+$0xFFFFFFC0] =	vst v1;
	p0 =	slt.u32 s18, $0xF8  }
0x150: {  	[tilespmem:s14+$0x30] =	vst v1  }
.Ltmp14:
0x151: {  	[tilespmem:s14+$0x20] =	vst v1;
	(pc) =	sbr.rel @p0 .LBB2_26-.Ltmp14, $4  }
0x152: {  	[tilespmem:s14+$0x10] =	vst v1  }
0x153: {  	[tilespmem:s14+$0x0] =	vst v1  }
0x154: {  	[tilespmem:s14+$0xFFFFFFF0] =	vst v1  }
0x155: {  	[tilespmem:s14+$0xFFFFFFE0] =	vst v1  }
0x156: {  	[tilespmem:s14+$0xFFFFFFD0] =	vst v1;
	s29 =	simm.s32 $0x20  }
0x157: {  	v12 =	vld [tilespmem:s29+$0x10];
	_ =	sdelay $0x1  }
0x158: {  	s18 =	sshll.u32 s15, $0x8  }
0x159: {  	s17 =	sor.u32 s17, s18  }
0x15a: {  	v13 =	vld [tilespmem:s29+$0xFFFFFFF0];
	s30 =	sshra.s32 s17, $0x8  }
0x15b: {  	v15 =	vld [tilespmem:s29+$0xFFFFFFE0];
	v11 =	vmov s30;
	v16 =	vshra.s32 v12, $0x8;
	v12 =	vshll.u32 v12, $0x4  }
0x15c: {  	v14 =	vld [tilespmem:s29+$0x0];
	vm1 =	veq.s32 v16, v11;
	v12 =	vor.u32 v0, v12  }
0x15d: {  	v18 =	vand.u32 $0xFFF, v12  }
0x15e: {  	s31 =	simm.s32 $0x60  }
0x15f: {  	v19 =	vld [tilespmem:s31+$0x10]  }
0x160: {  	v21 =	vld [tilespmem:s31+$0xFFFFFFF0];
	v17 =	vshll.u32 v13, $0x4;
	v12 =	vshra.s32 v15, $0x8;
	v15 =	vshll.u32 v15, $0x4  }
0x161: {  	v13 =	vshra.s32 v13, $0x8;
	v22 =	vshra.s32 v14, $0x8;
	v20 =	vor.u32 v0, v15;
	v15 =	vld [tilespmem:s31+$0x0]  }
0x162: {  	v16 =	vshll.u32 v14, $0x4;
	v17 =	vor.u32 v0, v17;
	vm2 =	veq.s32 v13, v11;
	[tilespmem:v18+s9+$0x0] =	vst.idx.add.s32.msk vm1, v2  }
0x163: {  	vm3 =	veq.s32 v22, v11;
	v16 =	vor.u32 v0, v16;
	v14 =	vand.u32 $0xFFF, v17;
	v18 =	vld [tilespmem:s31+$0xFFFFFFE0]  }
0x164: {  	v17 =	vshll.u32 v19, $0x4;
	vm0 =	veq.s32 v12, v11;
	v13 =	vand.u32 $0xFFF, v16  }
0x165: {  	v16 =	vshra.s32 v19, $0x8;
	v12 =	vand.u32 $0xFFF, v20;
	vm0 =	vmmov vm0  }
0x166: {  	v20 =	vshll.u32 v21, $0x4;
	vm1 =	veq.s32 v16, v11;
	v16 =	vor.u32 v0, v17  }
0x167: {  	s14 =	simm.s32 $0x4;
	s18 =	simm.s32 $0xA0;
	v17 =	vshra.s32 v21, $0x8;
	v19 =	vshll.u32 v15, $0x4;
	v16 =	vand.u32 $0xFFF, v16  }
.LBB2_28:
0x168: {  	v22 =	vshra.s32 v18, $0x8;
	v18 =	vshll.u32 v18, $0x4  }
0x169: {  	v21 =	vld [tilespmem:s18+$0x10];
	s14 =	sadd.s32 $0x4, s14;
	v20 =	vor.u32 v0, v20;
	vm5 =	vmmov vm2;
	vm4 =	vmmov vm3  }
0x16a: {  	v24 =	vshra.s32 v15, $0x8;
	v19 =	vor.u32 v0, v19;
	v23 =	vld [tilespmem:s18+$0xFFFFFFF0];
	p0 =	slt.u32 s14, $0x3D0;
	v18 =	vor.u32 v0, v18  }
0x16b: {  	vm2 =	veq.s32 v17, v11;
	vm6 =	veq.s32 v22, v11;
	v15 =	vld [tilespmem:s18+$0x0];
	v22 =	vand.u32 $0xFFF, v18  }
.Ltmp15:
0x16c: {  	v25 =	vand.u32 $0xFFF, v20;
	vm3 =	veq.s32 v24, v11;
	v24 =	vand.u32 $0xFFF, v19;
	v18 =	vld [tilespmem:s18+$0xFFFFFFE0];
	(pc) =	sbr.rel @p0 .LBB2_28-.Ltmp15, $4  }
0x16d: {  	[tilespmem:v16+s9+$0x0] =	vst.idx.add.s32.msk vm1, v2  }
0x16e: {  	v16 =	vshra.s32 v21, $0x8;
	v17 =	vshll.u32 v21, $0x4;
	[tilespmem:v12+s9+$0x0] =	vst.idx.add.s32.msk vm0, v2;
	v12 =	vmovc v22;
	vm0 =	vmmov vm6  }
0x16f: {  	v20 =	vshll.u32 v23, $0x4;
	vm1 =	veq.s32 v16, v11;
	v16 =	vor.u32 v0, v17;
	[tilespmem:v14+s9+$0x0] =	vst.idx.add.s32.msk vm5, v2  }
0x170: {  	s18 =	sadd.s32 $0x40, s18;
	v17 =	vshra.s32 v23, $0x8;
	v14 =	vmovc v25;
	v19 =	vshll.u32 v15, $0x4;
	v16 =	vand.u32 $0xFFF, v16;
	[tilespmem:v13+s9+$0x0] =	vst.idx.add.s32.msk vm4, v2;
	v13 =	vmovc v24  }
0x171: {  	_ = 	snop  }
0x172: {  	v21 =	vshra.s32 v18, $0x8;
	v63 =	vshll.u32 v18, $0x4;
	vm2 =	vmmov vm2  }
0x173: {  	v20 =	vor.u32 v0, v20;
	vm3 =	vmmov vm3;
	vm5 =	veq.s32 v17, v11  }
0x174: {  	v15 =	vshra.s32 v15, $0x8;
	vm4 =	veq.s32 v21, v11;
	vm5 =	vmmov vm5  }
0x175: {  	vm6 =	veq.s32 v15, v11;
	v11 =	vor.u32 v0, v19;
	v15 =	vand.u32 $0xFFF, v20  }
0x176: {  	[tilespmem:v16+s9+$0x0] =	vst.idx.add.s32.msk vm1, v2;
	v18 =	vor.u32 v0, v63;
	vm4 =	vmmov vm4;
	v11 =	vand.u32 $0xFFF, v11  }
0x177: {  	[tilespmem:v12+s9+$0x0] =	vst.idx.add.s32.msk vm0, v2;
	v17 =	vand.u32 $0xFFF, v18  }
0x178: {  	[tilespmem:v14+s9+$0x0] =	vst.idx.add.s32.msk vm2, v2  }
0x179: {  	[tilespmem:v13+s9+$0x0] =	vst.idx.add.s32.msk vm3, v2  }
0x17a: {  	[tilespmem:v15+s9+$0x0] =	vst.idx.add.s32.msk vm5, v2  }
0x17b: {  	p0 =	por $0x1, $0x1;
	[tilespmem:v11+s9+$0x0] =	vst.idx.add.s32.msk vm6, v2  }
.Ltmp16:
0x17c: {  	s18 =	simm.s32 $0x0;
	[tilespmem:v17+s9+$0x0] =	vst.idx.add.s32.msk vm4, v2;
	(pc) =	sbr.rel @!p0 .LBB2_31-.Ltmp16, $4  }
0x17d: {  	v14 =	vld [tilespmem:s18+$0x3D80]  }
0x17e: {  	v13 =	vld [tilespmem:s18+$0x3D90]  }
0x17f: {  	v11 =	vld [tilespmem:s18+$0x3DA0]  }
0x180: {  	s14 =	simm.s32 $0x0;
	s19 =	simm.s32 $0x100;
	vm15 =	vmmov vm6;
	v15 =	vimm.s32 $0x0;
	v12 =	vld [tilespmem:s18+$0x3DB0]  }
.LBB2_30:
0x181: {  	p0 =	sne.s32 s19, $0x3F00  }
.Ltmp17:
0x182: {  	s20 =	sshra.s32 s19, $0x2;
	s19 =	sadd.s32 $0x100, s19;
	v15 =	vadd.s32 v15, v14;
	(pc) =	sbr.rel @p0 .LBB2_30-.Ltmp17, $4  }
0x183: {  	v14 =	vld [tilespmem:s20+$0x3D80];
	[tilespmem:s18+$0x4D80] =	vst v15;
	v15 =	vadd.s32 v15, v13  }
0x184: {  	v13 =	vld [tilespmem:s20+$0x3D90];
	[tilespmem:s18+$0x4D90] =	vst v15;
	v15 =	vadd.s32 v15, v11  }
0x185: {  	v11 =	vld [tilespmem:s20+$0x3DA0];
	[tilespmem:s18+$0x4DA0] =	vst v15;
	v15 =	vadd.s32 v15, v12  }
0x186: {  	v12 =	vld [tilespmem:s20+$0x3DB0];
	[tilespmem:s18+$0x4DB0] =	vst v15;
	s18 =	smov.u32 s20  }
.LBB2_31:
0x187: {  	(xrf0) =	vadd.scan.msk.s32 $0xffff, v10;
	_ =	sdelay $0x5  }
0x188: {  	v10, _, _ =	vpop (xrf0)  }
0x189: {  	(v2sf) =	vpush v10, $0xF;
	_ =	sdelay $0xc  }
0x18a: {  	v10 =	vadd.s32 v15, v14  }
0x18b: {  	[tilespmem:s18+$0x4D80] =	vst v10;
	v10 =	vadd.s32 v10, v13  }
0x18c: {  	p0 =	sgt.s32 s15, $0x0;
	[tilespmem:s18+$0x4D90] =	vst v10;
	v10 =	vadd.s32 v10, v11;
	s15 =	spop (v2sf)  }
0x18d: {  	s19 =	simm.s32 $0xFF;
	[tilespmem:s18+$0x4DA0] =	vst v10;
	v10 =	vadd.s32 v10, v12;
	s15 =	simm.s32 @!p0 $0x0  }
0x18e: {  	[tilespmem:s18+$0x4DB0] =	vst v10;
	s18 =	simm.s32 $0xFF;
	s15 =	ssub.s32 s16, s15;
	s16 =	simm.s32 $0x7  }
.LBB2_32:
0x18f: {  	s20 =	smov.u32 s18  }
0x190: {  	p0 =	sne.s32 s16, $0x1;
	s18 =	sand.u32 $0x1, s19  }
0x191: {  	p1 =	slt.s32 s19, $0x1;
	p2 =	seq.s32 s18, $0x1  }
0x192: {  	s18 =	sshrl.u32 s19, $0x1F;
	p1 =	por !p1, !p2  }
0x193: {  	s18 =	sadd.s32 s18, s19;
	s19 =	simm.s32 $0x1;
	p1 =	por !p1, !p1  }
0x194: {  	s18 =	sshra.s32 s18, $0x1;
	s19 =	simm.s32 @!p1 $0x0  }
0x195: {  	s18 =	ssub.s32 s18, s19  }
0x196: {  	s19 =	sshll.u32 s18, $0x6  }
0x197: {  	s19 =	sshra.s32 s19, $0x2  }
0x198: {  	v10 =	vld [tilespmem:s19+$0x4D80];
	_ =	sdelay $0x4  }
0x199: {  	(xrf0) =	vadd.scan.msk.s32 $0xffff, v10;
	_ =	sdelay $0x5  }
0x19a: {  	v10, _, _ =	vpop (xrf0)  }
0x19b: {  	(v2sf) =	vpush v10, $0xF;
	_ =	sdelay $0xd  }
.Ltmp18:
0x19c: {  	(pc) =	sbr.rel @p0 .LBB2_32-.Ltmp18, $4  }
0x19d: {  	s19 =	spop (v2sf)  }
0x19e: {  	p1 =	slt.s32 s19, s15;
	s19 =	sadd.s32 $0x1, s18  }
0x19f: {  	s14 =	smov.u32 @p1 s19;
	s18 =	smov.u32 @p1 s20  }
0x1a0: {  	s16 =	sadd.s32 $0xFFFFFFFF, s16;
	s19 =	sadd.s32 s14, s18  }
0x1a1: {  	s16 =	sand.u32 $0x1, s19  }
0x1a2: {  	p0 =	slt.s32 s19, $0x1;
	p1 =	seq.s32 s16, $0x1  }
0x1a3: {  	s28 =	sshrl.u32 s19, $0x1F;
	p0 =	por !p0, !p1  }
0x1a4: {  	s18 =	simm.s32 $0x1;
	s16 =	sadd.s32 s28, s19;
	p0 =	por !p0, !p0  }
0x1a5: {  	s16 =	sshra.s32 s16, $0x1;
	s18 =	simm.s32 @!p0 $0x0  }
0x1a6: {  	s16 =	ssub.s32 s16, s18  }
0x1a7: {  	s18 =	sshll.u32 s16, $0x6  }
0x1a8: {  	s18 =	sshra.s32 s18, $0x2  }
0x1a9: {  	v10 =	vld [tilespmem:s18+$0x4D80];
	_ =	sdelay $0x4  }
0x1aa: {  	(xrf0) =	vadd.scan.msk.s32 $0xffff, v10;
	_ =	sdelay $0x5  }
0x1ab: {  	v10, _, _ =	vpop (xrf0)  }
0x1ac: {  	(v2sf) =	vpush v10, $0xF;
	_ =	sdelay $0xe  }
0x1ad: {  	s30 =	simm.s32 $0x20;
	s29 =	spop (v2sf)  }
0x1ae: {  	v12 =	vld [tilespmem:s30+$0xFFFFFFE0];
	s16 =	sadd.s32 $0x1, s16;
	p0 =	slt.s32 s29, s15  }
0x1af: {  	s14 =	smov.u32 @p0 s16  }
0x1b0: {  	p0 =	sgt.s32 s14, $0x1;
	s16 =	smov.u32 s14  }
0x1b1: {  	s17 =	sor.u32 s17, s14;
	s16 =	simm.s32 @!p0 $0x1  }
0x1b2: {  	s31 =	sadd.s32 $0x0, s7;
	v10 =	vmov s17;
	s16 =	sshll.u32 s16, $0x6  }
0x1b3: {  	s21 =	simm.s32 $0x0;
	s22 =	sadd.s32 $0x7A800, s31;
	vm0 =	vlt.s32 v12, v10;
	s16 =	sshra.s32 s16, $0x2  }
0x1b4: {  	v13 =	vor.u32 s22, v0;
	v14 =	vmpcnt.ones.xlane vm0;
	v11 =	vld [tilespmem:s16+$0x4D70];
	[tilespmem:s21+$0x5D80] =	vst.msk vm0, v12  }
0x1b5: {  	vm1 =	veq.s32 v12, v10;
	[tilespmem:s21+$0x5E80] =	vst.msk vm0, v13  }
0x1b6: {  	v12 =	vmpcnt.ones.xlane vm1;
	(v2sf) =	vpush v14, $0x0;
	[tilespmem:s21+$0x5F80] =	vst.msk vm1, v13  }
0x1b7: {  	v13 =	vld [tilespmem:s30+$0xFFFFFFF0]  }
0x1b8: {  	(v2sf) =	vpush v12, $0x0;
	_ =	sdelay $0x3  }
0x1b9: {  	vm10 =	vlt.s32 v13, v10  }
0x1ba: {  	v12 =	vmpcnt.ones.xlane vm10  }
0x1bb: {  	vm11 =	veq.s32 v13, v10  }
0x1bc: {  	v14 =	vmpcnt.ones.xlane vm11;
	(v2sf) =	vpush v12, $0x0;
	_ =	sdelay $0x1  }
0x1bd: {  	(v2sf) =	vpush v14, $0x0;
	_ =	sdelay $0x3  }
0x1be: {  	s23 =	spop (v2sf)  }
0x1bf: {  	s24 =	sadd.s32 $0x7A810, s31;
	s16 =	sadd.s32 $0x0, s23  }
0x1c0: {  	v12 =	vor.u32 s24, v0;
	s25 =	spop (v2sf);
	[tilespmem:s16+$0x5D80] =	vst.msk vm10, v13  }
0x1c1: {  	s19 =	sadd.s32 $0x0, s25;
	[tilespmem:s16+$0x5E80] =	vst.msk vm10, v12  }
0x1c2: {  	[tilespmem:s19+$0x5F80] =	vst.msk vm11, v12  }
0x1c3: {  	v12 =	vld [tilespmem:s30+$0x0];
	_ =	sdelay $0x3  }
0x1c4: {  	s20 =	spop (v2sf)  }
0x1c5: {  	s26 =	sadd.s32 $0x7A820, s31;
	vm12 =	vlt.s32 v12, v10;
	s16 =	sadd.s32 s16, s20  }
0x1c6: {  	v13 =	vor.u32 s26, v0;
	s28 =	spop (v2sf);
	[tilespmem:s16+$0x5D80] =	vst.msk vm12, v12  }
0x1c7: {  	vm13 =	veq.s32 v12, v10;
	s19 =	sadd.s32 s19, s28;
	[tilespmem:s16+$0x5E80] =	vst.msk vm12, v13  }
0x1c8: {  	[tilespmem:s19+$0x5F80] =	vst.msk vm13, v13;
	v13 =	vmpcnt.ones.xlane vm12;
	_ =	sdelay $0x1  }
0x1c9: {  	(v2sf) =	vpush v13, $0x0;
	_ =	sdelay $0x8  }
0x1ca: {  	v14 =	vmpcnt.ones.xlane vm13;
	v12 =	vld [tilespmem:s30+$0x10];
	_ =	sdelay $0x1  }
0x1cb: {  	(v2sf) =	vpush v14, $0x0;
	_ =	sdelay $0x2  }
0x1cc: {  	vm14 =	vlt.s32 v12, v10  }
0x1cd: {  	v13 =	vmpcnt.ones.xlane vm14;
	s29 =	spop (v2sf)  }
0x1ce: {  	vm15 =	veq.s32 v12, v10;
	s20 =	sadd.s32 s16, s29  }
0x1cf: {  	(v2sf) =	vpush v13, $0x0;
	[tilespmem:s20+$0x5D80] =	vst.msk vm14, v12;
	v12 =	vmpcnt.ones.xlane vm15;
	_ =	sdelay $0x1  }
0x1d0: {  	(v2sf) =	vpush v12, $0x0;
	_ =	sdelay $0x5  }
0x1d1: {  	s30 =	sadd.s32 $0x7A830, s31  }
0x1d2: {  	v13 =	vor.u32 s30, v0;
	s31 =	spop (v2sf)  }
0x1d3: {  	s21 =	sadd.s32 s19, s31;
	[tilespmem:s20+$0x5E80] =	vst.msk vm14, v13  }
0x1d4: {  	s17 =	simm.s32 $0x60;
	[tilespmem:s21+$0x5F80] =	vst.msk vm15, v13  }
0x1d5: {  	v12 =	vld [tilespmem:s17+$0xFFFFFFE0];
	_ =	sdelay $0x2  }
0x1d6: {  	s18 =	simm.s32 $0x80;
	s16 =	sadd.s32 $0x40, s7;
	s19 =	spop (v2sf)  }
.LBB2_34:
0x1d7: {  	s22 =	sadd.s32 $0x7A800, s16  }
0x1d8: {  	vm0 =	vlt.s32 v12, v10;
	s20 =	sadd.s32 s20, s19;
	s23 =	spop (v2sf);
	s19 =	smov.u32 s18  }
0x1d9: {  	p0 =	sne.s32 s18, $0x3D00;
	s18 =	sadd.s32 $0x40, s18;
	v13 =	vor.u32 s22, v0;
	[tilespmem:s20+$0x5D80] =	vst.msk vm0, v12;
	v14 =	vmpcnt.ones.xlane vm0;
	s21 =	sadd.s32 s21, s23  }
0x1da: {  	vm1 =	veq.s32 v12, v10;
	[tilespmem:s20+$0x5E80] =	vst.msk vm0, v13  }
0x1db: {  	v12 =	vmpcnt.ones.xlane vm1;
	[tilespmem:s21+$0x5F80] =	vst.msk vm1, v13;
	(v2sf) =	vpush v14, $0x0  }
0x1dc: {  	v13 =	vld [tilespmem:s17+$0xFFFFFFF0]  }
0x1dd: {  	(v2sf) =	vpush v12, $0x0;
	_ =	sdelay $0x3  }
0x1de: {  	vm0 =	vlt.s32 v13, v10  }
0x1df: {  	v12 =	vmpcnt.ones.xlane vm0  }
0x1e0: {  	vm1 =	veq.s32 v13, v10  }
0x1e1: {  	v14 =	vmpcnt.ones.xlane vm1;
	(v2sf) =	vpush v12, $0x0;
	_ =	sdelay $0x1  }
0x1e2: {  	(v2sf) =	vpush v14, $0x0;
	_ =	sdelay $0x3  }
0x1e3: {  	s22 =	spop (v2sf)  }
0x1e4: {  	s20 =	sadd.s32 s20, s22;
	s22 =	sadd.s32 $0x7A810, s16  }
0x1e5: {  	v12 =	vor.u32 s22, v0;
	[tilespmem:s20+$0x5D80] =	vst.msk vm0, v13;
	s22 =	spop (v2sf)  }
0x1e6: {  	s21 =	sadd.s32 s21, s22;
	[tilespmem:s20+$0x5E80] =	vst.msk vm0, v12  }
0x1e7: {  	[tilespmem:s21+$0x5F80] =	vst.msk vm1, v12  }
0x1e8: {  	v12 =	vld [tilespmem:s17+$0x0];
	_ =	sdelay $0x3  }
0x1e9: {  	s22 =	spop (v2sf)  }
0x1ea: {  	s20 =	sadd.s32 s20, s22;
	vm0 =	vlt.s32 v12, v10;
	s22 =	sadd.s32 $0x7A820, s16  }
0x1eb: {  	v13 =	vor.u32 s22, v0;
	[tilespmem:s20+$0x5D80] =	vst.msk vm0, v12;
	v14 =	vmpcnt.ones.xlane vm0;
	s22 =	spop (v2sf)  }
0x1ec: {  	vm1 =	veq.s32 v12, v10;
	s21 =	sadd.s32 s21, s22;
	[tilespmem:s20+$0x5E80] =	vst.msk vm0, v13  }
0x1ed: {  	v12 =	vmpcnt.ones.xlane vm1;
	[tilespmem:s21+$0x5F80] =	vst.msk vm1, v13;
	(v2sf) =	vpush v14, $0x0  }
0x1ee: {  	v13 =	vld [tilespmem:s17+$0x10]  }
0x1ef: {  	(v2sf) =	vpush v12, $0x0;
	_ =	sdelay $0x3  }
0x1f0: {  	vm0 =	vlt.s32 v13, v10;
	vm1 =	veq.s32 v13, v10  }
0x1f1: {  	v12 =	vmpcnt.ones.xlane vm0;
	v14 =	vmpcnt.ones.xlane vm1;
	_ =	sdelay $0x1  }
0x1f2: {  	(v2sf) =	vpush v12, $0x0  }
0x1f3: {  	(v2sf) =	vpush v14, $0x0;
	_ =	sdelay $0x4  }
0x1f4: {  	s22 =	spop (v2sf)  }
0x1f5: {  	s16 =	sadd.s32 $0x7A830, s16;
	s20 =	sadd.s32 s20, s22  }
0x1f6: {  	v12 =	vor.u32 s16, v0;
	[tilespmem:s20+$0x5D80] =	vst.msk vm0, v13;
	s16 =	spop (v2sf)  }
0x1f7: {  	s21 =	sadd.s32 s21, s16;
	[tilespmem:s20+$0x5E80] =	vst.msk vm0, v12  }
0x1f8: {  	s17 =	sadd.s32 $0x40, s17;
	[tilespmem:s21+$0x5F80] =	vst.msk vm1, v12  }
.Ltmp19:
0x1f9: {  	v12 =	vld [tilespmem:s17+$0xFFFFFFE0];
	(pc) =	sbr.rel @p0 .LBB2_34-.Ltmp19, $2  }
0x1fa: {  	_ =	sdelay $0x2  }
0x1fb: {  	s16 =	sadd.s32 s19, s7;
	s19 =	spop (v2sf)  }
0x1fc: {  	vm0 =	vlt.s32 v12, v10;
	s18 =	sadd.s32 $0x7A800, s16;
	s19 =	sadd.s32 s20, s19  }
0x1fd: {  	s26 =	spop (v2sf);
	v13 =	vor.u32 s18, v0;
	[tilespmem:s19+$0x5D80] =	vst.msk vm0, v12;
	v14 =	vmpcnt.ones.xlane vm0  }
0x1fe: {  	vm1 =	veq.s32 v12, v10;
	s28 =	sadd.s32 s21, s26;
	[tilespmem:s19+$0x5E80] =	vst.msk vm0, v13  }
0x1ff: {  	v12 =	vmpcnt.ones.xlane vm1;
	[tilespmem:s28+$0x5F80] =	vst.msk vm1, v13;
	(v2sf) =	vpush v14, $0x0  }
0x200: {  	v13 =	vld [tilespmem:s17+$0xFFFFFFF0]  }
0x201: {  	(v2sf) =	vpush v12, $0x0;
	_ =	sdelay $0x3  }
0x202: {  	vm7 =	vlt.s32 v13, v10  }
0x203: {  	v29 =	vmpcnt.ones.xlane vm7  }
0x204: {  	vm8 =	veq.s32 v13, v10  }
0x205: {  	v30 =	vmpcnt.ones.xlane vm8;
	(v2sf) =	vpush v29, $0x0;
	_ =	sdelay $0x1  }
0x206: {  	(v2sf) =	vpush v30, $0x0;
	_ =	sdelay $0x3  }
0x207: {  	s29 =	spop (v2sf)  }
0x208: {  	s30 =	sadd.s32 $0x7A810, s16;
	s19 =	sadd.s32 s19, s29  }
0x209: {  	v31 =	vor.u32 s30, v0;
	s31 =	spop (v2sf);
	[tilespmem:s19+$0x5D80] =	vst.msk vm7, v13  }
0x20a: {  	s18 =	sadd.s32 s28, s31;
	[tilespmem:s19+$0x5E80] =	vst.msk vm7, v31  }
0x20b: {  	[tilespmem:s18+$0x5F80] =	vst.msk vm8, v31  }
0x20c: {  	v12 =	vld [tilespmem:s17+$0x0];
	_ =	sdelay $0x3  }
0x20d: {  	s21 =	spop (v2sf)  }
0x20e: {  	s22 =	sadd.s32 $0x7A820, s16;
	s19 =	sadd.s32 s19, s21;
	vm9 =	vlt.s32 v12, v10  }
0x20f: {  	v32 =	vor.u32 s22, v0;
	s23 =	spop (v2sf);
	[tilespmem:s19+$0x5D80] =	vst.msk vm9, v12  }
0x210: {  	vm10 =	veq.s32 v12, v10;
	s18 =	sadd.s32 s18, s23;
	[tilespmem:s19+$0x5E80] =	vst.msk vm9, v32  }
0x211: {  	[tilespmem:s18+$0x5F80] =	vst.msk vm10, v32  }
0x212: {  	v33 =	vld [tilespmem:s17+$0x10];
	_ =	sdelay $0x3  }
0x213: {  	(xrf0) =	vadd.scan.msk.s32 $0xffff, v11;
	v11 =	vmpcnt.ones.xlane vm9  }
0x214: {  	vm11 =	vlt.s32 v33, v10  }
0x215: {  	v34 =	vmpcnt.ones.xlane vm10;
	(v2sf) =	vpush v11, $0x0;
	v11 =	vmpcnt.ones.xlane vm11  }
0x216: {  	vm12 =	veq.s32 v33, v10  }
0x217: {  	(v2sf) =	vpush v34, $0x0;
	v35 =	vmpcnt.ones.xlane vm12  }
0x218: {  	(v2sf) =	vpush v11, $0x0  }
0x219: {  	(v2sf) =	vpush v35, $0x0;
	v11, _, _ =	vpop (xrf0)  }
0x21a: {  	(v2sf) =	vpush v11, $0xF;
	_ =	sdelay $0xa  }
0x21b: {  	s24 =	spop (v2sf)  }
0x21c: {  	s25 =	spop (v2sf)  }
0x21d: {  	s26 =	spop (v2sf)  }
0x21e: {  	s28 =	spop (v2sf)  }
0x21f: {  	p0 =	sgt.s32 s14, $0x0;
	s14 =	spop (v2sf)  }
0x220: {  	s14 =	simm.s32 @!p0 $0x0  }
0x221: {  	s14 =	ssub.s32 s14, s15  }
0x222: {  	s14 =	sadd.s32 $0x80, s14  }
0x223: {  	v11 =	vmov s14  }
0x224: {  	v36 =	vsub.s32 v0, v11  }
0x225: {  	s30 =	sadd.s32 $0x7A830, s16;
	s29 =	sadd.s32 s19, s24;
	vm2 =	vgt.s32 v36, $0x0  }
0x226: {  	v37 =	vor.u32 s30, v0;
	[tilespmem:s29+$0x5D80] =	vst.msk vm11, v33;
	v13 =	vnsel vm2, $0x0, v36  }
0x227: {  	s31 =	sadd.s32 s18, s25;
	[tilespmem:s29+$0x5E80] =	vst.msk vm11, v37  }
0x228: {  	[tilespmem:s31+$0x5F80] =	vst.msk vm12, v37  }
0x229: {  	v12 =	vld [tilespmem:$0x5D80]  }
0x22a: {  	v14 =	vld [tilespmem:$0x5E80]  }
0x22b: {  	v15 =	vsub.s32 v3, v11;
	v13 =	vld.idx.msk [tilespmem:v13+s10+$0x0], $0xffff  }
0x22c: {  	vm13 =	vgt.s32 v15, $0x0  }
0x22d: {  	v15 =	vnsel vm13, $0x0, v15  }
0x22e: {  	vm14 =	vlt.s32 v0, s14  }
0x22f: {  	v12 =	vsel vm14, v12, v10  }
0x230: {  	v39 =	vld [tilespmem:$0x5D90];
	[tilespmem:$0x9D00] =	vst v12;
	v38 =	vsel vm14, v14, v13  }
0x231: {  	v40 =	vld [tilespmem:$0x5E90];
	[tilespmem:$0x9D80] =	vst v38  }
0x232: {  	v42 =	vsub.s32 v4, v11;
	v41 =	vld.idx.msk [tilespmem:v15+s10+$0x0], $0xffff  }
0x233: {  	vm15 =	vgt.s32 v42, $0x0  }
0x234: {  	v15 =	vnsel vm15, $0x0, v42  }
0x235: {  	vm4 =	vlt.s32 v3, s14  }
0x236: {  	v13 =	vsel vm4, v39, v10  }
0x237: {  	v43 =	vld [tilespmem:$0x5DA0];
	[tilespmem:$0x9D10] =	vst v13;
	v12 =	vsel vm4, v40, v41  }
0x238: {  	v44 =	vld [tilespmem:$0x5EA0];
	[tilespmem:$0x9D90] =	vst v12  }
0x239: {  	v46 =	vsub.s32 v5, v11;
	v45 =	vld.idx.msk [tilespmem:v15+s10+$0x0], $0xffff  }
0x23a: {  	vm5 =	vgt.s32 v46, $0x0  }
0x23b: {  	v15 =	vnsel vm5, $0x0, v46  }
0x23c: {  	vm6 =	vlt.s32 v4, s14  }
0x23d: {  	v13 =	vsel vm6, v43, v10  }
0x23e: {  	v47 =	vld [tilespmem:$0x5DB0];
	[tilespmem:$0x9D20] =	vst v13;
	v12 =	vsel vm6, v44, v45  }
0x23f: {  	v48 =	vld [tilespmem:$0x5EB0];
	[tilespmem:$0x9DA0] =	vst v12  }
0x240: {  	v50 =	vsub.s32 v6, v11;
	v49 =	vld.idx.msk [tilespmem:v15+s10+$0x0], $0xffff  }
0x241: {  	vm7 =	vgt.s32 v50, $0x0  }
0x242: {  	v15 =	vnsel vm7, $0x0, v50  }
0x243: {  	vm8 =	vlt.s32 v5, s14  }
0x244: {  	v13 =	vsel vm8, v47, v10  }
0x245: {  	v51 =	vld [tilespmem:$0x5DC0];
	[tilespmem:$0x9D30] =	vst v13;
	v12 =	vsel vm8, v48, v49  }
0x246: {  	v52 =	vld [tilespmem:$0x5EC0];
	[tilespmem:$0x9DB0] =	vst v12  }
0x247: {  	v54 =	vsub.s32 v7, v11;
	v53 =	vld.idx.msk [tilespmem:v15+s10+$0x0], $0xffff  }
0x248: {  	vm9 =	vgt.s32 v54, $0x0  }
0x249: {  	v15 =	vnsel vm9, $0x0, v54  }
0x24a: {  	vm10 =	vlt.s32 v6, s14  }
0x24b: {  	v13 =	vsel vm10, v51, v10  }
0x24c: {  	v55 =	vld [tilespmem:$0x5DD0];
	[tilespmem:$0x9D40] =	vst v13;
	v12 =	vsel vm10, v52, v53  }
0x24d: {  	v56 =	vld [tilespmem:$0x5ED0];
	[tilespmem:$0x9DC0] =	vst v12  }
0x24e: {  	v58 =	vsub.s32 v8, v11;
	v57 =	vld.idx.msk [tilespmem:v15+s10+$0x0], $0xffff  }
0x24f: {  	vm11 =	vgt.s32 v58, $0x0  }
0x250: {  	v15 =	vnsel vm11, $0x0, v58  }
0x251: {  	vm12 =	vlt.s32 v7, s14  }
0x252: {  	v13 =	vsel vm12, v55, v10  }
0x253: {  	v59 =	vld [tilespmem:$0x5DE0];
	[tilespmem:$0x9D50] =	vst v13;
	v12 =	vsel vm12, v56, v57  }
0x254: {  	v60 =	vld [tilespmem:$0x5EE0];
	[tilespmem:$0x9DD0] =	vst v12  }
0x255: {  	v11 =	vsub.s32 v9, v11;
	v61 =	vld.idx.msk [tilespmem:v15+s10+$0x0], $0xffff  }
0x256: {  	vm13 =	vgt.s32 v11, $0x0  }
0x257: {  	v11 =	vnsel vm13, $0x0, v11  }
0x258: {  	vm14 =	vlt.s32 v8, s14  }
0x259: {  	v13 =	vsel vm14, v59, v10  }
0x25a: {  	v62 =	vld [tilespmem:$0x5DF0];
	[tilespmem:$0x9D60] =	vst v13;
	v12 =	vsel vm14, v60, v61  }
0x25b: {  	v63 =	vld [tilespmem:$0x5EF0];
	[tilespmem:$0x9DE0] =	vst v12  }
0x25c: {  	v11 =	vld.idx.msk [tilespmem:v11+s10+$0x0], $0xffff;
	_ =	sdelay $0x2  }
0x25d: {  	vm15 =	vlt.s32 v9, s14  }
0x25e: {  	v10 =	vsel vm15, v62, v10  }
0x25f: {  	[tilespmem:$0x9D70] =	vst v10;
	v10 =	vsel vm15, v63, v11  }
0x260: {  	[tilespmem:$0x9DF0] =	vst v10  }
0x261: {  	[hbm4b:s4+s2] =	stream.linear.scatter [tilespmem:s11], [sflag:$0x1], $0x80, $0x38;
	[tilespmem:$0x9E00] =	vst v63  }
0x262: {  	s13 =	sadd.s32 $0x1, s13;
	_ =	swait.ge [sflag:s8], $0x80  }
0x263: {  	p0 =	sne.s32 s13, s6;
	[sflag:s8] =	ssyncset.done $0x0  }
.Ltmp20:
0x264: {  	[sflag:s8] =	ssyncadd.s32 $0xFFFFFF80;
	(pc) =	sbr.rel @p0 .LBB2_1-.Ltmp20, $4  }
0x265: {  	[hbm4b:s5+s2] =	stream.linear.scatter [tilespmem:s12], [sflag:$0x1], $0x80, $0x38;
	[tilespmem:$0x9E00] =	vst v63  }
0x266: {  	_ =	swait.ge [sflag:s8], $0x80  }
0x267: {  	[sflag:s8] =	ssyncset.done $0x0  }
0x268: {  	[sflag:s8] =	ssyncadd.s32 $0xFFFFFF80  }
0x269: {  	_ =	sfence.sel $0x180000  }
0x26a: {  	[bflag:$0x0] =	sbarrier.arrive $0xFFFF  }
0x26b: {  	p0 =	sne.s32 s0, $0x0;
	_ =	strace $0x90000047  }
0x26c: {  	s0 =	sadd.s32 @!p0 $0x100000, s1;
	[bflag:$0x2] =	sbarrier.arrive $0xFFFF  }
0x26d: {  	[sflag:s0] =	ssyncadd.tile.s32 @!p0 $0x1;
	_ =	shalt  }
.Lfunc_end2:
_tile_overlayer_lowered:
.L_overlay_start_2:
0x26e: {  	(tag) =	ssettag $0x2  }
0x26f: {  	s0 =	rddreg [dreg:$0x0];
	s2 =	stileid.u32  }
0x270: {  	s1 =	rddreg [dreg:$0x1];
	p0 =	sne.s32 s2, $0x0  }
0x271: {  	s3 =	rddreg [dreg:$0x2];
	[bflag:$0x3] =	sbarrier.arrive $0xFFFF;
	s2 =	simm.s32 @!p0 $0x1C01  }
0x272: {  	[timem:s3], [sflag:s2] =	dma.local @!p0 [hbm:s0], s1  }
0x273: {  	s0 =	simm.s32 @!p0 $0x1  }
0x274: {  	_ =	swait.ge @!p0 [sflag:s0], s1  }
0x275: {  	s1 =	ssub.s32 @!p0 $0x0, s1;
	[sflag:s0] =	ssyncset.done @!p0 $0x0  }
0x276: {  	[sflag:s0] =	ssyncadd.s32 @!p0 s1  }
0x277: {  	[bflag:$0x3] =	sbarrier.arrive $0xFFFF  }
0x278: {  	_ =	shalt  }

// kernel: kernel.7.cloned.1.call-start
scs
__scs_entry_jumppad:
0x0: {  	(pc) =	sbr.rel $0x88, $3  }
0x1: {  	(tag) =	ssettag $0x0;
	lr =	simm.s32 $0x1  }
0x2: {  	[smem:$0x3F9F] =	sst lr;
	_ =	strace $0xD0000000  }
0x3: {  	_ = 	snop  }
0x4: {  	_ = 	snop  }
0x5: {  	_ = 	snop  }
0x6: {  	_ = 	snop  }
0x7: {  	_ = 	snop  }
__scs_overlays_trampoline_lowered:
0x8: {  	[smem:$0x3FAE] =	sst s0  }
0x9: {  	[smem:$0x3FAF] =	sst s1  }
0xa: {  	[smem:$0x3FB0] =	sst s2  }
0xb: {  	[smem:$0x3FB1] =	sst s3  }
0xc: {  	[smem:$0x3FB2] =	sst s4  }
0xd: {  	[smem:$0x3FB3] =	sst s5  }
0xe: {  	[smem:$0x3FB4] =	sst s6  }
0xf: {  	[smem:$0x3FB5] =	sst s7  }
0x10: {  	[smem:$0x3FB6] =	sst s8  }
0x11: {  	[smem:$0x3FB7] =	sst s9;
	s0 =	simm.s32 @!p0 $0x0  }
0x12: {  	s1 =	sld [smem:$0x3F9D];
	s0 =	simm.s32 @p0 $0x1  }
0x13: {  	[smem:$0x3FB8] =	sst s0;
	s0 =	simm.s32 @!p1 $0x0  }
0x14: {  	s2 =	sld [smem:$0x3F9C];
	s0 =	simm.s32 @p1 $0x1  }
0x15: {  	[smem:$0x3FB9] =	sst s0;
	s0 =	simm.s32 @!p2 $0x0  }
0x16: {  	s3 =	sld [smem:$0x3FDB];
	s0 =	simm.s32 @p2 $0x1  }
0x17: {  	s4 =	simm.s32 $0x1BF5;
	[smem:$0x3FBB] =	sst s0  }
0x18: {  	s0 =	sld [smem:$0x3F9E];
	_ =	swait.ge [sflag:s4], $0x0  }
0x19: {  	s7 =	sld [smem:$0x3F9F]  }
0x1a: {  	s8 =	sadd.s32 $0xFFFFE003, lr  }
0x1b: {  	s9 =	sadd.s32 $0xFFFFFEF7, lr;
	s5 =	simm.s32 $0xFFFFFFFF;
	p2 =	slt.u32 s8, $0xFFFFF086  }
0x1c: {  	p1 =	slt.u32 s9, $0xF7A;
	s5 =	simm.s32 @!p2 $0x0  }
0x1d: {  	s5 =	simm.s32 @p1 $0x1;
	p0 =	seq.s32 s7, s2  }
0x1e: {  	s7 =	smul.u32 @!p0 $0xF7A, s2;
	p2 =	seq.s32 @!p0 s5, $0x0  }
0x1f: {  	s9 =	smul.u32 $0xF7A, s1;
	s8 =	simm.s32 @!p0 $0x1BF5;
	p2 =	por !p2, p0  }
0x20: {  	[sflag:s8] =	ssyncset.s32 @!p0 $0xFFFFF086;
	s6 =	sadd.s32 @!p0 s3, s7;
	s7 =	simm.s32 @!p0 $0x108  }
0x21: {  	s3 =	sadd.s32 s3, s9;
	s6 =	sadd.s32 @!p0 $0x88, s6;
	s7 =	simm.s32 @p2 $0x1082  }
0x22: {  	[simem:s7], [sflag:s8] =	dma.local @!p0 [hbm:s6], $0xF7A  }
0x23: {  	s9 =	sor.u32 $0xD0000000, s2;
	s6 =	simm.s32 $0x108;
	_ =	swait.ge @!p0 [sflag:s8], $0x0  }
0x24: {  	s3 =	sadd.s32 $0x88, s3;
	s6 =	simm.s32 @!p1 $0x1082;
	[sflag:s4] =	ssyncset.s32 $0xFFFFF086  }
0x25: {  	[simem:s6], [sflag:s4] =	dma.local [hbm:s3], $0xF7A  }
0x26: {  	[smem:$0x3F9F] =	sst s1;
	(tag) =	ssettag s2;
	_ =	strace s9  }
0x27: {  	s1 =	sld [smem:$0x3FAF]  }
0x28: {  	s2 =	sld [smem:$0x3FB0]  }
0x29: {  	s4 =	sld [smem:$0x3FB2]  }
0x2a: {  	p0 =	seq.s32 s5, $0x0;
	s5 =	sld [smem:$0x3FB3]  }
0x2b: {  	s6 =	sld [smem:$0x3FB4]  }
0x2c: {  	s7 =	sld [smem:$0x3FB5]  }
0x2d: {  	s3 =	simm.s32 $0x108;
	s8 =	sld [smem:$0x3FB6]  }
0x2e: {  	s3 =	simm.s32 @!p0 $0x1082;
	s9 =	sld [smem:$0x3FB7]  }
0x2f: {  	lr =	sadd.s32 s0, s3;
	s0 =	sld [smem:$0x3FAE]  }
0x30: {  	s3 =	sld [smem:$0x3FB1]  }
0x31: {  	[smem:$0x3FBA] =	sst s10  }
0x32: {  	s10 =	sld [smem:$0x3FB8];
	_ =	sdelay $0x3  }
0x33: {  	p0 =	seq.s32 s10, $0x1;
	s10 =	sld [smem:$0x3FBA];
	_ =	sdelay $0x3  }
0x34: {  	[smem:$0x3FBA] =	sst s10  }
0x35: {  	s10 =	sld [smem:$0x3FB9];
	_ =	sdelay $0x3  }
0x36: {  	p1 =	seq.s32 s10, $0x1;
	s10 =	sld [smem:$0x3FBA];
	_ =	sdelay $0x3  }
0x37: {  	[smem:$0x3FBA] =	sst s10  }
0x38: {  	s10 =	sld [smem:$0x3FBB]  }
0x39: {  	_ = 	snop;
	(pc) =	sbr.ind lr, $3  }
0x3a: {  	_ = 	snop  }
0x3b: {  	_ = 	snop  }
0x3c: {  	p2 =	seq.s32 s10, $0x1;
	s10 =	sld [smem:$0x3FBA]  }
0x3d: {  	_ =	shalt  }
0x3e: {  	_ =	shalt  }
0x3f: {  	_ =	shalt  }
0x40: {  	_ =	shalt  }
0x41: {  	_ =	shalt  }
0x42: {  	_ =	shalt  }
0x43: {  	_ =	shalt  }
0x44: {  	_ =	shalt  }
0x45: {  	_ =	shalt  }
0x46: {  	_ =	shalt  }
0x47: {  	_ =	shalt  }
0x48: {  	_ =	shalt  }
0x49: {  	_ =	shalt  }
0x4a: {  	_ =	shalt  }
0x4b: {  	_ =	shalt  }
0x4c: {  	_ =	shalt  }
0x4d: {  	_ =	shalt  }
0x4e: {  	_ =	shalt  }
0x4f: {  	_ =	shalt  }
0x50: {  	_ =	shalt  }
0x51: {  	_ =	shalt  }
0x52: {  	_ =	shalt  }
0x53: {  	_ =	shalt  }
0x54: {  	_ =	shalt  }
0x55: {  	_ =	shalt  }
0x56: {  	_ =	shalt  }
0x57: {  	_ =	shalt  }
0x58: {  	_ =	shalt  }
0x59: {  	_ =	shalt  }
0x5a: {  	_ =	shalt  }
0x5b: {  	_ =	shalt  }
0x5c: {  	_ =	shalt  }
0x5d: {  	_ =	shalt  }
0x5e: {  	_ =	shalt  }
0x5f: {  	_ =	shalt  }
0x60: {  	_ =	shalt  }
0x61: {  	_ =	shalt  }
0x62: {  	_ =	shalt  }
0x63: {  	_ =	shalt  }
0x64: {  	_ =	shalt  }
0x65: {  	_ =	shalt  }
0x66: {  	_ =	shalt  }
0x67: {  	_ =	shalt  }
0x68: {  	_ =	shalt  }
0x69: {  	_ =	shalt  }
0x6a: {  	_ =	shalt  }
0x6b: {  	_ =	shalt  }
0x6c: {  	_ =	shalt  }
0x6d: {  	_ =	shalt  }
0x6e: {  	_ =	shalt  }
0x6f: {  	_ =	shalt  }
0x70: {  	_ =	shalt  }
0x71: {  	_ =	shalt  }
0x72: {  	_ =	shalt  }
0x73: {  	_ =	shalt  }
0x74: {  	_ =	shalt  }
0x75: {  	_ =	shalt  }
0x76: {  	_ =	shalt  }
0x77: {  	_ =	shalt  }
0x78: {  	_ =	shalt  }
0x79: {  	_ =	shalt  }
0x7a: {  	_ =	shalt  }
0x7b: {  	_ =	shalt  }
0x7c: {  	_ =	shalt  }
0x7d: {  	_ =	shalt  }
0x7e: {  	_ =	shalt  }
0x7f: {  	_ =	shalt  }
0x80: {  	_ =	shalt  }
0x81: {  	_ =	shalt  }
0x82: {  	_ =	shalt  }
0x83: {  	_ =	shalt  }
0x84: {  	_ =	shalt  }
0x85: {  	_ =	shalt  }
0x86: {  	_ =	shalt  }
0x87: {  	_ =	shalt  }
.Lfunc_end0:
.L_simem_size_0:
called_computation_lowered:
.L_overlay_start_0:
0x88: {  	s2 =	sld [smem:$0x3FD9]  }
0x89: {  	s3 =	sld [smem:$0x3FFE];
	_ =	sdelay $0x1  }
0x8a: {  	s1 =	srdreg.scid  }
0x8b: {  	s0 =	sand.u32 $0x1, s1  }
0x8c: {  	s17 =	sshll.u32 s0, $0xA;
	s2 =	sadd.s32 s3, s2  }
0x8d: {  	s2 =	sadd.s32 s2, s17  }
0x8e: {  	[smem:$0x3FC6] =	sst s2  }
0x8f: {  	_ = 	snop  }
0x90: {  	(tm) =	ssettm $0x1  }
0x91: {  	s18 =	sld [smem:$0x3FFB];
	_ =	sdelay $0x3  }
0x92: {  	_ =	strace s18  }
0x93: {  	s2 =	sld [smem:$0x3FFC];
	_ =	sdelay $0x3  }
0x94: {  	_ =	strace s2  }
0x95: {  	s2 =	sld [smem:$0x3FFD];
	_ =	sdelay $0x3  }
0x96: {  	_ =	strace s2  }
0x97: {  	_ =	strace $0x8FFFFFFF  }
0x98: {  	s19 =	sld [smem:$0x3FDB];
	_ =	sdelay $0x1  }
0x99: {  	s20 =	simm.s32 $_scs_section_size  }
0x9a: {  	s4 =	simm.s32 $_size__tile_overlayer_lowered;
	s5 =	simm.s32 $_tile_overlayer_lowered  }
0x9b: {  	s6 =	simm.s32 $0x1BFF;
	s21 =	sshll.u32 s5, $0x1;
	s3 =	sadd.s32 s20, s19  }
0x9c: {  	s22 =	simm.s32 $0x0;
	s4 =	sshll.u32 s4, $0x1;
	s5 =	sadd.s32 s21, s3  }
0x9d: {  	[timem:s22], [sflag:s6] =	dma.local [hbm:s5], s4  }
0x9e: {  	_ =	swait.ge [sflag:s6], s4  }
0x9f: {  	s4 =	ssub.s32 $0x0, s4;
	[sflag:s6] =	ssyncset.done $0x0  }
0xa0: {  	[sflag:s6] =	ssyncadd.s32 s4;
	_ =	sdelay $0x1  }
0xa1: {  	s23 =	simm.s32 $0x1B8B  }
0xa2: {  	_ =	swait.ge [sflag:s23], $0x1  }
0xa3: {  	[sflag:s23] =	ssyncset.done $0x0  }
0xa4: {  	[sflag:s23] =	ssyncadd.s32 $0xFFFFFFFF  }
0xa5: {  	s4 =	sld [smem:$0x0]  }
0xa6: {  	s5 =	sand.u32 $0xFFFFFFFE, s1  }
0xa7: {  	p0 =	sne.s32 s1, s5  }
0xa8: {  	s5 =	sshll.u32 @p0 s5, $0xE  }
0xa9: {  	s5 =	sadd.s32 @p0 $0x11B8D, s5;
	s6 =	sshll.u32 @p0 s4, $0x11  }
0xaa: {  	s5 =	sor.u32 @p0 s6, s5  }
0xab: {  	[sflag:s5] =	ssyncadd.remote.s32 @p0 $0x1;
	_ =	sdelay $0x1  }
0xac: {  	s5 =	simm.s32 @p0 $0x1B8D  }
0xad: {  	_ =	swait.eq @p0 [sflag:s5], $0x1  }
0xae: {  	[sflag:s5] =	ssyncadd.s32 @p0 $0xFFFFFFFF  }
0xaf: {  	s6 =	sshll.u32 @!p0 s1, $0xE  }
0xb0: {  	s6 =	sor.u32 @!p0 $0x4000, s6;
	s5 =	simm.s32 @!p0 $0x1B8D  }
0xb1: {  	s4 =	sshll.u32 @!p0 s4, $0x11;
	s6 =	sadd.s32 @!p0 $0x11B8D, s6;
	_ =	swait.eq @!p0 [sflag:s5], $0x1  }
0xb2: {  	s4 =	sor.u32 @!p0 s4, s6;
	[sflag:s5] =	ssyncadd.s32 @!p0 $0xFFFFFFFF  }
0xb3: {  	s25 =	simm.s32 $0x1B8E;
	s24 =	sld [smem:$0x3FFE];
	[sflag:s4] =	ssyncadd.remote.s32 @!p0 $0x1  }
0xb4: {  	s26 =	simm.s32 $execute0_lowered;
	[smem:$0x3FD2] =	sst s25  }
0xb5: {  	s5 =	sshll.u32 s26, $0x1;
	_ =	strace $0x80000049;
	[dreg:$0x1] =	wrdreg $0xFFFFFFFF  }
0xb6: {  	s28 =	simm.s32 $_size_execute0_lowered;
	s3 =	sadd.s32 s3, s5;
	[dreg:$0x0] =	wrdreg $0x0  }
0xb7: {  	s5 =	sshll.u32 s28, $0x1;
	[dreg:$0x2] =	wrdreg s3  }
0xb8: {  	[dreg:$0x3] =	wrdreg s5  }
0xb9: {  	[dreg:$0x4] =	wrdreg $0xC0  }
0xba: {  	_ =	task [dreg:s22], $0x5FFFF  }
0xbb: {  	[dreg:$0x1] =	wrdreg $0xFFFFFFFF  }
0xbc: {  	[dreg:$0x0] =	wrdreg $0x60  }
0xbd: {  	[dreg:$0x2] =	wrdreg s24  }
0xbe: {  	[dreg:$0x3] =	wrdreg $0x9  }
0xbf: {  	_ =	task.clear_ibuf [dreg:s22], $0x4FFFF;
	_ =	strace $0x90000049  }
0xc0: {  	s29 =	simm.s32 $0x9;
	_ =	strace $0x8000004B  }
0xc1: {  	_ =	swait.ge [sflag:s29], $0x1  }
0xc2: {  	[sflag:s29] =	ssyncadd.s32 $0xFFFFFFFF  }
0xc3: {  	_ =	strace $0x9000004B  }
0xc4: {  	_ =	sfence  }
0xc5: {  	s30 =	sld [smem:$0x0];
	_ =	sdelay $0x2  }
0xc6: {  	s31 =	sshll.u32 s1, $0xD;
	s1 =	sshrl.u32 s1, $0x2  }
0xc7: {  	s4 =	sand.u32 $0x4000, s31;
	s1 =	sadd.s32 s1, s30  }
0xc8: {  	s0 =	sor.u32 s4, s0;
	s1 =	sshll.u32 s1, $0x11  }
0xc9: {  	s0 =	sor.u32 s1, s0  }
0xca: {  	s0 =	sadd.s32 $0x8F2B, s0  }
0xcb: {  	[sflag:s0] =	ssyncadd.remote.s32 $0x1  }
0xcc: {  	_ =	sfence.sel $0xFFFF  }
0xcd: {  	[dreg:$0x0] =	wrdreg $0xFFFFFFFF;
	(pc) =	sbr.abs _section_cstart, $3  }
0xce: {  	[dreg:$0x1] =	wrdreg $0xFFFFFFFF  }
0xcf: {  	_ =	task.clear_ibuf [dreg:s22], $0x2FFFF;
	_ =	strace $0x9FFFFFFF  }
0xd0: {  	(tm) =	ssettm $0x7FFFFFFF  }
0xd1: {  	_ =	shalt  }
tec
execute0_lowered:
.L_overlay_start_1:
0x0: {  	(tag) =	ssettag $0x1  }
0x1: {  	s1 =	srdreg.scid  }
0x2: {  	s0 =	stileid.u32;
	s5 =	rddreg [dreg:$0x0];
	s2 =	simm.s32 $0x0  }
0x3: {  	s10 =	simm.s32 $0x5F80;
	s3 =	sand.u32 $0x1, s1;
	s30 =	sshll.u32 s0, $0x1  }
0x4: {  	s11 =	simm.s32 $0x9D00;
	s12 =	simm.s32 $0x9D80;
	s4 =	sor.u32 s3, s30  }
0x5: {  	s13 =	simm.s32 $0x0;
	[smem:$0x7FF] =	sst s2;
	s6 =	smul.u32 $0x3D40, s4  }
0x6: {  	s1 =	rddreg [dreg:$0x1];
	s8 =	smul.u32 $0x7A80, s0;
	_ =	strace $0x8000004A  }
0x7: {  	s7 =	ssub.s32 $0x2, s3;
	s9 =	smul.u32 $0x3D40, s3;
	s6 =	sshrl.u32 s6, $0x3  }
0x8: {  	v0 =	vlaneseq.u32;
	s4 =	sshll.u32 s4, $0x4;
	s31 =	sshrl.u32 s7, $0x1;
	s6 =	sadd.s32 s6, s5  }
0x9: {  	v1 =	vimm.s32 $0x0;
	v2 =	vimm.s32 $0x1;
	v3 =	vor.u32 $0x10, v0;
	s7 =	ssub.s32 s7, s31;
	s5 =	sadd.s32 s4, s5;
	s3 =	sadd.s32 $0x11200, s6  }
0xa: {  	v4 =	vor.u32 $0x20, v0;
	v5 =	vor.u32 $0x30, v0;
	v6 =	vor.u32 $0x40, v0;
	s4 =	sadd.s32 $0x20800, s5;
	s5 =	sadd.s32 $0x20A00, s5;
	s6 =	smax.u32 s7, $0x1  }
0xb: {  	v7 =	vor.u32 $0x50, v0;
	v8 =	vor.u32 $0x60, v0;
	v9 =	vor.u32 $0x70, v0;
	s7 =	sadd.s32 s9, s8;
	s8 =	simm.s32 $0x1;
	s9 =	simm.s32 $0x3D80  }
.LBB2_1:
0xc: {  	[tilespmem:s2], [sflag:$0x1] =	stream.linear.gather [hbm4b:s3+s2], $0x3D40, $0x38;
	[tilespmem:$0x9E00] =	vst v63  }
0xd: {  	_ =	swait.ge [sflag:s8], $0x3D40  }
0xe: {  	[sflag:s8] =	ssyncset.done $0x0  }
0xf: {  	s14 =	simm.s32 $0x3DC0;
	[sflag:s8] =	ssyncadd.s32 $0xFFFFC2C0  }
0x10: {  	[tilespmem:s14+$0xFFFFFFC0] =	vst v1  }
0x11: {  	[tilespmem:s14+$0x30] =	vst v1  }
0x12: {  	[tilespmem:s14+$0x20] =	vst v1  }
0x13: {  	[tilespmem:s14+$0x10] =	vst v1  }
0x14: {  	[tilespmem:s14+$0x0] =	vst v1  }
0x15: {  	[tilespmem:s14+$0xFFFFFFF0] =	vst v1  }
0x16: {  	s16 =	simm.s32 $0x0;
	s15 =	simm.s32 $0x20;
	[tilespmem:s14+$0xFFFFFFE0] =	vst v1  }
.LBB2_2:
0x17: {  	s16 =	sadd.s32 $0x8, s16;
	[tilespmem:s14+$0xFFFFFFD0] =	vst v1;
	s14 =	sadd.s32 $0x80, s14  }
0x18: {  	[tilespmem:s14+$0xFFFFFFC0] =	vst v1;
	p0 =	slt.u32 s16, $0xF8  }
0x19: {  	[tilespmem:s14+$0x30] =	vst v1  }
.Ltmp0:
0x1a: {  	[tilespmem:s14+$0x20] =	vst v1;
	(pc) =	sbr.rel @p0 .LBB2_2-.Ltmp0, $4  }
0x1b: {  	[tilespmem:s14+$0x10] =	vst v1  }
0x1c: {  	[tilespmem:s14+$0x0] =	vst v1  }
0x1d: {  	[tilespmem:s14+$0xFFFFFFF0] =	vst v1  }
0x1e: {  	[tilespmem:s14+$0xFFFFFFE0] =	vst v1  }
0x1f: {  	[tilespmem:s14+$0xFFFFFFD0] =	vst v1  }
0x20: {  	v11 =	vld [tilespmem:s15+$0xFFFFFFF0];
	_ =	sdelay $0x1  }
0x21: {  	v10 =	vld [tilespmem:s15+$0x10];
	_ =	sdelay $0x1  }
0x22: {  	v13 =	vld [tilespmem:s15+$0x0]  }
0x23: {  	v12 =	vshrl.u32 v11, $0x14;
	v11 =	vld [tilespmem:s15+$0xFFFFFFE0];
	_ =	sdelay $0x1  }
0x24: {  	v10 =	vshrl.u32 v10, $0x14  }
0x25: {  	v10 =	vand.u32 $0xFF0, v10  }
0x26: {  	s14 =	simm.s32 $0x0;
	v13 =	vshrl.u32 v13, $0x14;
	s15 =	simm.s32 $0x60;
	v12 =	vand.u32 $0xFF0, v12;
	v10 =	vor.u32 v0, v10  }
.LBB2_4:
0x27: {  	v14 =	vld [tilespmem:s15+$0x10];
	s14 =	sadd.s32 $0x4, s14;
	v11 =	vshrl.u32 v11, $0x14;
	v12 =	vor.u32 v0, v12;
	v13 =	vand.u32 $0xFF0, v13  }
0x28: {  	v15 =	vld [tilespmem:s15+$0xFFFFFFF0];
	p0 =	slt.u32 s14, $0x3D0;
	v11 =	vand.u32 $0xFF0, v11;
	v13 =	vor.u32 v0, v13  }
0x29: {  	v16 =	vld [tilespmem:s15+$0x0];
	v17 =	vor.u32 v0, v11  }
.Ltmp1:
0x2a: {  	v11 =	vld [tilespmem:s15+$0xFFFFFFE0];
	(pc) =	sbr.rel @p0 .LBB2_4-.Ltmp1, $4  }
0x2b: {  	[tilespmem:v10+s9+$0x0] =	vst.idx.add.s32.msk $0xffff, v2  }
0x2c: {  	v10 =	vshrl.u32 v14, $0x14;
	[tilespmem:v12+s9+$0x0] =	vst.idx.add.s32.msk $0xffff, v2  }
0x2d: {  	v12 =	vshrl.u32 v15, $0x14;
	v10 =	vand.u32 $0xFF0, v10;
	[tilespmem:v13+s9+$0x0] =	vst.idx.add.s32.msk $0xffff, v2  }
0x2e: {  	s15 =	sadd.s32 $0x40, s15;
	v12 =	vand.u32 $0xFF0, v12;
	v13 =	vshrl.u32 v16, $0x14;
	v10 =	vor.u32 v0, v10;
	[tilespmem:v17+s9+$0x0] =	vst.idx.add.s32.msk $0xffff, v2  }
0x2f: {  	v11 =	vshrl.u32 v11, $0x14;
	v12 =	vor.u32 v0, v12;
	v13 =	vand.u32 $0xFF0, v13  }
0x30: {  	v11 =	vand.u32 $0xFF0, v11;
	v13 =	vor.u32 v0, v13  }
0x31: {  	v11 =	vor.u32 v0, v11;
	_ =	sdelay $0x1  }
0x32: {  	[tilespmem:v10+s9+$0x0] =	vst.idx.add.s32.msk $0xffff, v2  }
0x33: {  	[tilespmem:v12+s9+$0x0] =	vst.idx.add.s32.msk $0xffff, v2  }
0x34: {  	[tilespmem:v13+s9+$0x0] =	vst.idx.add.s32.msk $0xffff, v2  }
0x35: {  	s14 =	simm.s32 $0x0;
	[tilespmem:v11+s9+$0x0] =	vst.idx.add.s32.msk $0xffff, v2  }
0x36: {  	v12 =	vld [tilespmem:s14+$0x3D80]  }
0x37: {  	v11 =	vld [tilespmem:s14+$0x3D90]  }
0x38: {  	v10 =	vld [tilespmem:s14+$0x3DA0]  }
0x39: {  	v14 =	vimm.s32 $0x0;
	s15 =	simm.s32 $0x0;
	s16 =	simm.s32 $0x100;
	v13 =	vld [tilespmem:s14+$0x3DB0]  }
.LBB2_6:
0x3a: {  	p0 =	sne.s32 s16, $0x3F00  }
.Ltmp2:
0x3b: {  	s17 =	sshra.s32 s16, $0x2;
	s16 =	sadd.s32 $0x100, s16;
	v14 =	vadd.s32 v14, v12;
	(pc) =	sbr.rel @p0 .LBB2_6-.Ltmp2, $4  }
0x3c: {  	v12 =	vld [tilespmem:s17+$0x3D80];
	[tilespmem:s14+$0x4D80] =	vst v14;
	v14 =	vadd.s32 v14, v11  }
0x3d: {  	v11 =	vld [tilespmem:s17+$0x3D90];
	[tilespmem:s14+$0x4D90] =	vst v14;
	v14 =	vadd.s32 v14, v10  }
0x3e: {  	v10 =	vld [tilespmem:s17+$0x3DA0];
	[tilespmem:s14+$0x4DA0] =	vst v14;
	v14 =	vadd.s32 v14, v13  }
0x3f: {  	v13 =	vld [tilespmem:s17+$0x3DB0];
	[tilespmem:s14+$0x4DB0] =	vst v14;
	s14 =	smov.u32 s17  }
0x40: {  	_ = 	snop  }
0x41: {  	v12 =	vadd.s32 v14, v12  }
0x42: {  	[tilespmem:s14+$0x4D80] =	vst v12;
	v11 =	vadd.s32 v12, v11  }
0x43: {  	[tilespmem:s14+$0x4D90] =	vst v11;
	v10 =	vadd.s32 v11, v10  }
0x44: {  	[tilespmem:s14+$0x4DA0] =	vst v10;
	v10 =	vadd.s32 v10, v13  }
0x45: {  	s17 =	simm.s32 $0xFF;
	s16 =	simm.s32 $0x7;
	[tilespmem:s14+$0x4DB0] =	vst v10;
	s14 =	simm.s32 $0xFF  }
.LBB2_8:
0x46: {  	s18 =	smov.u32 s15  }
0x47: {  	p0 =	sne.s32 s16, $0x1;
	s15 =	sand.u32 $0x1, s17  }
0x48: {  	p1 =	slt.s32 s17, $0x1;
	p2 =	seq.s32 s15, $0x1  }
0x49: {  	s15 =	sshrl.u32 s17, $0x1F;
	p1 =	por !p1, !p2  }
0x4a: {  	s15 =	sadd.s32 s15, s17;
	s17 =	simm.s32 $0x1;
	p1 =	por !p1, !p1  }
0x4b: {  	s15 =	sshra.s32 s15, $0x1;
	s17 =	simm.s32 @!p1 $0x0  }
0x4c: {  	s17 =	ssub.s32 s15, s17  }
0x4d: {  	s15 =	sshll.u32 s17, $0x6  }
0x4e: {  	s15 =	sshra.s32 s15, $0x2  }
0x4f: {  	v10 =	vld [tilespmem:s15+$0x4D80];
	_ =	sdelay $0x4  }
0x50: {  	(xrf0) =	vadd.scan.msk.s32 $0xffff, v10;
	_ =	sdelay $0x5  }
0x51: {  	v10, _, _ =	vpop (xrf0)  }
0x52: {  	(v2sf) =	vpush v10, $0xF;
	_ =	sdelay $0xd  }
.Ltmp3:
0x53: {  	(pc) =	sbr.rel @p0 .LBB2_8-.Ltmp3, $4  }
0x54: {  	s15 =	spop (v2sf)  }
0x55: {  	p1 =	sgt.s32 s15, $0x7F;
	s15 =	sadd.s32 $0x1, s17  }
0x56: {  	s15 =	smov.u32 @p1 s18;
	s14 =	smov.u32 @p1 s17  }
0x57: {  	s16 =	sadd.s32 $0xFFFFFFFF, s16;
	s17 =	sadd.s32 s15, s14  }
0x58: {  	s14 =	sand.u32 $0x1, s17  }
0x59: {  	p0 =	slt.s32 s17, $0x1;
	p1 =	seq.s32 s14, $0x1  }
0x5a: {  	s30 =	sshrl.u32 s17, $0x1F;
	p0 =	por !p0, !p1  }
0x5b: {  	s16 =	simm.s32 $0x1;
	s14 =	sadd.s32 s30, s17;
	p0 =	por !p0, !p0  }
0x5c: {  	s14 =	sshra.s32 s14, $0x1;
	s16 =	simm.s32 @!p0 $0x0  }
0x5d: {  	s14 =	ssub.s32 s14, s16  }
0x5e: {  	s16 =	sshll.u32 s14, $0x6  }
0x5f: {  	s16 =	sshra.s32 s16, $0x2  }
0x60: {  	v10 =	vld [tilespmem:s16+$0x4D80];
	_ =	sdelay $0x4  }
0x61: {  	(xrf0) =	vadd.scan.msk.s32 $0xffff, v10;
	_ =	sdelay $0x5  }
0x62: {  	v10, _, _ =	vpop (xrf0)  }
0x63: {  	(v2sf) =	vpush v10, $0xF;
	_ =	sdelay $0xe  }
0x64: {  	s31 =	spop (v2sf)  }
0x65: {  	s16 =	sadd.s32 $0x1, s14;
	p0 =	sgt.s32 s31, $0x7F  }
0x66: {  	s16 =	smov.u32 @p0 s15  }
0x67: {  	p0 =	sgt.s32 s16, $0x1;
	s14 =	smov.u32 s16  }
0x68: {  	s14 =	simm.s32 @!p0 $0x1  }
0x69: {  	s14 =	sshll.u32 s14, $0x6  }
0x6a: {  	s14 =	sshra.s32 s14, $0x2  }
0x6b: {  	v10 =	vld [tilespmem:s14+$0x4D70];
	s14 =	simm.s32 $0x3DC0  }
0x6c: {  	[tilespmem:s14+$0xFFFFFFC0] =	vst v1  }
0x6d: {  	[tilespmem:s14+$0x30] =	vst v1  }
0x6e: {  	[tilespmem:s14+$0x20] =	vst v1  }
0x6f: {  	[tilespmem:s14+$0x10] =	vst v1  }
0x70: {  	[tilespmem:s14+$0x0] =	vst v1  }
0x71: {  	[tilespmem:s14+$0xFFFFFFF0] =	vst v1  }
0x72: {  	s15 =	simm.s32 $0x0;
	[tilespmem:s14+$0xFFFFFFE0] =	vst v1  }
.LBB2_10:
0x73: {  	s15 =	sadd.s32 $0x8, s15;
	[tilespmem:s14+$0xFFFFFFD0] =	vst v1;
	s14 =	sadd.s32 $0x80, s14  }
0x74: {  	[tilespmem:s14+$0xFFFFFFC0] =	vst v1;
	p0 =	slt.u32 s15, $0xF8  }
0x75: {  	[tilespmem:s14+$0x30] =	vst v1  }
.Ltmp4:
0x76: {  	[tilespmem:s14+$0x20] =	vst v1;
	(pc) =	sbr.rel @p0 .LBB2_10-.Ltmp4, $4  }
0x77: {  	[tilespmem:s14+$0x10] =	vst v1  }
0x78: {  	[tilespmem:s14+$0x0] =	vst v1  }
0x79: {  	[tilespmem:s14+$0xFFFFFFF0] =	vst v1  }
0x7a: {  	[tilespmem:s14+$0xFFFFFFE0] =	vst v1  }
0x7b: {  	[tilespmem:s14+$0xFFFFFFD0] =	vst v1;
	s30 =	simm.s32 $0x20  }
0x7c: {  	v12 =	vld [tilespmem:s30+$0x10];
	_ =	sdelay $0x2  }
0x7d: {  	s15 =	sshll.u32 s16, $0x18  }
0x7e: {  	v13 =	vld [tilespmem:s30+$0xFFFFFFF0];
	s31 =	sshra.s32 s15, $0x18  }
0x7f: {  	v15 =	vld [tilespmem:s30+$0xFFFFFFE0];
	v11 =	vmov s31;
	v16 =	vshra.s32 v12, $0x18;
	v12 =	vshrl.u32 v12, $0xC  }
0x80: {  	v14 =	vld [tilespmem:s30+$0x0];
	vm1 =	veq.s32 v16, v11;
	v12 =	vand.u32 $0xFF0, v12  }
0x81: {  	v18 =	vor.u32 v0, v12  }
0x82: {  	s17 =	simm.s32 $0x60  }
0x83: {  	v19 =	vld [tilespmem:s17+$0x10]  }
0x84: {  	v21 =	vld [tilespmem:s17+$0xFFFFFFF0];
	v17 =	vshrl.u32 v13, $0xC;
	v12 =	vshra.s32 v15, $0x18;
	v15 =	vshrl.u32 v15, $0xC  }
0x85: {  	v13 =	vshra.s32 v13, $0x18;
	v16 =	vshrl.u32 v14, $0xC;
	v20 =	vand.u32 $0xFF0, v15;
	v15 =	vld [tilespmem:s17+$0x0]  }
0x86: {  	v17 =	vand.u32 $0xFF0, v17;
	v14 =	vshra.s32 v14, $0x18;
	vm2 =	veq.s32 v13, v11;
	[tilespmem:v18+s9+$0x0] =	vst.idx.add.s32.msk vm1, v2  }
0x87: {  	v16 =	vand.u32 $0xFF0, v16;
	v13 =	vor.u32 v0, v17;
	vm3 =	veq.s32 v14, v11;
	v18 =	vld [tilespmem:s17+$0xFFFFFFE0]  }
0x88: {  	v17 =	vshrl.u32 v19, $0xC;
	vm0 =	veq.s32 v12, v11;
	v14 =	vor.u32 v0, v16  }
0x89: {  	v16 =	vshra.s32 v19, $0x18;
	v12 =	vor.u32 v0, v20;
	vm0 =	vmmov vm0  }
0x8a: {  	v20 =	vshrl.u32 v21, $0xC;
	vm1 =	veq.s32 v16, v11;
	v16 =	vand.u32 $0xFF0, v17  }
0x8b: {  	s14 =	simm.s32 $0x4;
	v17 =	vshra.s32 v21, $0x18;
	s17 =	simm.s32 $0xA0;
	v19 =	vshrl.u32 v15, $0xC;
	v16 =	vor.u32 v0, v16  }
.LBB2_12:
0x8c: {  	v22 =	vshra.s32 v18, $0x18;
	v18 =	vshrl.u32 v18, $0xC  }
0x8d: {  	v21 =	vld [tilespmem:s17+$0x10];
	s14 =	sadd.s32 $0x4, s14;
	v20 =	vand.u32 $0xFF0, v20;
	vm5 =	vmmov vm2;
	vm4 =	vmmov vm3  }
0x8e: {  	v24 =	vshra.s32 v15, $0x18;
	v19 =	vand.u32 $0xFF0, v19;
	v23 =	vld [tilespmem:s17+$0xFFFFFFF0];
	p0 =	slt.u32 s14, $0x3D0;
	v18 =	vand.u32 $0xFF0, v18  }
0x8f: {  	vm2 =	veq.s32 v17, v11;
	vm6 =	veq.s32 v22, v11;
	v15 =	vld [tilespmem:s17+$0x0];
	v22 =	vor.u32 v0, v18  }
.Ltmp5:
0x90: {  	v17 =	vor.u32 v0, v20;
	vm3 =	veq.s32 v24, v11;
	v24 =	vor.u32 v0, v19;
	v18 =	vld [tilespmem:s17+$0xFFFFFFE0];
	(pc) =	sbr.rel @p0 .LBB2_12-.Ltmp5, $4  }
0x91: {  	[tilespmem:v16+s9+$0x0] =	vst.idx.add.s32.msk vm1, v2  }
0x92: {  	v16 =	vshra.s32 v21, $0x18;
	v19 =	vshrl.u32 v21, $0xC;
	[tilespmem:v12+s9+$0x0] =	vst.idx.add.s32.msk vm0, v2;
	v12 =	vmovc v22;
	vm0 =	vmmov vm6  }
0x93: {  	v20 =	vshrl.u32 v23, $0xC;
	vm1 =	veq.s32 v16, v11;
	v16 =	vand.u32 $0xFF0, v19;
	[tilespmem:v13+s9+$0x0] =	vst.idx.add.s32.msk vm5, v2;
	v13 =	vmovc v17  }
0x94: {  	s17 =	sadd.s32 $0x40, s17;
	v17 =	vshra.s32 v23, $0x18;
	v19 =	vshrl.u32 v15, $0xC;
	v16 =	vor.u32 v0, v16;
	[tilespmem:v14+s9+$0x0] =	vst.idx.add.s32.msk vm4, v2;
	v14 =	vmovc v24  }
0x95: {  	_ = 	snop  }
0x96: {  	v21 =	vshra.s32 v18, $0x18;
	v63 =	vshrl.u32 v18, $0xC;
	vm2 =	vmmov vm2  }
0x97: {  	v20 =	vand.u32 $0xFF0, v20;
	vm3 =	vmmov vm3;
	vm5 =	veq.s32 v17, v11  }
0x98: {  	v15 =	vshra.s32 v15, $0x18;
	vm4 =	veq.s32 v21, v11;
	vm5 =	vmmov vm5  }
0x99: {  	vm6 =	veq.s32 v15, v11;
	v11 =	vand.u32 $0xFF0, v19;
	v15 =	vor.u32 v0, v20  }
0x9a: {  	[tilespmem:v16+s9+$0x0] =	vst.idx.add.s32.msk vm1, v2;
	v18 =	vand.u32 $0xFF0, v63;
	vm4 =	vmmov vm4;
	v11 =	vor.u32 v0, v11  }
0x9b: {  	[tilespmem:v12+s9+$0x0] =	vst.idx.add.s32.msk vm0, v2;
	v17 =	vor.u32 v0, v18  }
0x9c: {  	[tilespmem:v13+s9+$0x0] =	vst.idx.add.s32.msk vm2, v2  }
0x9d: {  	[tilespmem:v14+s9+$0x0] =	vst.idx.add.s32.msk vm3, v2  }
0x9e: {  	[tilespmem:v15+s9+$0x0] =	vst.idx.add.s32.msk vm5, v2  }
0x9f: {  	p0 =	por $0x1, $0x1;
	[tilespmem:v11+s9+$0x0] =	vst.idx.add.s32.msk vm6, v2  }
.Ltmp6:
0xa0: {  	s17 =	simm.s32 $0x0;
	[tilespmem:v17+s9+$0x0] =	vst.idx.add.s32.msk vm4, v2;
	(pc) =	sbr.rel @!p0 .LBB2_15-.Ltmp6, $4  }
0xa1: {  	v14 =	vld [tilespmem:s17+$0x3D80]  }
0xa2: {  	v13 =	vld [tilespmem:s17+$0x3D90]  }
0xa3: {  	v11 =	vld [tilespmem:s17+$0x3DA0]  }
0xa4: {  	s14 =	simm.s32 $0x0;
	s18 =	simm.s32 $0x100;
	vm15 =	vmmov vm6;
	v15 =	vimm.s32 $0x0;
	v12 =	vld [tilespmem:s17+$0x3DB0]  }
.LBB2_14:
0xa5: {  	p0 =	sne.s32 s18, $0x3F00  }
.Ltmp7:
0xa6: {  	s19 =	sshra.s32 s18, $0x2;
	s18 =	sadd.s32 $0x100, s18;
	v15 =	vadd.s32 v15, v14;
	(pc) =	sbr.rel @p0 .LBB2_14-.Ltmp7, $4  }
0xa7: {  	v14 =	vld [tilespmem:s19+$0x3D80];
	[tilespmem:s17+$0x4D80] =	vst v15;
	v15 =	vadd.s32 v15, v13  }
0xa8: {  	v13 =	vld [tilespmem:s19+$0x3D90];
	[tilespmem:s17+$0x4D90] =	vst v15;
	v15 =	vadd.s32 v15, v11  }
0xa9: {  	v11 =	vld [tilespmem:s19+$0x3DA0];
	[tilespmem:s17+$0x4DA0] =	vst v15;
	v15 =	vadd.s32 v15, v12  }
0xaa: {  	v12 =	vld [tilespmem:s19+$0x3DB0];
	[tilespmem:s17+$0x4DB0] =	vst v15;
	s17 =	smov.u32 s19  }
.LBB2_15:
0xab: {  	(xrf0) =	vadd.scan.msk.s32 $0xffff, v10;
	_ =	sdelay $0x5  }
0xac: {  	v10, _, _ =	vpop (xrf0)  }
0xad: {  	(v2sf) =	vpush v10, $0xF;
	_ =	sdelay $0xc  }
0xae: {  	v10 =	vadd.s32 v15, v14  }
0xaf: {  	[tilespmem:s17+$0x4D80] =	vst v10;
	v10 =	vadd.s32 v10, v13  }
0xb0: {  	[tilespmem:s17+$0x4D90] =	vst v10;
	v10 =	vadd.s32 v10, v11;
	s18 =	spop (v2sf)  }
0xb1: {  	p0 =	sgt.s32 s16, $0x0;
	s19 =	simm.s32 $0xFF;
	[tilespmem:s17+$0x4DA0] =	vst v10;
	v10 =	vadd.s32 v10, v12;
	s16 =	ssub.s32 $0x80, s18  }
0xb2: {  	[tilespmem:s17+$0x4DB0] =	vst v10;
	s17 =	simm.s32 $0x7;
	s18 =	simm.s32 $0xFF;
	s16 =	simm.s32 @!p0 $0x80  }
.LBB2_16:
0xb3: {  	s20 =	smov.u32 s18  }
0xb4: {  	p0 =	sne.s32 s17, $0x1;
	s18 =	sand.u32 $0x1, s19  }
0xb5: {  	p1 =	slt.s32 s19, $0x1;
	p2 =	seq.s32 s18, $0x1  }
0xb6: {  	s18 =	sshrl.u32 s19, $0x1F;
	p1 =	por !p1, !p2  }
0xb7: {  	s18 =	sadd.s32 s18, s19;
	s19 =	simm.s32 $0x1;
	p1 =	por !p1, !p1  }
0xb8: {  	s18 =	sshra.s32 s18, $0x1;
	s19 =	simm.s32 @!p1 $0x0  }
0xb9: {  	s18 =	ssub.s32 s18, s19  }
0xba: {  	s19 =	sshll.u32 s18, $0x6  }
0xbb: {  	s19 =	sshra.s32 s19, $0x2  }
0xbc: {  	v10 =	vld [tilespmem:s19+$0x4D80];
	_ =	sdelay $0x4  }
0xbd: {  	(xrf0) =	vadd.scan.msk.s32 $0xffff, v10;
	_ =	sdelay $0x5  }
0xbe: {  	v10, _, _ =	vpop (xrf0)  }
0xbf: {  	(v2sf) =	vpush v10, $0xF;
	_ =	sdelay $0xd  }
.Ltmp8:
0xc0: {  	(pc) =	sbr.rel @p0 .LBB2_16-.Ltmp8, $4  }
0xc1: {  	s19 =	spop (v2sf)  }
0xc2: {  	p1 =	slt.s32 s19, s16;
	s19 =	sadd.s32 $0x1, s18  }
0xc3: {  	s14 =	smov.u32 @p1 s19;
	s18 =	smov.u32 @p1 s20  }
0xc4: {  	s17 =	sadd.s32 $0xFFFFFFFF, s17;
	s19 =	sadd.s32 s14, s18  }
0xc5: {  	s17 =	sand.u32 $0x1, s19  }
0xc6: {  	p0 =	slt.s32 s19, $0x1;
	p1 =	seq.s32 s17, $0x1  }
0xc7: {  	s30 =	sshrl.u32 s19, $0x1F;
	p0 =	por !p0, !p1  }
0xc8: {  	s18 =	simm.s32 $0x1;
	s17 =	sadd.s32 s30, s19;
	p0 =	por !p0, !p0  }
0xc9: {  	s17 =	sshra.s32 s17, $0x1;
	s18 =	simm.s32 @!p0 $0x0  }
0xca: {  	s17 =	ssub.s32 s17, s18  }
0xcb: {  	s18 =	sshll.u32 s17, $0x6  }
0xcc: {  	s18 =	sshra.s32 s18, $0x2  }
0xcd: {  	v10 =	vld [tilespmem:s18+$0x4D80];
	_ =	sdelay $0x4  }
0xce: {  	(xrf0) =	vadd.scan.msk.s32 $0xffff, v10;
	_ =	sdelay $0x5  }
0xcf: {  	v10, _, _ =	vpop (xrf0)  }
0xd0: {  	(v2sf) =	vpush v10, $0xF;
	_ =	sdelay $0xe  }
0xd1: {  	s31 =	spop (v2sf)  }
0xd2: {  	s17 =	sadd.s32 $0x1, s17;
	p0 =	slt.s32 s31, s16  }
0xd3: {  	s14 =	smov.u32 @p0 s17  }
0xd4: {  	p0 =	sgt.s32 s14, $0x1;
	s17 =	smov.u32 s14  }
0xd5: {  	s17 =	simm.s32 @!p0 $0x1  }
0xd6: {  	s17 =	sshll.u32 s17, $0x6  }
0xd7: {  	s17 =	sshra.s32 s17, $0x2  }
0xd8: {  	v10 =	vld [tilespmem:s17+$0x4D70];
	s17 =	simm.s32 $0x3DC0  }
0xd9: {  	[tilespmem:s17+$0xFFFFFFC0] =	vst v1  }
0xda: {  	[tilespmem:s17+$0x30] =	vst v1  }
0xdb: {  	[tilespmem:s17+$0x20] =	vst v1  }
0xdc: {  	[tilespmem:s17+$0x10] =	vst v1  }
0xdd: {  	[tilespmem:s17+$0x0] =	vst v1  }
0xde: {  	[tilespmem:s17+$0xFFFFFFF0] =	vst v1  }
0xdf: {  	s18 =	simm.s32 $0x0;
	[tilespmem:s17+$0xFFFFFFE0] =	vst v1  }
.LBB2_18:
0xe0: {  	s18 =	sadd.s32 $0x8, s18;
	[tilespmem:s17+$0xFFFFFFD0] =	vst v1;
	s17 =	sadd.s32 $0x80, s17  }
0xe1: {  	[tilespmem:s17+$0xFFFFFFC0] =	vst v1;
	p0 =	slt.u32 s18, $0xF8  }
0xe2: {  	[tilespmem:s17+$0x30] =	vst v1  }
.Ltmp9:
0xe3: {  	[tilespmem:s17+$0x20] =	vst v1;
	(pc) =	sbr.rel @p0 .LBB2_18-.Ltmp9, $4  }
0xe4: {  	[tilespmem:s17+$0x10] =	vst v1  }
0xe5: {  	[tilespmem:s17+$0x0] =	vst v1  }
0xe6: {  	[tilespmem:s17+$0xFFFFFFF0] =	vst v1  }
0xe7: {  	[tilespmem:s17+$0xFFFFFFE0] =	vst v1  }
0xe8: {  	[tilespmem:s17+$0xFFFFFFD0] =	vst v1;
	s18 =	simm.s32 $0x20  }
0xe9: {  	v12 =	vld [tilespmem:s18+$0x10];
	_ =	sdelay $0x1  }
0xea: {  	s30 =	sshll.u32 s14, $0x10  }
0xeb: {  	s17 =	sor.u32 s15, s30  }
0xec: {  	v13 =	vld [tilespmem:s18+$0xFFFFFFF0];
	s15 =	sshra.s32 s17, $0x10  }
0xed: {  	v15 =	vld [tilespmem:s18+$0xFFFFFFE0];
	v11 =	vmov s15;
	v16 =	vshra.s32 v12, $0x10;
	v12 =	vshrl.u32 v12, $0x4  }
0xee: {  	v14 =	vld [tilespmem:s18+$0x0];
	vm1 =	veq.s32 v16, v11;
	v12 =	vand.u32 $0xFF0, v12  }
0xef: {  	v18 =	vor.u32 v0, v12  }
0xf0: {  	s31 =	simm.s32 $0x60  }
0xf1: {  	v19 =	vld [tilespmem:s31+$0x10]  }
0xf2: {  	v21 =	vld [tilespmem:s31+$0xFFFFFFF0];
	v17 =	vshrl.u32 v13, $0x4;
	v12 =	vshra.s32 v15, $0x10;
	v15 =	vshrl.u32 v15, $0x4  }
0xf3: {  	v13 =	vshra.s32 v13, $0x10;
	v16 =	vshrl.u32 v14, $0x4;
	v20 =	vand.u32 $0xFF0, v15;
	v15 =	vld [tilespmem:s31+$0x0]  }
0xf4: {  	v17 =	vand.u32 $0xFF0, v17;
	v14 =	vshra.s32 v14, $0x10;
	vm2 =	veq.s32 v13, v11;
	[tilespmem:v18+s9+$0x0] =	vst.idx.add.s32.msk vm1, v2  }
0xf5: {  	v16 =	vand.u32 $0xFF0, v16;
	v13 =	vor.u32 v0, v17;
	vm3 =	veq.s32 v14, v11;
	v18 =	vld [tilespmem:s31+$0xFFFFFFE0]  }
0xf6: {  	v17 =	vshrl.u32 v19, $0x4;
	vm0 =	veq.s32 v12, v11;
	v14 =	vor.u32 v0, v16  }
0xf7: {  	v16 =	vshra.s32 v19, $0x10;
	v12 =	vor.u32 v0, v20;
	vm0 =	vmmov vm0  }
0xf8: {  	v20 =	vshrl.u32 v21, $0x4;
	vm1 =	veq.s32 v16, v11;
	v16 =	vand.u32 $0xFF0, v17  }
0xf9: {  	s18 =	simm.s32 $0xA0;
	s15 =	simm.s32 $0x4;
	v17 =	vshra.s32 v21, $0x10;
	v19 =	vshrl.u32 v15, $0x4;
	v16 =	vor.u32 v0, v16  }
.LBB2_20:
0xfa: {  	v22 =	vshra.s32 v18, $0x10;
	v18 =	vshrl.u32 v18, $0x4  }
0xfb: {  	v21 =	vld [tilespmem:s18+$0x10];
	s15 =	sadd.s32 $0x4, s15;
	v20 =	vand.u32 $0xFF0, v20;
	vm5 =	vmmov vm2;
	vm4 =	vmmov vm3  }
0xfc: {  	v24 =	vshra.s32 v15, $0x10;
	v19 =	vand.u32 $0xFF0, v19;
	v23 =	vld [tilespmem:s18+$0xFFFFFFF0];
	p0 =	slt.u32 s15, $0x3D0;
	v18 =	vand.u32 $0xFF0, v18  }
0xfd: {  	vm2 =	veq.s32 v17, v11;
	vm6 =	veq.s32 v22, v11;
	v15 =	vld [tilespmem:s18+$0x0];
	v22 =	vor.u32 v0, v18  }
.Ltmp10:
0xfe: {  	v17 =	vor.u32 v0, v20;
	vm3 =	veq.s32 v24, v11;
	v24 =	vor.u32 v0, v19;
	v18 =	vld [tilespmem:s18+$0xFFFFFFE0];
	(pc) =	sbr.rel @p0 .LBB2_20-.Ltmp10, $4  }
0xff: {  	[tilespmem:v16+s9+$0x0] =	vst.idx.add.s32.msk vm1, v2  }
0x100: {  	v16 =	vshra.s32 v21, $0x10;
	v19 =	vshrl.u32 v21, $0x4;
	[tilespmem:v12+s9+$0x0] =	vst.idx.add.s32.msk vm0, v2;
	v12 =	vmovc v22;
	vm0 =	vmmov vm6  }
0x101: {  	v20 =	vshrl.u32 v23, $0x4;
	vm1 =	veq.s32 v16, v11;
	v16 =	vand.u32 $0xFF0, v19;
	[tilespmem:v13+s9+$0x0] =	vst.idx.add.s32.msk vm5, v2;
	v13 =	vmovc v17  }
0x102: {  	s18 =	sadd.s32 $0x40, s18;
	v17 =	vshra.s32 v23, $0x10;
	v19 =	vshrl.u32 v15, $0x4;
	v16 =	vor.u32 v0, v16;
	[tilespmem:v14+s9+$0x0] =	vst.idx.add.s32.msk vm4, v2;
	v14 =	vmovc v24  }
0x103: {  	_ = 	snop  }
0x104: {  	v21 =	vshra.s32 v18, $0x10;
	v63 =	vshrl.u32 v18, $0x4;
	vm2 =	vmmov vm2  }
0x105: {  	v20 =	vand.u32 $0xFF0, v20;
	vm3 =	vmmov vm3;
	vm5 =	veq.s32 v17, v11  }
0x106: {  	v15 =	vshra.s32 v15, $0x10;
	vm4 =	veq.s32 v21, v11;
	vm5 =	vmmov vm5  }
0x107: {  	vm6 =	veq.s32 v15, v11;
	v11 =	vand.u32 $0xFF0, v19;
	v15 =	vor.u32 v0, v20  }
0x108: {  	[tilespmem:v16+s9+$0x0] =	vst.idx.add.s32.msk vm1, v2;
	v18 =	vand.u32 $0xFF0, v63;
	vm4 =	vmmov vm4;
	v11 =	vor.u32 v0, v11  }
0x109: {  	[tilespmem:v12+s9+$0x0] =	vst.idx.add.s32.msk vm0, v2;
	v17 =	vor.u32 v0, v18  }
0x10a: {  	[tilespmem:v13+s9+$0x0] =	vst.idx.add.s32.msk vm2, v2  }
0x10b: {  	[tilespmem:v14+s9+$0x0] =	vst.idx.add.s32.msk vm3, v2  }
0x10c: {  	[tilespmem:v15+s9+$0x0] =	vst.idx.add.s32.msk vm5, v2  }
0x10d: {  	p0 =	por $0x1, $0x1;
	[tilespmem:v11+s9+$0x0] =	vst.idx.add.s32.msk vm6, v2  }
.Ltmp11:
0x10e: {  	s18 =	simm.s32 $0x0;
	[tilespmem:v17+s9+$0x0] =	vst.idx.add.s32.msk vm4, v2;
	(pc) =	sbr.rel @!p0 .LBB2_23-.Ltmp11, $4  }
0x10f: {  	v14 =	vld [tilespmem:s18+$0x3D80]  }
0x110: {  	v13 =	vld [tilespmem:s18+$0x3D90]  }
0x111: {  	v11 =	vld [tilespmem:s18+$0x3DA0]  }
0x112: {  	s15 =	simm.s32 $0x0;
	s19 =	simm.s32 $0x100;
	vm15 =	vmmov vm6;
	v15 =	vimm.s32 $0x0;
	v12 =	vld [tilespmem:s18+$0x3DB0]  }
.LBB2_22:
0x113: {  	p0 =	sne.s32 s19, $0x3F00  }
.Ltmp12:
0x114: {  	s20 =	sshra.s32 s19, $0x2;
	s19 =	sadd.s32 $0x100, s19;
	v15 =	vadd.s32 v15, v14;
	(pc) =	sbr.rel @p0 .LBB2_22-.Ltmp12, $4  }
0x115: {  	v14 =	vld [tilespmem:s20+$0x3D80];
	[tilespmem:s18+$0x4D80] =	vst v15;
	v15 =	vadd.s32 v15, v13  }
0x116: {  	v13 =	vld [tilespmem:s20+$0x3D90];
	[tilespmem:s18+$0x4D90] =	vst v15;
	v15 =	vadd.s32 v15, v11  }
0x117: {  	v11 =	vld [tilespmem:s20+$0x3DA0];
	[tilespmem:s18+$0x4DA0] =	vst v15;
	v15 =	vadd.s32 v15, v12  }
0x118: {  	v12 =	vld [tilespmem:s20+$0x3DB0];
	[tilespmem:s18+$0x4DB0] =	vst v15;
	s18 =	smov.u32 s20  }
.LBB2_23:
0x119: {  	(xrf0) =	vadd.scan.msk.s32 $0xffff, v10;
	_ =	sdelay $0x5  }
0x11a: {  	v10, _, _ =	vpop (xrf0)  }
0x11b: {  	(v2sf) =	vpush v10, $0xF;
	_ =	sdelay $0xc  }
0x11c: {  	v10 =	vadd.s32 v15, v14  }
0x11d: {  	[tilespmem:s18+$0x4D80] =	vst v10;
	v10 =	vadd.s32 v10, v13  }
0x11e: {  	p0 =	sgt.s32 s14, $0x0;
	[tilespmem:s18+$0x4D90] =	vst v10;
	v10 =	vadd.s32 v10, v11;
	s14 =	spop (v2sf)  }
0x11f: {  	s19 =	simm.s32 $0xFF;
	[tilespmem:s18+$0x4DA0] =	vst v10;
	v10 =	vadd.s32 v10, v12;
	s14 =	simm.s32 @!p0 $0x0  }
0x120: {  	[tilespmem:s18+$0x4DB0] =	vst v10;
	s18 =	simm.s32 $0xFF;
	s16 =	ssub.s32 s16, s14;
	s14 =	simm.s32 $0x7  }
.LBB2_24:
0x121: {  	s20 =	smov.u32 s18  }
0x122: {  	p0 =	sne.s32 s14, $0x1;
	s18 =	sand.u32 $0x1, s19  }
0x123: {  	p1 =	slt.s32 s19, $0x1;
	p2 =	seq.s32 s18, $0x1  }
0x124: {  	s18 =	sshrl.u32 s19, $0x1F;
	p1 =	por !p1, !p2  }
0x125: {  	s18 =	sadd.s32 s18, s19;
	s19 =	simm.s32 $0x1;
	p1 =	por !p1, !p1  }
0x126: {  	s18 =	sshra.s32 s18, $0x1;
	s19 =	simm.s32 @!p1 $0x0  }
0x127: {  	s18 =	ssub.s32 s18, s19  }
0x128: {  	s19 =	sshll.u32 s18, $0x6  }
0x129: {  	s19 =	sshra.s32 s19, $0x2  }
0x12a: {  	v10 =	vld [tilespmem:s19+$0x4D80];
	_ =	sdelay $0x4  }
0x12b: {  	(xrf0) =	vadd.scan.msk.s32 $0xffff, v10;
	_ =	sdelay $0x5  }
0x12c: {  	v10, _, _ =	vpop (xrf0)  }
0x12d: {  	(v2sf) =	vpush v10, $0xF;
	_ =	sdelay $0xd  }
.Ltmp13:
0x12e: {  	(pc) =	sbr.rel @p0 .LBB2_24-.Ltmp13, $4  }
0x12f: {  	s19 =	spop (v2sf)  }
0x130: {  	p1 =	slt.s32 s19, s16;
	s19 =	sadd.s32 $0x1, s18  }
0x131: {  	s15 =	smov.u32 @p1 s19;
	s18 =	smov.u32 @p1 s20  }
0x132: {  	s14 =	sadd.s32 $0xFFFFFFFF, s14;
	s19 =	sadd.s32 s15, s18  }
0x133: {  	s14 =	sand.u32 $0x1, s19  }
0x134: {  	p0 =	slt.s32 s19, $0x1;
	p1 =	seq.s32 s14, $0x1  }
0x135: {  	s30 =	sshrl.u32 s19, $0x1F;
	p0 =	por !p0, !p1  }
0x136: {  	s18 =	simm.s32 $0x1;
	s14 =	sadd.s32 s30, s19;
	p0 =	por !p0, !p0  }
0x137: {  	s14 =	sshra.s32 s14, $0x1;
	s18 =	simm.s32 @!p0 $0x0  }
0x138: {  	s14 =	ssub.s32 s14, s18  }
0x139: {  	s18 =	sshll.u32 s14, $0x6  }
0x13a: {  	s18 =	sshra.s32 s18, $0x2  }
0x13b: {  	v10 =	vld [tilespmem:s18+$0x4D80];
	_ =	sdelay $0x4  }
0x13c: {  	(xrf0) =	vadd.scan.msk.s32 $0xffff, v10;
	_ =	sdelay $0x5  }
0x13d: {  	v10, _, _ =	vpop (xrf0)  }
0x13e: {  	(v2sf) =	vpush v10, $0xF;
	_ =	sdelay $0xe  }
0x13f: {  	s31 =	spop (v2sf)  }
0x140: {  	s14 =	sadd.s32 $0x1, s14;
	p0 =	slt.s32 s31, s16  }
0x141: {  	s15 =	smov.u32 @p0 s14  }
0x142: {  	p0 =	sgt.s32 s15, $0x1;
	s14 =	smov.u32 s15  }
0x143: {  	s14 =	simm.s32 @!p0 $0x1  }
0x144: {  	s14 =	sshll.u32 s14, $0x6  }
0x145: {  	s14 =	sshra.s32 s14, $0x2  }
0x146: {  	v10 =	vld [tilespmem:s14+$0x4D70];
	s14 =	simm.s32 $0x3DC0  }
0x147: {  	[tilespmem:s14+$0xFFFFFFC0] =	vst v1  }
0x148: {  	[tilespmem:s14+$0x30] =	vst v1  }
0x149: {  	[tilespmem:s14+$0x20] =	vst v1  }
0x14a: {  	[tilespmem:s14+$0x10] =	vst v1  }
0x14b: {  	[tilespmem:s14+$0x0] =	vst v1  }
0x14c: {  	[tilespmem:s14+$0xFFFFFFF0] =	vst v1  }
0x14d: {  	s18 =	simm.s32 $0x0;
	[tilespmem:s14+$0xFFFFFFE0] =	vst v1  }
.LBB2_26:
0x14e: {  	s18 =	sadd.s32 $0x8, s18;
	[tilespmem:s14+$0xFFFFFFD0] =	vst v1;
	s14 =	sadd.s32 $0x80, s14  }
0x14f: {  	[tilespmem:s14+$0xFFFFFFC0] =	vst v1;
	p0 =	slt.u32 s18, $0xF8  }
0x150: {  	[tilespmem:s14+$0x30] =	vst v1  }
.Ltmp14:
0x151: {  	[tilespmem:s14+$0x20] =	vst v1;
	(pc) =	sbr.rel @p0 .LBB2_26-.Ltmp14, $4  }
0x152: {  	[tilespmem:s14+$0x10] =	vst v1  }
0x153: {  	[tilespmem:s14+$0x0] =	vst v1  }
0x154: {  	[tilespmem:s14+$0xFFFFFFF0] =	vst v1  }
0x155: {  	[tilespmem:s14+$0xFFFFFFE0] =	vst v1  }
0x156: {  	[tilespmem:s14+$0xFFFFFFD0] =	vst v1;
	s29 =	simm.s32 $0x20  }
0x157: {  	v12 =	vld [tilespmem:s29+$0x10];
	_ =	sdelay $0x1  }
0x158: {  	s18 =	sshll.u32 s15, $0x8  }
0x159: {  	s17 =	sor.u32 s17, s18  }
0x15a: {  	v13 =	vld [tilespmem:s29+$0xFFFFFFF0];
	s30 =	sshra.s32 s17, $0x8  }
0x15b: {  	v15 =	vld [tilespmem:s29+$0xFFFFFFE0];
	v11 =	vmov s30;
	v16 =	vshra.s32 v12, $0x8;
	v12 =	vshll.u32 v12, $0x4  }
0x15c: {  	v14 =	vld [tilespmem:s29+$0x0];
	vm1 =	veq.s32 v16, v11;
	v12 =	vor.u32 v0, v12  }
0x15d: {  	v18 =	vand.u32 $0xFFF, v12  }
0x15e: {  	s31 =	simm.s32 $0x60  }
0x15f: {  	v19 =	vld [tilespmem:s31+$0x10]  }
0x160: {  	v21 =	vld [tilespmem:s31+$0xFFFFFFF0];
	v17 =	vshll.u32 v13, $0x4;
	v12 =	vshra.s32 v15, $0x8;
	v15 =	vshll.u32 v15, $0x4  }
0x161: {  	v13 =	vshra.s32 v13, $0x8;
	v22 =	vshra.s32 v14, $0x8;
	v20 =	vor.u32 v0, v15;
	v15 =	vld [tilespmem:s31+$0x0]  }
0x162: {  	v16 =	vshll.u32 v14, $0x4;
	v17 =	vor.u32 v0, v17;
	vm2 =	veq.s32 v13, v11;
	[tilespmem:v18+s9+$0x0] =	vst.idx.add.s32.msk vm1, v2  }
0x163: {  	vm3 =	veq.s32 v22, v11;
	v16 =	vor.u32 v0, v16;
	v14 =	vand.u32 $0xFFF, v17;
	v18 =	vld [tilespmem:s31+$0xFFFFFFE0]  }
0x164: {  	v17 =	vshll.u32 v19, $0x4;
	vm0 =	veq.s32 v12, v11;
	v13 =	vand.u32 $0xFFF, v16  }
0x165: {  	v16 =	vshra.s32 v19, $0x8;
	v12 =	vand.u32 $0xFFF, v20;
	vm0 =	vmmov vm0  }
0x166: {  	v20 =	vshll.u32 v21, $0x4;
	vm1 =	veq.s32 v16, v11;
	v16 =	vor.u32 v0, v17  }
0x167: {  	s14 =	simm.s32 $0x4;
	s18 =	simm.s32 $0xA0;
	v17 =	vshra.s32 v21, $0x8;
	v19 =	vshll.u32 v15, $0x4;
	v16 =	vand.u32 $0xFFF, v16  }
.LBB2_28:
0x168: {  	v22 =	vshra.s32 v18, $0x8;
	v18 =	vshll.u32 v18, $0x4  }
0x169: {  	v21 =	vld [tilespmem:s18+$0x10];
	s14 =	sadd.s32 $0x4, s14;
	v20 =	vor.u32 v0, v20;
	vm5 =	vmmov vm2;
	vm4 =	vmmov vm3  }
0x16a: {  	v24 =	vshra.s32 v15, $0x8;
	v19 =	vor.u32 v0, v19;
	v23 =	vld [tilespmem:s18+$0xFFFFFFF0];
	p0 =	slt.u32 s14, $0x3D0;
	v18 =	vor.u32 v0, v18  }
0x16b: {  	vm2 =	veq.s32 v17, v11;
	vm6 =	veq.s32 v22, v11;
	v15 =	vld [tilespmem:s18+$0x0];
	v22 =	vand.u32 $0xFFF, v18  }
.Ltmp15:
0x16c: {  	v25 =	vand.u32 $0xFFF, v20;
	vm3 =	veq.s32 v24, v11;
	v24 =	vand.u32 $0xFFF, v19;
	v18 =	vld [tilespmem:s18+$0xFFFFFFE0];
	(pc) =	sbr.rel @p0 .LBB2_28-.Ltmp15, $4  }
0x16d: {  	[tilespmem:v16+s9+$0x0] =	vst.idx.add.s32.msk vm1, v2  }
0x16e: {  	v16 =	vshra.s32 v21, $0x8;
	v17 =	vshll.u32 v21, $0x4;
	[tilespmem:v12+s9+$0x0] =	vst.idx.add.s32.msk vm0, v2;
	v12 =	vmovc v22;
	vm0 =	vmmov vm6  }
0x16f: {  	v20 =	vshll.u32 v23, $0x4;
	vm1 =	veq.s32 v16, v11;
	v16 =	vor.u32 v0, v17;
	[tilespmem:v14+s9+$0x0] =	vst.idx.add.s32.msk vm5, v2  }
0x170: {  	s18 =	sadd.s32 $0x40, s18;
	v17 =	vshra.s32 v23, $0x8;
	v14 =	vmovc v25;
	v19 =	vshll.u32 v15, $0x4;
	v16 =	vand.u32 $0xFFF, v16;
	[tilespmem:v13+s9+$0x0] =	vst.idx.add.s32.msk vm4, v2;
	v13 =	vmovc v24  }
0x171: {  	_ = 	snop  }
0x172: {  	v21 =	vshra.s32 v18, $0x8;
	v63 =	vshll.u32 v18, $0x4;
	vm2 =	vmmov vm2  }
0x173: {  	v20 =	vor.u32 v0, v20;
	vm3 =	vmmov vm3;
	vm5 =	veq.s32 v17, v11  }
0x174: {  	v15 =	vshra.s32 v15, $0x8;
	vm4 =	veq.s32 v21, v11;
	vm5 =	vmmov vm5  }
0x175: {  	vm6 =	veq.s32 v15, v11;
	v11 =	vor.u32 v0, v19;
	v15 =	vand.u32 $0xFFF, v20  }
0x176: {  	[tilespmem:v16+s9+$0x0] =	vst.idx.add.s32.msk vm1, v2;
	v18 =	vor.u32 v0, v63;
	vm4 =	vmmov vm4;
	v11 =	vand.u32 $0xFFF, v11  }
0x177: {  	[tilespmem:v12+s9+$0x0] =	vst.idx.add.s32.msk vm0, v2;
	v17 =	vand.u32 $0xFFF, v18  }
0x178: {  	[tilespmem:v14+s9+$0x0] =	vst.idx.add.s32.msk vm2, v2  }
0x179: {  	[tilespmem:v13+s9+$0x0] =	vst.idx.add.s32.msk vm3, v2  }
0x17a: {  	[tilespmem:v15+s9+$0x0] =	vst.idx.add.s32.msk vm5, v2  }
0x17b: {  	p0 =	por $0x1, $0x1;
	[tilespmem:v11+s9+$0x0] =	vst.idx.add.s32.msk vm6, v2  }
.Ltmp16:
0x17c: {  	s18 =	simm.s32 $0x0;
	[tilespmem:v17+s9+$0x0] =	vst.idx.add.s32.msk vm4, v2;
	(pc) =	sbr.rel @!p0 .LBB2_31-.Ltmp16, $4  }
0x17d: {  	v14 =	vld [tilespmem:s18+$0x3D80]  }
0x17e: {  	v13 =	vld [tilespmem:s18+$0x3D90]  }
0x17f: {  	v11 =	vld [tilespmem:s18+$0x3DA0]  }
0x180: {  	s14 =	simm.s32 $0x0;
	s19 =	simm.s32 $0x100;
	vm15 =	vmmov vm6;
	v15 =	vimm.s32 $0x0;
	v12 =	vld [tilespmem:s18+$0x3DB0]  }
.LBB2_30:
0x181: {  	p0 =	sne.s32 s19, $0x3F00  }
.Ltmp17:
0x182: {  	s20 =	sshra.s32 s19, $0x2;
	s19 =	sadd.s32 $0x100, s19;
	v15 =	vadd.s32 v15, v14;
	(pc) =	sbr.rel @p0 .LBB2_30-.Ltmp17, $4  }
0x183: {  	v14 =	vld [tilespmem:s20+$0x3D80];
	[tilespmem:s18+$0x4D80] =	vst v15;
	v15 =	vadd.s32 v15, v13  }
0x184: {  	v13 =	vld [tilespmem:s20+$0x3D90];
	[tilespmem:s18+$0x4D90] =	vst v15;
	v15 =	vadd.s32 v15, v11  }
0x185: {  	v11 =	vld [tilespmem:s20+$0x3DA0];
	[tilespmem:s18+$0x4DA0] =	vst v15;
	v15 =	vadd.s32 v15, v12  }
0x186: {  	v12 =	vld [tilespmem:s20+$0x3DB0];
	[tilespmem:s18+$0x4DB0] =	vst v15;
	s18 =	smov.u32 s20  }
.LBB2_31:
0x187: {  	(xrf0) =	vadd.scan.msk.s32 $0xffff, v10;
	_ =	sdelay $0x5  }
0x188: {  	v10, _, _ =	vpop (xrf0)  }
0x189: {  	(v2sf) =	vpush v10, $0xF;
	_ =	sdelay $0xc  }
0x18a: {  	v10 =	vadd.s32 v15, v14  }
0x18b: {  	[tilespmem:s18+$0x4D80] =	vst v10;
	v10 =	vadd.s32 v10, v13  }
0x18c: {  	p0 =	sgt.s32 s15, $0x0;
	[tilespmem:s18+$0x4D90] =	vst v10;
	v10 =	vadd.s32 v10, v11;
	s15 =	spop (v2sf)  }
0x18d: {  	s19 =	simm.s32 $0xFF;
	[tilespmem:s18+$0x4DA0] =	vst v10;
	v10 =	vadd.s32 v10, v12;
	s15 =	simm.s32 @!p0 $0x0  }
0x18e: {  	[tilespmem:s18+$0x4DB0] =	vst v10;
	s18 =	simm.s32 $0xFF;
	s15 =	ssub.s32 s16, s15;
	s16 =	simm.s32 $0x7  }
.LBB2_32:
0x18f: {  	s20 =	smov.u32 s18  }
0x190: {  	p0 =	sne.s32 s16, $0x1;
	s18 =	sand.u32 $0x1, s19  }
0x191: {  	p1 =	slt.s32 s19, $0x1;
	p2 =	seq.s32 s18, $0x1  }
0x192: {  	s18 =	sshrl.u32 s19, $0x1F;
	p1 =	por !p1, !p2  }
0x193: {  	s18 =	sadd.s32 s18, s19;
	s19 =	simm.s32 $0x1;
	p1 =	por !p1, !p1  }
0x194: {  	s18 =	sshra.s32 s18, $0x1;
	s19 =	simm.s32 @!p1 $0x0  }
0x195: {  	s18 =	ssub.s32 s18, s19  }
0x196: {  	s19 =	sshll.u32 s18, $0x6  }
0x197: {  	s19 =	sshra.s32 s19, $0x2  }
0x198: {  	v10 =	vld [tilespmem:s19+$0x4D80];
	_ =	sdelay $0x4  }
0x199: {  	(xrf0) =	vadd.scan.msk.s32 $0xffff, v10;
	_ =	sdelay $0x5  }
0x19a: {  	v10, _, _ =	vpop (xrf0)  }
0x19b: {  	(v2sf) =	vpush v10, $0xF;
	_ =	sdelay $0xd  }
.Ltmp18:
0x19c: {  	(pc) =	sbr.rel @p0 .LBB2_32-.Ltmp18, $4  }
0x19d: {  	s19 =	spop (v2sf)  }
0x19e: {  	p1 =	slt.s32 s19, s15;
	s19 =	sadd.s32 $0x1, s18  }
0x19f: {  	s14 =	smov.u32 @p1 s19;
	s18 =	smov.u32 @p1 s20  }
0x1a0: {  	s16 =	sadd.s32 $0xFFFFFFFF, s16;
	s19 =	sadd.s32 s14, s18  }
0x1a1: {  	s16 =	sand.u32 $0x1, s19  }
0x1a2: {  	p0 =	slt.s32 s19, $0x1;
	p1 =	seq.s32 s16, $0x1  }
0x1a3: {  	s20 =	sshrl.u32 s19, $0x1F;
	p0 =	por !p0, !p1  }
0x1a4: {  	s18 =	simm.s32 $0x1;
	s16 =	sadd.s32 s20, s19;
	p0 =	por !p0, !p0  }
0x1a5: {  	s16 =	sshra.s32 s16, $0x1;
	s18 =	simm.s32 @!p0 $0x0  }
0x1a6: {  	s16 =	ssub.s32 s16, s18  }
0x1a7: {  	s18 =	sshll.u32 s16, $0x6  }
0x1a8: {  	s18 =	sshra.s32 s18, $0x2  }
0x1a9: {  	v10 =	vld [tilespmem:s18+$0x4D80];
	_ =	sdelay $0x4  }
0x1aa: {  	(xrf0) =	vadd.scan.msk.s32 $0xffff, v10;
	_ =	sdelay $0x5  }
0x1ab: {  	v10, _, _ =	vpop (xrf0)  }
0x1ac: {  	(v2sf) =	vpush v10, $0xF;
	_ =	sdelay $0xe  }
0x1ad: {  	s22 =	simm.s32 $0x20;
	s21 =	spop (v2sf)  }
0x1ae: {  	v12 =	vld [tilespmem:s22+$0xFFFFFFE0];
	s16 =	sadd.s32 $0x1, s16;
	p0 =	slt.s32 s21, s15  }
0x1af: {  	s14 =	smov.u32 @p0 s16  }
0x1b0: {  	p0 =	sgt.s32 s14, $0x1;
	s16 =	smov.u32 s14  }
0x1b1: {  	s17 =	sor.u32 s17, s14;
	s16 =	simm.s32 @!p0 $0x1  }
0x1b2: {  	v10 =	vmov s17;
	s16 =	sshll.u32 s16, $0x6  }
0x1b3: {  	s23 =	simm.s32 $0x0;
	s24 =	sadd.s32 $0x0, s7;
	vm0 =	vlt.s32 v12, v10;
	s16 =	sshra.s32 s16, $0x2  }
0x1b4: {  	v13 =	vor.u32 s24, v0;
	v14 =	vmpcnt.ones.xlane vm0;
	v11 =	vld [tilespmem:s16+$0x4D70];
	[tilespmem:s23+$0x5D80] =	vst.msk vm0, v12  }
0x1b5: {  	vm1 =	veq.s32 v12, v10;
	[tilespmem:s23+$0x5E80] =	vst.msk vm0, v13  }
0x1b6: {  	v12 =	vmpcnt.ones.xlane vm1;
	(v2sf) =	vpush v14, $0x0;
	[tilespmem:s23+$0x5F80] =	vst.msk vm1, v13  }
0x1b7: {  	v13 =	vld [tilespmem:s22+$0xFFFFFFF0]  }
0x1b8: {  	(v2sf) =	vpush v12, $0x0;
	_ =	sdelay $0x3  }
0x1b9: {  	vm10 =	vlt.s32 v13, v10  }
0x1ba: {  	v12 =	vmpcnt.ones.xlane vm10  }
0x1bb: {  	vm11 =	veq.s32 v13, v10  }
0x1bc: {  	v14 =	vmpcnt.ones.xlane vm11;
	(v2sf) =	vpush v12, $0x0;
	_ =	sdelay $0x1  }
0x1bd: {  	(v2sf) =	vpush v14, $0x0;
	_ =	sdelay $0x3  }
0x1be: {  	s25 =	spop (v2sf)  }
0x1bf: {  	s26 =	sadd.s32 $0x10, s24;
	s16 =	sadd.s32 $0x0, s25  }
0x1c0: {  	v12 =	vor.u32 s26, v0;
	s28 =	spop (v2sf);
	[tilespmem:s16+$0x5D80] =	vst.msk vm10, v13  }
0x1c1: {  	s19 =	sadd.s32 $0x0, s28;
	[tilespmem:s16+$0x5E80] =	vst.msk vm10, v12  }
0x1c2: {  	[tilespmem:s19+$0x5F80] =	vst.msk vm11, v12  }
0x1c3: {  	v12 =	vld [tilespmem:s22+$0x0];
	_ =	sdelay $0x3  }
0x1c4: {  	s20 =	spop (v2sf)  }
0x1c5: {  	s21 =	sadd.s32 $0x20, s24;
	vm12 =	vlt.s32 v12, v10;
	s16 =	sadd.s32 s16, s20  }
0x1c6: {  	v13 =	vor.u32 s21, v0;
	s29 =	spop (v2sf);
	[tilespmem:s16+$0x5D80] =	vst.msk vm12, v12  }
0x1c7: {  	vm13 =	veq.s32 v12, v10;
	s19 =	sadd.s32 s19, s29;
	[tilespmem:s16+$0x5E80] =	vst.msk vm12, v13  }
0x1c8: {  	[tilespmem:s19+$0x5F80] =	vst.msk vm13, v13;
	v13 =	vmpcnt.ones.xlane vm12;
	_ =	sdelay $0x1  }
0x1c9: {  	(v2sf) =	vpush v13, $0x0;
	_ =	sdelay $0x8  }
0x1ca: {  	v14 =	vmpcnt.ones.xlane vm13;
	v12 =	vld [tilespmem:s22+$0x10];
	_ =	sdelay $0x1  }
0x1cb: {  	(v2sf) =	vpush v14, $0x0;
	_ =	sdelay $0x2  }
0x1cc: {  	vm14 =	vlt.s32 v12, v10  }
0x1cd: {  	v13 =	vmpcnt.ones.xlane vm14;
	s30 =	spop (v2sf)  }
0x1ce: {  	vm15 =	veq.s32 v12, v10;
	s20 =	sadd.s32 s16, s30  }
0x1cf: {  	(v2sf) =	vpush v13, $0x0;
	[tilespmem:s20+$0x5D80] =	vst.msk vm14, v12;
	v12 =	vmpcnt.ones.xlane vm15;
	_ =	sdelay $0x1  }
0x1d0: {  	(v2sf) =	vpush v12, $0x0;
	_ =	sdelay $0x5  }
0x1d1: {  	s17 =	sadd.s32 $0x30, s24  }
0x1d2: {  	v13 =	vor.u32 s17, v0;
	s31 =	spop (v2sf)  }
0x1d3: {  	s19 =	sadd.s32 s19, s31;
	[tilespmem:s20+$0x5E80] =	vst.msk vm14, v13  }
0x1d4: {  	s16 =	simm.s32 $0x60;
	[tilespmem:s19+$0x5F80] =	vst.msk vm15, v13  }
0x1d5: {  	v12 =	vld [tilespmem:s16+$0xFFFFFFE0];
	_ =	sdelay $0x2  }
0x1d6: {  	s18 =	simm.s32 $0x80;
	s17 =	simm.s32 $0x40;
	s21 =	spop (v2sf)  }
.LBB2_34:
0x1d7: {  	s22 =	sadd.s32 s17, s7  }
0x1d8: {  	vm0 =	vlt.s32 v12, v10;
	s20 =	sadd.s32 s20, s21;
	s21 =	spop (v2sf);
	s17 =	smov.u32 s18  }
0x1d9: {  	v13 =	vor.u32 s22, v0;
	[tilespmem:s20+$0x5D80] =	vst.msk vm0, v12;
	v14 =	vmpcnt.ones.xlane vm0;
	s23 =	sadd.s32 $0x10, s22;
	s24 =	sadd.s32 $0x20, s22;
	s21 =	sadd.s32 s19, s21  }
0x1da: {  	p0 =	sne.s32 s18, $0x3D00;
	s18 =	sadd.s32 $0x40, s18;
	vm1 =	veq.s32 v12, v10;
	s19 =	sadd.s32 $0x30, s22;
	[tilespmem:s20+$0x5E80] =	vst.msk vm0, v13  }
0x1db: {  	v12 =	vmpcnt.ones.xlane vm1;
	[tilespmem:s21+$0x5F80] =	vst.msk vm1, v13;
	(v2sf) =	vpush v14, $0x0  }
0x1dc: {  	v13 =	vld [tilespmem:s16+$0xFFFFFFF0]  }
0x1dd: {  	(v2sf) =	vpush v12, $0x0;
	_ =	sdelay $0x3  }
0x1de: {  	vm0 =	vlt.s32 v13, v10  }
0x1df: {  	v12 =	vmpcnt.ones.xlane vm0  }
0x1e0: {  	vm1 =	veq.s32 v13, v10  }
0x1e1: {  	v14 =	vmpcnt.ones.xlane vm1;
	(v2sf) =	vpush v12, $0x0;
	_ =	sdelay $0x1  }
0x1e2: {  	(v2sf) =	vpush v14, $0x0;
	_ =	sdelay $0x3  }
0x1e3: {  	s22 =	spop (v2sf)  }
0x1e4: {  	s20 =	sadd.s32 s20, s22  }
0x1e5: {  	v12 =	vor.u32 s23, v0;
	[tilespmem:s20+$0x5D80] =	vst.msk vm0, v13;
	s22 =	spop (v2sf)  }
0x1e6: {  	s21 =	sadd.s32 s21, s22;
	[tilespmem:s20+$0x5E80] =	vst.msk vm0, v12  }
0x1e7: {  	[tilespmem:s21+$0x5F80] =	vst.msk vm1, v12  }
0x1e8: {  	v12 =	vld [tilespmem:s16+$0x0];
	_ =	sdelay $0x3  }
0x1e9: {  	s22 =	spop (v2sf)  }
0x1ea: {  	s20 =	sadd.s32 s20, s22;
	vm0 =	vlt.s32 v12, v10  }
0x1eb: {  	v13 =	vor.u32 s24, v0;
	[tilespmem:s20+$0x5D80] =	vst.msk vm0, v12;
	v14 =	vmpcnt.ones.xlane vm0;
	s22 =	spop (v2sf)  }
0x1ec: {  	vm1 =	veq.s32 v12, v10;
	s21 =	sadd.s32 s21, s22;
	[tilespmem:s20+$0x5E80] =	vst.msk vm0, v13  }
0x1ed: {  	v12 =	vmpcnt.ones.xlane vm1;
	[tilespmem:s21+$0x5F80] =	vst.msk vm1, v13;
	(v2sf) =	vpush v14, $0x0  }
0x1ee: {  	v13 =	vld [tilespmem:s16+$0x10]  }
0x1ef: {  	(v2sf) =	vpush v12, $0x0;
	_ =	sdelay $0x3  }
0x1f0: {  	vm0 =	vlt.s32 v13, v10;
	vm1 =	veq.s32 v13, v10  }
0x1f1: {  	v12 =	vmpcnt.ones.xlane vm0;
	v14 =	vmpcnt.ones.xlane vm1;
	_ =	sdelay $0x1  }
0x1f2: {  	(v2sf) =	vpush v12, $0x0  }
0x1f3: {  	(v2sf) =	vpush v14, $0x0;
	_ =	sdelay $0x4  }
0x1f4: {  	s22 =	spop (v2sf)  }
0x1f5: {  	s20 =	sadd.s32 s20, s22  }
0x1f6: {  	v12 =	vor.u32 s19, v0;
	[tilespmem:s20+$0x5D80] =	vst.msk vm0, v13;
	s19 =	spop (v2sf)  }
0x1f7: {  	s19 =	sadd.s32 s21, s19;
	[tilespmem:s20+$0x5E80] =	vst.msk vm0, v12  }
0x1f8: {  	s16 =	sadd.s32 $0x40, s16;
	[tilespmem:s19+$0x5F80] =	vst.msk vm1, v12  }
.Ltmp19:
0x1f9: {  	v12 =	vld [tilespmem:s16+$0xFFFFFFE0];
	(pc) =	sbr.rel @p0 .LBB2_34-.Ltmp19, $2  }
0x1fa: {  	_ =	sdelay $0x2  }
0x1fb: {  	s21 =	spop (v2sf)  }
0x1fc: {  	vm0 =	vlt.s32 v12, v10;
	s17 =	sadd.s32 s17, s7;
	s18 =	sadd.s32 s20, s21  }
0x1fd: {  	s29 =	spop (v2sf);
	v13 =	vor.u32 s17, v0;
	[tilespmem:s18+$0x5D80] =	vst.msk vm0, v12;
	v14 =	vmpcnt.ones.xlane vm0  }
0x1fe: {  	vm1 =	veq.s32 v12, v10;
	s19 =	sadd.s32 s19, s29;
	[tilespmem:s18+$0x5E80] =	vst.msk vm0, v13  }
0x1ff: {  	v12 =	vmpcnt.ones.xlane vm1;
	[tilespmem:s19+$0x5F80] =	vst.msk vm1, v13;
	(v2sf) =	vpush v14, $0x0  }
0x200: {  	v13 =	vld [tilespmem:s16+$0xFFFFFFF0]  }
0x201: {  	(v2sf) =	vpush v12, $0x0;
	_ =	sdelay $0x3  }
0x202: {  	vm7 =	vlt.s32 v13, v10  }
0x203: {  	v29 =	vmpcnt.ones.xlane vm7  }
0x204: {  	vm8 =	veq.s32 v13, v10  }
0x205: {  	v30 =	vmpcnt.ones.xlane vm8;
	(v2sf) =	vpush v29, $0x0;
	_ =	sdelay $0x1  }
0x206: {  	(v2sf) =	vpush v30, $0x0;
	_ =	sdelay $0x3  }
0x207: {  	s30 =	spop (v2sf)  }
0x208: {  	s31 =	sadd.s32 $0x10, s17;
	s18 =	sadd.s32 s18, s30  }
0x209: {  	v31 =	vor.u32 s31, v0;
	s21 =	spop (v2sf);
	[tilespmem:s18+$0x5D80] =	vst.msk vm7, v13  }
0x20a: {  	s19 =	sadd.s32 s19, s21;
	[tilespmem:s18+$0x5E80] =	vst.msk vm7, v31  }
0x20b: {  	[tilespmem:s19+$0x5F80] =	vst.msk vm8, v31  }
0x20c: {  	v12 =	vld [tilespmem:s16+$0x0];
	_ =	sdelay $0x3  }
0x20d: {  	s22 =	spop (v2sf)  }
0x20e: {  	s23 =	sadd.s32 $0x20, s17;
	s18 =	sadd.s32 s18, s22;
	vm9 =	vlt.s32 v12, v10  }
0x20f: {  	v32 =	vor.u32 s23, v0;
	s24 =	spop (v2sf);
	[tilespmem:s18+$0x5D80] =	vst.msk vm9, v12  }
0x210: {  	vm10 =	veq.s32 v12, v10;
	s19 =	sadd.s32 s19, s24;
	[tilespmem:s18+$0x5E80] =	vst.msk vm9, v32  }
0x211: {  	[tilespmem:s19+$0x5F80] =	vst.msk vm10, v32  }
0x212: {  	v33 =	vld [tilespmem:s16+$0x10];
	_ =	sdelay $0x3  }
0x213: {  	(xrf0) =	vadd.scan.msk.s32 $0xffff, v11;
	v11 =	vmpcnt.ones.xlane vm9  }
0x214: {  	vm11 =	vlt.s32 v33, v10  }
0x215: {  	v34 =	vmpcnt.ones.xlane vm10;
	(v2sf) =	vpush v11, $0x0;
	v11 =	vmpcnt.ones.xlane vm11  }
0x216: {  	vm12 =	veq.s32 v33, v10  }
0x217: {  	(v2sf) =	vpush v34, $0x0;
	v35 =	vmpcnt.ones.xlane vm12  }
0x218: {  	(v2sf) =	vpush v11, $0x0  }
0x219: {  	(v2sf) =	vpush v35, $0x0;
	v11, _, _ =	vpop (xrf0)  }
0x21a: {  	(v2sf) =	vpush v11, $0xF;
	_ =	sdelay $0xa  }
0x21b: {  	s25 =	spop (v2sf)  }
0x21c: {  	s26 =	spop (v2sf)  }
0x21d: {  	s28 =	spop (v2sf)  }
0x21e: {  	s29 =	spop (v2sf)  }
0x21f: {  	p0 =	sgt.s32 s14, $0x0;
	s14 =	spop (v2sf)  }
0x220: {  	s14 =	simm.s32 @!p0 $0x0  }
0x221: {  	s14 =	ssub.s32 s14, s15  }
0x222: {  	s14 =	sadd.s32 $0x80, s14  }
0x223: {  	v11 =	vmov s14  }
0x224: {  	v36 =	vsub.s32 v0, v11  }
0x225: {  	s30 =	sadd.s32 $0x30, s17;
	s16 =	sadd.s32 s18, s25;
	vm2 =	vgt.s32 v36, $0x0  }
0x226: {  	v37 =	vor.u32 s30, v0;
	[tilespmem:s16+$0x5D80] =	vst.msk vm11, v33;
	v13 =	vnsel vm2, $0x0, v36  }
0x227: {  	s31 =	sadd.s32 s19, s26;
	[tilespmem:s16+$0x5E80] =	vst.msk vm11, v37  }
0x228: {  	[tilespmem:s31+$0x5F80] =	vst.msk vm12, v37  }
0x229: {  	v12 =	vld [tilespmem:$0x5D80]  }
0x22a: {  	v14 =	vld [tilespmem:$0x5E80]  }
0x22b: {  	v15 =	vsub.s32 v3, v11;
	v13 =	vld.idx.msk [tilespmem:v13+s10+$0x0], $0xffff  }
0x22c: {  	vm13 =	vgt.s32 v15, $0x0  }
0x22d: {  	v15 =	vnsel vm13, $0x0, v15  }
0x22e: {  	vm14 =	vlt.s32 v0, s14  }
0x22f: {  	v12 =	vsel vm14, v12, v10  }
0x230: {  	v39 =	vld [tilespmem:$0x5D90];
	[tilespmem:$0x9D00] =	vst v12;
	v38 =	vsel vm14, v14, v13  }
0x231: {  	v40 =	vld [tilespmem:$0x5E90];
	[tilespmem:$0x9D80] =	vst v38  }
0x232: {  	v42 =	vsub.s32 v4, v11;
	v41 =	vld.idx.msk [tilespmem:v15+s10+$0x0], $0xffff  }
0x233: {  	vm15 =	vgt.s32 v42, $0x0  }
0x234: {  	v15 =	vnsel vm15, $0x0, v42  }
0x235: {  	vm4 =	vlt.s32 v3, s14  }
0x236: {  	v13 =	vsel vm4, v39, v10  }
0x237: {  	v43 =	vld [tilespmem:$0x5DA0];
	[tilespmem:$0x9D10] =	vst v13;
	v12 =	vsel vm4, v40, v41  }
0x238: {  	v44 =	vld [tilespmem:$0x5EA0];
	[tilespmem:$0x9D90] =	vst v12  }
0x239: {  	v46 =	vsub.s32 v5, v11;
	v45 =	vld.idx.msk [tilespmem:v15+s10+$0x0], $0xffff  }
0x23a: {  	vm5 =	vgt.s32 v46, $0x0  }
0x23b: {  	v15 =	vnsel vm5, $0x0, v46  }
0x23c: {  	vm6 =	vlt.s32 v4, s14  }
0x23d: {  	v13 =	vsel vm6, v43, v10  }
0x23e: {  	v47 =	vld [tilespmem:$0x5DB0];
	[tilespmem:$0x9D20] =	vst v13;
	v12 =	vsel vm6, v44, v45  }
0x23f: {  	v48 =	vld [tilespmem:$0x5EB0];
	[tilespmem:$0x9DA0] =	vst v12  }
0x240: {  	v50 =	vsub.s32 v6, v11;
	v49 =	vld.idx.msk [tilespmem:v15+s10+$0x0], $0xffff  }
0x241: {  	vm7 =	vgt.s32 v50, $0x0  }
0x242: {  	v15 =	vnsel vm7, $0x0, v50  }
0x243: {  	vm8 =	vlt.s32 v5, s14  }
0x244: {  	v13 =	vsel vm8, v47, v10  }
0x245: {  	v51 =	vld [tilespmem:$0x5DC0];
	[tilespmem:$0x9D30] =	vst v13;
	v12 =	vsel vm8, v48, v49  }
0x246: {  	v52 =	vld [tilespmem:$0x5EC0];
	[tilespmem:$0x9DB0] =	vst v12  }
0x247: {  	v54 =	vsub.s32 v7, v11;
	v53 =	vld.idx.msk [tilespmem:v15+s10+$0x0], $0xffff  }
0x248: {  	vm9 =	vgt.s32 v54, $0x0  }
0x249: {  	v15 =	vnsel vm9, $0x0, v54  }
0x24a: {  	vm10 =	vlt.s32 v6, s14  }
0x24b: {  	v13 =	vsel vm10, v51, v10  }
0x24c: {  	v55 =	vld [tilespmem:$0x5DD0];
	[tilespmem:$0x9D40] =	vst v13;
	v12 =	vsel vm10, v52, v53  }
0x24d: {  	v56 =	vld [tilespmem:$0x5ED0];
	[tilespmem:$0x9DC0] =	vst v12  }
0x24e: {  	v58 =	vsub.s32 v8, v11;
	v57 =	vld.idx.msk [tilespmem:v15+s10+$0x0], $0xffff  }
0x24f: {  	vm11 =	vgt.s32 v58, $0x0  }
0x250: {  	v15 =	vnsel vm11, $0x0, v58  }
0x251: {  	vm12 =	vlt.s32 v7, s14  }
0x252: {  	v13 =	vsel vm12, v55, v10  }
0x253: {  	v59 =	vld [tilespmem:$0x5DE0];
	[tilespmem:$0x9D50] =	vst v13;
	v12 =	vsel vm12, v56, v57  }
0x254: {  	v60 =	vld [tilespmem:$0x5EE0];
	[tilespmem:$0x9DD0] =	vst v12  }
0x255: {  	v11 =	vsub.s32 v9, v11;
	v61 =	vld.idx.msk [tilespmem:v15+s10+$0x0], $0xffff  }
0x256: {  	vm13 =	vgt.s32 v11, $0x0  }
0x257: {  	v11 =	vnsel vm13, $0x0, v11  }
0x258: {  	vm14 =	vlt.s32 v8, s14  }
0x259: {  	v13 =	vsel vm14, v59, v10  }
0x25a: {  	v62 =	vld [tilespmem:$0x5DF0];
	[tilespmem:$0x9D60] =	vst v13;
	v12 =	vsel vm14, v60, v61  }
0x25b: {  	v63 =	vld [tilespmem:$0x5EF0];
	[tilespmem:$0x9DE0] =	vst v12  }
0x25c: {  	v11 =	vld.idx.msk [tilespmem:v11+s10+$0x0], $0xffff;
	_ =	sdelay $0x2  }
0x25d: {  	vm15 =	vlt.s32 v9, s14  }
0x25e: {  	v10 =	vsel vm15, v62, v10  }
0x25f: {  	[tilespmem:$0x9D70] =	vst v10;
	v10 =	vsel vm15, v63, v11  }
0x260: {  	[tilespmem:$0x9DF0] =	vst v10  }
0x261: {  	[hbm4b:s4+s2] =	stream.linear.scatter [tilespmem:s11], [sflag:$0x1], $0x80, $0x38;
	[tilespmem:$0x9E00] =	vst v63  }
0x262: {  	s13 =	sadd.s32 $0x1, s13;
	_ =	swait.ge [sflag:s8], $0x80  }
0x263: {  	p0 =	sne.s32 s13, s6;
	[sflag:s8] =	ssyncset.done $0x0  }
.Ltmp20:
0x264: {  	[sflag:s8] =	ssyncadd.s32 $0xFFFFFF80;
	(pc) =	sbr.rel @p0 .LBB2_1-.Ltmp20, $4  }
0x265: {  	[hbm4b:s5+s2] =	stream.linear.scatter [tilespmem:s12], [sflag:$0x1], $0x80, $0x38;
	[tilespmem:$0x9E00] =	vst v63  }
0x266: {  	_ =	swait.ge [sflag:s8], $0x80  }
0x267: {  	[sflag:s8] =	ssyncset.done $0x0  }
0x268: {  	[sflag:s8] =	ssyncadd.s32 $0xFFFFFF80  }
0x269: {  	_ =	sfence.sel $0x180000  }
0x26a: {  	[bflag:$0x0] =	sbarrier.arrive $0xFFFF  }
0x26b: {  	p0 =	sne.s32 s0, $0x0;
	_ =	strace $0x9000004A  }
0x26c: {  	s0 =	sadd.s32 @!p0 $0x100000, s1;
	[bflag:$0x2] =	sbarrier.arrive $0xFFFF  }
0x26d: {  	[sflag:s0] =	ssyncadd.tile.s32 @!p0 $0x1;
	_ =	shalt  }
.Lfunc_end2:
_tile_overlayer_lowered:
.L_overlay_start_2:
0x26e: {  	(tag) =	ssettag $0x2  }
0x26f: {  	s0 =	rddreg [dreg:$0x0];
	s2 =	stileid.u32  }
0x270: {  	s1 =	rddreg [dreg:$0x1];
	p0 =	sne.s32 s2, $0x0  }
0x271: {  	s3 =	rddreg [dreg:$0x2];
	[bflag:$0x3] =	sbarrier.arrive $0xFFFF;
	s2 =	simm.s32 @!p0 $0x1C01  }
0x272: {  	[timem:s3], [sflag:s2] =	dma.local @!p0 [hbm:s0], s1  }
0x273: {  	s0 =	simm.s32 @!p0 $0x1  }
0x274: {  	_ =	swait.ge @!p0 [sflag:s0], s1  }
0x275: {  	s1 =	ssub.s32 @!p0 $0x0, s1;
	[sflag:s0] =	ssyncset.done @!p0 $0x0  }
0x276: {  	[sflag:s0] =	ssyncadd.s32 @!p0 s1  }
0x277: {  	[bflag:$0x3] =	sbarrier.arrive $0xFFFF  }
0x278: {  	_ =	shalt  }

</sc_bundles>
